<compile_context>
chip_gen: v7x
topology: tpu7x:2x2x1
jax: 0.10.2.dev20260603
libtpu: 0.0.44.dev20260713+nightly
codegen_flags: <defaults>
</compile_context>

<pallas_src>
import functools

import jax
import jax.numpy as jnp
from jax import lax
from jax.experimental import pallas as pl
from jax.experimental.pallas import tpu as pltpu
from jax.experimental.pallas import tpu_sc as plsc

N = 10000
E = 320000
D = 128
G = 64

NTILES = 32
EPT = E // NTILES
CHUNK = 128
E2 = 327680
ROWS = E2 // CHUNK
RPT = ROWS // NTILES
IBLK = 8
NBLK = RPT // IBLK
NPADROW = 16
CFLAT = N * 9
CPAD = 90112
EBLK = 2000

BN = 2000
GRID = N // BN


def _counts_body(dst_hbm, ea0_hbm, ea1_hbm, tbl_hbm, out_hbm, dstbuf, ea0buf,
                 ea1buf, cl, tbl):
    c = lax.axis_index("c")
    s = lax.axis_index("s")
    wid = c * 16 + s
    base = wid * EPT
    pltpu.sync_copy(tbl_hbm, tbl)

    zero16 = tbl[0] * 0.0

    def zbody(i, _):
        cl[pl.ds(i * 16, 16)] = zero16
        return 0

    lax.fori_loop(0, CPAD // 16, zbody, 0)

    def blkbody(hb, _):
        bb = base + hb * EBLK
        pltpu.sync_copy(dst_hbm.at[pl.ds(bb, EBLK)], dstbuf)
        pltpu.sync_copy(ea0_hbm.at[pl.ds(bb, EBLK)], ea0buf)
        pltpu.sync_copy(ea1_hbm.at[pl.ds(bb, EBLK)], ea1buf)

        def qbody(q, _):
            vd = dstbuf[pl.ds(q * 16, 16)] * 9
            v0 = jnp.minimum(ea0buf[pl.ds(q * 16, 16)], 5)
            v1 = jnp.minimum(ea1buf[pl.ds(q * 16, 16)], 2)
            vti = v0 * 3 + v1
            for lane in range(16):
                w = vd[lane]
                t = tbl[vti[lane]]
                cl[pl.ds(w, 16)] = cl[pl.ds(w, 16)] + t
            return 0

        lax.fori_loop(0, EBLK // 16, qbody, 0)
        return 0

    lax.fori_loop(0, EPT // EBLK, blkbody, 0)
    pltpu.sync_copy(cl, out_hbm.at[wid])


def _onehot_table():
    rows = []
    for a0 in range(6):
        for a1 in range(3):
            row = [0.0] * 16
            row[a0] += 1.0
            row[6 + a1] += 1.0
            rows.append(row)
    return jnp.array(rows, jnp.float32)


def _counts_call(dst, ea0, ea1):
    mesh = plsc.VectorSubcoreMesh(core_axis_name="c", subcore_axis_name="s")
    f = functools.partial(
        pl.kernel,
        out_type=jax.ShapeDtypeStruct((NTILES, CPAD), jnp.float32),
        mesh=mesh,
        scratch_types=[
            pltpu.VMEM((EBLK,), jnp.int32),
            pltpu.VMEM((EBLK,), jnp.int32),
            pltpu.VMEM((EBLK,), jnp.int32),
            pltpu.VMEM((CPAD,), jnp.float32),
            pltpu.VMEM((18, 16), jnp.float32),
        ],
    )(_counts_body)
    return f(dst, ea0, ea1, _onehot_table())


def _agg_body(h_hbm, src_hbm, dst_hbm, out_hbm, srcb, dstb, rb0, rb1, gs0,
              gs1, isem, agg_sh):
    c = lax.axis_index("c")
    s = lax.axis_index("s")
    wid = c * 16 + s
    rbase = wid * RPT
    rbufs = (rb0, rb1)
    gsems = (gs0, gs1)

    hb = s * 624
    pltpu.sync_copy(h_hbm.at[pl.ds(hb, 624)], agg_sh.at[pl.ds(hb, 624)])

    @pl.when(s == 15)
    def _():
        pltpu.sync_copy(h_hbm.at[pl.ds(9984, 16)], agg_sh.at[pl.ds(9984, 16)])

    def idx_load_start(blk, slot):
        pltpu.async_copy(src_hbm.at[pl.ds(rbase + blk * IBLK, IBLK)],
                         srcb.at[slot], isem)
        pltpu.async_copy(dst_hbm.at[pl.ds(rbase + blk * IBLK, IBLK)],
                         dstb.at[slot], isem)

    def idx_load_wait(blk, slot):
        pltpu.make_async_copy(src_hbm.at[pl.ds(rbase + blk * IBLK, IBLK)],
                              srcb.at[slot], isem).wait()
        pltpu.make_async_copy(dst_hbm.at[pl.ds(rbase + blk * IBLK, IBLK)],
                              dstb.at[slot], isem).wait()

    def gather_start(slot, k, b):
        pltpu.async_copy(h_hbm.at[srcb.at[slot, k]], rbufs[b], gsems[b])

    def gather_wait(slot, k, b):
        pltpu.make_async_copy(h_hbm.at[srcb.at[slot, k]], rbufs[b],
                              gsems[b]).wait()

    idx_load_start(0, 0)
    idx_load_wait(0, 0)
    idx_load_start(1, 1)
    plsc.subcore_barrier()
    gather_start(0, 0, 0)
    gather_start(0, 1, 1)

    def bbody(blk, _):
        p = blk % 2
        q = 1 - p
        for k in range(IBLK):
            b = k % 2
            gather_wait(p, k, b)
            pltpu.sync_copy(rbufs[b], agg_sh.at[dstb.at[p, k]], add=True)
            if k < IBLK - 2:
                gather_start(p, k + 2, b)
            elif k == IBLK - 2:
                @pl.when(blk < NBLK - 1)
                def _():
                    idx_load_wait(blk + 1, q)
                    gather_start(q, 0, b)
            else:
                @pl.when(blk < NBLK - 1)
                def _():
                    gather_start(q, 1, b)

                @pl.when(blk < NBLK - 2)
                def _():
                    idx_load_start(blk + 2, p)
        return 0

    lax.fori_loop(0, NBLK, bbody, 0)

    plsc.subcore_barrier()
    pltpu.sync_copy(agg_sh.at[pl.ds(hb, 624)], out_hbm.at[c, pl.ds(hb, 624)])

    @pl.when(s == 15)
    def _():
        pltpu.sync_copy(
            agg_sh.at[pl.ds(9984, 16)], out_hbm.at[c, pl.ds(9984, 16)]
        )


def _agg_call(h, src2d, dst2d):
    mesh = plsc.VectorSubcoreMesh(core_axis_name="c", subcore_axis_name="s")
    f = functools.partial(
        pl.kernel,
        out_type=jax.ShapeDtypeStruct((2, N, D), jnp.float32),
        mesh=mesh,
        scratch_types=(
            [pltpu.VMEM((2, IBLK, CHUNK), jnp.int32),
             pltpu.VMEM((2, IBLK, CHUNK), jnp.int32)]
            + [pltpu.VMEM((CHUNK, D), jnp.float32)] * 2
            + [pltpu.SemaphoreType.DMA] * 3
            + [pltpu.VMEM_SHARED((N + NPADROW, D), jnp.float32)]
        ),
    )(_agg_body)
    return f(h, src2d, dst2d)


def _h0_body(x_ref, w_ref, b_ref, o_ref):
    o_ref[...] = jnp.maximum(
        jnp.dot(x_ref[...], w_ref[...], preferred_element_type=jnp.float32)
        + b_ref[...],
        0.0,
    )


def _h0_call(x, w, b):
    return pl.pallas_call(
        _h0_body,
        out_shape=jax.ShapeDtypeStruct((N, D), jnp.float32),
        grid=(GRID,),
        in_specs=[
            pl.BlockSpec((BN, D), lambda i: (i, 0)),
            pl.BlockSpec((D, D), lambda i: (0, 0)),
            pl.BlockSpec((1, D), lambda i: (0, 0)),
        ],
        out_specs=pl.BlockSpec((BN, D), lambda i: (i, 0)),
    )(x, w, b)


def _layer_body(p_ref, h_ref, c_ref, emb_ref, cvec_ref, w1_ref, b1_ref,
                w2_ref, b2_ref, out_ref, sums_ref):
    t = (p_ref[0] + p_ref[1] - h_ref[...]
         + jnp.dot(c_ref[...], emb_ref[...], preferred_element_type=jnp.float32, precision=lax.Precision.HIGHEST)
         + cvec_ref[...])
    hid = jnp.maximum(
        jnp.dot(t, w1_ref[...], preferred_element_type=jnp.float32) + b1_ref[...],
        0.0,
    )
    o = jnp.dot(hid, w2_ref[...], preferred_element_type=jnp.float32) + b2_ref[...]
    out_ref[...] = o
    sums_ref[0, 0:1, :] = jnp.sum(o, axis=0, keepdims=True)
    sums_ref[0, 1:2, :] = jnp.sum(o * o, axis=0, keepdims=True)


def _layer_call(p, h, cmat, embcat, cvec, w1, b1, w2, b2):
    return pl.pallas_call(
        _layer_body,
        out_shape=(
            jax.ShapeDtypeStruct((N, D), jnp.float32),
            jax.ShapeDtypeStruct((GRID, 2, D), jnp.float32),
        ),
        grid=(GRID,),
        in_specs=[
            pl.BlockSpec((2, BN, D), lambda i: (0, i, 0)),
            pl.BlockSpec((BN, D), lambda i: (i, 0)),
            pl.BlockSpec((BN, 16), lambda i: (i, 0)),
            pl.BlockSpec((16, D), lambda i: (0, 0)),
            pl.BlockSpec((1, D), lambda i: (0, 0)),
            pl.BlockSpec((D, 2 * D), lambda i: (0, 0)),
            pl.BlockSpec((1, 2 * D), lambda i: (0, 0)),
            pl.BlockSpec((2 * D, D), lambda i: (0, 0)),
            pl.BlockSpec((1, D), lambda i: (0, 0)),
        ],
        out_specs=(
            pl.BlockSpec((BN, D), lambda i: (i, 0)),
            pl.BlockSpec((1, 2, D), lambda i: (i, 0, 0)),
        ),
    )(p, h, cmat, embcat, cvec, w1, b1, w2, b2)


def _bn_body(o_ref, sums_ref, g_ref, be_ref, h_ref):
    sm = jnp.sum(sums_ref[...], axis=0)
    mean = sm[0:1, :] / N
    var = sm[1:2, :] / N - mean * mean
    h_ref[...] = ((o_ref[...] - mean) / jnp.sqrt(var + 1e-5) * g_ref[...]
                  + be_ref[...])


def _bn_call(o, sums, gamma, beta):
    return pl.pallas_call(
        _bn_body,
        out_shape=jax.ShapeDtypeStruct((N, D), jnp.float32),
        grid=(GRID,),
        in_specs=[
            pl.BlockSpec((BN, D), lambda i: (i, 0)),
            pl.BlockSpec((GRID, 2, D), lambda i: (0, 0, 0)),
            pl.BlockSpec((1, D), lambda i: (0, 0)),
            pl.BlockSpec((1, D), lambda i: (0, 0)),
        ],
        out_specs=pl.BlockSpec((BN, D), lambda i: (i, 0)),
    )(o, sums, gamma, beta)


def _pool_body(h_ref, b_ref, w1_ref, b1_ref, w2_ref, b2_ref, w3_ref, b3_ref,
               out_ref, pooled_ref):
    i = pl.program_id(0)

    @pl.when(i == 0)
    def _():
        pooled_ref[...] = jnp.zeros_like(pooled_ref)

    oh = (b_ref[0] == lax.broadcasted_iota(jnp.int32, (BN, G), 1)).astype(
        jnp.float32
    )
    pooled_ref[...] += lax.dot_general(
        oh, h_ref[...], (((0,), (0,)), ((), ())),
        preferred_element_type=jnp.float32, precision=lax.Precision.HIGHEST,
    )

    @pl.when(i == GRID - 1)
    def _():
        p = pooled_ref[...]
        o1 = jnp.maximum(
            jnp.dot(p, w1_ref[...], preferred_element_type=jnp.float32)
            + b1_ref[...], 0.0)
        o2 = jnp.maximum(
            jnp.dot(o1, w2_ref[...], preferred_element_type=jnp.float32)
            + b2_ref[...], 0.0)
        o3 = (jnp.dot(o2, w3_ref[...], preferred_element_type=jnp.float32)
              + b3_ref[...])
        out_ref[...] = o3


def _pool_call(h, batch3d, w1, b1, w2, b2, w3, b3):
    return pl.pallas_call(
        _pool_body,
        out_shape=jax.ShapeDtypeStruct((G, 1), jnp.float32),
        grid=(GRID,),
        in_specs=[
            pl.BlockSpec((BN, D), lambda i: (i, 0)),
            pl.BlockSpec((1, BN, 1), lambda i: (i, 0, 0)),
            pl.BlockSpec((D, D), lambda i: (0, 0)),
            pl.BlockSpec((1, D), lambda i: (0, 0)),
            pl.BlockSpec((D, G), lambda i: (0, 0)),
            pl.BlockSpec((1, G), lambda i: (0, 0)),
            pl.BlockSpec((G, 1), lambda i: (0, 0)),
            pl.BlockSpec((1, 1), lambda i: (0, 0)),
        ],
        out_specs=pl.BlockSpec((G, 1), lambda i: (0, 0)),
        scratch_shapes=[pltpu.VMEM((G, D), jnp.float32)],
    )(h, batch3d, w1, b1, w2, b2, w3, b3)


def kernel(x, edge_index, edge_attr, batch, params):
    pad = E2 - E
    src2d = jnp.concatenate(
        [edge_index[0], jnp.zeros((pad,), jnp.int32)]
    ).reshape(ROWS, CHUNK)
    dst2d = jnp.concatenate(
        [edge_index[1], N + (jnp.arange(pad, dtype=jnp.int32) % NPADROW)]
    ).reshape(ROWS, CHUNK)
    batch3d = batch.reshape(GRID, BN, 1)

    craw = _counts_call(edge_index[1], edge_attr[:, 0], edge_attr[:, 1])
    cmat = craw.sum(axis=0)[:CFLAT].reshape(N, 9)
    cmat = jnp.concatenate([cmat, jnp.zeros((N, 7), jnp.float32)], axis=1)

    h = _h0_call(x, params["lin_W"], params["lin_b"].reshape(1, D))

    for lp in params["layers"]:
        embcat = jnp.concatenate(
            [lp["emb1"][:6], lp["emb2"][:3], jnp.zeros((7, D), jnp.float32)],
            axis=0,
        )
        cvec = (lp["emb1"][4] + lp["emb2"][0]).reshape(1, D)
        p = _agg_call(h, src2d, dst2d)
        o, sums = _layer_call(
            p, h, cmat, embcat, cvec,
            lp["W1"], lp["b1"].reshape(1, 2 * D),
            lp["W2"], lp["b2"].reshape(1, D),
        )
        h = _bn_call(o, sums, lp["gamma"].reshape(1, D),
                     lp["beta"].reshape(1, D))

    o = _pool_call(
        h, batch3d,
        params["out_W1"], params["out_b1"].reshape(1, D),
        params["out_W2"], params["out_b2"].reshape(1, G),
        params["out_W3"], params["out_b3"].reshape(1, 1),
    )
    return o.reshape(-1)

# --- scband reference (transcript-rebuilt; emitter-appended) ---
"""Pipeline reference for scband-gnn-1-59021440582059 (READ-ONLY COPY).

The authoritative reference and input builder live on the scoring server;
editing this copy changes nothing except your own understanding.
"""

import jax, jax.numpy as jnp
import numpy as np

N = 10000
E = 320000
D = 128
L = 3
G = 64

def _glorot(k, shape):
    lim = float(np.sqrt(6.0 / (shape[0] + shape[1])))
    return jax.random.uniform(k, shape, jnp.float32, -lim, lim)

def setup_inputs(seed: int = 0):
    key = jax.random.key(seed)
    ks = jax.random.split(key, 64)
    x = jax.random.normal(ks[0], (N, D), dtype=jnp.float32)
    edge_index = jax.random.randint(ks[1], (2, E), 0, N, dtype=jnp.int32)
    edge_attr = jax.random.randint(ks[2], (E, 2), 0, 3, dtype=jnp.int32)
    batch = jnp.sort(jax.random.randint(ks[3], (N,), 0, G, dtype=jnp.int32))
    i = 4
    layers = []
    for _ in range(L):
        lp = {
            "emb1": _glorot(ks[i], (6, D)),
            "emb2": _glorot(ks[i + 1], (3, D)),
            "W1": _glorot(ks[i + 2], (D, 2 * D)),
            "b1": jnp.zeros((2 * D,), jnp.float32),
            "W2": _glorot(ks[i + 3], (2 * D, D)),
            "b2": jnp.zeros((D,), jnp.float32),
            "gamma": jnp.ones((D,), jnp.float32),
            "beta": jnp.zeros((D,), jnp.float32),
        }
        layers.append(lp)
        i += 4
    params = {
        "lin_W": _glorot(ks[i], (D, D)),
        "lin_b": jnp.zeros((D,), jnp.float32),
        "layers": layers,
        "out_W1": _glorot(ks[i + 1], (D, D)),
        "out_b1": jnp.zeros((D,), jnp.float32),
        "out_W2": _glorot(ks[i + 2], (D, D // 2)),
        "out_b2": jnp.zeros((D // 2,), jnp.float32),
        "out_W3": _glorot(ks[i + 3], (D // 2, 1)),
        "out_b3": jnp.zeros((1,), jnp.float32),
    }
    return {"x": x, "edge_index": edge_index, "edge_attr": edge_attr, "batch": batch, "params": params}

def _forward(x, params, edge_index, edge_attr, batch):
    # linear + relu on input features
    h = jnp.maximum(x @ params["lin_W"] + params["lin_b"], 0.0)
    # add self loops (GINConv does this each layer; edge set is identical every layer)
    self_idx = jnp.arange(N, dtype=edge_index.dtype)
    src = jnp.concatenate([edge_index[0], self_idx])
    dst = jnp.concatenate([edge_index[1], self_idx])
    ea0 = jnp.concatenate([edge_attr[:, 0], jnp.full((N,), 4, dtype=edge_attr.dtype)])
    ea1 = jnp.concatenate([edge_attr[:, 1], jnp.zeros((N,), dtype=edge_attr.dtype)])
    for lp in params["layers"]:
        ee = lp["emb1"][ea0] + lp["emb2"][ea1]          # edge embedding lookup
        msg = h[src] + ee                                  # message: x_j + edge_attr
        agg = jax.ops.segment_sum(msg, dst, num_segments=N)  # aggr='add'
        hid = jnp.maximum(agg @ lp["W1"] + lp["b1"], 0.0)  # update: MLP
        out = hid @ lp["W2"] + lp["b2"]
        # BatchNorm1d in training mode (batch statistics)
        mean = out.mean(axis=0)
        var = out.var(axis=0)
        h = (out - mean) / jnp.sqrt(var + 1e-5) * lp["gamma"] + lp["beta"]
    # JK = 'last' -> node_representation = h
    # global add pooling over graphs
    pooled = jax.ops.segment_sum(h, batch, num_segments=G)
    o = jnp.maximum(pooled @ params["out_W1"] + params["out_b1"], 0.0)
    o = jnp.maximum(o @ params["out_W2"] + params["out_b2"], 0.0)
    o = o @ params["out_W3"] + params["out_b3"]
    return o.reshape(-1)

def reference(x, edge_index, edge_attr, batch, params):
    return _forward(x, params, edge_index, edge_attr, batch)

if __name__ == "__main__":
    import jax
    _d = setup_inputs()
    print(jax.jit(kernel)(*tuple(_d.values())))

</pallas_src>

<mosaic_0001>
#map = affine_map<(d0, d1) -> (0, 0)>
#map1 = affine_map<(d0, d1) -> (0, 0, 0)>
module attributes {stable_mosaic.version = 14 : i64} {
  func.func @_agg_body(%arg0: i32, %arg1: i32, %arg2: memref<10000x128xf32, #tpu.memory_space<hbm>>, %arg3: memref<2560x128xi32, #tpu.memory_space<hbm>>, %arg4: memref<2560x128xi32, #tpu.memory_space<hbm>>, %arg5: memref<2x10000x128xf32, #tpu.memory_space<hbm>>, %arg6: memref<2x8x128xi32, #tpu.memory_space<vmem>>, %arg7: memref<2x8x128xi32, #tpu.memory_space<vmem>>, %arg8: memref<128x128xf32, #tpu.memory_space<vmem>>, %arg9: memref<128x128xf32, #tpu.memory_space<vmem>>, %arg10: memref<!tpu.dma_semaphore, #tpu.memory_space<semaphore_mem>>, %arg11: memref<!tpu.dma_semaphore, #tpu.memory_space<semaphore_mem>>, %arg12: memref<!tpu.dma_semaphore, #tpu.memory_space<semaphore_mem>>, %arg13: memref<10016x128xf32, #tpu.memory_space<vmem_shared>>) attributes {dimension_semantics = [#tpu.dimension_semantics<core_parallel>, #tpu.dimension_semantics<subcore_parallel>], iteration_bounds = array<i64: 2, 16>, scalar_prefetch = 0 : i64, scratch_operands = 8 : i64, tpu.core_type = #tpu.core_type<sc_vector_subcore>, window_params = [{transform_indices = #map}, {transform_indices = #map}, {transform_indices = #map}, {transform_indices = #map1}]} {
    %mul3A = arith.constant 16 : i32
    %mul3A_0 = arith.muli %arg0, %mul3A : i32
    %add3A = arith.addi %mul3A_0, %arg1 : i32
    %mul3A_1 = arith.constant 80 : i32
    %mul3A_2 = arith.muli %add3A, %mul3A_1 : i32
    %mul3A_3 = arith.constant 624 : i32
    %mul3A_4 = arith.muli %arg1, %mul3A_3 : i32
    "tpu.region"() ({
      %run_scoped3A = tpu.sem_alloc : memref<!tpu.dma_semaphore, #tpu.memory_space<semaphore_mem>>
      %dma_start3A_123 = arith.constant 0 : i32
      %dma_start3A_124 = tpu.memref_slice %arg13[%mul3A_4, %dma_start3A_123] : memref<10016x128xf32, #tpu.memory_space<vmem_shared>> -> memref<624x128xf32, #tpu.memory_space<vmem_shared>>
      %dma_start3A_125 = arith.constant 0 : i32
      %dma_start3A_126 = tpu.memref_slice %arg2[%mul3A_4, %dma_start3A_125] : memref<10000x128xf32, #tpu.memory_space<hbm>> -> memref<624x128xf32, #tpu.memory_space<hbm>>
      tpu.enqueue_dma source(%dma_start3A_126 : memref<624x128xf32, #tpu.memory_space<hbm>>) target(%dma_start3A_124 : memref<624x128xf32, #tpu.memory_space<vmem_shared>>) target_semaphore(%run_scoped3A : memref<!tpu.dma_semaphore, #tpu.memory_space<semaphore_mem>>)
      %dma_wait3A_127 = arith.constant 0 : i32
      %dma_wait3A_128 = tpu.memref_slice %arg13[%mul3A_4, %dma_wait3A_127] : memref<10016x128xf32, #tpu.memory_space<vmem_shared>> -> memref<624x128xf32, #tpu.memory_space<vmem_shared>>
      %dma_wait3A_129 = arith.constant 0 : i32
      %dma_wait3A_130 = tpu.memref_slice %arg2[%mul3A_4, %dma_wait3A_129] : memref<10000x128xf32, #tpu.memory_space<hbm>> -> memref<624x128xf32, #tpu.memory_space<hbm>>
      tpu.wait_dma2 semaphore(%run_scoped3A : memref<!tpu.dma_semaphore, #tpu.memory_space<semaphore_mem>>) src(%dma_wait3A_130 : memref<624x128xf32, #tpu.memory_space<hbm>>) dst(%dma_wait3A_128 : memref<624x128xf32, #tpu.memory_space<vmem_shared>>)
      tpu.yield
    }) : () -> ()
    %eq3A = arith.constant 15 : i32
    %eq3A_5 = arith.cmpi eq, %arg1, %eq3A : i32
    %convert_element_type3A = arith.extui %eq3A_5 : i1 to i32
    %cond3A = arith.constant 0 : i32
    %cond3A_6 = arith.cmpi ne, %convert_element_type3A, %cond3A : i32
    scf.if %cond3A_6 {
      "tpu.region"() ({
        %run_scoped3A = tpu.sem_alloc : memref<!tpu.dma_semaphore, #tpu.memory_space<semaphore_mem>>
        %dma_start3A_123 = arith.constant 9984 : i32
        %dma_start3A_124 = arith.constant 0 : i32
        %dma_start3A_125 = tpu.memref_slice %arg13[%dma_start3A_123, %dma_start3A_124] : memref<10016x128xf32, #tpu.memory_space<vmem_shared>> -> memref<16x128xf32, #tpu.memory_space<vmem_shared>>
        %dma_start3A_126 = arith.constant 9984 : i32
        %dma_start3A_127 = arith.constant 0 : i32
        %dma_start3A_128 = tpu.memref_slice %arg2[%dma_start3A_126, %dma_start3A_127] : memref<10000x128xf32, #tpu.memory_space<hbm>> -> memref<16x128xf32, #tpu.memory_space<hbm>>
        tpu.enqueue_dma source(%dma_start3A_128 : memref<16x128xf32, #tpu.memory_space<hbm>>) target(%dma_start3A_125 : memref<16x128xf32, #tpu.memory_space<vmem_shared>>) target_semaphore(%run_scoped3A : memref<!tpu.dma_semaphore, #tpu.memory_space<semaphore_mem>>)
        %dma_wait3A_129 = arith.constant 9984 : i32
        %dma_wait3A_130 = arith.constant 0 : i32
        %dma_wait3A_131 = tpu.memref_slice %arg13[%dma_wait3A_129, %dma_wait3A_130] : memref<10016x128xf32, #tpu.memory_space<vmem_shared>> -> memref<16x128xf32, #tpu.memory_space<vmem_shared>>
        %dma_wait3A_132 = arith.constant 9984 : i32
        %dma_wait3A_133 = arith.constant 0 : i32
        %dma_wait3A_134 = tpu.memref_slice %arg2[%dma_wait3A_132, %dma_wait3A_133] : memref<10000x128xf32, #tpu.memory_space<hbm>> -> memref<16x128xf32, #tpu.memory_space<hbm>>
        tpu.wait_dma2 semaphore(%run_scoped3A : memref<!tpu.dma_semaphore, #tpu.memory_space<semaphore_mem>>) src(%dma_wait3A_134 : memref<16x128xf32, #tpu.memory_space<hbm>>) dst(%dma_wait3A_131 : memref<16x128xf32, #tpu.memory_space<vmem_shared>>)
        tpu.yield
      }) : () -> ()
    } else {
    }
    %add3A_7 = arith.constant 0 : i32
    %add3A_8 = arith.addi %mul3A_2, %add3A_7 : i32
    %dma_start3A = arith.constant 0 : i32
    %dma_start3A_9 = arith.constant 0 : i32
    %dma_start3A_10 = arith.constant 0 : i32
    %dma_start3A_11 = tpu.memref_slice %arg6[%dma_start3A, %dma_start3A_9, %dma_start3A_10] : memref<2x8x128xi32, #tpu.memory_space<vmem>> -> memref<1x8x128xi32, #tpu.memory_space<vmem>>
    %dma_start3A_12 = tpu.memref_squeeze %dma_start3A_11 : memref<1x8x128xi32, #tpu.memory_space<vmem>> -> memref<8x128xi32, #tpu.memory_space<vmem>>
    %dma_start3A_13 = arith.constant 0 : i32
    %dma_start3A_14 = tpu.memref_slice %arg3[%add3A_8, %dma_start3A_13] : memref<2560x128xi32, #tpu.memory_space<hbm>> -> memref<8x128xi32, #tpu.memory_space<hbm>>
    %dma_start3A_15 = arith.constant 0 : i32
    %dma_start3A_16 = arith.constant 0 : i32
    %dma_start3A_17 = tpu.memref_slice %arg6[%dma_start3A, %dma_start3A_15, %dma_start3A_16] : memref<2x8x128xi32, #tpu.memory_space<vmem>> -> memref<1x8x128xi32, #tpu.memory_space<vmem>>
    %dma_start3A_18 = tpu.memref_squeeze %dma_start3A_17 : memref<1x8x128xi32, #tpu.memory_space<vmem>> -> memref<8x128xi32, #tpu.memory_space<vmem>>
    %dma_start3A_19 = arith.constant 0 : i32
    %dma_start3A_20 = tpu.memref_slice %arg3[%add3A_8, %dma_start3A_19] : memref<2560x128xi32, #tpu.memory_space<hbm>> -> memref<8x128xi32, #tpu.memory_space<hbm>>
    tpu.enqueue_dma source(%dma_start3A_20 : memref<8x128xi32, #tpu.memory_space<hbm>>) target(%dma_start3A_18 : memref<8x128xi32, #tpu.memory_space<vmem>>) target_semaphore(%arg12 : memref<!tpu.dma_semaphore, #tpu.memory_space<semaphore_mem>>)
    %add3A_21 = arith.constant 0 : i32
    %add3A_22 = arith.addi %mul3A_2, %add3A_21 : i32
    %dma_start3A_23 = arith.constant 0 : i32
    %dma_start3A_24 = arith.constant 0 : i32
    %dma_start3A_25 = arith.constant 0 : i32
    %dma_start3A_26 = tpu.memref_slice %arg7[%dma_start3A_23, %dma_start3A_24, %dma_start3A_25] : memref<2x8x128xi32, #tpu.memory_space<vmem>> -> memref<1x8x128xi32, #tpu.memory_space<vmem>>
    %dma_start3A_27 = tpu.memref_squeeze %dma_start3A_26 : memref<1x8x128xi32, #tpu.memory_space<vmem>> -> memref<8x128xi32, #tpu.memory_space<vmem>>
    %dma_start3A_28 = arith.constant 0 : i32
    %dma_start3A_29 = tpu.memref_slice %arg4[%add3A_22, %dma_start3A_28] : memref<2560x128xi32, #tpu.memory_space<hbm>> -> memref<8x128xi32, #tpu.memory_space<hbm>>
    %dma_start3A_30 = arith.constant 0 : i32
    %dma_start3A_31 = arith.constant 0 : i32
    %dma_start3A_32 = tpu.memref_slice %arg7[%dma_start3A_23, %dma_start3A_30, %dma_start3A_31] : memref<2x8x128xi32, #tpu.memory_space<vmem>> -> memref<1x8x128xi32, #tpu.memory_space<vmem>>
    %dma_start3A_33 = tpu.memref_squeeze %dma_start3A_32 : memref<1x8x128xi32, #tpu.memory_space<vmem>> -> memref<8x128xi32, #tpu.memory_space<vmem>>
    %dma_start3A_34 = arith.constant 0 : i32
    %dma_start3A_35 = tpu.memref_slice %arg4[%add3A_22, %dma_start3A_34] : memref<2560x128xi32, #tpu.memory_space<hbm>> -> memref<8x128xi32, #tpu.memory_space<hbm>>
    tpu.enqueue_dma source(%dma_start3A_35 : memref<8x128xi32, #tpu.memory_space<hbm>>) target(%dma_start3A_33 : memref<8x128xi32, #tpu.memory_space<vmem>>) target_semaphore(%arg12 : memref<!tpu.dma_semaphore, #tpu.memory_space<semaphore_mem>>)
    %add3A_36 = arith.constant 0 : i32
    %add3A_37 = arith.addi %mul3A_2, %add3A_36 : i32
    %dma_wait3A = arith.constant 0 : i32
    %dma_wait3A_38 = arith.constant 0 : i32
    %dma_wait3A_39 = arith.constant 0 : i32
    %dma_wait3A_40 = tpu.memref_slice %arg6[%dma_wait3A, %dma_wait3A_38, %dma_wait3A_39] : memref<2x8x128xi32, #tpu.memory_space<vmem>> -> memref<1x8x128xi32, #tpu.memory_space<vmem>>
    %dma_wait3A_41 = tpu.memref_squeeze %dma_wait3A_40 : memref<1x8x128xi32, #tpu.memory_space<vmem>> -> memref<8x128xi32, #tpu.memory_space<vmem>>
    %dma_wait3A_42 = arith.constant 0 : i32
    %dma_wait3A_43 = tpu.memref_slice %arg3[%add3A_37, %dma_wait3A_42] : memref<2560x128xi32, #tpu.memory_space<hbm>> -> memref<8x128xi32, #tpu.memory_space<hbm>>
    %dma_wait3A_44 = arith.constant 0 : i32
    %dma_wait3A_45 = arith.constant 0 : i32
    %dma_wait3A_46 = tpu.memref_slice %arg6[%dma_wait3A, %dma_wait3A_44, %dma_wait3A_45] : memref<2x8x128xi32, #tpu.memory_space<vmem>> -> memref<1x8x128xi32, #tpu.memory_space<vmem>>
    %dma_wait3A_47 = tpu.memref_squeeze %dma_wait3A_46 : memref<1x8x128xi32, #tpu.memory_space<vmem>> -> memref<8x128xi32, #tpu.memory_space<vmem>>
    %dma_wait3A_48 = arith.constant 0 : i32
    %dma_wait3A_49 = tpu.memref_slice %arg3[%add3A_37, %dma_wait3A_48] : memref<2560x128xi32, #tpu.memory_space<hbm>> -> memref<8x128xi32, #tpu.memory_space<hbm>>
    tpu.wait_dma2 semaphore(%arg12 : memref<!tpu.dma_semaphore, #tpu.memory_space<semaphore_mem>>) src(%dma_wait3A_49 : memref<8x128xi32, #tpu.memory_space<hbm>>) dst(%dma_wait3A_47 : memref<8x128xi32, #tpu.memory_space<vmem>>)
    %add3A_50 = arith.constant 0 : i32
    %add3A_51 = arith.addi %mul3A_2, %add3A_50 : i32
    %dma_wait3A_52 = arith.constant 0 : i32
    %dma_wait3A_53 = arith.constant 0 : i32
    %dma_wait3A_54 = arith.constant 0 : i32
    %dma_wait3A_55 = tpu.memref_slice %arg7[%dma_wait3A_52, %dma_wait3A_53, %dma_wait3A_54] : memref<2x8x128xi32, #tpu.memory_space<vmem>> -> memref<1x8x128xi32, #tpu.memory_space<vmem>>
    %dma_wait3A_56 = tpu.memref_squeeze %dma_wait3A_55 : memref<1x8x128xi32, #tpu.memory_space<vmem>> -> memref<8x128xi32, #tpu.memory_space<vmem>>
    %dma_wait3A_57 = arith.constant 0 : i32
    %dma_wait3A_58 = tpu.memref_slice %arg4[%add3A_51, %dma_wait3A_57] : memref<2560x128xi32, #tpu.memory_space<hbm>> -> memref<8x128xi32, #tpu.memory_space<hbm>>
    %dma_wait3A_59 = arith.constant 0 : i32
    %dma_wait3A_60 = arith.constant 0 : i32
    %dma_wait3A_61 = tpu.memref_slice %arg7[%dma_wait3A_52, %dma_wait3A_59, %dma_wait3A_60] : memref<2x8x128xi32, #tpu.memory_space<vmem>> -> memref<1x8x128xi32, #tpu.memory_space<vmem>>
    %dma_wait3A_62 = tpu.memref_squeeze %dma_wait3A_61 : memref<1x8x128xi32, #tpu.memory_space<vmem>> -> memref<8x128xi32, #tpu.memory_space<vmem>>
    %dma_wait3A_63 = arith.constant 0 : i32
    %dma_wait3A_64 = tpu.memref_slice %arg4[%add3A_51, %dma_wait3A_63] : memref<2560x128xi32, #tpu.memory_space<hbm>> -> memref<8x128xi32, #tpu.memory_space<hbm>>
    tpu.wait_dma2 semaphore(%arg12 : memref<!tpu.dma_semaphore, #tpu.memory_space<semaphore_mem>>) src(%dma_wait3A_64 : memref<8x128xi32, #tpu.memory_space<hbm>>) dst(%dma_wait3A_62 : memref<8x128xi32, #tpu.memory_space<vmem>>)
    %add3A_65 = arith.constant 8 : i32
    %add3A_66 = arith.addi %mul3A_2, %add3A_65 : i32
    %dma_start3A_67 = arith.constant 1 : i32
    %dma_start3A_68 = arith.constant 0 : i32
    %dma_start3A_69 = arith.constant 0 : i32
    %dma_start3A_70 = tpu.memref_slice %arg6[%dma_start3A_67, %dma_start3A_68, %dma_start3A_69] : memref<2x8x128xi32, #tpu.memory_space<vmem>> -> memref<1x8x128xi32, #tpu.memory_space<vmem>>
    %dma_start3A_71 = tpu.memref_squeeze %dma_start3A_70 : memref<1x8x128xi32, #tpu.memory_space<vmem>> -> memref<8x128xi32, #tpu.memory_space<vmem>>
    %dma_start3A_72 = arith.constant 0 : i32
    %dma_start3A_73 = tpu.memref_slice %arg3[%add3A_66, %dma_start3A_72] : memref<2560x128xi32, #tpu.memory_space<hbm>> -> memref<8x128xi32, #tpu.memory_space<hbm>>
    %dma_start3A_74 = arith.constant 0 : i32
    %dma_start3A_75 = arith.constant 0 : i32
    %dma_start3A_76 = tpu.memref_slice %arg6[%dma_start3A_67, %dma_start3A_74, %dma_start3A_75] : memref<2x8x128xi32, #tpu.memory_space<vmem>> -> memref<1x8x128xi32, #tpu.memory_space<vmem>>
    %dma_start3A_77 = tpu.memref_squeeze %dma_start3A_76 : memref<1x8x128xi32, #tpu.memory_space<vmem>> -> memref<8x128xi32, #tpu.memory_space<vmem>>
    %dma_start3A_78 = arith.constant 0 : i32
    %dma_start3A_79 = tpu.memref_slice %arg3[%add3A_66, %dma_start3A_78] : memref<2560x128xi32, #tpu.memory_space<hbm>> -> memref<8x128xi32, #tpu.memory_space<hbm>>
    tpu.enqueue_dma source(%dma_start3A_79 : memref<8x128xi32, #tpu.memory_space<hbm>>) target(%dma_start3A_77 : memref<8x128xi32, #tpu.memory_space<vmem>>) target_semaphore(%arg12 : memref<!tpu.dma_semaphore, #tpu.memory_space<semaphore_mem>>)
    %add3A_80 = arith.constant 8 : i32
    %add3A_81 = arith.addi %mul3A_2, %add3A_80 : i32
    %dma_start3A_82 = arith.constant 1 : i32
    %dma_start3A_83 = arith.constant 0 : i32
    %dma_start3A_84 = arith.constant 0 : i32
    %dma_start3A_85 = tpu.memref_slice %arg7[%dma_start3A_82, %dma_start3A_83, %dma_start3A_84] : memref<2x8x128xi32, #tpu.memory_space<vmem>> -> memref<1x8x128xi32, #tpu.memory_space<vmem>>
    %dma_start3A_86 = tpu.memref_squeeze %dma_start3A_85 : memref<1x8x128xi32, #tpu.memory_space<vmem>> -> memref<8x128xi32, #tpu.memory_space<vmem>>
    %dma_start3A_87 = arith.constant 0 : i32
    %dma_start3A_88 = tpu.memref_slice %arg4[%add3A_81, %dma_start3A_87] : memref<2560x128xi32, #tpu.memory_space<hbm>> -> memref<8x128xi32, #tpu.memory_space<hbm>>
    %dma_start3A_89 = arith.constant 0 : i32
    %dma_start3A_90 = arith.constant 0 : i32
    %dma_start3A_91 = tpu.memref_slice %arg7[%dma_start3A_82, %dma_start3A_89, %dma_start3A_90] : memref<2x8x128xi32, #tpu.memory_space<vmem>> -> memref<1x8x128xi32, #tpu.memory_space<vmem>>
    %dma_start3A_92 = tpu.memref_squeeze %dma_start3A_91 : memref<1x8x128xi32, #tpu.memory_space<vmem>> -> memref<8x128xi32, #tpu.memory_space<vmem>>
    %dma_start3A_93 = arith.constant 0 : i32
    %dma_start3A_94 = tpu.memref_slice %arg4[%add3A_81, %dma_start3A_93] : memref<2560x128xi32, #tpu.memory_space<hbm>> -> memref<8x128xi32, #tpu.memory_space<hbm>>
    tpu.enqueue_dma source(%dma_start3A_94 : memref<8x128xi32, #tpu.memory_space<hbm>>) target(%dma_start3A_92 : memref<8x128xi32, #tpu.memory_space<vmem>>) target_semaphore(%arg12 : memref<!tpu.dma_semaphore, #tpu.memory_space<semaphore_mem>>)
    %barrier3A = arith.constant 0 : index
    tpu.barrier barrier_id(%barrier3A)
    %dma_start3A_95 = arith.constant 0 : i32
    %dma_start3A_96 = arith.constant 0 : i32
    %dma_start3A_97 = arith.constant 0 : i32
    %dma_start3A_98 = tpu.memref_slice %arg6[%dma_start3A_95, %dma_start3A_96, %dma_start3A_97] : memref<2x8x128xi32, #tpu.memory_space<vmem>> -> memref<1x1x128xi32, #tpu.memory_space<vmem>>
    %dma_start3A_99 = tpu.memref_squeeze %dma_start3A_98 : memref<1x1x128xi32, #tpu.memory_space<vmem>> -> memref<128xi32, #tpu.memory_space<vmem>>
    %dma_start3A_100 = arith.constant 0 : i32
    %dma_start3A_101 = arith.constant 0 : i32
    %dma_start3A_102 = tpu.memref_slice %arg2[%dma_start3A_100, %dma_start3A_101] : memref<10000x128xf32, #tpu.memory_space<hbm>> -> memref<10000x128xf32, #tpu.memory_space<hbm>>
    tpu.enqueue_indirect_dma source(%dma_start3A_102 : memref<10000x128xf32, #tpu.memory_space<hbm>>) target(%arg8 : memref<128x128xf32, #tpu.memory_space<vmem>>) offsets(%dma_start3A_99 : memref<128xi32, #tpu.memory_space<vmem>>) semaphore(%arg10 : memref<!tpu.dma_semaphore, #tpu.memory_space<semaphore_mem>>)
    %dma_start3A_103 = arith.constant 0 : i32
    %dma_start3A_104 = arith.constant 1 : i32
    %dma_start3A_105 = arith.constant 0 : i32
    %dma_start3A_106 = tpu.memref_slice %arg6[%dma_start3A_103, %dma_start3A_104, %dma_start3A_105] : memref<2x8x128xi32, #tpu.memory_space<vmem>> -> memref<1x1x128xi32, #tpu.memory_space<vmem>>
    %dma_start3A_107 = tpu.memref_squeeze %dma_start3A_106 : memref<1x1x128xi32, #tpu.memory_space<vmem>> -> memref<128xi32, #tpu.memory_space<vmem>>
    %dma_start3A_108 = arith.constant 0 : i32
    %dma_start3A_109 = arith.constant 0 : i32
    %dma_start3A_110 = tpu.memref_slice %arg2[%dma_start3A_108, %dma_start3A_109] : memref<10000x128xf32, #tpu.memory_space<hbm>> -> memref<10000x128xf32, #tpu.memory_space<hbm>>
    tpu.enqueue_indirect_dma source(%dma_start3A_110 : memref<10000x128xf32, #tpu.memory_space<hbm>>) target(%arg9 : memref<128x128xf32, #tpu.memory_space<vmem>>) offsets(%dma_start3A_107 : memref<128xi32, #tpu.memory_space<vmem>>) semaphore(%arg11 : memref<!tpu.dma_semaphore, #tpu.memory_space<semaphore_mem>>)
    %scan3A = arith.constant 0 : i32
    %scan3A_111 = arith.constant 0 : i32
    %scan3A_112 = arith.constant 10 : i32
    %scan3A_113 = arith.addi %scan3A_111, %scan3A_112 : i32
    %scan3A_114 = arith.constant 1 : i32
    %scan3A_115 = scf.for %scan3A_123 = %scan3A_111 to %scan3A_113 step %scan3A_114 iter_args(%scan3A_124 = %scan3A) -> (i32)  : i32 {
      %jit3A = arith.constant 2 : i32
      %eq3A_125 = arith.constant 0 : i32
      %eq3A_126 = arith.cmpi eq, %jit3A, %eq3A_125 : i32
      %jit3A_127 = arith.constant 1 : i32
      %select_n3A = arith.select %eq3A_126, %jit3A_127, %jit3A : i32
      %rem3A = arith.remsi %scan3A_123, %select_n3A : i32
      %ne3A = arith.constant 0 : i32
      %ne3A_128 = arith.cmpi ne, %rem3A, %ne3A : i32
      %lt3A = arith.constant 0 : i32
      %lt3A_129 = arith.cmpi slt, %rem3A, %lt3A : i32
      %lt3A_130 = arith.constant 0 : i32
      %lt3A_131 = arith.cmpi slt, %select_n3A, %lt3A_130 : i32
      %ne3A_132 = arith.xori %lt3A_129, %lt3A_131 : i1
      %and3A = arith.andi %ne3A_132, %ne3A_128 : i1
      %add3A_133 = arith.addi %rem3A, %select_n3A : i32
      %select_n3A_134 = arith.select %and3A, %add3A_133, %rem3A : i32
      %sub3A = arith.constant 1 : i32
      %sub3A_135 = arith.subi %sub3A, %select_n3A_134 : i32
      %dma_wait3A_136 = arith.constant 0 : i32
      %dma_wait3A_137 = arith.constant 0 : i32
      %dma_wait3A_138 = tpu.memref_slice %arg6[%select_n3A_134, %dma_wait3A_136, %dma_wait3A_137] : memref<2x8x128xi32, #tpu.memory_space<vmem>> -> memref<1x1x128xi32, #tpu.memory_space<vmem>>
      %dma_wait3A_139 = tpu.memref_squeeze %dma_wait3A_138 : memref<1x1x128xi32, #tpu.memory_space<vmem>> -> memref<128xi32, #tpu.memory_space<vmem>>
      %dma_wait3A_140 = arith.constant 0 : i32
      %dma_wait3A_141 = arith.constant 0 : i32
      %dma_wait3A_142 = tpu.memref_slice %arg2[%dma_wait3A_140, %dma_wait3A_141] : memref<10000x128xf32, #tpu.memory_space<hbm>> -> memref<10000x128xf32, #tpu.memory_space<hbm>>
      tpu.wait_indirect_dma semaphore(%arg10 : memref<!tpu.dma_semaphore, #tpu.memory_space<semaphore_mem>>) src(%dma_wait3A_142 : memref<10000x128xf32, #tpu.memory_space<hbm>>) dst(%arg8 : memref<128x128xf32, #tpu.memory_space<vmem>>)
      %run_scoped3A = arith.constant 0 : i32
      "tpu.region"() ({
        %run_scoped3A_257 = tpu.sem_alloc : memref<!tpu.dma_semaphore, #tpu.memory_space<semaphore_mem>>
        %dma_start3A_258 = arith.constant 0 : i32
        %dma_start3A_259 = tpu.memref_slice %arg7[%select_n3A_134, %run_scoped3A, %dma_start3A_258] : memref<2x8x128xi32, #tpu.memory_space<vmem>> -> memref<1x1x128xi32, #tpu.memory_space<vmem>>
        %dma_start3A_260 = tpu.memref_squeeze %dma_start3A_259 : memref<1x1x128xi32, #tpu.memory_space<vmem>> -> memref<128xi32, #tpu.memory_space<vmem>>
        %dma_start3A_261 = arith.constant 0 : i32
        %dma_start3A_262 = arith.constant 0 : i32
        %dma_start3A_263 = tpu.memref_slice %arg13[%dma_start3A_261, %dma_start3A_262] : memref<10016x128xf32, #tpu.memory_space<vmem_shared>> -> memref<10016x128xf32, #tpu.memory_space<vmem_shared>>
        tpu.enqueue_indirect_dma source(%arg8 : memref<128x128xf32, #tpu.memory_space<vmem>>) target(%dma_start3A_263 : memref<10016x128xf32, #tpu.memory_space<vmem_shared>>) offsets(%dma_start3A_260 : memref<128xi32, #tpu.memory_space<vmem>>) semaphore(%run_scoped3A_257 : memref<!tpu.dma_semaphore, #tpu.memory_space<semaphore_mem>>) {add = true}
        %dma_wait3A_264 = arith.constant 0 : i32
        %dma_wait3A_265 = tpu.memref_slice %arg7[%select_n3A_134, %run_scoped3A, %dma_wait3A_264] : memref<2x8x128xi32, #tpu.memory_space<vmem>> -> memref<1x1x128xi32, #tpu.memory_space<vmem>>
        %dma_wait3A_266 = tpu.memref_squeeze %dma_wait3A_265 : memref<1x1x128xi32, #tpu.memory_space<vmem>> -> memref<128xi32, #tpu.memory_space<vmem>>
        %dma_wait3A_267 = arith.constant 0 : i32
        %dma_wait3A_268 = arith.constant 0 : i32
        %dma_wait3A_269 = tpu.memref_slice %arg13[%dma_wait3A_267, %dma_wait3A_268] : memref<10016x128xf32, #tpu.memory_space<vmem_shared>> -> memref<10016x128xf32, #tpu.memory_space<vmem_shared>>
        tpu.wait_indirect_dma semaphore(%run_scoped3A_257 : memref<!tpu.dma_semaphore, #tpu.memory_space<semaphore_mem>>) src(%arg8 : memref<128x128xf32, #tpu.memory_space<vmem>>) dst(%dma_wait3A_269 : memref<10016x128xf32, #tpu.memory_space<vmem_shared>>)
        tpu.yield
      }) : () -> ()
      %dma_start3A_143 = arith.constant 2 : i32
      %dma_start3A_144 = arith.constant 0 : i32
      %dma_start3A_145 = tpu.memref_slice %arg6[%select_n3A_134, %dma_start3A_143, %dma_start3A_144] : memref<2x8x128xi32, #tpu.memory_space<vmem>> -> memref<1x1x128xi32, #tpu.memory_space<vmem>>
      %dma_start3A_146 = tpu.memref_squeeze %dma_start3A_145 : memref<1x1x128xi32, #tpu.memory_space<vmem>> -> memref<128xi32, #tpu.memory_space<vmem>>
      %dma_start3A_147 = arith.constant 0 : i32
      %dma_start3A_148 = arith.constant 0 : i32
      %dma_start3A_149 = tpu.memref_slice %arg2[%dma_start3A_147, %dma_start3A_148] : memref<10000x128xf32, #tpu.memory_space<hbm>> -> memref<10000x128xf32, #tpu.memory_space<hbm>>
      tpu.enqueue_indirect_dma source(%dma_start3A_149 : memref<10000x128xf32, #tpu.memory_space<hbm>>) target(%arg8 : memref<128x128xf32, #tpu.memory_space<vmem>>) offsets(%dma_start3A_146 : memref<128xi32, #tpu.memory_space<vmem>>) semaphore(%arg10 : memref<!tpu.dma_semaphore, #tpu.memory_space<semaphore_mem>>)
      %dma_wait3A_150 = arith.constant 1 : i32
      %dma_wait3A_151 = arith.constant 0 : i32
      %dma_wait3A_152 = tpu.memref_slice %arg6[%select_n3A_134, %dma_wait3A_150, %dma_wait3A_151] : memref<2x8x128xi32, #tpu.memory_space<vmem>> -> memref<1x1x128xi32, #tpu.memory_space<vmem>>
      %dma_wait3A_153 = tpu.memref_squeeze %dma_wait3A_152 : memref<1x1x128xi32, #tpu.memory_space<vmem>> -> memref<128xi32, #tpu.memory_space<vmem>>
      %dma_wait3A_154 = arith.constant 0 : i32
      %dma_wait3A_155 = arith.constant 0 : i32
      %dma_wait3A_156 = tpu.memref_slice %arg2[%dma_wait3A_154, %dma_wait3A_155] : memref<10000x128xf32, #tpu.memory_space<hbm>> -> memref<10000x128xf32, #tpu.memory_space<hbm>>
      tpu.wait_indirect_dma semaphore(%arg11 : memref<!tpu.dma_semaphore, #tpu.memory_space<semaphore_mem>>) src(%dma_wait3A_156 : memref<10000x128xf32, #tpu.memory_space<hbm>>) dst(%arg9 : memref<128x128xf32, #tpu.memory_space<vmem>>)
      %run_scoped3A_157 = arith.constant 1 : i32
      "tpu.region"() ({
        %run_scoped3A_257 = tpu.sem_alloc : memref<!tpu.dma_semaphore, #tpu.memory_space<semaphore_mem>>
        %dma_start3A_258 = arith.constant 0 : i32
        %dma_start3A_259 = tpu.memref_slice %arg7[%select_n3A_134, %run_scoped3A_157, %dma_start3A_258] : memref<2x8x128xi32, #tpu.memory_space<vmem>> -> memref<1x1x128xi32, #tpu.memory_space<vmem>>
        %dma_start3A_260 = tpu.memref_squeeze %dma_start3A_259 : memref<1x1x128xi32, #tpu.memory_space<vmem>> -> memref<128xi32, #tpu.memory_space<vmem>>
        %dma_start3A_261 = arith.constant 0 : i32
        %dma_start3A_262 = arith.constant 0 : i32
        %dma_start3A_263 = tpu.memref_slice %arg13[%dma_start3A_261, %dma_start3A_262] : memref<10016x128xf32, #tpu.memory_space<vmem_shared>> -> memref<10016x128xf32, #tpu.memory_space<vmem_shared>>
        tpu.enqueue_indirect_dma source(%arg9 : memref<128x128xf32, #tpu.memory_space<vmem>>) target(%dma_start3A_263 : memref<10016x128xf32, #tpu.memory_space<vmem_shared>>) offsets(%dma_start3A_260 : memref<128xi32, #tpu.memory_space<vmem>>) semaphore(%run_scoped3A_257 : memref<!tpu.dma_semaphore, #tpu.memory_space<semaphore_mem>>) {add = true}
        %dma_wait3A_264 = arith.constant 0 : i32
        %dma_wait3A_265 = tpu.memref_slice %arg7[%select_n3A_134, %run_scoped3A_157, %dma_wait3A_264] : memref<2x8x128xi32, #tpu.memory_space<vmem>> -> memref<1x1x128xi32, #tpu.memory_space<vmem>>
        %dma_wait3A_266 = tpu.memref_squeeze %dma_wait3A_265 : memref<1x1x128xi32, #tpu.memory_space<vmem>> -> memref<128xi32, #tpu.memory_space<vmem>>
        %dma_wait3A_267 = arith.constant 0 : i32
        %dma_wait3A_268 = arith.constant 0 : i32
        %dma_wait3A_269 = tpu.memref_slice %arg13[%dma_wait3A_267, %dma_wait3A_268] : memref<10016x128xf32, #tpu.memory_space<vmem_shared>> -> memref<10016x128xf32, #tpu.memory_space<vmem_shared>>
        tpu.wait_indirect_dma semaphore(%run_scoped3A_257 : memref<!tpu.dma_semaphore, #tpu.memory_space<semaphore_mem>>) src(%arg9 : memref<128x128xf32, #tpu.memory_space<vmem>>) dst(%dma_wait3A_269 : memref<10016x128xf32, #tpu.memory_space<vmem_shared>>)
        tpu.yield
      }) : () -> ()
      %dma_start3A_158 = arith.constant 3 : i32
      %dma_start3A_159 = arith.constant 0 : i32
      %dma_start3A_160 = tpu.memref_slice %arg6[%select_n3A_134, %dma_start3A_158, %dma_start3A_159] : memref<2x8x128xi32, #tpu.memory_space<vmem>> -> memref<1x1x128xi32, #tpu.memory_space<vmem>>
      %dma_start3A_161 = tpu.memref_squeeze %dma_start3A_160 : memref<1x1x128xi32, #tpu.memory_space<vmem>> -> memref<128xi32, #tpu.memory_space<vmem>>
      %dma_start3A_162 = arith.constant 0 : i32
      %dma_start3A_163 = arith.constant 0 : i32
      %dma_start3A_164 = tpu.memref_slice %arg2[%dma_start3A_162, %dma_start3A_163] : memref<10000x128xf32, #tpu.memory_space<hbm>> -> memref<10000x128xf32, #tpu.memory_space<hbm>>
      tpu.enqueue_indirect_dma source(%dma_start3A_164 : memref<10000x128xf32, #tpu.memory_space<hbm>>) target(%arg9 : memref<128x128xf32, #tpu.memory_space<vmem>>) offsets(%dma_start3A_161 : memref<128xi32, #tpu.memory_space<vmem>>) semaphore(%arg11 : memref<!tpu.dma_semaphore, #tpu.memory_space<semaphore_mem>>)
      %dma_wait3A_165 = arith.constant 2 : i32
      %dma_wait3A_166 = arith.constant 0 : i32
      %dma_wait3A_167 = tpu.memref_slice %arg6[%select_n3A_134, %dma_wait3A_165, %dma_wait3A_166] : memref<2x8x128xi32, #tpu.memory_space<vmem>> -> memref<1x1x128xi32, #tpu.memory_space<vmem>>
      %dma_wait3A_168 = tpu.memref_squeeze %dma_wait3A_167 : memref<1x1x128xi32, #tpu.memory_space<vmem>> -> memref<128xi32, #tpu.memory_space<vmem>>
      %dma_wait3A_169 = arith.constant 0 : i32
      %dma_wait3A_170 = arith.constant 0 : i32
      %dma_wait3A_171 = tpu.memref_slice %arg2[%dma_wait3A_169, %dma_wait3A_170] : memref<10000x128xf32, #tpu.memory_space<hbm>> -> memref<10000x128xf32, #tpu.memory_space<hbm>>
      tpu.wait_indirect_dma semaphore(%arg10 : memref<!tpu.dma_semaphore, #tpu.memory_space<semaphore_mem>>) src(%dma_wait3A_171 : memref<10000x128xf32, #tpu.memory_space<hbm>>) dst(%arg8 : memref<128x128xf32, #tpu.memory_space<vmem>>)
      %run_scoped3A_172 = arith.constant 2 : i32
      "tpu.region"() ({
        %run_scoped3A_257 = tpu.sem_alloc : memref<!tpu.dma_semaphore, #tpu.memory_space<semaphore_mem>>
        %dma_start3A_258 = arith.constant 0 : i32
        %dma_start3A_259 = tpu.memref_slice %arg7[%select_n3A_134, %run_scoped3A_172, %dma_start3A_258] : memref<2x8x128xi32, #tpu.memory_space<vmem>> -> memref<1x1x128xi32, #tpu.memory_space<vmem>>
        %dma_start3A_260 = tpu.memref_squeeze %dma_start3A_259 : memref<1x1x128xi32, #tpu.memory_space<vmem>> -> memref<128xi32, #tpu.memory_space<vmem>>
        %dma_start3A_261 = arith.constant 0 : i32
        %dma_start3A_262 = arith.constant 0 : i32
        %dma_start3A_263 = tpu.memref_slice %arg13[%dma_start3A_261, %dma_start3A_262] : memref<10016x128xf32, #tpu.memory_space<vmem_shared>> -> memref<10016x128xf32, #tpu.memory_space<vmem_shared>>
        tpu.enqueue_indirect_dma source(%arg8 : memref<128x128xf32, #tpu.memory_space<vmem>>) target(%dma_start3A_263 : memref<10016x128xf32, #tpu.memory_space<vmem_shared>>) offsets(%dma_start3A_260 : memref<128xi32, #tpu.memory_space<vmem>>) semaphore(%run_scoped3A_257 : memref<!tpu.dma_semaphore, #tpu.memory_space<semaphore_mem>>) {add = true}
        %dma_wait3A_264 = arith.constant 0 : i32
        %dma_wait3A_265 = tpu.memref_slice %arg7[%select_n3A_134, %run_scoped3A_172, %dma_wait3A_264] : memref<2x8x128xi32, #tpu.memory_space<vmem>> -> memref<1x1x128xi32, #tpu.memory_space<vmem>>
        %dma_wait3A_266 = tpu.memref_squeeze %dma_wait3A_265 : memref<1x1x128xi32, #tpu.memory_space<vmem>> -> memref<128xi32, #tpu.memory_space<vmem>>
        %dma_wait3A_267 = arith.constant 0 : i32
        %dma_wait3A_268 = arith.constant 0 : i32
        %dma_wait3A_269 = tpu.memref_slice %arg13[%dma_wait3A_267, %dma_wait3A_268] : memref<10016x128xf32, #tpu.memory_space<vmem_shared>> -> memref<10016x128xf32, #tpu.memory_space<vmem_shared>>
        tpu.wait_indirect_dma semaphore(%run_scoped3A_257 : memref<!tpu.dma_semaphore, #tpu.memory_space<semaphore_mem>>) src(%arg8 : memref<128x128xf32, #tpu.memory_space<vmem>>) dst(%dma_wait3A_269 : memref<10016x128xf32, #tpu.memory_space<vmem_shared>>)
        tpu.yield
      }) : () -> ()
      %dma_start3A_173 = arith.constant 4 : i32
      %dma_start3A_174 = arith.constant 0 : i32
      %dma_start3A_175 = tpu.memref_slice %arg6[%select_n3A_134, %dma_start3A_173, %dma_start3A_174] : memref<2x8x128xi32, #tpu.memory_space<vmem>> -> memref<1x1x128xi32, #tpu.memory_space<vmem>>
      %dma_start3A_176 = tpu.memref_squeeze %dma_start3A_175 : memref<1x1x128xi32, #tpu.memory_space<vmem>> -> memref<128xi32, #tpu.memory_space<vmem>>
      %dma_start3A_177 = arith.constant 0 : i32
      %dma_start3A_178 = arith.constant 0 : i32
      %dma_start3A_179 = tpu.memref_slice %arg2[%dma_start3A_177, %dma_start3A_178] : memref<10000x128xf32, #tpu.memory_space<hbm>> -> memref<10000x128xf32, #tpu.memory_space<hbm>>
      tpu.enqueue_indirect_dma source(%dma_start3A_179 : memref<10000x128xf32, #tpu.memory_space<hbm>>) target(%arg8 : memref<128x128xf32, #tpu.memory_space<vmem>>) offsets(%dma_start3A_176 : memref<128xi32, #tpu.memory_space<vmem>>) semaphore(%arg10 : memref<!tpu.dma_semaphore, #tpu.memory_space<semaphore_mem>>)
      %dma_wait3A_180 = arith.constant 3 : i32
      %dma_wait3A_181 = arith.constant 0 : i32
      %dma_wait3A_182 = tpu.memref_slice %arg6[%select_n3A_134, %dma_wait3A_180, %dma_wait3A_181] : memref<2x8x128xi32, #tpu.memory_space<vmem>> -> memref<1x1x128xi32, #tpu.memory_space<vmem>>
      %dma_wait3A_183 = tpu.memref_squeeze %dma_wait3A_182 : memref<1x1x128xi32, #tpu.memory_space<vmem>> -> memref<128xi32, #tpu.memory_space<vmem>>
      %dma_wait3A_184 = arith.constant 0 : i32
      %dma_wait3A_185 = arith.constant 0 : i32
      %dma_wait3A_186 = tpu.memref_slice %arg2[%dma_wait3A_184, %dma_wait3A_185] : memref<10000x128xf32, #tpu.memory_space<hbm>> -> memref<10000x128xf32, #tpu.memory_space<hbm>>
      tpu.wait_indirect_dma semaphore(%arg11 : memref<!tpu.dma_semaphore, #tpu.memory_space<semaphore_mem>>) src(%dma_wait3A_186 : memref<10000x128xf32, #tpu.memory_space<hbm>>) dst(%arg9 : memref<128x128xf32, #tpu.memory_space<vmem>>)
      %run_scoped3A_187 = arith.constant 3 : i32
      "tpu.region"() ({
        %run_scoped3A_257 = tpu.sem_alloc : memref<!tpu.dma_semaphore, #tpu.memory_space<semaphore_mem>>
        %dma_start3A_258 = arith.constant 0 : i32
        %dma_start3A_259 = tpu.memref_slice %arg7[%select_n3A_134, %run_scoped3A_187, %dma_start3A_258] : memref<2x8x128xi32, #tpu.memory_space<vmem>> -> memref<1x1x128xi32, #tpu.memory_space<vmem>>
        %dma_start3A_260 = tpu.memref_squeeze %dma_start3A_259 : memref<1x1x128xi32, #tpu.memory_space<vmem>> -> memref<128xi32, #tpu.memory_space<vmem>>
        %dma_start3A_261 = arith.constant 0 : i32
        %dma_start3A_262 = arith.constant 0 : i32
        %dma_start3A_263 = tpu.memref_slice %arg13[%dma_start3A_261, %dma_start3A_262] : memref<10016x128xf32, #tpu.memory_space<vmem_shared>> -> memref<10016x128xf32, #tpu.memory_space<vmem_shared>>
        tpu.enqueue_indirect_dma source(%arg9 : memref<128x128xf32, #tpu.memory_space<vmem>>) target(%dma_start3A_263 : memref<10016x128xf32, #tpu.memory_space<vmem_shared>>) offsets(%dma_start3A_260 : memref<128xi32, #tpu.memory_space<vmem>>) semaphore(%run_scoped3A_257 : memref<!tpu.dma_semaphore, #tpu.memory_space<semaphore_mem>>) {add = true}
        %dma_wait3A_264 = arith.constant 0 : i32
        %dma_wait3A_265 = tpu.memref_slice %arg7[%select_n3A_134, %run_scoped3A_187, %dma_wait3A_264] : memref<2x8x128xi32, #tpu.memory_space<vmem>> -> memref<1x1x128xi32, #tpu.memory_space<vmem>>
        %dma_wait3A_266 = tpu.memref_squeeze %dma_wait3A_265 : memref<1x1x128xi32, #tpu.memory_space<vmem>> -> memref<128xi32, #tpu.memory_space<vmem>>
        %dma_wait3A_267 = arith.constant 0 : i32
        %dma_wait3A_268 = arith.constant 0 : i32
        %dma_wait3A_269 = tpu.memref_slice %arg13[%dma_wait3A_267, %dma_wait3A_268] : memref<10016x128xf32, #tpu.memory_space<vmem_shared>> -> memref<10016x128xf32, #tpu.memory_space<vmem_shared>>
        tpu.wait_indirect_dma semaphore(%run_scoped3A_257 : memref<!tpu.dma_semaphore, #tpu.memory_space<semaphore_mem>>) src(%arg9 : memref<128x128xf32, #tpu.memory_space<vmem>>) dst(%dma_wait3A_269 : memref<10016x128xf32, #tpu.memory_space<vmem_shared>>)
        tpu.yield
      }) : () -> ()
      %dma_start3A_188 = arith.constant 5 : i32
      %dma_start3A_189 = arith.constant 0 : i32
      %dma_start3A_190 = tpu.memref_slice %arg6[%select_n3A_134, %dma_start3A_188, %dma_start3A_189] : memref<2x8x128xi32, #tpu.memory_space<vmem>> -> memref<1x1x128xi32, #tpu.memory_space<vmem>>
      %dma_start3A_191 = tpu.memref_squeeze %dma_start3A_190 : memref<1x1x128xi32, #tpu.memory_space<vmem>> -> memref<128xi32, #tpu.memory_space<vmem>>
      %dma_start3A_192 = arith.constant 0 : i32
      %dma_start3A_193 = arith.constant 0 : i32
      %dma_start3A_194 = tpu.memref_slice %arg2[%dma_start3A_192, %dma_start3A_193] : memref<10000x128xf32, #tpu.memory_space<hbm>> -> memref<10000x128xf32, #tpu.memory_space<hbm>>
      tpu.enqueue_indirect_dma source(%dma_start3A_194 : memref<10000x128xf32, #tpu.memory_space<hbm>>) target(%arg9 : memref<128x128xf32, #tpu.memory_space<vmem>>) offsets(%dma_start3A_191 : memref<128xi32, #tpu.memory_space<vmem>>) semaphore(%arg11 : memref<!tpu.dma_semaphore, #tpu.memory_space<semaphore_mem>>)
      %dma_wait3A_195 = arith.constant 4 : i32
      %dma_wait3A_196 = arith.constant 0 : i32
      %dma_wait3A_197 = tpu.memref_slice %arg6[%select_n3A_134, %dma_wait3A_195, %dma_wait3A_196] : memref<2x8x128xi32, #tpu.memory_space<vmem>> -> memref<1x1x128xi32, #tpu.memory_space<vmem>>
      %dma_wait3A_198 = tpu.memref_squeeze %dma_wait3A_197 : memref<1x1x128xi32, #tpu.memory_space<vmem>> -> memref<128xi32, #tpu.memory_space<vmem>>
      %dma_wait3A_199 = arith.constant 0 : i32
      %dma_wait3A_200 = arith.constant 0 : i32
      %dma_wait3A_201 = tpu.memref_slice %arg2[%dma_wait3A_199, %dma_wait3A_200] : memref<10000x128xf32, #tpu.memory_space<hbm>> -> memref<10000x128xf32, #tpu.memory_space<hbm>>
      tpu.wait_indirect_dma semaphore(%arg10 : memref<!tpu.dma_semaphore, #tpu.memory_space<semaphore_mem>>) src(%dma_wait3A_201 : memref<10000x128xf32, #tpu.memory_space<hbm>>) dst(%arg8 : memref<128x128xf32, #tpu.memory_space<vmem>>)
      %run_scoped3A_202 = arith.constant 4 : i32
      "tpu.region"() ({
        %run_scoped3A_257 = tpu.sem_alloc : memref<!tpu.dma_semaphore, #tpu.memory_space<semaphore_mem>>
        %dma_start3A_258 = arith.constant 0 : i32
        %dma_start3A_259 = tpu.memref_slice %arg7[%select_n3A_134, %run_scoped3A_202, %dma_start3A_258] : memref<2x8x128xi32, #tpu.memory_space<vmem>> -> memref<1x1x128xi32, #tpu.memory_space<vmem>>
        %dma_start3A_260 = tpu.memref_squeeze %dma_start3A_259 : memref<1x1x128xi32, #tpu.memory_space<vmem>> -> memref<128xi32, #tpu.memory_space<vmem>>
        %dma_start3A_261 = arith.constant 0 : i32
        %dma_start3A_262 = arith.constant 0 : i32
        %dma_start3A_263 = tpu.memref_slice %arg13[%dma_start3A_261, %dma_start3A_262] : memref<10016x128xf32, #tpu.memory_space<vmem_shared>> -> memref<10016x128xf32, #tpu.memory_space<vmem_shared>>
        tpu.enqueue_indirect_dma source(%arg8 : memref<128x128xf32, #tpu.memory_space<vmem>>) target(%dma_start3A_263 : memref<10016x128xf32, #tpu.memory_space<vmem_shared>>) offsets(%dma_start3A_260 : memref<128xi32, #tpu.memory_space<vmem>>) semaphore(%run_scoped3A_257 : memref<!tpu.dma_semaphore, #tpu.memory_space<semaphore_mem>>) {add = true}
        %dma_wait3A_264 = arith.constant 0 : i32
        %dma_wait3A_265 = tpu.memref_slice %arg7[%select_n3A_134, %run_scoped3A_202, %dma_wait3A_264] : memref<2x8x128xi32, #tpu.memory_space<vmem>> -> memref<1x1x128xi32, #tpu.memory_space<vmem>>
        %dma_wait3A_266 = tpu.memref_squeeze %dma_wait3A_265 : memref<1x1x128xi32, #tpu.memory_space<vmem>> -> memref<128xi32, #tpu.memory_space<vmem>>
        %dma_wait3A_267 = arith.constant 0 : i32
        %dma_wait3A_268 = arith.constant 0 : i32
        %dma_wait3A_269 = tpu.memref_slice %arg13[%dma_wait3A_267, %dma_wait3A_268] : memref<10016x128xf32, #tpu.memory_space<vmem_shared>> -> memref<10016x128xf32, #tpu.memory_space<vmem_shared>>
        tpu.wait_indirect_dma semaphore(%run_scoped3A_257 : memref<!tpu.dma_semaphore, #tpu.memory_space<semaphore_mem>>) src(%arg8 : memref<128x128xf32, #tpu.memory_space<vmem>>) dst(%dma_wait3A_269 : memref<10016x128xf32, #tpu.memory_space<vmem_shared>>)
        tpu.yield
      }) : () -> ()
      %dma_start3A_203 = arith.constant 6 : i32
      %dma_start3A_204 = arith.constant 0 : i32
      %dma_start3A_205 = tpu.memref_slice %arg6[%select_n3A_134, %dma_start3A_203, %dma_start3A_204] : memref<2x8x128xi32, #tpu.memory_space<vmem>> -> memref<1x1x128xi32, #tpu.memory_space<vmem>>
      %dma_start3A_206 = tpu.memref_squeeze %dma_start3A_205 : memref<1x1x128xi32, #tpu.memory_space<vmem>> -> memref<128xi32, #tpu.memory_space<vmem>>
      %dma_start3A_207 = arith.constant 0 : i32
      %dma_start3A_208 = arith.constant 0 : i32
      %dma_start3A_209 = tpu.memref_slice %arg2[%dma_start3A_207, %dma_start3A_208] : memref<10000x128xf32, #tpu.memory_space<hbm>> -> memref<10000x128xf32, #tpu.memory_space<hbm>>
      tpu.enqueue_indirect_dma source(%dma_start3A_209 : memref<10000x128xf32, #tpu.memory_space<hbm>>) target(%arg8 : memref<128x128xf32, #tpu.memory_space<vmem>>) offsets(%dma_start3A_206 : memref<128xi32, #tpu.memory_space<vmem>>) semaphore(%arg10 : memref<!tpu.dma_semaphore, #tpu.memory_space<semaphore_mem>>)
      %dma_wait3A_210 = arith.constant 5 : i32
      %dma_wait3A_211 = arith.constant 0 : i32
      %dma_wait3A_212 = tpu.memref_slice %arg6[%select_n3A_134, %dma_wait3A_210, %dma_wait3A_211] : memref<2x8x128xi32, #tpu.memory_space<vmem>> -> memref<1x1x128xi32, #tpu.memory_space<vmem>>
      %dma_wait3A_213 = tpu.memref_squeeze %dma_wait3A_212 : memref<1x1x128xi32, #tpu.memory_space<vmem>> -> memref<128xi32, #tpu.memory_space<vmem>>
      %dma_wait3A_214 = arith.constant 0 : i32
      %dma_wait3A_215 = arith.constant 0 : i32
      %dma_wait3A_216 = tpu.memref_slice %arg2[%dma_wait3A_214, %dma_wait3A_215] : memref<10000x128xf32, #tpu.memory_space<hbm>> -> memref<10000x128xf32, #tpu.memory_space<hbm>>
      tpu.wait_indirect_dma semaphore(%arg11 : memref<!tpu.dma_semaphore, #tpu.memory_space<semaphore_mem>>) src(%dma_wait3A_216 : memref<10000x128xf32, #tpu.memory_space<hbm>>) dst(%arg9 : memref<128x128xf32, #tpu.memory_space<vmem>>)
      %run_scoped3A_217 = arith.constant 5 : i32
      "tpu.region"() ({
        %run_scoped3A_257 = tpu.sem_alloc : memref<!tpu.dma_semaphore, #tpu.memory_space<semaphore_mem>>
        %dma_start3A_258 = arith.constant 0 : i32
        %dma_start3A_259 = tpu.memref_slice %arg7[%select_n3A_134, %run_scoped3A_217, %dma_start3A_258] : memref<2x8x128xi32, #tpu.memory_space<vmem>> -> memref<1x1x128xi32, #tpu.memory_space<vmem>>
        %dma_start3A_260 = tpu.memref_squeeze %dma_start3A_259 : memref<1x1x128xi32, #tpu.memory_space<vmem>> -> memref<128xi32, #tpu.memory_space<vmem>>
        %dma_start3A_261 = arith.constant 0 : i32
        %dma_start3A_262 = arith.constant 0 : i32
        %dma_start3A_263 = tpu.memref_slice %arg13[%dma_start3A_261, %dma_start3A_262] : memref<10016x128xf32, #tpu.memory_space<vmem_shared>> -> memref<10016x128xf32, #tpu.memory_space<vmem_shared>>
        tpu.enqueue_indirect_dma source(%arg9 : memref<128x128xf32, #tpu.memory_space<vmem>>) target(%dma_start3A_263 : memref<10016x128xf32, #tpu.memory_space<vmem_shared>>) offsets(%dma_start3A_260 : memref<128xi32, #tpu.memory_space<vmem>>) semaphore(%run_scoped3A_257 : memref<!tpu.dma_semaphore, #tpu.memory_space<semaphore_mem>>) {add = true}
        %dma_wait3A_264 = arith.constant 0 : i32
        %dma_wait3A_265 = tpu.memref_slice %arg7[%select_n3A_134, %run_scoped3A_217, %dma_wait3A_264] : memref<2x8x128xi32, #tpu.memory_space<vmem>> -> memref<1x1x128xi32, #tpu.memory_space<vmem>>
        %dma_wait3A_266 = tpu.memref_squeeze %dma_wait3A_265 : memref<1x1x128xi32, #tpu.memory_space<vmem>> -> memref<128xi32, #tpu.memory_space<vmem>>
        %dma_wait3A_267 = arith.constant 0 : i32
        %dma_wait3A_268 = arith.constant 0 : i32
        %dma_wait3A_269 = tpu.memref_slice %arg13[%dma_wait3A_267, %dma_wait3A_268] : memref<10016x128xf32, #tpu.memory_space<vmem_shared>> -> memref<10016x128xf32, #tpu.memory_space<vmem_shared>>
        tpu.wait_indirect_dma semaphore(%run_scoped3A_257 : memref<!tpu.dma_semaphore, #tpu.memory_space<semaphore_mem>>) src(%arg9 : memref<128x128xf32, #tpu.memory_space<vmem>>) dst(%dma_wait3A_269 : memref<10016x128xf32, #tpu.memory_space<vmem_shared>>)
        tpu.yield
      }) : () -> ()
      %dma_start3A_218 = arith.constant 7 : i32
      %dma_start3A_219 = arith.constant 0 : i32
      %dma_start3A_220 = tpu.memref_slice %arg6[%select_n3A_134, %dma_start3A_218, %dma_start3A_219] : memref<2x8x128xi32, #tpu.memory_space<vmem>> -> memref<1x1x128xi32, #tpu.memory_space<vmem>>
      %dma_start3A_221 = tpu.memref_squeeze %dma_start3A_220 : memref<1x1x128xi32, #tpu.memory_space<vmem>> -> memref<128xi32, #tpu.memory_space<vmem>>
      %dma_start3A_222 = arith.constant 0 : i32
      %dma_start3A_223 = arith.constant 0 : i32
      %dma_start3A_224 = tpu.memref_slice %arg2[%dma_start3A_222, %dma_start3A_223] : memref<10000x128xf32, #tpu.memory_space<hbm>> -> memref<10000x128xf32, #tpu.memory_space<hbm>>
      tpu.enqueue_indirect_dma source(%dma_start3A_224 : memref<10000x128xf32, #tpu.memory_space<hbm>>) target(%arg9 : memref<128x128xf32, #tpu.memory_space<vmem>>) offsets(%dma_start3A_221 : memref<128xi32, #tpu.memory_space<vmem>>) semaphore(%arg11 : memref<!tpu.dma_semaphore, #tpu.memory_space<semaphore_mem>>)
      %dma_wait3A_225 = arith.constant 6 : i32
      %dma_wait3A_226 = arith.constant 0 : i32
      %dma_wait3A_227 = tpu.memref_slice %arg6[%select_n3A_134, %dma_wait3A_225, %dma_wait3A_226] : memref<2x8x128xi32, #tpu.memory_space<vmem>> -> memref<1x1x128xi32, #tpu.memory_space<vmem>>
      %dma_wait3A_228 = tpu.memref_squeeze %dma_wait3A_227 : memref<1x1x128xi32, #tpu.memory_space<vmem>> -> memref<128xi32, #tpu.memory_space<vmem>>
      %dma_wait3A_229 = arith.constant 0 : i32
      %dma_wait3A_230 = arith.constant 0 : i32
      %dma_wait3A_231 = tpu.memref_slice %arg2[%dma_wait3A_229, %dma_wait3A_230] : memref<10000x128xf32, #tpu.memory_space<hbm>> -> memref<10000x128xf32, #tpu.memory_space<hbm>>
      tpu.wait_indirect_dma semaphore(%arg10 : memref<!tpu.dma_semaphore, #tpu.memory_space<semaphore_mem>>) src(%dma_wait3A_231 : memref<10000x128xf32, #tpu.memory_space<hbm>>) dst(%arg8 : memref<128x128xf32, #tpu.memory_space<vmem>>)
      %run_scoped3A_232 = arith.constant 6 : i32
      "tpu.region"() ({
        %run_scoped3A_257 = tpu.sem_alloc : memref<!tpu.dma_semaphore, #tpu.memory_space<semaphore_mem>>
        %dma_start3A_258 = arith.constant 0 : i32
        %dma_start3A_259 = tpu.memref_slice %arg7[%select_n3A_134, %run_scoped3A_232, %dma_start3A_258] : memref<2x8x128xi32, #tpu.memory_space<vmem>> -> memref<1x1x128xi32, #tpu.memory_space<vmem>>
        %dma_start3A_260 = tpu.memref_squeeze %dma_start3A_259 : memref<1x1x128xi32, #tpu.memory_space<vmem>> -> memref<128xi32, #tpu.memory_space<vmem>>
        %dma_start3A_261 = arith.constant 0 : i32
        %dma_start3A_262 = arith.constant 0 : i32
        %dma_start3A_263 = tpu.memref_slice %arg13[%dma_start3A_261, %dma_start3A_262] : memref<10016x128xf32, #tpu.memory_space<vmem_shared>> -> memref<10016x128xf32, #tpu.memory_space<vmem_shared>>
        tpu.enqueue_indirect_dma source(%arg8 : memref<128x128xf32, #tpu.memory_space<vmem>>) target(%dma_start3A_263 : memref<10016x128xf32, #tpu.memory_space<vmem_shared>>) offsets(%dma_start3A_260 : memref<128xi32, #tpu.memory_space<vmem>>) semaphore(%run_scoped3A_257 : memref<!tpu.dma_semaphore, #tpu.memory_space<semaphore_mem>>) {add = true}
        %dma_wait3A_264 = arith.constant 0 : i32
        %dma_wait3A_265 = tpu.memref_slice %arg7[%select_n3A_134, %run_scoped3A_232, %dma_wait3A_264] : memref<2x8x128xi32, #tpu.memory_space<vmem>> -> memref<1x1x128xi32, #tpu.memory_space<vmem>>
        %dma_wait3A_266 = tpu.memref_squeeze %dma_wait3A_265 : memref<1x1x128xi32, #tpu.memory_space<vmem>> -> memref<128xi32, #tpu.memory_space<vmem>>
        %dma_wait3A_267 = arith.constant 0 : i32
        %dma_wait3A_268 = arith.constant 0 : i32
        %dma_wait3A_269 = tpu.memref_slice %arg13[%dma_wait3A_267, %dma_wait3A_268] : memref<10016x128xf32, #tpu.memory_space<vmem_shared>> -> memref<10016x128xf32, #tpu.memory_space<vmem_shared>>
        tpu.wait_indirect_dma semaphore(%run_scoped3A_257 : memref<!tpu.dma_semaphore, #tpu.memory_space<semaphore_mem>>) src(%arg8 : memref<128x128xf32, #tpu.memory_space<vmem>>) dst(%dma_wait3A_269 : memref<10016x128xf32, #tpu.memory_space<vmem_shared>>)
        tpu.yield
      }) : () -> ()
      %lt3A_233 = arith.constant 9 : i32
      %lt3A_234 = arith.cmpi slt, %scan3A_123, %lt3A_233 : i32
      %convert_element_type3A_235 = arith.extui %lt3A_234 : i1 to i32
      %cond3A_236 = arith.constant 0 : i32
      %cond3A_237 = arith.cmpi ne, %convert_element_type3A_235, %cond3A_236 : i32
      scf.if %cond3A_237 {
        %add3A_257 = arith.constant 1 : i32
        %add3A_258 = arith.addi %scan3A_123, %add3A_257 : i32
        %mul3A_259 = arith.constant 8 : i32
        %mul3A_260 = arith.muli %add3A_258, %mul3A_259 : i32
        %add3A_261 = arith.addi %mul3A_2, %mul3A_260 : i32
        %dma_wait3A_262 = arith.constant 0 : i32
        %dma_wait3A_263 = arith.constant 0 : i32
        %dma_wait3A_264 = tpu.memref_slice %arg6[%sub3A_135, %dma_wait3A_262, %dma_wait3A_263] : memref<2x8x128xi32, #tpu.memory_space<vmem>> -> memref<1x8x128xi32, #tpu.memory_space<vmem>>
        %dma_wait3A_265 = tpu.memref_squeeze %dma_wait3A_264 : memref<1x8x128xi32, #tpu.memory_space<vmem>> -> memref<8x128xi32, #tpu.memory_space<vmem>>
        %dma_wait3A_266 = arith.constant 0 : i32
        %dma_wait3A_267 = tpu.memref_slice %arg3[%add3A_261, %dma_wait3A_266] : memref<2560x128xi32, #tpu.memory_space<hbm>> -> memref<8x128xi32, #tpu.memory_space<hbm>>
        %dma_wait3A_268 = arith.constant 0 : i32
        %dma_wait3A_269 = arith.constant 0 : i32
        %dma_wait3A_270 = tpu.memref_slice %arg6[%sub3A_135, %dma_wait3A_268, %dma_wait3A_269] : memref<2x8x128xi32, #tpu.memory_space<vmem>> -> memref<1x8x128xi32, #tpu.memory_space<vmem>>
        %dma_wait3A_271 = tpu.memref_squeeze %dma_wait3A_270 : memref<1x8x128xi32, #tpu.memory_space<vmem>> -> memref<8x128xi32, #tpu.memory_space<vmem>>
        %dma_wait3A_272 = arith.constant 0 : i32
        %dma_wait3A_273 = tpu.memref_slice %arg3[%add3A_261, %dma_wait3A_272] : memref<2560x128xi32, #tpu.memory_space<hbm>> -> memref<8x128xi32, #tpu.memory_space<hbm>>
        tpu.wait_dma2 semaphore(%arg12 : memref<!tpu.dma_semaphore, #tpu.memory_space<semaphore_mem>>) src(%dma_wait3A_273 : memref<8x128xi32, #tpu.memory_space<hbm>>) dst(%dma_wait3A_271 : memref<8x128xi32, #tpu.memory_space<vmem>>)
        %mul3A_274 = arith.constant 8 : i32
        %mul3A_275 = arith.muli %add3A_258, %mul3A_274 : i32
        %add3A_276 = arith.addi %mul3A_2, %mul3A_275 : i32
        %dma_wait3A_277 = arith.constant 0 : i32
        %dma_wait3A_278 = arith.constant 0 : i32
        %dma_wait3A_279 = tpu.memref_slice %arg7[%sub3A_135, %dma_wait3A_277, %dma_wait3A_278] : memref<2x8x128xi32, #tpu.memory_space<vmem>> -> memref<1x8x128xi32, #tpu.memory_space<vmem>>
        %dma_wait3A_280 = tpu.memref_squeeze %dma_wait3A_279 : memref<1x8x128xi32, #tpu.memory_space<vmem>> -> memref<8x128xi32, #tpu.memory_space<vmem>>
        %dma_wait3A_281 = arith.constant 0 : i32
        %dma_wait3A_282 = tpu.memref_slice %arg4[%add3A_276, %dma_wait3A_281] : memref<2560x128xi32, #tpu.memory_space<hbm>> -> memref<8x128xi32, #tpu.memory_space<hbm>>
        %dma_wait3A_283 = arith.constant 0 : i32
        %dma_wait3A_284 = arith.constant 0 : i32
        %dma_wait3A_285 = tpu.memref_slice %arg7[%sub3A_135, %dma_wait3A_283, %dma_wait3A_284] : memref<2x8x128xi32, #tpu.memory_space<vmem>> -> memref<1x8x128xi32, #tpu.memory_space<vmem>>
        %dma_wait3A_286 = tpu.memref_squeeze %dma_wait3A_285 : memref<1x8x128xi32, #tpu.memory_space<vmem>> -> memref<8x128xi32, #tpu.memory_space<vmem>>
        %dma_wait3A_287 = arith.constant 0 : i32
        %dma_wait3A_288 = tpu.memref_slice %arg4[%add3A_276, %dma_wait3A_287] : memref<2560x128xi32, #tpu.memory_space<hbm>> -> memref<8x128xi32, #tpu.memory_space<hbm>>
        tpu.wait_dma2 semaphore(%arg12 : memref<!tpu.dma_semaphore, #tpu.memory_space<semaphore_mem>>) src(%dma_wait3A_288 : memref<8x128xi32, #tpu.memory_space<hbm>>) dst(%dma_wait3A_286 : memref<8x128xi32, #tpu.memory_space<vmem>>)
        %dma_start3A_289 = arith.constant 0 : i32
        %dma_start3A_290 = arith.constant 0 : i32
        %dma_start3A_291 = tpu.memref_slice %arg6[%sub3A_135, %dma_start3A_289, %dma_start3A_290] : memref<2x8x128xi32, #tpu.memory_space<vmem>> -> memref<1x1x128xi32, #tpu.memory_space<vmem>>
        %dma_start3A_292 = tpu.memref_squeeze %dma_start3A_291 : memref<1x1x128xi32, #tpu.memory_space<vmem>> -> memref<128xi32, #tpu.memory_space<vmem>>
        %dma_start3A_293 = arith.constant 0 : i32
        %dma_start3A_294 = arith.constant 0 : i32
        %dma_start3A_295 = tpu.memref_slice %arg2[%dma_start3A_293, %dma_start3A_294] : memref<10000x128xf32, #tpu.memory_space<hbm>> -> memref<10000x128xf32, #tpu.memory_space<hbm>>
        tpu.enqueue_indirect_dma source(%dma_start3A_295 : memref<10000x128xf32, #tpu.memory_space<hbm>>) target(%arg8 : memref<128x128xf32, #tpu.memory_space<vmem>>) offsets(%dma_start3A_292 : memref<128xi32, #tpu.memory_space<vmem>>) semaphore(%arg10 : memref<!tpu.dma_semaphore, #tpu.memory_space<semaphore_mem>>)
      } else {
      }
      %dma_wait3A_238 = arith.constant 7 : i32
      %dma_wait3A_239 = arith.constant 0 : i32
      %dma_wait3A_240 = tpu.memref_slice %arg6[%select_n3A_134, %dma_wait3A_238, %dma_wait3A_239] : memref<2x8x128xi32, #tpu.memory_space<vmem>> -> memref<1x1x128xi32, #tpu.memory_space<vmem>>
      %dma_wait3A_241 = tpu.memref_squeeze %dma_wait3A_240 : memref<1x1x128xi32, #tpu.memory_space<vmem>> -> memref<128xi32, #tpu.memory_space<vmem>>
      %dma_wait3A_242 = arith.constant 0 : i32
      %dma_wait3A_243 = arith.constant 0 : i32
      %dma_wait3A_244 = tpu.memref_slice %arg2[%dma_wait3A_242, %dma_wait3A_243] : memref<10000x128xf32, #tpu.memory_space<hbm>> -> memref<10000x128xf32, #tpu.memory_space<hbm>>
      tpu.wait_indirect_dma semaphore(%arg11 : memref<!tpu.dma_semaphore, #tpu.memory_space<semaphore_mem>>) src(%dma_wait3A_244 : memref<10000x128xf32, #tpu.memory_space<hbm>>) dst(%arg9 : memref<128x128xf32, #tpu.memory_space<vmem>>)
      %run_scoped3A_245 = arith.constant 7 : i32
      "tpu.region"() ({
        %run_scoped3A_257 = tpu.sem_alloc : memref<!tpu.dma_semaphore, #tpu.memory_space<semaphore_mem>>
        %dma_start3A_258 = arith.constant 0 : i32
        %dma_start3A_259 = tpu.memref_slice %arg7[%select_n3A_134, %run_scoped3A_245, %dma_start3A_258] : memref<2x8x128xi32, #tpu.memory_space<vmem>> -> memref<1x1x128xi32, #tpu.memory_space<vmem>>
        %dma_start3A_260 = tpu.memref_squeeze %dma_start3A_259 : memref<1x1x128xi32, #tpu.memory_space<vmem>> -> memref<128xi32, #tpu.memory_space<vmem>>
        %dma_start3A_261 = arith.constant 0 : i32
        %dma_start3A_262 = arith.constant 0 : i32
        %dma_start3A_263 = tpu.memref_slice %arg13[%dma_start3A_261, %dma_start3A_262] : memref<10016x128xf32, #tpu.memory_space<vmem_shared>> -> memref<10016x128xf32, #tpu.memory_space<vmem_shared>>
        tpu.enqueue_indirect_dma source(%arg9 : memref<128x128xf32, #tpu.memory_space<vmem>>) target(%dma_start3A_263 : memref<10016x128xf32, #tpu.memory_space<vmem_shared>>) offsets(%dma_start3A_260 : memref<128xi32, #tpu.memory_space<vmem>>) semaphore(%run_scoped3A_257 : memref<!tpu.dma_semaphore, #tpu.memory_space<semaphore_mem>>) {add = true}
        %dma_wait3A_264 = arith.constant 0 : i32
        %dma_wait3A_265 = tpu.memref_slice %arg7[%select_n3A_134, %run_scoped3A_245, %dma_wait3A_264] : memref<2x8x128xi32, #tpu.memory_space<vmem>> -> memref<1x1x128xi32, #tpu.memory_space<vmem>>
        %dma_wait3A_266 = tpu.memref_squeeze %dma_wait3A_265 : memref<1x1x128xi32, #tpu.memory_space<vmem>> -> memref<128xi32, #tpu.memory_space<vmem>>
        %dma_wait3A_267 = arith.constant 0 : i32
        %dma_wait3A_268 = arith.constant 0 : i32
        %dma_wait3A_269 = tpu.memref_slice %arg13[%dma_wait3A_267, %dma_wait3A_268] : memref<10016x128xf32, #tpu.memory_space<vmem_shared>> -> memref<10016x128xf32, #tpu.memory_space<vmem_shared>>
        tpu.wait_indirect_dma semaphore(%run_scoped3A_257 : memref<!tpu.dma_semaphore, #tpu.memory_space<semaphore_mem>>) src(%arg9 : memref<128x128xf32, #tpu.memory_space<vmem>>) dst(%dma_wait3A_269 : memref<10016x128xf32, #tpu.memory_space<vmem_shared>>)
        tpu.yield
      }) : () -> ()
      %lt3A_246 = arith.constant 9 : i32
      %lt3A_247 = arith.cmpi slt, %scan3A_123, %lt3A_246 : i32
      %convert_element_type3A_248 = arith.extui %lt3A_247 : i1 to i32
      %cond3A_249 = arith.constant 0 : i32
      %cond3A_250 = arith.cmpi ne, %convert_element_type3A_248, %cond3A_249 : i32
      scf.if %cond3A_250 {
        %dma_start3A_257 = arith.constant 1 : i32
        %dma_start3A_258 = arith.constant 0 : i32
        %dma_start3A_259 = tpu.memref_slice %arg6[%sub3A_135, %dma_start3A_257, %dma_start3A_258] : memref<2x8x128xi32, #tpu.memory_space<vmem>> -> memref<1x1x128xi32, #tpu.memory_space<vmem>>
        %dma_start3A_260 = tpu.memref_squeeze %dma_start3A_259 : memref<1x1x128xi32, #tpu.memory_space<vmem>> -> memref<128xi32, #tpu.memory_space<vmem>>
        %dma_start3A_261 = arith.constant 0 : i32
        %dma_start3A_262 = arith.constant 0 : i32
        %dma_start3A_263 = tpu.memref_slice %arg2[%dma_start3A_261, %dma_start3A_262] : memref<10000x128xf32, #tpu.memory_space<hbm>> -> memref<10000x128xf32, #tpu.memory_space<hbm>>
        tpu.enqueue_indirect_dma source(%dma_start3A_263 : memref<10000x128xf32, #tpu.memory_space<hbm>>) target(%arg9 : memref<128x128xf32, #tpu.memory_space<vmem>>) offsets(%dma_start3A_260 : memref<128xi32, #tpu.memory_space<vmem>>) semaphore(%arg11 : memref<!tpu.dma_semaphore, #tpu.memory_space<semaphore_mem>>)
      } else {
      }
      %lt3A_251 = arith.constant 8 : i32
      %lt3A_252 = arith.cmpi slt, %scan3A_123, %lt3A_251 : i32
      %convert_element_type3A_253 = arith.extui %lt3A_252 : i1 to i32
      %cond3A_254 = arith.constant 0 : i32
      %cond3A_255 = arith.cmpi ne, %convert_element_type3A_253, %cond3A_254 : i32
      scf.if %cond3A_255 {
        %add3A_257 = arith.constant 2 : i32
        %add3A_258 = arith.addi %scan3A_123, %add3A_257 : i32
        %mul3A_259 = arith.constant 8 : i32
        %mul3A_260 = arith.muli %add3A_258, %mul3A_259 : i32
        %add3A_261 = arith.addi %mul3A_2, %mul3A_260 : i32
        %dma_start3A_262 = arith.constant 0 : i32
        %dma_start3A_263 = arith.constant 0 : i32
        %dma_start3A_264 = tpu.memref_slice %arg6[%select_n3A_134, %dma_start3A_262, %dma_start3A_263] : memref<2x8x128xi32, #tpu.memory_space<vmem>> -> memref<1x8x128xi32, #tpu.memory_space<vmem>>
        %dma_start3A_265 = tpu.memref_squeeze %dma_start3A_264 : memref<1x8x128xi32, #tpu.memory_space<vmem>> -> memref<8x128xi32, #tpu.memory_space<vmem>>
        %dma_start3A_266 = arith.constant 0 : i32
        %dma_start3A_267 = tpu.memref_slice %arg3[%add3A_261, %dma_start3A_266] : memref<2560x128xi32, #tpu.memory_space<hbm>> -> memref<8x128xi32, #tpu.memory_space<hbm>>
        %dma_start3A_268 = arith.constant 0 : i32
        %dma_start3A_269 = arith.constant 0 : i32
        %dma_start3A_270 = tpu.memref_slice %arg6[%select_n3A_134, %dma_start3A_268, %dma_start3A_269] : memref<2x8x128xi32, #tpu.memory_space<vmem>> -> memref<1x8x128xi32, #tpu.memory_space<vmem>>
        %dma_start3A_271 = tpu.memref_squeeze %dma_start3A_270 : memref<1x8x128xi32, #tpu.memory_space<vmem>> -> memref<8x128xi32, #tpu.memory_space<vmem>>
        %dma_start3A_272 = arith.constant 0 : i32
        %dma_start3A_273 = tpu.memref_slice %arg3[%add3A_261, %dma_start3A_272] : memref<2560x128xi32, #tpu.memory_space<hbm>> -> memref<8x128xi32, #tpu.memory_space<hbm>>
        tpu.enqueue_dma source(%dma_start3A_273 : memref<8x128xi32, #tpu.memory_space<hbm>>) target(%dma_start3A_271 : memref<8x128xi32, #tpu.memory_space<vmem>>) target_semaphore(%arg12 : memref<!tpu.dma_semaphore, #tpu.memory_space<semaphore_mem>>)
        %mul3A_274 = arith.constant 8 : i32
        %mul3A_275 = arith.muli %add3A_258, %mul3A_274 : i32
        %add3A_276 = arith.addi %mul3A_2, %mul3A_275 : i32
        %dma_start3A_277 = arith.constant 0 : i32
        %dma_start3A_278 = arith.constant 0 : i32
        %dma_start3A_279 = tpu.memref_slice %arg7[%select_n3A_134, %dma_start3A_277, %dma_start3A_278] : memref<2x8x128xi32, #tpu.memory_space<vmem>> -> memref<1x8x128xi32, #tpu.memory_space<vmem>>
        %dma_start3A_280 = tpu.memref_squeeze %dma_start3A_279 : memref<1x8x128xi32, #tpu.memory_space<vmem>> -> memref<8x128xi32, #tpu.memory_space<vmem>>
        %dma_start3A_281 = arith.constant 0 : i32
        %dma_start3A_282 = tpu.memref_slice %arg4[%add3A_276, %dma_start3A_281] : memref<2560x128xi32, #tpu.memory_space<hbm>> -> memref<8x128xi32, #tpu.memory_space<hbm>>
        %dma_start3A_283 = arith.constant 0 : i32
        %dma_start3A_284 = arith.constant 0 : i32
        %dma_start3A_285 = tpu.memref_slice %arg7[%select_n3A_134, %dma_start3A_283, %dma_start3A_284] : memref<2x8x128xi32, #tpu.memory_space<vmem>> -> memref<1x8x128xi32, #tpu.memory_space<vmem>>
        %dma_start3A_286 = tpu.memref_squeeze %dma_start3A_285 : memref<1x8x128xi32, #tpu.memory_space<vmem>> -> memref<8x128xi32, #tpu.memory_space<vmem>>
        %dma_start3A_287 = arith.constant 0 : i32
        %dma_start3A_288 = tpu.memref_slice %arg4[%add3A_276, %dma_start3A_287] : memref<2560x128xi32, #tpu.memory_space<hbm>> -> memref<8x128xi32, #tpu.memory_space<hbm>>
        tpu.enqueue_dma source(%dma_start3A_288 : memref<8x128xi32, #tpu.memory_space<hbm>>) target(%dma_start3A_286 : memref<8x128xi32, #tpu.memory_space<vmem>>) target_semaphore(%arg12 : memref<!tpu.dma_semaphore, #tpu.memory_space<semaphore_mem>>)
      } else {
      }
      %scan3A_256 = arith.constant 0 : i32
      scf.yield %scan3A_256 : i32
    }
    %scan3A_116 = arith.constant 10 : i32
    %barrier3A_117 = arith.constant 0 : index
    tpu.barrier barrier_id(%barrier3A_117)
    "tpu.region"() ({
      %run_scoped3A = tpu.sem_alloc : memref<!tpu.dma_semaphore, #tpu.memory_space<semaphore_mem>>
      %dma_start3A_123 = arith.constant 0 : i32
      %dma_start3A_124 = tpu.memref_slice %arg5[%arg0, %mul3A_4, %dma_start3A_123] : memref<2x10000x128xf32, #tpu.memory_space<hbm>> -> memref<1x624x128xf32, #tpu.memory_space<hbm>>
      %dma_start3A_125 = tpu.memref_squeeze %dma_start3A_124 : memref<1x624x128xf32, #tpu.memory_space<hbm>> -> memref<624x128xf32, #tpu.memory_space<hbm>>
      %dma_start3A_126 = arith.constant 0 : i32
      %dma_start3A_127 = tpu.memref_slice %arg13[%mul3A_4, %dma_start3A_126] : memref<10016x128xf32, #tpu.memory_space<vmem_shared>> -> memref<624x128xf32, #tpu.memory_space<vmem_shared>>
      tpu.enqueue_dma source(%dma_start3A_127 : memref<624x128xf32, #tpu.memory_space<vmem_shared>>) target(%dma_start3A_125 : memref<624x128xf32, #tpu.memory_space<hbm>>) target_semaphore(%run_scoped3A : memref<!tpu.dma_semaphore, #tpu.memory_space<semaphore_mem>>)
      %dma_wait3A_128 = arith.constant 0 : i32
      %dma_wait3A_129 = tpu.memref_slice %arg5[%arg0, %mul3A_4, %dma_wait3A_128] : memref<2x10000x128xf32, #tpu.memory_space<hbm>> -> memref<1x624x128xf32, #tpu.memory_space<hbm>>
      %dma_wait3A_130 = tpu.memref_squeeze %dma_wait3A_129 : memref<1x624x128xf32, #tpu.memory_space<hbm>> -> memref<624x128xf32, #tpu.memory_space<hbm>>
      %dma_wait3A_131 = arith.constant 0 : i32
      %dma_wait3A_132 = tpu.memref_slice %arg13[%mul3A_4, %dma_wait3A_131] : memref<10016x128xf32, #tpu.memory_space<vmem_shared>> -> memref<624x128xf32, #tpu.memory_space<vmem_shared>>
      tpu.wait_dma2 semaphore(%run_scoped3A : memref<!tpu.dma_semaphore, #tpu.memory_space<semaphore_mem>>) src(%dma_wait3A_132 : memref<624x128xf32, #tpu.memory_space<vmem_shared>>) dst(%dma_wait3A_130 : memref<624x128xf32, #tpu.memory_space<hbm>>)
      tpu.yield
    }) : () -> ()
    %eq3A_118 = arith.constant 15 : i32
    %eq3A_119 = arith.cmpi eq, %arg1, %eq3A_118 : i32
    %convert_element_type3A_120 = arith.extui %eq3A_119 : i1 to i32
    %cond3A_121 = arith.constant 0 : i32
    %cond3A_122 = arith.cmpi ne, %convert_element_type3A_120, %cond3A_121 : i32
    scf.if %cond3A_122 {
      "tpu.region"() ({
        %run_scoped3A = tpu.sem_alloc : memref<!tpu.dma_semaphore, #tpu.memory_space<semaphore_mem>>
        %dma_start3A_123 = arith.constant 9984 : i32
        %dma_start3A_124 = arith.constant 0 : i32
        %dma_start3A_125 = tpu.memref_slice %arg5[%arg0, %dma_start3A_123, %dma_start3A_124] : memref<2x10000x128xf32, #tpu.memory_space<hbm>> -> memref<1x16x128xf32, #tpu.memory_space<hbm>>
        %dma_start3A_126 = tpu.memref_squeeze %dma_start3A_125 : memref<1x16x128xf32, #tpu.memory_space<hbm>> -> memref<16x128xf32, #tpu.memory_space<hbm>>
        %dma_start3A_127 = arith.constant 9984 : i32
        %dma_start3A_128 = arith.constant 0 : i32
        %dma_start3A_129 = tpu.memref_slice %arg13[%dma_start3A_127, %dma_start3A_128] : memref<10016x128xf32, #tpu.memory_space<vmem_shared>> -> memref<16x128xf32, #tpu.memory_space<vmem_shared>>
        tpu.enqueue_dma source(%dma_start3A_129 : memref<16x128xf32, #tpu.memory_space<vmem_shared>>) target(%dma_start3A_126 : memref<16x128xf32, #tpu.memory_space<hbm>>) target_semaphore(%run_scoped3A : memref<!tpu.dma_semaphore, #tpu.memory_space<semaphore_mem>>)
        %dma_wait3A_130 = arith.constant 9984 : i32
        %dma_wait3A_131 = arith.constant 0 : i32
        %dma_wait3A_132 = tpu.memref_slice %arg5[%arg0, %dma_wait3A_130, %dma_wait3A_131] : memref<2x10000x128xf32, #tpu.memory_space<hbm>> -> memref<1x16x128xf32, #tpu.memory_space<hbm>>
        %dma_wait3A_133 = tpu.memref_squeeze %dma_wait3A_132 : memref<1x16x128xf32, #tpu.memory_space<hbm>> -> memref<16x128xf32, #tpu.memory_space<hbm>>
        %dma_wait3A_134 = arith.constant 9984 : i32
        %dma_wait3A_135 = arith.constant 0 : i32
        %dma_wait3A_136 = tpu.memref_slice %arg13[%dma_wait3A_134, %dma_wait3A_135] : memref<10016x128xf32, #tpu.memory_space<vmem_shared>> -> memref<16x128xf32, #tpu.memory_space<vmem_shared>>
        tpu.wait_dma2 semaphore(%run_scoped3A : memref<!tpu.dma_semaphore, #tpu.memory_space<semaphore_mem>>) src(%dma_wait3A_136 : memref<16x128xf32, #tpu.memory_space<vmem_shared>>) dst(%dma_wait3A_133 : memref<16x128xf32, #tpu.memory_space<hbm>>)
        tpu.yield
      }) : () -> ()
    } else {
    }
    return
  }
}

#map = affine_map<(d0, d1) -> (0)>
#map1 = affine_map<(d0, d1) -> (0, 0)>
module attributes {stable_mosaic.version = 14 : i64} {
  func.func @_counts_body(%arg0: i32, %arg1: i32, %arg2: memref<320000xi32, #tpu.memory_space<hbm>>, %arg3: memref<320000xi32, #tpu.memory_space<hbm>>, %arg4: memref<320000xi32, #tpu.memory_space<hbm>>, %arg5: memref<18x16xf32, #tpu.memory_space<hbm>>, %arg6: memref<32x90112xf32, #tpu.memory_space<hbm>>, %arg7: memref<2000xi32, #tpu.memory_space<vmem>>, %arg8: memref<2000xi32, #tpu.memory_space<vmem>>, %arg9: memref<2000xi32, #tpu.memory_space<vmem>>, %arg10: memref<90112xf32, #tpu.memory_space<vmem>>, %arg11: memref<18x16xf32, #tpu.memory_space<vmem>>) attributes {dimension_semantics = [#tpu.dimension_semantics<core_parallel>, #tpu.dimension_semantics<subcore_parallel>], iteration_bounds = array<i64: 2, 16>, scalar_prefetch = 0 : i64, scratch_operands = 5 : i64, tpu.core_type = #tpu.core_type<sc_vector_subcore>, window_params = [{transform_indices = #map}, {transform_indices = #map}, {transform_indices = #map}, {transform_indices = #map1}, {transform_indices = #map1}]} {
    %mul3A = arith.constant 16 : i32
    %mul3A_0 = arith.muli %arg0, %mul3A : i32
    %add3A = arith.addi %mul3A_0, %arg1 : i32
    %mul3A_1 = arith.constant 10000 : i32
    %mul3A_2 = arith.muli %add3A, %mul3A_1 : i32
    "tpu.region"() ({
      %run_scoped3A = tpu.sem_alloc : memref<!tpu.dma_semaphore, #tpu.memory_space<semaphore_mem>>
      tpu.enqueue_dma source(%arg5 : memref<18x16xf32, #tpu.memory_space<hbm>>) target(%arg11 : memref<18x16xf32, #tpu.memory_space<vmem>>) target_semaphore(%run_scoped3A : memref<!tpu.dma_semaphore, #tpu.memory_space<semaphore_mem>>)
      tpu.wait_dma2 semaphore(%run_scoped3A : memref<!tpu.dma_semaphore, #tpu.memory_space<semaphore_mem>>) src(%arg5 : memref<18x16xf32, #tpu.memory_space<hbm>>) dst(%arg11 : memref<18x16xf32, #tpu.memory_space<vmem>>)
      tpu.yield
    }) : () -> ()
    %get3A = arith.constant 0 : i32
    %get3A_3 = arith.index_cast %get3A : i32 to index
    %get3A_4 = arith.constant 0 : index
    %get3A_5 = tpu.vector_load %arg11[%get3A_3, %get3A_4] {strides = array<i32>} : memref<18x16xf32, #tpu.memory_space<vmem>>, vector<1x16xf32>,
    %get3A_6 = vector.shape_cast %get3A_5 : vector<1x16xf32> to vector<16xf32>
    %mul3A_7 = arith.constant 0.000000e+00 : f32
    %mul3A_8 = vector.broadcast %mul3A_7 : f32 to vector<16xf32>
    %mul3A_9 = arith.mulf %get3A_6, %mul3A_8 : vector<16xf32>
    %scan3A = arith.constant 0 : i32
    %scan3A_10 = arith.constant 0 : i32
    %scan3A_11 = arith.constant 5632 : i32
    %scan3A_12 = arith.addi %scan3A_10, %scan3A_11 : i32
    %scan3A_13 = arith.constant 1 : i32
    %scan3A_14 = scf.for %scan3A_23 = %scan3A_10 to %scan3A_12 step %scan3A_13 iter_args(%scan3A_24 = %scan3A) -> (i32)  : i32 {
      %mul3A_25 = arith.constant 16 : i32
      %mul3A_26 = arith.muli %scan3A_23, %mul3A_25 : i32
      %swap3A = arith.index_cast %mul3A_26 : i32 to index
      %swap3A_27 = tpu.vector_load %arg10[%swap3A] {strides = array<i32>} : memref<90112xf32, #tpu.memory_space<vmem>>, vector<16xf32>,
      %swap3A_28 = vector.shape_cast %swap3A_27 : vector<16xf32> to vector<16xf32>
      %swap3A_29 = vector.shape_cast %mul3A_9 : vector<16xf32> to vector<16xf32>
      tpu.vector_store %arg10[%swap3A], %swap3A_29 {strides = array<i32>} : memref<90112xf32, #tpu.memory_space<vmem>>, vector<16xf32>,
      %scan3A_30 = arith.constant 0 : i32
      scf.yield %scan3A_30 : i32
    }
    %scan3A_15 = arith.constant 5632 : i32
    %scan3A_16 = arith.constant 0 : i32
    %scan3A_17 = arith.constant 0 : i32
    %scan3A_18 = arith.constant 5 : i32
    %scan3A_19 = arith.addi %scan3A_17, %scan3A_18 : i32
    %scan3A_20 = arith.constant 1 : i32
    %scan3A_21 = scf.for %scan3A_23 = %scan3A_17 to %scan3A_19 step %scan3A_20 iter_args(%scan3A_24 = %scan3A_16) -> (i32)  : i32 {
      %mul3A_25 = arith.constant 2000 : i32
      %mul3A_26 = arith.muli %scan3A_23, %mul3A_25 : i32
      %add3A_27 = arith.addi %mul3A_2, %mul3A_26 : i32
      "tpu.region"() ({
        %run_scoped3A = tpu.sem_alloc : memref<!tpu.dma_semaphore, #tpu.memory_space<semaphore_mem>>
        %dma_start3A = tpu.memref_slice %arg2[%add3A_27] : memref<320000xi32, #tpu.memory_space<hbm>> -> memref<2000xi32, #tpu.memory_space<hbm>>
        %dma_start3A_36 = tpu.memref_slice %arg2[%add3A_27] : memref<320000xi32, #tpu.memory_space<hbm>> -> memref<2000xi32, #tpu.memory_space<hbm>>
        tpu.enqueue_dma source(%dma_start3A_36 : memref<2000xi32, #tpu.memory_space<hbm>>) target(%arg7 : memref<2000xi32, #tpu.memory_space<vmem>>) target_semaphore(%run_scoped3A : memref<!tpu.dma_semaphore, #tpu.memory_space<semaphore_mem>>)
        %dma_wait3A = tpu.memref_slice %arg2[%add3A_27] : memref<320000xi32, #tpu.memory_space<hbm>> -> memref<2000xi32, #tpu.memory_space<hbm>>
        %dma_wait3A_37 = tpu.memref_slice %arg2[%add3A_27] : memref<320000xi32, #tpu.memory_space<hbm>> -> memref<2000xi32, #tpu.memory_space<hbm>>
        tpu.wait_dma2 semaphore(%run_scoped3A : memref<!tpu.dma_semaphore, #tpu.memory_space<semaphore_mem>>) src(%dma_wait3A_37 : memref<2000xi32, #tpu.memory_space<hbm>>) dst(%arg7 : memref<2000xi32, #tpu.memory_space<vmem>>)
        tpu.yield
      }) : () -> ()
      "tpu.region"() ({
        %run_scoped3A = tpu.sem_alloc : memref<!tpu.dma_semaphore, #tpu.memory_space<semaphore_mem>>
        %dma_start3A = tpu.memref_slice %arg3[%add3A_27] : memref<320000xi32, #tpu.memory_space<hbm>> -> memref<2000xi32, #tpu.memory_space<hbm>>
        %dma_start3A_36 = tpu.memref_slice %arg3[%add3A_27] : memref<320000xi32, #tpu.memory_space<hbm>> -> memref<2000xi32, #tpu.memory_space<hbm>>
        tpu.enqueue_dma source(%dma_start3A_36 : memref<2000xi32, #tpu.memory_space<hbm>>) target(%arg8 : memref<2000xi32, #tpu.memory_space<vmem>>) target_semaphore(%run_scoped3A : memref<!tpu.dma_semaphore, #tpu.memory_space<semaphore_mem>>)
        %dma_wait3A = tpu.memref_slice %arg3[%add3A_27] : memref<320000xi32, #tpu.memory_space<hbm>> -> memref<2000xi32, #tpu.memory_space<hbm>>
        %dma_wait3A_37 = tpu.memref_slice %arg3[%add3A_27] : memref<320000xi32, #tpu.memory_space<hbm>> -> memref<2000xi32, #tpu.memory_space<hbm>>
        tpu.wait_dma2 semaphore(%run_scoped3A : memref<!tpu.dma_semaphore, #tpu.memory_space<semaphore_mem>>) src(%dma_wait3A_37 : memref<2000xi32, #tpu.memory_space<hbm>>) dst(%arg8 : memref<2000xi32, #tpu.memory_space<vmem>>)
        tpu.yield
      }) : () -> ()
      "tpu.region"() ({
        %run_scoped3A = tpu.sem_alloc : memref<!tpu.dma_semaphore, #tpu.memory_space<semaphore_mem>>
        %dma_start3A = tpu.memref_slice %arg4[%add3A_27] : memref<320000xi32, #tpu.memory_space<hbm>> -> memref<2000xi32, #tpu.memory_space<hbm>>
        %dma_start3A_36 = tpu.memref_slice %arg4[%add3A_27] : memref<320000xi32, #tpu.memory_space<hbm>> -> memref<2000xi32, #tpu.memory_space<hbm>>
        tpu.enqueue_dma source(%dma_start3A_36 : memref<2000xi32, #tpu.memory_space<hbm>>) target(%arg9 : memref<2000xi32, #tpu.memory_space<vmem>>) target_semaphore(%run_scoped3A : memref<!tpu.dma_semaphore, #tpu.memory_space<semaphore_mem>>)
        %dma_wait3A = tpu.memref_slice %arg4[%add3A_27] : memref<320000xi32, #tpu.memory_space<hbm>> -> memref<2000xi32, #tpu.memory_space<hbm>>
        %dma_wait3A_37 = tpu.memref_slice %arg4[%add3A_27] : memref<320000xi32, #tpu.memory_space<hbm>> -> memref<2000xi32, #tpu.memory_space<hbm>>
        tpu.wait_dma2 semaphore(%run_scoped3A : memref<!tpu.dma_semaphore, #tpu.memory_space<semaphore_mem>>) src(%dma_wait3A_37 : memref<2000xi32, #tpu.memory_space<hbm>>) dst(%arg9 : memref<2000xi32, #tpu.memory_space<vmem>>)
        tpu.yield
      }) : () -> ()
      %scan3A_28 = arith.constant 0 : i32
      %scan3A_29 = arith.constant 0 : i32
      %scan3A_30 = arith.constant 125 : i32
      %scan3A_31 = arith.addi %scan3A_29, %scan3A_30 : i32
      %scan3A_32 = arith.constant 1 : i32
      %scan3A_33 = scf.for %scan3A_36 = %scan3A_29 to %scan3A_31 step %scan3A_32 iter_args(%scan3A_37 = %scan3A_28) -> (i32)  : i32 {
        %mul3A_38 = arith.constant 16 : i32
        %mul3A_39 = arith.muli %scan3A_36, %mul3A_38 : i32
        %get3A_40 = arith.index_cast %mul3A_39 : i32 to index
        %get3A_41 = tpu.vector_load %arg7[%get3A_40] {strides = array<i32>} : memref<2000xi32, #tpu.memory_space<vmem>>, vector<16xi32>,
        %get3A_42 = vector.shape_cast %get3A_41 : vector<16xi32> to vector<16xi32>
        %mul3A_43 = arith.constant 9 : i32
        %mul3A_44 = vector.broadcast %mul3A_43 : i32 to vector<16xi32>
        %mul3A_45 = arith.muli %get3A_42, %mul3A_44 : vector<16xi32>
        %mul3A_46 = arith.constant 16 : i32
        %mul3A_47 = arith.muli %scan3A_36, %mul3A_46 : i32
        %get3A_48 = arith.index_cast %mul3A_47 : i32 to index
        %get3A_49 = tpu.vector_load %arg8[%get3A_48] {strides = array<i32>} : memref<2000xi32, #tpu.memory_space<vmem>>, vector<16xi32>,
        %get3A_50 = vector.shape_cast %get3A_49 : vector<16xi32> to vector<16xi32>
        %min3A = arith.constant 5 : i32
        %min3A_51 = vector.broadcast %min3A : i32 to vector<16xi32>
        %min3A_52 = arith.minsi %get3A_50, %min3A_51 : vector<16xi32>
        %mul3A_53 = arith.constant 16 : i32
        %mul3A_54 = arith.muli %scan3A_36, %mul3A_53 : i32
        %get3A_55 = arith.index_cast %mul3A_54 : i32 to index
        %get3A_56 = tpu.vector_load %arg9[%get3A_55] {strides = array<i32>} : memref<2000xi32, #tpu.memory_space<vmem>>, vector<16xi32>,
        %get3A_57 = vector.shape_cast %get3A_56 : vector<16xi32> to vector<16xi32>
        %min3A_58 = arith.constant 2 : i32
        %min3A_59 = vector.broadcast %min3A_58 : i32 to vector<16xi32>
        %min3A_60 = arith.minsi %get3A_57, %min3A_59 : vector<16xi32>
        %mul3A_61 = arith.constant 3 : i32
        %mul3A_62 = vector.broadcast %mul3A_61 : i32 to vector<16xi32>
        %mul3A_63 = arith.muli %min3A_52, %mul3A_62 : vector<16xi32>
        %add3A_64 = arith.addi %mul3A_63, %min3A_60 : vector<16xi32>
        %slice3A = vector.extract_strided_slice %mul3A_45 {offsets = [0], sizes = [1], strides = [1]} : vector<16xi32> to vector<1xi32>
        %squeeze3A = vector.extract %slice3A[0] : i32 from vector<1xi32>
        %slice3A_65 = vector.extract_strided_slice %add3A_64 {offsets = [0], sizes = [1], strides = [1]} : vector<16xi32> to vector<1xi32>
        %squeeze3A_66 = vector.extract %slice3A_65[0] : i32 from vector<1xi32>
        %get3A_67 = arith.index_cast %squeeze3A_66 : i32 to index
        %get3A_68 = arith.constant 0 : index
        %get3A_69 = tpu.vector_load %arg11[%get3A_67, %get3A_68] {strides = array<i32>} : memref<18x16xf32, #tpu.memory_space<vmem>>, vector<1x16xf32>,
        %get3A_70 = vector.shape_cast %get3A_69 : vector<1x16xf32> to vector<16xf32>
        %get3A_71 = arith.index_cast %squeeze3A : i32 to index
        %get3A_72 = tpu.vector_load %arg10[%get3A_71] {strides = array<i32>} : memref<90112xf32, #tpu.memory_space<vmem>>, vector<16xf32>,
        %get3A_73 = vector.shape_cast %get3A_72 : vector<16xf32> to vector<16xf32>
        %add3A_74 = arith.addf %get3A_73, %get3A_70 : vector<16xf32>
        %swap3A = arith.index_cast %squeeze3A : i32 to index
        %swap3A_75 = tpu.vector_load %arg10[%swap3A] {strides = array<i32>} : memref<90112xf32, #tpu.memory_space<vmem>>, vector<16xf32>,
        %swap3A_76 = vector.shape_cast %swap3A_75 : vector<16xf32> to vector<16xf32>
        %swap3A_77 = vector.shape_cast %add3A_74 : vector<16xf32> to vector<16xf32>
        tpu.vector_store %arg10[%swap3A], %swap3A_77 {strides = array<i32>} : memref<90112xf32, #tpu.memory_space<vmem>>, vector<16xf32>,
        %slice3A_78 = vector.extract_strided_slice %mul3A_45 {offsets = [1], sizes = [1], strides = [1]} : vector<16xi32> to vector<1xi32>
        %squeeze3A_79 = vector.extract %slice3A_78[0] : i32 from vector<1xi32>
        %slice3A_80 = vector.extract_strided_slice %add3A_64 {offsets = [1], sizes = [1], strides = [1]} : vector<16xi32> to vector<1xi32>
        %squeeze3A_81 = vector.extract %slice3A_80[0] : i32 from vector<1xi32>
        %get3A_82 = arith.index_cast %squeeze3A_81 : i32 to index
        %get3A_83 = arith.constant 0 : index
        %get3A_84 = tpu.vector_load %arg11[%get3A_82, %get3A_83] {strides = array<i32>} : memref<18x16xf32, #tpu.memory_space<vmem>>, vector<1x16xf32>,
        %get3A_85 = vector.shape_cast %get3A_84 : vector<1x16xf32> to vector<16xf32>
        %get3A_86 = arith.index_cast %squeeze3A_79 : i32 to index
        %get3A_87 = tpu.vector_load %arg10[%get3A_86] {strides = array<i32>} : memref<90112xf32, #tpu.memory_space<vmem>>, vector<16xf32>,
        %get3A_88 = vector.shape_cast %get3A_87 : vector<16xf32> to vector<16xf32>
        %add3A_89 = arith.addf %get3A_88, %get3A_85 : vector<16xf32>
        %swap3A_90 = arith.index_cast %squeeze3A_79 : i32 to index
        %swap3A_91 = tpu.vector_load %arg10[%swap3A_90] {strides = array<i32>} : memref<90112xf32, #tpu.memory_space<vmem>>, vector<16xf32>,
        %swap3A_92 = vector.shape_cast %swap3A_91 : vector<16xf32> to vector<16xf32>
        %swap3A_93 = vector.shape_cast %add3A_89 : vector<16xf32> to vector<16xf32>
        tpu.vector_store %arg10[%swap3A_90], %swap3A_93 {strides = array<i32>} : memref<90112xf32, #tpu.memory_space<vmem>>, vector<16xf32>,
        %slice3A_94 = vector.extract_strided_slice %mul3A_45 {offsets = [2], sizes = [1], strides = [1]} : vector<16xi32> to vector<1xi32>
        %squeeze3A_95 = vector.extract %slice3A_94[0] : i32 from vector<1xi32>
        %slice3A_96 = vector.extract_strided_slice %add3A_64 {offsets = [2], sizes = [1], strides = [1]} : vector<16xi32> to vector<1xi32>
        %squeeze3A_97 = vector.extract %slice3A_96[0] : i32 from vector<1xi32>
        %get3A_98 = arith.index_cast %squeeze3A_97 : i32 to index
        %get3A_99 = arith.constant 0 : index
        %get3A_100 = tpu.vector_load %arg11[%get3A_98, %get3A_99] {strides = array<i32>} : memref<18x16xf32, #tpu.memory_space<vmem>>, vector<1x16xf32>,
        %get3A_101 = vector.shape_cast %get3A_100 : vector<1x16xf32> to vector<16xf32>
        %get3A_102 = arith.index_cast %squeeze3A_95 : i32 to index
        %get3A_103 = tpu.vector_load %arg10[%get3A_102] {strides = array<i32>} : memref<90112xf32, #tpu.memory_space<vmem>>, vector<16xf32>,
        %get3A_104 = vector.shape_cast %get3A_103 : vector<16xf32> to vector<16xf32>
        %add3A_105 = arith.addf %get3A_104, %get3A_101 : vector<16xf32>
        %swap3A_106 = arith.index_cast %squeeze3A_95 : i32 to index
        %swap3A_107 = tpu.vector_load %arg10[%swap3A_106] {strides = array<i32>} : memref<90112xf32, #tpu.memory_space<vmem>>, vector<16xf32>,
        %swap3A_108 = vector.shape_cast %swap3A_107 : vector<16xf32> to vector<16xf32>
        %swap3A_109 = vector.shape_cast %add3A_105 : vector<16xf32> to vector<16xf32>
        tpu.vector_store %arg10[%swap3A_106], %swap3A_109 {strides = array<i32>} : memref<90112xf32, #tpu.memory_space<vmem>>, vector<16xf32>,
        %slice3A_110 = vector.extract_strided_slice %mul3A_45 {offsets = [3], sizes = [1], strides = [1]} : vector<16xi32> to vector<1xi32>
        %squeeze3A_111 = vector.extract %slice3A_110[0] : i32 from vector<1xi32>
        %slice3A_112 = vector.extract_strided_slice %add3A_64 {offsets = [3], sizes = [1], strides = [1]} : vector<16xi32> to vector<1xi32>
        %squeeze3A_113 = vector.extract %slice3A_112[0] : i32 from vector<1xi32>
        %get3A_114 = arith.index_cast %squeeze3A_113 : i32 to index
        %get3A_115 = arith.constant 0 : index
        %get3A_116 = tpu.vector_load %arg11[%get3A_114, %get3A_115] {strides = array<i32>} : memref<18x16xf32, #tpu.memory_space<vmem>>, vector<1x16xf32>,
        %get3A_117 = vector.shape_cast %get3A_116 : vector<1x16xf32> to vector<16xf32>
        %get3A_118 = arith.index_cast %squeeze3A_111 : i32 to index
        %get3A_119 = tpu.vector_load %arg10[%get3A_118] {strides = array<i32>} : memref<90112xf32, #tpu.memory_space<vmem>>, vector<16xf32>,
        %get3A_120 = vector.shape_cast %get3A_119 : vector<16xf32> to vector<16xf32>
        %add3A_121 = arith.addf %get3A_120, %get3A_117 : vector<16xf32>
        %swap3A_122 = arith.index_cast %squeeze3A_111 : i32 to index
        %swap3A_123 = tpu.vector_load %arg10[%swap3A_122] {strides = array<i32>} : memref<90112xf32, #tpu.memory_space<vmem>>, vector<16xf32>,
        %swap3A_124 = vector.shape_cast %swap3A_123 : vector<16xf32> to vector<16xf32>
        %swap3A_125 = vector.shape_cast %add3A_121 : vector<16xf32> to vector<16xf32>
        tpu.vector_store %arg10[%swap3A_122], %swap3A_125 {strides = array<i32>} : memref<90112xf32, #tpu.memory_space<vmem>>, vector<16xf32>,
        %slice3A_126 = vector.extract_strided_slice %mul3A_45 {offsets = [4], sizes = [1], strides = [1]} : vector<16xi32> to vector<1xi32>
        %squeeze3A_127 = vector.extract %slice3A_126[0] : i32 from vector<1xi32>
        %slice3A_128 = vector.extract_strided_slice %add3A_64 {offsets = [4], sizes = [1], strides = [1]} : vector<16xi32> to vector<1xi32>
        %squeeze3A_129 = vector.extract %slice3A_128[0] : i32 from vector<1xi32>
        %get3A_130 = arith.index_cast %squeeze3A_129 : i32 to index
        %get3A_131 = arith.constant 0 : index
        %get3A_132 = tpu.vector_load %arg11[%get3A_130, %get3A_131] {strides = array<i32>} : memref<18x16xf32, #tpu.memory_space<vmem>>, vector<1x16xf32>,
        %get3A_133 = vector.shape_cast %get3A_132 : vector<1x16xf32> to vector<16xf32>
        %get3A_134 = arith.index_cast %squeeze3A_127 : i32 to index
        %get3A_135 = tpu.vector_load %arg10[%get3A_134] {strides = array<i32>} : memref<90112xf32, #tpu.memory_space<vmem>>, vector<16xf32>,
        %get3A_136 = vector.shape_cast %get3A_135 : vector<16xf32> to vector<16xf32>
        %add3A_137 = arith.addf %get3A_136, %get3A_133 : vector<16xf32>
        %swap3A_138 = arith.index_cast %squeeze3A_127 : i32 to index
        %swap3A_139 = tpu.vector_load %arg10[%swap3A_138] {strides = array<i32>} : memref<90112xf32, #tpu.memory_space<vmem>>, vector<16xf32>,
        %swap3A_140 = vector.shape_cast %swap3A_139 : vector<16xf32> to vector<16xf32>
        %swap3A_141 = vector.shape_cast %add3A_137 : vector<16xf32> to vector<16xf32>
        tpu.vector_store %arg10[%swap3A_138], %swap3A_141 {strides = array<i32>} : memref<90112xf32, #tpu.memory_space<vmem>>, vector<16xf32>,
        %slice3A_142 = vector.extract_strided_slice %mul3A_45 {offsets = [5], sizes = [1], strides = [1]} : vector<16xi32> to vector<1xi32>
        %squeeze3A_143 = vector.extract %slice3A_142[0] : i32 from vector<1xi32>
        %slice3A_144 = vector.extract_strided_slice %add3A_64 {offsets = [5], sizes = [1], strides = [1]} : vector<16xi32> to vector<1xi32>
        %squeeze3A_145 = vector.extract %slice3A_144[0] : i32 from vector<1xi32>
        %get3A_146 = arith.index_cast %squeeze3A_145 : i32 to index
        %get3A_147 = arith.constant 0 : index
        %get3A_148 = tpu.vector_load %arg11[%get3A_146, %get3A_147] {strides = array<i32>} : memref<18x16xf32, #tpu.memory_space<vmem>>, vector<1x16xf32>,
        %get3A_149 = vector.shape_cast %get3A_148 : vector<1x16xf32> to vector<16xf32>
        %get3A_150 = arith.index_cast %squeeze3A_143 : i32 to index
        %get3A_151 = tpu.vector_load %arg10[%get3A_150] {strides = array<i32>} : memref<90112xf32, #tpu.memory_space<vmem>>, vector<16xf32>,
        %get3A_152 = vector.shape_cast %get3A_151 : vector<16xf32> to vector<16xf32>
        %add3A_153 = arith.addf %get3A_152, %get3A_149 : vector<16xf32>
        %swap3A_154 = arith.index_cast %squeeze3A_143 : i32 to index
        %swap3A_155 = tpu.vector_load %arg10[%swap3A_154] {strides = array<i32>} : memref<90112xf32, #tpu.memory_space<vmem>>, vector<16xf32>,
        %swap3A_156 = vector.shape_cast %swap3A_155 : vector<16xf32> to vector<16xf32>
        %swap3A_157 = vector.shape_cast %add3A_153 : vector<16xf32> to vector<16xf32>
        tpu.vector_store %arg10[%swap3A_154], %swap3A_157 {strides = array<i32>} : memref<90112xf32, #tpu.memory_space<vmem>>, vector<16xf32>,
        %slice3A_158 = vector.extract_strided_slice %mul3A_45 {offsets = [6], sizes = [1], strides = [1]} : vector<16xi32> to vector<1xi32>
        %squeeze3A_159 = vector.extract %slice3A_158[0] : i32 from vector<1xi32>
        %slice3A_160 = vector.extract_strided_slice %add3A_64 {offsets = [6], sizes = [1], strides = [1]} : vector<16xi32> to vector<1xi32>
        %squeeze3A_161 = vector.extract %slice3A_160[0] : i32 from vector<1xi32>
        %get3A_162 = arith.index_cast %squeeze3A_161 : i32 to index
        %get3A_163 = arith.constant 0 : index
        %get3A_164 = tpu.vector_load %arg11[%get3A_162, %get3A_163] {strides = array<i32>} : memref<18x16xf32, #tpu.memory_space<vmem>>, vector<1x16xf32>,
        %get3A_165 = vector.shape_cast %get3A_164 : vector<1x16xf32> to vector<16xf32>
        %get3A_166 = arith.index_cast %squeeze3A_159 : i32 to index
        %get3A_167 = tpu.vector_load %arg10[%get3A_166] {strides = array<i32>} : memref<90112xf32, #tpu.memory_space<vmem>>, vector<16xf32>,
        %get3A_168 = vector.shape_cast %get3A_167 : vector<16xf32> to vector<16xf32>
        %add3A_169 = arith.addf %get3A_168, %get3A_165 : vector<16xf32>
        %swap3A_170 = arith.index_cast %squeeze3A_159 : i32 to index
        %swap3A_171 = tpu.vector_load %arg10[%swap3A_170] {strides = array<i32>} : memref<90112xf32, #tpu.memory_space<vmem>>, vector<16xf32>,
        %swap3A_172 = vector.shape_cast %swap3A_171 : vector<16xf32> to vector<16xf32>
        %swap3A_173 = vector.shape_cast %add3A_169 : vector<16xf32> to vector<16xf32>
        tpu.vector_store %arg10[%swap3A_170], %swap3A_173 {strides = array<i32>} : memref<90112xf32, #tpu.memory_space<vmem>>, vector<16xf32>,
        %slice3A_174 = vector.extract_strided_slice %mul3A_45 {offsets = [7], sizes = [1], strides = [1]} : vector<16xi32> to vector<1xi32>
        %squeeze3A_175 = vector.extract %slice3A_174[0] : i32 from vector<1xi32>
        %slice3A_176 = vector.extract_strided_slice %add3A_64 {offsets = [7], sizes = [1], strides = [1]} : vector<16xi32> to vector<1xi32>
        %squeeze3A_177 = vector.extract %slice3A_176[0] : i32 from vector<1xi32>
        %get3A_178 = arith.index_cast %squeeze3A_177 : i32 to index
        %get3A_179 = arith.constant 0 : index
        %get3A_180 = tpu.vector_load %arg11[%get3A_178, %get3A_179] {strides = array<i32>} : memref<18x16xf32, #tpu.memory_space<vmem>>, vector<1x16xf32>,
        %get3A_181 = vector.shape_cast %get3A_180 : vector<1x16xf32> to vector<16xf32>
        %get3A_182 = arith.index_cast %squeeze3A_175 : i32 to index
        %get3A_183 = tpu.vector_load %arg10[%get3A_182] {strides = array<i32>} : memref<90112xf32, #tpu.memory_space<vmem>>, vector<16xf32>,
        %get3A_184 = vector.shape_cast %get3A_183 : vector<16xf32> to vector<16xf32>
        %add3A_185 = arith.addf %get3A_184, %get3A_181 : vector<16xf32>
        %swap3A_186 = arith.index_cast %squeeze3A_175 : i32 to index
        %swap3A_187 = tpu.vector_load %arg10[%swap3A_186] {strides = array<i32>} : memref<90112xf32, #tpu.memory_space<vmem>>, vector<16xf32>,
        %swap3A_188 = vector.shape_cast %swap3A_187 : vector<16xf32> to vector<16xf32>
        %swap3A_189 = vector.shape_cast %add3A_185 : vector<16xf32> to vector<16xf32>
        tpu.vector_store %arg10[%swap3A_186], %swap3A_189 {strides = array<i32>} : memref<90112xf32, #tpu.memory_space<vmem>>, vector<16xf32>,
        %slice3A_190 = vector.extract_strided_slice %mul3A_45 {offsets = [8], sizes = [1], strides = [1]} : vector<16xi32> to vector<1xi32>
        %squeeze3A_191 = vector.extract %slice3A_190[0] : i32 from vector<1xi32>
        %slice3A_192 = vector.extract_strided_slice %add3A_64 {offsets = [8], sizes = [1], strides = [1]} : vector<16xi32> to vector<1xi32>
        %squeeze3A_193 = vector.extract %slice3A_192[0] : i32 from vector<1xi32>
        %get3A_194 = arith.index_cast %squeeze3A_193 : i32 to index
        %get3A_195 = arith.constant 0 : index
        %get3A_196 = tpu.vector_load %arg11[%get3A_194, %get3A_195] {strides = array<i32>} : memref<18x16xf32, #tpu.memory_space<vmem>>, vector<1x16xf32>,
        %get3A_197 = vector.shape_cast %get3A_196 : vector<1x16xf32> to vector<16xf32>
        %get3A_198 = arith.index_cast %squeeze3A_191 : i32 to index
        %get3A_199 = tpu.vector_load %arg10[%get3A_198] {strides = array<i32>} : memref<90112xf32, #tpu.memory_space<vmem>>, vector<16xf32>,
        %get3A_200 = vector.shape_cast %get3A_199 : vector<16xf32> to vector<16xf32>
        %add3A_201 = arith.addf %get3A_200, %get3A_197 : vector<16xf32>
        %swap3A_202 = arith.index_cast %squeeze3A_191 : i32 to index
        %swap3A_203 = tpu.vector_load %arg10[%swap3A_202] {strides = array<i32>} : memref<90112xf32, #tpu.memory_space<vmem>>, vector<16xf32>,
        %swap3A_204 = vector.shape_cast %swap3A_203 : vector<16xf32> to vector<16xf32>
        %swap3A_205 = vector.shape_cast %add3A_201 : vector<16xf32> to vector<16xf32>
        tpu.vector_store %arg10[%swap3A_202], %swap3A_205 {strides = array<i32>} : memref<90112xf32, #tpu.memory_space<vmem>>, vector<16xf32>,
        %slice3A_206 = vector.extract_strided_slice %mul3A_45 {offsets = [9], sizes = [1], strides = [1]} : vector<16xi32> to vector<1xi32>
        %squeeze3A_207 = vector.extract %slice3A_206[0] : i32 from vector<1xi32>
        %slice3A_208 = vector.extract_strided_slice %add3A_64 {offsets = [9], sizes = [1], strides = [1]} : vector<16xi32> to vector<1xi32>
        %squeeze3A_209 = vector.extract %slice3A_208[0] : i32 from vector<1xi32>
        %get3A_210 = arith.index_cast %squeeze3A_209 : i32 to index
        %get3A_211 = arith.constant 0 : index
        %get3A_212 = tpu.vector_load %arg11[%get3A_210, %get3A_211] {strides = array<i32>} : memref<18x16xf32, #tpu.memory_space<vmem>>, vector<1x16xf32>,
        %get3A_213 = vector.shape_cast %get3A_212 : vector<1x16xf32> to vector<16xf32>
        %get3A_214 = arith.index_cast %squeeze3A_207 : i32 to index
        %get3A_215 = tpu.vector_load %arg10[%get3A_214] {strides = array<i32>} : memref<90112xf32, #tpu.memory_space<vmem>>, vector<16xf32>,
        %get3A_216 = vector.shape_cast %get3A_215 : vector<16xf32> to vector<16xf32>
        %add3A_217 = arith.addf %get3A_216, %get3A_213 : vector<16xf32>
        %swap3A_218 = arith.index_cast %squeeze3A_207 : i32 to index
        %swap3A_219 = tpu.vector_load %arg10[%swap3A_218] {strides = array<i32>} : memref<90112xf32, #tpu.memory_space<vmem>>, vector<16xf32>,
        %swap3A_220 = vector.shape_cast %swap3A_219 : vector<16xf32> to vector<16xf32>
        %swap3A_221 = vector.shape_cast %add3A_217 : vector<16xf32> to vector<16xf32>
        tpu.vector_store %arg10[%swap3A_218], %swap3A_221 {strides = array<i32>} : memref<90112xf32, #tpu.memory_space<vmem>>, vector<16xf32>,
        %slice3A_222 = vector.extract_strided_slice %mul3A_45 {offsets = [10], sizes = [1], strides = [1]} : vector<16xi32> to vector<1xi32>
        %squeeze3A_223 = vector.extract %slice3A_222[0] : i32 from vector<1xi32>
        %slice3A_224 = vector.extract_strided_slice %add3A_64 {offsets = [10], sizes = [1], strides = [1]} : vector<16xi32> to vector<1xi32>
        %squeeze3A_225 = vector.extract %slice3A_224[0] : i32 from vector<1xi32>
        %get3A_226 = arith.index_cast %squeeze3A_225 : i32 to index
        %get3A_227 = arith.constant 0 : index
        %get3A_228 = tpu.vector_load %arg11[%get3A_226, %get3A_227] {strides = array<i32>} : memref<18x16xf32, #tpu.memory_space<vmem>>, vector<1x16xf32>,
        %get3A_229 = vector.shape_cast %get3A_228 : vector<1x16xf32> to vector<16xf32>
        %get3A_230 = arith.index_cast %squeeze3A_223 : i32 to index
        %get3A_231 = tpu.vector_load %arg10[%get3A_230] {strides = array<i32>} : memref<90112xf32, #tpu.memory_space<vmem>>, vector<16xf32>,
        %get3A_232 = vector.shape_cast %get3A_231 : vector<16xf32> to vector<16xf32>
        %add3A_233 = arith.addf %get3A_232, %get3A_229 : vector<16xf32>
        %swap3A_234 = arith.index_cast %squeeze3A_223 : i32 to index
        %swap3A_235 = tpu.vector_load %arg10[%swap3A_234] {strides = array<i32>} : memref<90112xf32, #tpu.memory_space<vmem>>, vector<16xf32>,
        %swap3A_236 = vector.shape_cast %swap3A_235 : vector<16xf32> to vector<16xf32>
        %swap3A_237 = vector.shape_cast %add3A_233 : vector<16xf32> to vector<16xf32>
        tpu.vector_store %arg10[%swap3A_234], %swap3A_237 {strides = array<i32>} : memref<90112xf32, #tpu.memory_space<vmem>>, vector<16xf32>,
        %slice3A_238 = vector.extract_strided_slice %mul3A_45 {offsets = [11], sizes = [1], strides = [1]} : vector<16xi32> to vector<1xi32>
        %squeeze3A_239 = vector.extract %slice3A_238[0] : i32 from vector<1xi32>
        %slice3A_240 = vector.extract_strided_slice %add3A_64 {offsets = [11], sizes = [1], strides = [1]} : vector<16xi32> to vector<1xi32>
        %squeeze3A_241 = vector.extract %slice3A_240[0] : i32 from vector<1xi32>
        %get3A_242 = arith.index_cast %squeeze3A_241 : i32 to index
        %get3A_243 = arith.constant 0 : index
        %get3A_244 = tpu.vector_load %arg11[%get3A_242, %get3A_243] {strides = array<i32>} : memref<18x16xf32, #tpu.memory_space<vmem>>, vector<1x16xf32>,
        %get3A_245 = vector.shape_cast %get3A_244 : vector<1x16xf32> to vector<16xf32>
        %get3A_246 = arith.index_cast %squeeze3A_239 : i32 to index
        %get3A_247 = tpu.vector_load %arg10[%get3A_246] {strides = array<i32>} : memref<90112xf32, #tpu.memory_space<vmem>>, vector<16xf32>,
        %get3A_248 = vector.shape_cast %get3A_247 : vector<16xf32> to vector<16xf32>
        %add3A_249 = arith.addf %get3A_248, %get3A_245 : vector<16xf32>
        %swap3A_250 = arith.index_cast %squeeze3A_239 : i32 to index
        %swap3A_251 = tpu.vector_load %arg10[%swap3A_250] {strides = array<i32>} : memref<90112xf32, #tpu.memory_space<vmem>>, vector<16xf32>,
        %swap3A_252 = vector.shape_cast %swap3A_251 : vector<16xf32> to vector<16xf32>
        %swap3A_253 = vector.shape_cast %add3A_249 : vector<16xf32> to vector<16xf32>
        tpu.vector_store %arg10[%swap3A_250], %swap3A_253 {strides = array<i32>} : memref<90112xf32, #tpu.memory_space<vmem>>, vector<16xf32>,
        %slice3A_254 = vector.extract_strided_slice %mul3A_45 {offsets = [12], sizes = [1], strides = [1]} : vector<16xi32> to vector<1xi32>
        %squeeze3A_255 = vector.extract %slice3A_254[0] : i32 from vector<1xi32>
        %slice3A_256 = vector.extract_strided_slice %add3A_64 {offsets = [12], sizes = [1], strides = [1]} : vector<16xi32> to vector<1xi32>
        %squeeze3A_257 = vector.extract %slice3A_256[0] : i32 from vector<1xi32>
        %get3A_258 = arith.index_cast %squeeze3A_257 : i32 to index
        %get3A_259 = arith.constant 0 : index
        %get3A_260 = tpu.vector_load %arg11[%get3A_258, %get3A_259] {strides = array<i32>} : memref<18x16xf32, #tpu.memory_space<vmem>>, vector<1x16xf32>,
        %get3A_261 = vector.shape_cast %get3A_260 : vector<1x16xf32> to vector<16xf32>
        %get3A_262 = arith.index_cast %squeeze3A_255 : i32 to index
        %get3A_263 = tpu.vector_load %arg10[%get3A_262] {strides = array<i32>} : memref<90112xf32, #tpu.memory_space<vmem>>, vector<16xf32>,
        %get3A_264 = vector.shape_cast %get3A_263 : vector<16xf32> to vector<16xf32>
        %add3A_265 = arith.addf %get3A_264, %get3A_261 : vector<16xf32>
        %swap3A_266 = arith.index_cast %squeeze3A_255 : i32 to index
        %swap3A_267 = tpu.vector_load %arg10[%swap3A_266] {strides = array<i32>} : memref<90112xf32, #tpu.memory_space<vmem>>, vector<16xf32>,
        %swap3A_268 = vector.shape_cast %swap3A_267 : vector<16xf32> to vector<16xf32>
        %swap3A_269 = vector.shape_cast %add3A_265 : vector<16xf32> to vector<16xf32>
        tpu.vector_store %arg10[%swap3A_266], %swap3A_269 {strides = array<i32>} : memref<90112xf32, #tpu.memory_space<vmem>>, vector<16xf32>,
        %slice3A_270 = vector.extract_strided_slice %mul3A_45 {offsets = [13], sizes = [1], strides = [1]} : vector<16xi32> to vector<1xi32>
        %squeeze3A_271 = vector.extract %slice3A_270[0] : i32 from vector<1xi32>
        %slice3A_272 = vector.extract_strided_slice %add3A_64 {offsets = [13], sizes = [1], strides = [1]} : vector<16xi32> to vector<1xi32>
        %squeeze3A_273 = vector.extract %slice3A_272[0] : i32 from vector<1xi32>
        %get3A_274 = arith.index_cast %squeeze3A_273 : i32 to index
        %get3A_275 = arith.constant 0 : index
        %get3A_276 = tpu.vector_load %arg11[%get3A_274, %get3A_275] {strides = array<i32>} : memref<18x16xf32, #tpu.memory_space<vmem>>, vector<1x16xf32>,
        %get3A_277 = vector.shape_cast %get3A_276 : vector<1x16xf32> to vector<16xf32>
        %get3A_278 = arith.index_cast %squeeze3A_271 : i32 to index
        %get3A_279 = tpu.vector_load %arg10[%get3A_278] {strides = array<i32>} : memref<90112xf32, #tpu.memory_space<vmem>>, vector<16xf32>,
        %get3A_280 = vector.shape_cast %get3A_279 : vector<16xf32> to vector<16xf32>
        %add3A_281 = arith.addf %get3A_280, %get3A_277 : vector<16xf32>
        %swap3A_282 = arith.index_cast %squeeze3A_271 : i32 to index
        %swap3A_283 = tpu.vector_load %arg10[%swap3A_282] {strides = array<i32>} : memref<90112xf32, #tpu.memory_space<vmem>>, vector<16xf32>,
        %swap3A_284 = vector.shape_cast %swap3A_283 : vector<16xf32> to vector<16xf32>
        %swap3A_285 = vector.shape_cast %add3A_281 : vector<16xf32> to vector<16xf32>
        tpu.vector_store %arg10[%swap3A_282], %swap3A_285 {strides = array<i32>} : memref<90112xf32, #tpu.memory_space<vmem>>, vector<16xf32>,
        %slice3A_286 = vector.extract_strided_slice %mul3A_45 {offsets = [14], sizes = [1], strides = [1]} : vector<16xi32> to vector<1xi32>
        %squeeze3A_287 = vector.extract %slice3A_286[0] : i32 from vector<1xi32>
        %slice3A_288 = vector.extract_strided_slice %add3A_64 {offsets = [14], sizes = [1], strides = [1]} : vector<16xi32> to vector<1xi32>
        %squeeze3A_289 = vector.extract %slice3A_288[0] : i32 from vector<1xi32>
        %get3A_290 = arith.index_cast %squeeze3A_289 : i32 to index
        %get3A_291 = arith.constant 0 : index
        %get3A_292 = tpu.vector_load %arg11[%get3A_290, %get3A_291] {strides = array<i32>} : memref<18x16xf32, #tpu.memory_space<vmem>>, vector<1x16xf32>,
        %get3A_293 = vector.shape_cast %get3A_292 : vector<1x16xf32> to vector<16xf32>
        %get3A_294 = arith.index_cast %squeeze3A_287 : i32 to index
        %get3A_295 = tpu.vector_load %arg10[%get3A_294] {strides = array<i32>} : memref<90112xf32, #tpu.memory_space<vmem>>, vector<16xf32>,
        %get3A_296 = vector.shape_cast %get3A_295 : vector<16xf32> to vector<16xf32>
        %add3A_297 = arith.addf %get3A_296, %get3A_293 : vector<16xf32>
        %swap3A_298 = arith.index_cast %squeeze3A_287 : i32 to index
        %swap3A_299 = tpu.vector_load %arg10[%swap3A_298] {strides = array<i32>} : memref<90112xf32, #tpu.memory_space<vmem>>, vector<16xf32>,
        %swap3A_300 = vector.shape_cast %swap3A_299 : vector<16xf32> to vector<16xf32>
        %swap3A_301 = vector.shape_cast %add3A_297 : vector<16xf32> to vector<16xf32>
        tpu.vector_store %arg10[%swap3A_298], %swap3A_301 {strides = array<i32>} : memref<90112xf32, #tpu.memory_space<vmem>>, vector<16xf32>,
        %slice3A_302 = vector.extract_strided_slice %mul3A_45 {offsets = [15], sizes = [1], strides = [1]} : vector<16xi32> to vector<1xi32>
        %squeeze3A_303 = vector.extract %slice3A_302[0] : i32 from vector<1xi32>
        %slice3A_304 = vector.extract_strided_slice %add3A_64 {offsets = [15], sizes = [1], strides = [1]} : vector<16xi32> to vector<1xi32>
        %squeeze3A_305 = vector.extract %slice3A_304[0] : i32 from vector<1xi32>
        %get3A_306 = arith.index_cast %squeeze3A_305 : i32 to index
        %get3A_307 = arith.constant 0 : index
        %get3A_308 = tpu.vector_load %arg11[%get3A_306, %get3A_307] {strides = array<i32>} : memref<18x16xf32, #tpu.memory_space<vmem>>, vector<1x16xf32>,
        %get3A_309 = vector.shape_cast %get3A_308 : vector<1x16xf32> to vector<16xf32>
        %get3A_310 = arith.index_cast %squeeze3A_303 : i32 to index
        %get3A_311 = tpu.vector_load %arg10[%get3A_310] {strides = array<i32>} : memref<90112xf32, #tpu.memory_space<vmem>>, vector<16xf32>,
        %get3A_312 = vector.shape_cast %get3A_311 : vector<16xf32> to vector<16xf32>
        %add3A_313 = arith.addf %get3A_312, %get3A_309 : vector<16xf32>
        %swap3A_314 = arith.index_cast %squeeze3A_303 : i32 to index
        %swap3A_315 = tpu.vector_load %arg10[%swap3A_314] {strides = array<i32>} : memref<90112xf32, #tpu.memory_space<vmem>>, vector<16xf32>,
        %swap3A_316 = vector.shape_cast %swap3A_315 : vector<16xf32> to vector<16xf32>
        %swap3A_317 = vector.shape_cast %add3A_313 : vector<16xf32> to vector<16xf32>
        tpu.vector_store %arg10[%swap3A_314], %swap3A_317 {strides = array<i32>} : memref<90112xf32, #tpu.memory_space<vmem>>, vector<16xf32>,
        %scan3A_318 = arith.constant 0 : i32
        scf.yield %scan3A_318 : i32
      }
      %scan3A_34 = arith.constant 125 : i32
      %scan3A_35 = arith.constant 0 : i32
      scf.yield %scan3A_35 : i32
    }
    %scan3A_22 = arith.constant 5 : i32
    "tpu.region"() ({
      %run_scoped3A = tpu.sem_alloc : memref<!tpu.dma_semaphore, #tpu.memory_space<semaphore_mem>>
      %dma_start3A = arith.constant 0 : i32
      %dma_start3A_23 = tpu.memref_slice %arg6[%add3A, %dma_start3A] : memref<32x90112xf32, #tpu.memory_space<hbm>> -> memref<1x90112xf32, #tpu.memory_space<hbm>>
      %dma_start3A_24 = tpu.memref_squeeze %dma_start3A_23 : memref<1x90112xf32, #tpu.memory_space<hbm>> -> memref<90112xf32, #tpu.memory_space<hbm>>
      %dma_start3A_25 = arith.constant 0 : i32
      %dma_start3A_26 = tpu.memref_slice %arg6[%add3A, %dma_start3A_25] : memref<32x90112xf32, #tpu.memory_space<hbm>> -> memref<1x90112xf32, #tpu.memory_space<hbm>>
      %dma_start3A_27 = tpu.memref_squeeze %dma_start3A_26 : memref<1x90112xf32, #tpu.memory_space<hbm>> -> memref<90112xf32, #tpu.memory_space<hbm>>
      tpu.enqueue_dma source(%arg10 : memref<90112xf32, #tpu.memory_space<vmem>>) target(%dma_start3A_27 : memref<90112xf32, #tpu.memory_space<hbm>>) target_semaphore(%run_scoped3A : memref<!tpu.dma_semaphore, #tpu.memory_space<semaphore_mem>>)
      %dma_wait3A = arith.constant 0 : i32
      %dma_wait3A_28 = tpu.memref_slice %arg6[%add3A, %dma_wait3A] : memref<32x90112xf32, #tpu.memory_space<hbm>> -> memref<1x90112xf32, #tpu.memory_space<hbm>>
      %dma_wait3A_29 = tpu.memref_squeeze %dma_wait3A_28 : memref<1x90112xf32, #tpu.memory_space<hbm>> -> memref<90112xf32, #tpu.memory_space<hbm>>
      %dma_wait3A_30 = arith.constant 0 : i32
      %dma_wait3A_31 = tpu.memref_slice %arg6[%add3A, %dma_wait3A_30] : memref<32x90112xf32, #tpu.memory_space<hbm>> -> memref<1x90112xf32, #tpu.memory_space<hbm>>
      %dma_wait3A_32 = tpu.memref_squeeze %dma_wait3A_31 : memref<1x90112xf32, #tpu.memory_space<hbm>> -> memref<90112xf32, #tpu.memory_space<hbm>>
      tpu.wait_dma2 semaphore(%run_scoped3A : memref<!tpu.dma_semaphore, #tpu.memory_space<semaphore_mem>>) src(%arg10 : memref<90112xf32, #tpu.memory_space<vmem>>) dst(%dma_wait3A_32 : memref<90112xf32, #tpu.memory_space<hbm>>)
      tpu.yield
    }) : () -> ()
    return
  }
}

#map = affine_map<(d0, d1) -> (0, 0)>
#map1 = affine_map<(d0, d1) -> (0, 0, 0)>
module attributes {stable_mosaic.version = 14 : i64} {
  func.func @_agg_body(%arg0: i32, %arg1: i32, %arg2: memref<10000x128xf32, #tpu.memory_space<hbm>>, %arg3: memref<2560x128xi32, #tpu.memory_space<hbm>>, %arg4: memref<2560x128xi32, #tpu.memory_space<hbm>>, %arg5: memref<2x10000x128xf32, #tpu.memory_space<hbm>>, %arg6: memref<2x8x128xi32, #tpu.memory_space<vmem>>, %arg7: memref<2x8x128xi32, #tpu.memory_space<vmem>>, %arg8: memref<128x128xf32, #tpu.memory_space<vmem>>, %arg9: memref<128x128xf32, #tpu.memory_space<vmem>>, %arg10: memref<!tpu.dma_semaphore, #tpu.memory_space<semaphore_mem>>, %arg11: memref<!tpu.dma_semaphore, #tpu.memory_space<semaphore_mem>>, %arg12: memref<!tpu.dma_semaphore, #tpu.memory_space<semaphore_mem>>, %arg13: memref<10016x128xf32, #tpu.memory_space<vmem_shared>>) attributes {dimension_semantics = [#tpu.dimension_semantics<core_parallel>, #tpu.dimension_semantics<subcore_parallel>], iteration_bounds = array<i64: 2, 16>, scalar_prefetch = 0 : i64, scratch_operands = 8 : i64, tpu.core_type = #tpu.core_type<sc_vector_subcore>, window_params = [{transform_indices = #map}, {transform_indices = #map}, {transform_indices = #map}, {transform_indices = #map1}]} {
    %mul3A = arith.constant 16 : i32
    %mul3A_0 = arith.muli %arg0, %mul3A : i32
    %add3A = arith.addi %mul3A_0, %arg1 : i32
    %mul3A_1 = arith.constant 80 : i32
    %mul3A_2 = arith.muli %add3A, %mul3A_1 : i32
    %mul3A_3 = arith.constant 624 : i32
    %mul3A_4 = arith.muli %arg1, %mul3A_3 : i32
    "tpu.region"() ({
      %run_scoped3A = tpu.sem_alloc : memref<!tpu.dma_semaphore, #tpu.memory_space<semaphore_mem>>
      %dma_start3A_123 = arith.constant 0 : i32
      %dma_start3A_124 = tpu.memref_slice %arg13[%mul3A_4, %dma_start3A_123] : memref<10016x128xf32, #tpu.memory_space<vmem_shared>> -> memref<624x128xf32, #tpu.memory_space<vmem_shared>>
      %dma_start3A_125 = arith.constant 0 : i32
      %dma_start3A_126 = tpu.memref_slice %arg2[%mul3A_4, %dma_start3A_125] : memref<10000x128xf32, #tpu.memory_space<hbm>> -> memref<624x128xf32, #tpu.memory_space<hbm>>
      tpu.enqueue_dma source(%dma_start3A_126 : memref<624x128xf32, #tpu.memory_space<hbm>>) target(%dma_start3A_124 : memref<624x128xf32, #tpu.memory_space<vmem_shared>>) target_semaphore(%run_scoped3A : memref<!tpu.dma_semaphore, #tpu.memory_space<semaphore_mem>>)
      %dma_wait3A_127 = arith.constant 0 : i32
      %dma_wait3A_128 = tpu.memref_slice %arg13[%mul3A_4, %dma_wait3A_127] : memref<10016x128xf32, #tpu.memory_space<vmem_shared>> -> memref<624x128xf32, #tpu.memory_space<vmem_shared>>
      %dma_wait3A_129 = arith.constant 0 : i32
      %dma_wait3A_130 = tpu.memref_slice %arg2[%mul3A_4, %dma_wait3A_129] : memref<10000x128xf32, #tpu.memory_space<hbm>> -> memref<624x128xf32, #tpu.memory_space<hbm>>
      tpu.wait_dma2 semaphore(%run_scoped3A : memref<!tpu.dma_semaphore, #tpu.memory_space<semaphore_mem>>) src(%dma_wait3A_130 : memref<624x128xf32, #tpu.memory_space<hbm>>) dst(%dma_wait3A_128 : memref<624x128xf32, #tpu.memory_space<vmem_shared>>)
      tpu.yield
    }) : () -> ()
    %eq3A = arith.constant 15 : i32
    %eq3A_5 = arith.cmpi eq, %arg1, %eq3A : i32
    %convert_element_type3A = arith.extui %eq3A_5 : i1 to i32
    %cond3A = arith.constant 0 : i32
    %cond3A_6 = arith.cmpi ne, %convert_element_type3A, %cond3A : i32
    scf.if %cond3A_6 {
      "tpu.region"() ({
        %run_scoped3A = tpu.sem_alloc : memref<!tpu.dma_semaphore, #tpu.memory_space<semaphore_mem>>
        %dma_start3A_123 = arith.constant 9984 : i32
        %dma_start3A_124 = arith.constant 0 : i32
        %dma_start3A_125 = tpu.memref_slice %arg13[%dma_start3A_123, %dma_start3A_124] : memref<10016x128xf32, #tpu.memory_space<vmem_shared>> -> memref<16x128xf32, #tpu.memory_space<vmem_shared>>
        %dma_start3A_126 = arith.constant 9984 : i32
        %dma_start3A_127 = arith.constant 0 : i32
        %dma_start3A_128 = tpu.memref_slice %arg2[%dma_start3A_126, %dma_start3A_127] : memref<10000x128xf32, #tpu.memory_space<hbm>> -> memref<16x128xf32, #tpu.memory_space<hbm>>
        tpu.enqueue_dma source(%dma_start3A_128 : memref<16x128xf32, #tpu.memory_space<hbm>>) target(%dma_start3A_125 : memref<16x128xf32, #tpu.memory_space<vmem_shared>>) target_semaphore(%run_scoped3A : memref<!tpu.dma_semaphore, #tpu.memory_space<semaphore_mem>>)
        %dma_wait3A_129 = arith.constant 9984 : i32
        %dma_wait3A_130 = arith.constant 0 : i32
        %dma_wait3A_131 = tpu.memref_slice %arg13[%dma_wait3A_129, %dma_wait3A_130] : memref<10016x128xf32, #tpu.memory_space<vmem_shared>> -> memref<16x128xf32, #tpu.memory_space<vmem_shared>>
        %dma_wait3A_132 = arith.constant 9984 : i32
        %dma_wait3A_133 = arith.constant 0 : i32
        %dma_wait3A_134 = tpu.memref_slice %arg2[%dma_wait3A_132, %dma_wait3A_133] : memref<10000x128xf32, #tpu.memory_space<hbm>> -> memref<16x128xf32, #tpu.memory_space<hbm>>
        tpu.wait_dma2 semaphore(%run_scoped3A : memref<!tpu.dma_semaphore, #tpu.memory_space<semaphore_mem>>) src(%dma_wait3A_134 : memref<16x128xf32, #tpu.memory_space<hbm>>) dst(%dma_wait3A_131 : memref<16x128xf32, #tpu.memory_space<vmem_shared>>)
        tpu.yield
      }) : () -> ()
    } else {
    }
    %add3A_7 = arith.constant 0 : i32
    %add3A_8 = arith.addi %mul3A_2, %add3A_7 : i32
    %dma_start3A = arith.constant 0 : i32
    %dma_start3A_9 = arith.constant 0 : i32
    %dma_start3A_10 = arith.constant 0 : i32
    %dma_start3A_11 = tpu.memref_slice %arg6[%dma_start3A, %dma_start3A_9, %dma_start3A_10] : memref<2x8x128xi32, #tpu.memory_space<vmem>> -> memref<1x8x128xi32, #tpu.memory_space<vmem>>
    %dma_start3A_12 = tpu.memref_squeeze %dma_start3A_11 : memref<1x8x128xi32, #tpu.memory_space<vmem>> -> memref<8x128xi32, #tpu.memory_space<vmem>>
    %dma_start3A_13 = arith.constant 0 : i32
    %dma_start3A_14 = tpu.memref_slice %arg3[%add3A_8, %dma_start3A_13] : memref<2560x128xi32, #tpu.memory_space<hbm>> -> memref<8x128xi32, #tpu.memory_space<hbm>>
    %dma_start3A_15 = arith.constant 0 : i32
    %dma_start3A_16 = arith.constant 0 : i32
    %dma_start3A_17 = tpu.memref_slice %arg6[%dma_start3A, %dma_start3A_15, %dma_start3A_16] : memref<2x8x128xi32, #tpu.memory_space<vmem>> -> memref<1x8x128xi32, #tpu.memory_space<vmem>>
    %dma_start3A_18 = tpu.memref_squeeze %dma_start3A_17 : memref<1x8x128xi32, #tpu.memory_space<vmem>> -> memref<8x128xi32, #tpu.memory_space<vmem>>
    %dma_start3A_19 = arith.constant 0 : i32
    %dma_start3A_20 = tpu.memref_slice %arg3[%add3A_8, %dma_start3A_19] : memref<2560x128xi32, #tpu.memory_space<hbm>> -> memref<8x128xi32, #tpu.memory_space<hbm>>
    tpu.enqueue_dma source(%dma_start3A_20 : memref<8x128xi32, #tpu.memory_space<hbm>>) target(%dma_start3A_18 : memref<8x128xi32, #tpu.memory_space<vmem>>) target_semaphore(%arg12 : memref<!tpu.dma_semaphore, #tpu.memory_space<semaphore_mem>>)
    %add3A_21 = arith.constant 0 : i32
    %add3A_22 = arith.addi %mul3A_2, %add3A_21 : i32
    %dma_start3A_23 = arith.constant 0 : i32
    %dma_start3A_24 = arith.constant 0 : i32
    %dma_start3A_25 = arith.constant 0 : i32
    %dma_start3A_26 = tpu.memref_slice %arg7[%dma_start3A_23, %dma_start3A_24, %dma_start3A_25] : memref<2x8x128xi32, #tpu.memory_space<vmem>> -> memref<1x8x128xi32, #tpu.memory_space<vmem>>
    %dma_start3A_27 = tpu.memref_squeeze %dma_start3A_26 : memref<1x8x128xi32, #tpu.memory_space<vmem>> -> memref<8x128xi32, #tpu.memory_space<vmem>>
    %dma_start3A_28 = arith.constant 0 : i32
    %dma_start3A_29 = tpu.memref_slice %arg4[%add3A_22, %dma_start3A_28] : memref<2560x128xi32, #tpu.memory_space<hbm>> -> memref<8x128xi32, #tpu.memory_space<hbm>>
    %dma_start3A_30 = arith.constant 0 : i32
    %dma_start3A_31 = arith.constant 0 : i32
    %dma_start3A_32 = tpu.memref_slice %arg7[%dma_start3A_23, %dma_start3A_30, %dma_start3A_31] : memref<2x8x128xi32, #tpu.memory_space<vmem>> -> memref<1x8x128xi32, #tpu.memory_space<vmem>>
    %dma_start3A_33 = tpu.memref_squeeze %dma_start3A_32 : memref<1x8x128xi32, #tpu.memory_space<vmem>> -> memref<8x128xi32, #tpu.memory_space<vmem>>
    %dma_start3A_34 = arith.constant 0 : i32
    %dma_start3A_35 = tpu.memref_slice %arg4[%add3A_22, %dma_start3A_34] : memref<2560x128xi32, #tpu.memory_space<hbm>> -> memref<8x128xi32, #tpu.memory_space<hbm>>
    tpu.enqueue_dma source(%dma_start3A_35 : memref<8x128xi32, #tpu.memory_space<hbm>>) target(%dma_start3A_33 : memref<8x128xi32, #tpu.memory_space<vmem>>) target_semaphore(%arg12 : memref<!tpu.dma_semaphore, #tpu.memory_space<semaphore_mem>>)
    %add3A_36 = arith.constant 0 : i32
    %add3A_37 = arith.addi %mul3A_2, %add3A_36 : i32
    %dma_wait3A = arith.constant 0 : i32
    %dma_wait3A_38 = arith.constant 0 : i32
    %dma_wait3A_39 = arith.constant 0 : i32
    %dma_wait3A_40 = tpu.memref_slice %arg6[%dma_wait3A, %dma_wait3A_38, %dma_wait3A_39] : memref<2x8x128xi32, #tpu.memory_space<vmem>> -> memref<1x8x128xi32, #tpu.memory_space<vmem>>
    %dma_wait3A_41 = tpu.memref_squeeze %dma_wait3A_40 : memref<1x8x128xi32, #tpu.memory_space<vmem>> -> memref<8x128xi32, #tpu.memory_space<vmem>>
    %dma_wait3A_42 = arith.constant 0 : i32
    %dma_wait3A_43 = tpu.memref_slice %arg3[%add3A_37, %dma_wait3A_42] : memref<2560x128xi32, #tpu.memory_space<hbm>> -> memref<8x128xi32, #tpu.memory_space<hbm>>
    %dma_wait3A_44 = arith.constant 0 : i32
    %dma_wait3A_45 = arith.constant 0 : i32
    %dma_wait3A_46 = tpu.memref_slice %arg6[%dma_wait3A, %dma_wait3A_44, %dma_wait3A_45] : memref<2x8x128xi32, #tpu.memory_space<vmem>> -> memref<1x8x128xi32, #tpu.memory_space<vmem>>
    %dma_wait3A_47 = tpu.memref_squeeze %dma_wait3A_46 : memref<1x8x128xi32, #tpu.memory_space<vmem>> -> memref<8x128xi32, #tpu.memory_space<vmem>>
    %dma_wait3A_48 = arith.constant 0 : i32
    %dma_wait3A_49 = tpu.memref_slice %arg3[%add3A_37, %dma_wait3A_48] : memref<2560x128xi32, #tpu.memory_space<hbm>> -> memref<8x128xi32, #tpu.memory_space<hbm>>
    tpu.wait_dma2 semaphore(%arg12 : memref<!tpu.dma_semaphore, #tpu.memory_space<semaphore_mem>>) src(%dma_wait3A_49 : memref<8x128xi32, #tpu.memory_space<hbm>>) dst(%dma_wait3A_47 : memref<8x128xi32, #tpu.memory_space<vmem>>)
    %add3A_50 = arith.constant 0 : i32
    %add3A_51 = arith.addi %mul3A_2, %add3A_50 : i32
    %dma_wait3A_52 = arith.constant 0 : i32
    %dma_wait3A_53 = arith.constant 0 : i32
    %dma_wait3A_54 = arith.constant 0 : i32
    %dma_wait3A_55 = tpu.memref_slice %arg7[%dma_wait3A_52, %dma_wait3A_53, %dma_wait3A_54] : memref<2x8x128xi32, #tpu.memory_space<vmem>> -> memref<1x8x128xi32, #tpu.memory_space<vmem>>
    %dma_wait3A_56 = tpu.memref_squeeze %dma_wait3A_55 : memref<1x8x128xi32, #tpu.memory_space<vmem>> -> memref<8x128xi32, #tpu.memory_space<vmem>>
    %dma_wait3A_57 = arith.constant 0 : i32
    %dma_wait3A_58 = tpu.memref_slice %arg4[%add3A_51, %dma_wait3A_57] : memref<2560x128xi32, #tpu.memory_space<hbm>> -> memref<8x128xi32, #tpu.memory_space<hbm>>
    %dma_wait3A_59 = arith.constant 0 : i32
    %dma_wait3A_60 = arith.constant 0 : i32
    %dma_wait3A_61 = tpu.memref_slice %arg7[%dma_wait3A_52, %dma_wait3A_59, %dma_wait3A_60] : memref<2x8x128xi32, #tpu.memory_space<vmem>> -> memref<1x8x128xi32, #tpu.memory_space<vmem>>
    %dma_wait3A_62 = tpu.memref_squeeze %dma_wait3A_61 : memref<1x8x128xi32, #tpu.memory_space<vmem>> -> memref<8x128xi32, #tpu.memory_space<vmem>>
    %dma_wait3A_63 = arith.constant 0 : i32
    %dma_wait3A_64 = tpu.memref_slice %arg4[%add3A_51, %dma_wait3A_63] : memref<2560x128xi32, #tpu.memory_space<hbm>> -> memref<8x128xi32, #tpu.memory_space<hbm>>
    tpu.wait_dma2 semaphore(%arg12 : memref<!tpu.dma_semaphore, #tpu.memory_space<semaphore_mem>>) src(%dma_wait3A_64 : memref<8x128xi32, #tpu.memory_space<hbm>>) dst(%dma_wait3A_62 : memref<8x128xi32, #tpu.memory_space<vmem>>)
    %add3A_65 = arith.constant 8 : i32
    %add3A_66 = arith.addi %mul3A_2, %add3A_65 : i32
    %dma_start3A_67 = arith.constant 1 : i32
    %dma_start3A_68 = arith.constant 0 : i32
    %dma_start3A_69 = arith.constant 0 : i32
    %dma_start3A_70 = tpu.memref_slice %arg6[%dma_start3A_67, %dma_start3A_68, %dma_start3A_69] : memref<2x8x128xi32, #tpu.memory_space<vmem>> -> memref<1x8x128xi32, #tpu.memory_space<vmem>>
    %dma_start3A_71 = tpu.memref_squeeze %dma_start3A_70 : memref<1x8x128xi32, #tpu.memory_space<vmem>> -> memref<8x128xi32, #tpu.memory_space<vmem>>
    %dma_start3A_72 = arith.constant 0 : i32
    %dma_start3A_73 = tpu.memref_slice %arg3[%add3A_66, %dma_start3A_72] : memref<2560x128xi32, #tpu.memory_space<hbm>> -> memref<8x128xi32, #tpu.memory_space<hbm>>
    %dma_start3A_74 = arith.constant 0 : i32
    %dma_start3A_75 = arith.constant 0 : i32
    %dma_start3A_76 = tpu.memref_slice %arg6[%dma_start3A_67, %dma_start3A_74, %dma_start3A_75] : memref<2x8x128xi32, #tpu.memory_space<vmem>> -> memref<1x8x128xi32, #tpu.memory_space<vmem>>
    %dma_start3A_77 = tpu.memref_squeeze %dma_start3A_76 : memref<1x8x128xi32, #tpu.memory_space<vmem>> -> memref<8x128xi32, #tpu.memory_space<vmem>>
    %dma_start3A_78 = arith.constant 0 : i32
    %dma_start3A_79 = tpu.memref_slice %arg3[%add3A_66, %dma_start3A_78] : memref<2560x128xi32, #tpu.memory_space<hbm>> -> memref<8x128xi32, #tpu.memory_space<hbm>>
    tpu.enqueue_dma source(%dma_start3A_79 : memref<8x128xi32, #tpu.memory_space<hbm>>) target(%dma_start3A_77 : memref<8x128xi32, #tpu.memory_space<vmem>>) target_semaphore(%arg12 : memref<!tpu.dma_semaphore, #tpu.memory_space<semaphore_mem>>)
    %add3A_80 = arith.constant 8 : i32
    %add3A_81 = arith.addi %mul3A_2, %add3A_80 : i32
    %dma_start3A_82 = arith.constant 1 : i32
    %dma_start3A_83 = arith.constant 0 : i32
    %dma_start3A_84 = arith.constant 0 : i32
    %dma_start3A_85 = tpu.memref_slice %arg7[%dma_start3A_82, %dma_start3A_83, %dma_start3A_84] : memref<2x8x128xi32, #tpu.memory_space<vmem>> -> memref<1x8x128xi32, #tpu.memory_space<vmem>>
    %dma_start3A_86 = tpu.memref_squeeze %dma_start3A_85 : memref<1x8x128xi32, #tpu.memory_space<vmem>> -> memref<8x128xi32, #tpu.memory_space<vmem>>
    %dma_start3A_87 = arith.constant 0 : i32
    %dma_start3A_88 = tpu.memref_slice %arg4[%add3A_81, %dma_start3A_87] : memref<2560x128xi32, #tpu.memory_space<hbm>> -> memref<8x128xi32, #tpu.memory_space<hbm>>
    %dma_start3A_89 = arith.constant 0 : i32
    %dma_start3A_90 = arith.constant 0 : i32
    %dma_start3A_91 = tpu.memref_slice %arg7[%dma_start3A_82, %dma_start3A_89, %dma_start3A_90] : memref<2x8x128xi32, #tpu.memory_space<vmem>> -> memref<1x8x128xi32, #tpu.memory_space<vmem>>
    %dma_start3A_92 = tpu.memref_squeeze %dma_start3A_91 : memref<1x8x128xi32, #tpu.memory_space<vmem>> -> memref<8x128xi32, #tpu.memory_space<vmem>>
    %dma_start3A_93 = arith.constant 0 : i32
    %dma_start3A_94 = tpu.memref_slice %arg4[%add3A_81, %dma_start3A_93] : memref<2560x128xi32, #tpu.memory_space<hbm>> -> memref<8x128xi32, #tpu.memory_space<hbm>>
    tpu.enqueue_dma source(%dma_start3A_94 : memref<8x128xi32, #tpu.memory_space<hbm>>) target(%dma_start3A_92 : memref<8x128xi32, #tpu.memory_space<vmem>>) target_semaphore(%arg12 : memref<!tpu.dma_semaphore, #tpu.memory_space<semaphore_mem>>)
    %barrier3A = arith.constant 0 : index
    tpu.barrier barrier_id(%barrier3A)
    %dma_start3A_95 = arith.constant 0 : i32
    %dma_start3A_96 = arith.constant 0 : i32
    %dma_start3A_97 = arith.constant 0 : i32
    %dma_start3A_98 = tpu.memref_slice %arg6[%dma_start3A_95, %dma_start3A_96, %dma_start3A_97] : memref<2x8x128xi32, #tpu.memory_space<vmem>> -> memref<1x1x128xi32, #tpu.memory_space<vmem>>
    %dma_start3A_99 = tpu.memref_squeeze %dma_start3A_98 : memref<1x1x128xi32, #tpu.memory_space<vmem>> -> memref<128xi32, #tpu.memory_space<vmem>>
    %dma_start3A_100 = arith.constant 0 : i32
    %dma_start3A_101 = arith.constant 0 : i32
    %dma_start3A_102 = tpu.memref_slice %arg2[%dma_start3A_100, %dma_start3A_101] : memref<10000x128xf32, #tpu.memory_space<hbm>> -> memref<10000x128xf32, #tpu.memory_space<hbm>>
    tpu.enqueue_indirect_dma source(%dma_start3A_102 : memref<10000x128xf32, #tpu.memory_space<hbm>>) target(%arg8 : memref<128x128xf32, #tpu.memory_space<vmem>>) offsets(%dma_start3A_99 : memref<128xi32, #tpu.memory_space<vmem>>) semaphore(%arg10 : memref<!tpu.dma_semaphore, #tpu.memory_space<semaphore_mem>>)
    %dma_start3A_103 = arith.constant 0 : i32
    %dma_start3A_104 = arith.constant 1 : i32
    %dma_start3A_105 = arith.constant 0 : i32
    %dma_start3A_106 = tpu.memref_slice %arg6[%dma_start3A_103, %dma_start3A_104, %dma_start3A_105] : memref<2x8x128xi32, #tpu.memory_space<vmem>> -> memref<1x1x128xi32, #tpu.memory_space<vmem>>
    %dma_start3A_107 = tpu.memref_squeeze %dma_start3A_106 : memref<1x1x128xi32, #tpu.memory_space<vmem>> -> memref<128xi32, #tpu.memory_space<vmem>>
    %dma_start3A_108 = arith.constant 0 : i32
    %dma_start3A_109 = arith.constant 0 : i32
    %dma_start3A_110 = tpu.memref_slice %arg2[%dma_start3A_108, %dma_start3A_109] : memref<10000x128xf32, #tpu.memory_space<hbm>> -> memref<10000x128xf32, #tpu.memory_space<hbm>>
    tpu.enqueue_indirect_dma source(%dma_start3A_110 : memref<10000x128xf32, #tpu.memory_space<hbm>>) target(%arg9 : memref<128x128xf32, #tpu.memory_space<vmem>>) offsets(%dma_start3A_107 : memref<128xi32, #tpu.memory_space<vmem>>) semaphore(%arg11 : memref<!tpu.dma_semaphore, #tpu.memory_space<semaphore_mem>>)
    %scan3A = arith.constant 0 : i32
    %scan3A_111 = arith.constant 0 : i32
    %scan3A_112 = arith.constant 10 : i32
    %scan3A_113 = arith.addi %scan3A_111, %scan3A_112 : i32
    %scan3A_114 = arith.constant 1 : i32
    %scan3A_115 = scf.for %scan3A_123 = %scan3A_111 to %scan3A_113 step %scan3A_114 iter_args(%scan3A_124 = %scan3A) -> (i32)  : i32 {
      %jit3A = arith.constant 2 : i32
      %eq3A_125 = arith.constant 0 : i32
      %eq3A_126 = arith.cmpi eq, %jit3A, %eq3A_125 : i32
      %jit3A_127 = arith.constant 1 : i32
      %select_n3A = arith.select %eq3A_126, %jit3A_127, %jit3A : i32
      %rem3A = arith.remsi %scan3A_123, %select_n3A : i32
      %ne3A = arith.constant 0 : i32
      %ne3A_128 = arith.cmpi ne, %rem3A, %ne3A : i32
      %lt3A = arith.constant 0 : i32
      %lt3A_129 = arith.cmpi slt, %rem3A, %lt3A : i32
      %lt3A_130 = arith.constant 0 : i32
      %lt3A_131 = arith.cmpi slt, %select_n3A, %lt3A_130 : i32
      %ne3A_132 = arith.xori %lt3A_129, %lt3A_131 : i1
      %and3A = arith.andi %ne3A_132, %ne3A_128 : i1
      %add3A_133 = arith.addi %rem3A, %select_n3A : i32
      %select_n3A_134 = arith.select %and3A, %add3A_133, %rem3A : i32
      %sub3A = arith.constant 1 : i32
      %sub3A_135 = arith.subi %sub3A, %select_n3A_134 : i32
      %dma_wait3A_136 = arith.constant 0 : i32
      %dma_wait3A_137 = arith.constant 0 : i32
      %dma_wait3A_138 = tpu.memref_slice %arg6[%select_n3A_134, %dma_wait3A_136, %dma_wait3A_137] : memref<2x8x128xi32, #tpu.memory_space<vmem>> -> memref<1x1x128xi32, #tpu.memory_space<vmem>>
      %dma_wait3A_139 = tpu.memref_squeeze %dma_wait3A_138 : memref<1x1x128xi32, #tpu.memory_space<vmem>> -> memref<128xi32, #tpu.memory_space<vmem>>
      %dma_wait3A_140 = arith.constant 0 : i32
      %dma_wait3A_141 = arith.constant 0 : i32
      %dma_wait3A_142 = tpu.memref_slice %arg2[%dma_wait3A_140, %dma_wait3A_141] : memref<10000x128xf32, #tpu.memory_space<hbm>> -> memref<10000x128xf32, #tpu.memory_space<hbm>>
      tpu.wait_indirect_dma semaphore(%arg10 : memref<!tpu.dma_semaphore, #tpu.memory_space<semaphore_mem>>) src(%dma_wait3A_142 : memref<10000x128xf32, #tpu.memory_space<hbm>>) dst(%arg8 : memref<128x128xf32, #tpu.memory_space<vmem>>)
      %run_scoped3A = arith.constant 0 : i32
      "tpu.region"() ({
        %run_scoped3A_257 = tpu.sem_alloc : memref<!tpu.dma_semaphore, #tpu.memory_space<semaphore_mem>>
        %dma_start3A_258 = arith.constant 0 : i32
        %dma_start3A_259 = tpu.memref_slice %arg7[%select_n3A_134, %run_scoped3A, %dma_start3A_258] : memref<2x8x128xi32, #tpu.memory_space<vmem>> -> memref<1x1x128xi32, #tpu.memory_space<vmem>>
        %dma_start3A_260 = tpu.memref_squeeze %dma_start3A_259 : memref<1x1x128xi32, #tpu.memory_space<vmem>> -> memref<128xi32, #tpu.memory_space<vmem>>
        %dma_start3A_261 = arith.constant 0 : i32
        %dma_start3A_262 = arith.constant 0 : i32
        %dma_start3A_263 = tpu.memref_slice %arg13[%dma_start3A_261, %dma_start3A_262] : memref<10016x128xf32, #tpu.memory_space<vmem_shared>> -> memref<10016x128xf32, #tpu.memory_space<vmem_shared>>
        tpu.enqueue_indirect_dma source(%arg8 : memref<128x128xf32, #tpu.memory_space<vmem>>) target(%dma_start3A_263 : memref<10016x128xf32, #tpu.memory_space<vmem_shared>>) offsets(%dma_start3A_260 : memref<128xi32, #tpu.memory_space<vmem>>) semaphore(%run_scoped3A_257 : memref<!tpu.dma_semaphore, #tpu.memory_space<semaphore_mem>>) {add = true}
        %dma_wait3A_264 = arith.constant 0 : i32
        %dma_wait3A_265 = tpu.memref_slice %arg7[%select_n3A_134, %run_scoped3A, %dma_wait3A_264] : memref<2x8x128xi32, #tpu.memory_space<vmem>> -> memref<1x1x128xi32, #tpu.memory_space<vmem>>
        %dma_wait3A_266 = tpu.memref_squeeze %dma_wait3A_265 : memref<1x1x128xi32, #tpu.memory_space<vmem>> -> memref<128xi32, #tpu.memory_space<vmem>>
        %dma_wait3A_267 = arith.constant 0 : i32
        %dma_wait3A_268 = arith.constant 0 : i32
        %dma_wait3A_269 = tpu.memref_slice %arg13[%dma_wait3A_267, %dma_wait3A_268] : memref<10016x128xf32, #tpu.memory_space<vmem_shared>> -> memref<10016x128xf32, #tpu.memory_space<vmem_shared>>
        tpu.wait_indirect_dma semaphore(%run_scoped3A_257 : memref<!tpu.dma_semaphore, #tpu.memory_space<semaphore_mem>>) src(%arg8 : memref<128x128xf32, #tpu.memory_space<vmem>>) dst(%dma_wait3A_269 : memref<10016x128xf32, #tpu.memory_space<vmem_shared>>)
        tpu.yield
      }) : () -> ()
      %dma_start3A_143 = arith.constant 2 : i32
      %dma_start3A_144 = arith.constant 0 : i32
      %dma_start3A_145 = tpu.memref_slice %arg6[%select_n3A_134, %dma_start3A_143, %dma_start3A_144] : memref<2x8x128xi32, #tpu.memory_space<vmem>> -> memref<1x1x128xi32, #tpu.memory_space<vmem>>
      %dma_start3A_146 = tpu.memref_squeeze %dma_start3A_145 : memref<1x1x128xi32, #tpu.memory_space<vmem>> -> memref<128xi32, #tpu.memory_space<vmem>>
      %dma_start3A_147 = arith.constant 0 : i32
      %dma_start3A_148 = arith.constant 0 : i32
      %dma_start3A_149 = tpu.memref_slice %arg2[%dma_start3A_147, %dma_start3A_148] : memref<10000x128xf32, #tpu.memory_space<hbm>> -> memref<10000x128xf32, #tpu.memory_space<hbm>>
      tpu.enqueue_indirect_dma source(%dma_start3A_149 : memref<10000x128xf32, #tpu.memory_space<hbm>>) target(%arg8 : memref<128x128xf32, #tpu.memory_space<vmem>>) offsets(%dma_start3A_146 : memref<128xi32, #tpu.memory_space<vmem>>) semaphore(%arg10 : memref<!tpu.dma_semaphore, #tpu.memory_space<semaphore_mem>>)
      %dma_wait3A_150 = arith.constant 1 : i32
      %dma_wait3A_151 = arith.constant 0 : i32
      %dma_wait3A_152 = tpu.memref_slice %arg6[%select_n3A_134, %dma_wait3A_150, %dma_wait3A_151] : memref<2x8x128xi32, #tpu.memory_space<vmem>> -> memref<1x1x128xi32, #tpu.memory_space<vmem>>
      %dma_wait3A_153 = tpu.memref_squeeze %dma_wait3A_152 : memref<1x1x128xi32, #tpu.memory_space<vmem>> -> memref<128xi32, #tpu.memory_space<vmem>>
      %dma_wait3A_154 = arith.constant 0 : i32
      %dma_wait3A_155 = arith.constant 0 : i32
      %dma_wait3A_156 = tpu.memref_slice %arg2[%dma_wait3A_154, %dma_wait3A_155] : memref<10000x128xf32, #tpu.memory_space<hbm>> -> memref<10000x128xf32, #tpu.memory_space<hbm>>
      tpu.wait_indirect_dma semaphore(%arg11 : memref<!tpu.dma_semaphore, #tpu.memory_space<semaphore_mem>>) src(%dma_wait3A_156 : memref<10000x128xf32, #tpu.memory_space<hbm>>) dst(%arg9 : memref<128x128xf32, #tpu.memory_space<vmem>>)
      %run_scoped3A_157 = arith.constant 1 : i32
      "tpu.region"() ({
        %run_scoped3A_257 = tpu.sem_alloc : memref<!tpu.dma_semaphore, #tpu.memory_space<semaphore_mem>>
        %dma_start3A_258 = arith.constant 0 : i32
        %dma_start3A_259 = tpu.memref_slice %arg7[%select_n3A_134, %run_scoped3A_157, %dma_start3A_258] : memref<2x8x128xi32, #tpu.memory_space<vmem>> -> memref<1x1x128xi32, #tpu.memory_space<vmem>>
        %dma_start3A_260 = tpu.memref_squeeze %dma_start3A_259 : memref<1x1x128xi32, #tpu.memory_space<vmem>> -> memref<128xi32, #tpu.memory_space<vmem>>
        %dma_start3A_261 = arith.constant 0 : i32
        %dma_start3A_262 = arith.constant 0 : i32
        %dma_start3A_263 = tpu.memref_slice %arg13[%dma_start3A_261, %dma_start3A_262] : memref<10016x128xf32, #tpu.memory_space<vmem_shared>> -> memref<10016x128xf32, #tpu.memory_space<vmem_shared>>
        tpu.enqueue_indirect_dma source(%arg9 : memref<128x128xf32, #tpu.memory_space<vmem>>) target(%dma_start3A_263 : memref<10016x128xf32, #tpu.memory_space<vmem_shared>>) offsets(%dma_start3A_260 : memref<128xi32, #tpu.memory_space<vmem>>) semaphore(%run_scoped3A_257 : memref<!tpu.dma_semaphore, #tpu.memory_space<semaphore_mem>>) {add = true}
        %dma_wait3A_264 = arith.constant 0 : i32
        %dma_wait3A_265 = tpu.memref_slice %arg7[%select_n3A_134, %run_scoped3A_157, %dma_wait3A_264] : memref<2x8x128xi32, #tpu.memory_space<vmem>> -> memref<1x1x128xi32, #tpu.memory_space<vmem>>
        %dma_wait3A_266 = tpu.memref_squeeze %dma_wait3A_265 : memref<1x1x128xi32, #tpu.memory_space<vmem>> -> memref<128xi32, #tpu.memory_space<vmem>>
        %dma_wait3A_267 = arith.constant 0 : i32
        %dma_wait3A_268 = arith.constant 0 : i32
        %dma_wait3A_269 = tpu.memref_slice %arg13[%dma_wait3A_267, %dma_wait3A_268] : memref<10016x128xf32, #tpu.memory_space<vmem_shared>> -> memref<10016x128xf32, #tpu.memory_space<vmem_shared>>
        tpu.wait_indirect_dma semaphore(%run_scoped3A_257 : memref<!tpu.dma_semaphore, #tpu.memory_space<semaphore_mem>>) src(%arg9 : memref<128x128xf32, #tpu.memory_space<vmem>>) dst(%dma_wait3A_269 : memref<10016x128xf32, #tpu.memory_space<vmem_shared>>)
        tpu.yield
      }) : () -> ()
      %dma_start3A_158 = arith.constant 3 : i32
      %dma_start3A_159 = arith.constant 0 : i32
      %dma_start3A_160 = tpu.memref_slice %arg6[%select_n3A_134, %dma_start3A_158, %dma_start3A_159] : memref<2x8x128xi32, #tpu.memory_space<vmem>> -> memref<1x1x128xi32, #tpu.memory_space<vmem>>
      %dma_start3A_161 = tpu.memref_squeeze %dma_start3A_160 : memref<1x1x128xi32, #tpu.memory_space<vmem>> -> memref<128xi32, #tpu.memory_space<vmem>>
      %dma_start3A_162 = arith.constant 0 : i32
      %dma_start3A_163 = arith.constant 0 : i32
      %dma_start3A_164 = tpu.memref_slice %arg2[%dma_start3A_162, %dma_start3A_163] : memref<10000x128xf32, #tpu.memory_space<hbm>> -> memref<10000x128xf32, #tpu.memory_space<hbm>>
      tpu.enqueue_indirect_dma source(%dma_start3A_164 : memref<10000x128xf32, #tpu.memory_space<hbm>>) target(%arg9 : memref<128x128xf32, #tpu.memory_space<vmem>>) offsets(%dma_start3A_161 : memref<128xi32, #tpu.memory_space<vmem>>) semaphore(%arg11 : memref<!tpu.dma_semaphore, #tpu.memory_space<semaphore_mem>>)
      %dma_wait3A_165 = arith.constant 2 : i32
      %dma_wait3A_166 = arith.constant 0 : i32
      %dma_wait3A_167 = tpu.memref_slice %arg6[%select_n3A_134, %dma_wait3A_165, %dma_wait3A_166] : memref<2x8x128xi32, #tpu.memory_space<vmem>> -> memref<1x1x128xi32, #tpu.memory_space<vmem>>
      %dma_wait3A_168 = tpu.memref_squeeze %dma_wait3A_167 : memref<1x1x128xi32, #tpu.memory_space<vmem>> -> memref<128xi32, #tpu.memory_space<vmem>>
      %dma_wait3A_169 = arith.constant 0 : i32
      %dma_wait3A_170 = arith.constant 0 : i32
      %dma_wait3A_171 = tpu.memref_slice %arg2[%dma_wait3A_169, %dma_wait3A_170] : memref<10000x128xf32, #tpu.memory_space<hbm>> -> memref<10000x128xf32, #tpu.memory_space<hbm>>
      tpu.wait_indirect_dma semaphore(%arg10 : memref<!tpu.dma_semaphore, #tpu.memory_space<semaphore_mem>>) src(%dma_wait3A_171 : memref<10000x128xf32, #tpu.memory_space<hbm>>) dst(%arg8 : memref<128x128xf32, #tpu.memory_space<vmem>>)
      %run_scoped3A_172 = arith.constant 2 : i32
      "tpu.region"() ({
        %run_scoped3A_257 = tpu.sem_alloc : memref<!tpu.dma_semaphore, #tpu.memory_space<semaphore_mem>>
        %dma_start3A_258 = arith.constant 0 : i32
        %dma_start3A_259 = tpu.memref_slice %arg7[%select_n3A_134, %run_scoped3A_172, %dma_start3A_258] : memref<2x8x128xi32, #tpu.memory_space<vmem>> -> memref<1x1x128xi32, #tpu.memory_space<vmem>>
        %dma_start3A_260 = tpu.memref_squeeze %dma_start3A_259 : memref<1x1x128xi32, #tpu.memory_space<vmem>> -> memref<128xi32, #tpu.memory_space<vmem>>
        %dma_start3A_261 = arith.constant 0 : i32
        %dma_start3A_262 = arith.constant 0 : i32
        %dma_start3A_263 = tpu.memref_slice %arg13[%dma_start3A_261, %dma_start3A_262] : memref<10016x128xf32, #tpu.memory_space<vmem_shared>> -> memref<10016x128xf32, #tpu.memory_space<vmem_shared>>
        tpu.enqueue_indirect_dma source(%arg8 : memref<128x128xf32, #tpu.memory_space<vmem>>) target(%dma_start3A_263 : memref<10016x128xf32, #tpu.memory_space<vmem_shared>>) offsets(%dma_start3A_260 : memref<128xi32, #tpu.memory_space<vmem>>) semaphore(%run_scoped3A_257 : memref<!tpu.dma_semaphore, #tpu.memory_space<semaphore_mem>>) {add = true}
        %dma_wait3A_264 = arith.constant 0 : i32
        %dma_wait3A_265 = tpu.memref_slice %arg7[%select_n3A_134, %run_scoped3A_172, %dma_wait3A_264] : memref<2x8x128xi32, #tpu.memory_space<vmem>> -> memref<1x1x128xi32, #tpu.memory_space<vmem>>
        %dma_wait3A_266 = tpu.memref_squeeze %dma_wait3A_265 : memref<1x1x128xi32, #tpu.memory_space<vmem>> -> memref<128xi32, #tpu.memory_space<vmem>>
        %dma_wait3A_267 = arith.constant 0 : i32
        %dma_wait3A_268 = arith.constant 0 : i32
        %dma_wait3A_269 = tpu.memref_slice %arg13[%dma_wait3A_267, %dma_wait3A_268] : memref<10016x128xf32, #tpu.memory_space<vmem_shared>> -> memref<10016x128xf32, #tpu.memory_space<vmem_shared>>
        tpu.wait_indirect_dma semaphore(%run_scoped3A_257 : memref<!tpu.dma_semaphore, #tpu.memory_space<semaphore_mem>>) src(%arg8 : memref<128x128xf32, #tpu.memory_space<vmem>>) dst(%dma_wait3A_269 : memref<10016x128xf32, #tpu.memory_space<vmem_shared>>)
        tpu.yield
      }) : () -> ()
      %dma_start3A_173 = arith.constant 4 : i32
      %dma_start3A_174 = arith.constant 0 : i32
      %dma_start3A_175 = tpu.memref_slice %arg6[%select_n3A_134, %dma_start3A_173, %dma_start3A_174] : memref<2x8x128xi32, #tpu.memory_space<vmem>> -> memref<1x1x128xi32, #tpu.memory_space<vmem>>
      %dma_start3A_176 = tpu.memref_squeeze %dma_start3A_175 : memref<1x1x128xi32, #tpu.memory_space<vmem>> -> memref<128xi32, #tpu.memory_space<vmem>>
      %dma_start3A_177 = arith.constant 0 : i32
      %dma_start3A_178 = arith.constant 0 : i32
      %dma_start3A_179 = tpu.memref_slice %arg2[%dma_start3A_177, %dma_start3A_178] : memref<10000x128xf32, #tpu.memory_space<hbm>> -> memref<10000x128xf32, #tpu.memory_space<hbm>>
      tpu.enqueue_indirect_dma source(%dma_start3A_179 : memref<10000x128xf32, #tpu.memory_space<hbm>>) target(%arg8 : memref<128x128xf32, #tpu.memory_space<vmem>>) offsets(%dma_start3A_176 : memref<128xi32, #tpu.memory_space<vmem>>) semaphore(%arg10 : memref<!tpu.dma_semaphore, #tpu.memory_space<semaphore_mem>>)
      %dma_wait3A_180 = arith.constant 3 : i32
      %dma_wait3A_181 = arith.constant 0 : i32
      %dma_wait3A_182 = tpu.memref_slice %arg6[%select_n3A_134, %dma_wait3A_180, %dma_wait3A_181] : memref<2x8x128xi32, #tpu.memory_space<vmem>> -> memref<1x1x128xi32, #tpu.memory_space<vmem>>
      %dma_wait3A_183 = tpu.memref_squeeze %dma_wait3A_182 : memref<1x1x128xi32, #tpu.memory_space<vmem>> -> memref<128xi32, #tpu.memory_space<vmem>>
      %dma_wait3A_184 = arith.constant 0 : i32
      %dma_wait3A_185 = arith.constant 0 : i32
      %dma_wait3A_186 = tpu.memref_slice %arg2[%dma_wait3A_184, %dma_wait3A_185] : memref<10000x128xf32, #tpu.memory_space<hbm>> -> memref<10000x128xf32, #tpu.memory_space<hbm>>
      tpu.wait_indirect_dma semaphore(%arg11 : memref<!tpu.dma_semaphore, #tpu.memory_space<semaphore_mem>>) src(%dma_wait3A_186 : memref<10000x128xf32, #tpu.memory_space<hbm>>) dst(%arg9 : memref<128x128xf32, #tpu.memory_space<vmem>>)
      %run_scoped3A_187 = arith.constant 3 : i32
      "tpu.region"() ({
        %run_scoped3A_257 = tpu.sem_alloc : memref<!tpu.dma_semaphore, #tpu.memory_space<semaphore_mem>>
        %dma_start3A_258 = arith.constant 0 : i32
        %dma_start3A_259 = tpu.memref_slice %arg7[%select_n3A_134, %run_scoped3A_187, %dma_start3A_258] : memref<2x8x128xi32, #tpu.memory_space<vmem>> -> memref<1x1x128xi32, #tpu.memory_space<vmem>>
        %dma_start3A_260 = tpu.memref_squeeze %dma_start3A_259 : memref<1x1x128xi32, #tpu.memory_space<vmem>> -> memref<128xi32, #tpu.memory_space<vmem>>
        %dma_start3A_261 = arith.constant 0 : i32
        %dma_start3A_262 = arith.constant 0 : i32
        %dma_start3A_263 = tpu.memref_slice %arg13[%dma_start3A_261, %dma_start3A_262] : memref<10016x128xf32, #tpu.memory_space<vmem_shared>> -> memref<10016x128xf32, #tpu.memory_space<vmem_shared>>
        tpu.enqueue_indirect_dma source(%arg9 : memref<128x128xf32, #tpu.memory_space<vmem>>) target(%dma_start3A_263 : memref<10016x128xf32, #tpu.memory_space<vmem_shared>>) offsets(%dma_start3A_260 : memref<128xi32, #tpu.memory_space<vmem>>) semaphore(%run_scoped3A_257 : memref<!tpu.dma_semaphore, #tpu.memory_space<semaphore_mem>>) {add = true}
        %dma_wait3A_264 = arith.constant 0 : i32
        %dma_wait3A_265 = tpu.memref_slice %arg7[%select_n3A_134, %run_scoped3A_187, %dma_wait3A_264] : memref<2x8x128xi32, #tpu.memory_space<vmem>> -> memref<1x1x128xi32, #tpu.memory_space<vmem>>
        %dma_wait3A_266 = tpu.memref_squeeze %dma_wait3A_265 : memref<1x1x128xi32, #tpu.memory_space<vmem>> -> memref<128xi32, #tpu.memory_space<vmem>>
        %dma_wait3A_267 = arith.constant 0 : i32
        %dma_wait3A_268 = arith.constant 0 : i32
        %dma_wait3A_269 = tpu.memref_slice %arg13[%dma_wait3A_267, %dma_wait3A_268] : memref<10016x128xf32, #tpu.memory_space<vmem_shared>> -> memref<10016x128xf32, #tpu.memory_space<vmem_shared>>
        tpu.wait_indirect_dma semaphore(%run_scoped3A_257 : memref<!tpu.dma_semaphore, #tpu.memory_space<semaphore_mem>>) src(%arg9 : memref<128x128xf32, #tpu.memory_space<vmem>>) dst(%dma_wait3A_269 : memref<10016x128xf32, #tpu.memory_space<vmem_shared>>)
        tpu.yield
      }) : () -> ()
      %dma_start3A_188 = arith.constant 5 : i32
      %dma_start3A_189 = arith.constant 0 : i32
      %dma_start3A_190 = tpu.memref_slice %arg6[%select_n3A_134, %dma_start3A_188, %dma_start3A_189] : memref<2x8x128xi32, #tpu.memory_space<vmem>> -> memref<1x1x128xi32, #tpu.memory_space<vmem>>
      %dma_start3A_191 = tpu.memref_squeeze %dma_start3A_190 : memref<1x1x128xi32, #tpu.memory_space<vmem>> -> memref<128xi32, #tpu.memory_space<vmem>>
      %dma_start3A_192 = arith.constant 0 : i32
      %dma_start3A_193 = arith.constant 0 : i32
      %dma_start3A_194 = tpu.memref_slice %arg2[%dma_start3A_192, %dma_start3A_193] : memref<10000x128xf32, #tpu.memory_space<hbm>> -> memref<10000x128xf32, #tpu.memory_space<hbm>>
      tpu.enqueue_indirect_dma source(%dma_start3A_194 : memref<10000x128xf32, #tpu.memory_space<hbm>>) target(%arg9 : memref<128x128xf32, #tpu.memory_space<vmem>>) offsets(%dma_start3A_191 : memref<128xi32, #tpu.memory_space<vmem>>) semaphore(%arg11 : memref<!tpu.dma_semaphore, #tpu.memory_space<semaphore_mem>>)
      %dma_wait3A_195 = arith.constant 4 : i32
      %dma_wait3A_196 = arith.constant 0 : i32
      %dma_wait3A_197 = tpu.memref_slice %arg6[%select_n3A_134, %dma_wait3A_195, %dma_wait3A_196] : memref<2x8x128xi32, #tpu.memory_space<vmem>> -> memref<1x1x128xi32, #tpu.memory_space<vmem>>
      %dma_wait3A_198 = tpu.memref_squeeze %dma_wait3A_197 : memref<1x1x128xi32, #tpu.memory_space<vmem>> -> memref<128xi32, #tpu.memory_space<vmem>>
      %dma_wait3A_199 = arith.constant 0 : i32
      %dma_wait3A_200 = arith.constant 0 : i32
      %dma_wait3A_201 = tpu.memref_slice %arg2[%dma_wait3A_199, %dma_wait3A_200] : memref<10000x128xf32, #tpu.memory_space<hbm>> -> memref<10000x128xf32, #tpu.memory_space<hbm>>
      tpu.wait_indirect_dma semaphore(%arg10 : memref<!tpu.dma_semaphore, #tpu.memory_space<semaphore_mem>>) src(%dma_wait3A_201 : memref<10000x128xf32, #tpu.memory_space<hbm>>) dst(%arg8 : memref<128x128xf32, #tpu.memory_space<vmem>>)
      %run_scoped3A_202 = arith.constant 4 : i32
      "tpu.region"() ({
        %run_scoped3A_257 = tpu.sem_alloc : memref<!tpu.dma_semaphore, #tpu.memory_space<semaphore_mem>>
        %dma_start3A_258 = arith.constant 0 : i32
        %dma_start3A_259 = tpu.memref_slice %arg7[%select_n3A_134, %run_scoped3A_202, %dma_start3A_258] : memref<2x8x128xi32, #tpu.memory_space<vmem>> -> memref<1x1x128xi32, #tpu.memory_space<vmem>>
        %dma_start3A_260 = tpu.memref_squeeze %dma_start3A_259 : memref<1x1x128xi32, #tpu.memory_space<vmem>> -> memref<128xi32, #tpu.memory_space<vmem>>
        %dma_start3A_261 = arith.constant 0 : i32
        %dma_start3A_262 = arith.constant 0 : i32
        %dma_start3A_263 = tpu.memref_slice %arg13[%dma_start3A_261, %dma_start3A_262] : memref<10016x128xf32, #tpu.memory_space<vmem_shared>> -> memref<10016x128xf32, #tpu.memory_space<vmem_shared>>
        tpu.enqueue_indirect_dma source(%arg8 : memref<128x128xf32, #tpu.memory_space<vmem>>) target(%dma_start3A_263 : memref<10016x128xf32, #tpu.memory_space<vmem_shared>>) offsets(%dma_start3A_260 : memref<128xi32, #tpu.memory_space<vmem>>) semaphore(%run_scoped3A_257 : memref<!tpu.dma_semaphore, #tpu.memory_space<semaphore_mem>>) {add = true}
        %dma_wait3A_264 = arith.constant 0 : i32
        %dma_wait3A_265 = tpu.memref_slice %arg7[%select_n3A_134, %run_scoped3A_202, %dma_wait3A_264] : memref<2x8x128xi32, #tpu.memory_space<vmem>> -> memref<1x1x128xi32, #tpu.memory_space<vmem>>
        %dma_wait3A_266 = tpu.memref_squeeze %dma_wait3A_265 : memref<1x1x128xi32, #tpu.memory_space<vmem>> -> memref<128xi32, #tpu.memory_space<vmem>>
        %dma_wait3A_267 = arith.constant 0 : i32
        %dma_wait3A_268 = arith.constant 0 : i32
        %dma_wait3A_269 = tpu.memref_slice %arg13[%dma_wait3A_267, %dma_wait3A_268] : memref<10016x128xf32, #tpu.memory_space<vmem_shared>> -> memref<10016x128xf32, #tpu.memory_space<vmem_shared>>
        tpu.wait_indirect_dma semaphore(%run_scoped3A_257 : memref<!tpu.dma_semaphore, #tpu.memory_space<semaphore_mem>>) src(%arg8 : memref<128x128xf32, #tpu.memory_space<vmem>>) dst(%dma_wait3A_269 : memref<10016x128xf32, #tpu.memory_space<vmem_shared>>)
        tpu.yield
      }) : () -> ()
      %dma_start3A_203 = arith.constant 6 : i32
      %dma_start3A_204 = arith.constant 0 : i32
      %dma_start3A_205 = tpu.memref_slice %arg6[%select_n3A_134, %dma_start3A_203, %dma_start3A_204] : memref<2x8x128xi32, #tpu.memory_space<vmem>> -> memref<1x1x128xi32, #tpu.memory_space<vmem>>
      %dma_start3A_206 = tpu.memref_squeeze %dma_start3A_205 : memref<1x1x128xi32, #tpu.memory_space<vmem>> -> memref<128xi32, #tpu.memory_space<vmem>>
      %dma_start3A_207 = arith.constant 0 : i32
      %dma_start3A_208 = arith.constant 0 : i32
      %dma_start3A_209 = tpu.memref_slice %arg2[%dma_start3A_207, %dma_start3A_208] : memref<10000x128xf32, #tpu.memory_space<hbm>> -> memref<10000x128xf32, #tpu.memory_space<hbm>>
      tpu.enqueue_indirect_dma source(%dma_start3A_209 : memref<10000x128xf32, #tpu.memory_space<hbm>>) target(%arg8 : memref<128x128xf32, #tpu.memory_space<vmem>>) offsets(%dma_start3A_206 : memref<128xi32, #tpu.memory_space<vmem>>) semaphore(%arg10 : memref<!tpu.dma_semaphore, #tpu.memory_space<semaphore_mem>>)
      %dma_wait3A_210 = arith.constant 5 : i32
      %dma_wait3A_211 = arith.constant 0 : i32
      %dma_wait3A_212 = tpu.memref_slice %arg6[%select_n3A_134, %dma_wait3A_210, %dma_wait3A_211] : memref<2x8x128xi32, #tpu.memory_space<vmem>> -> memref<1x1x128xi32, #tpu.memory_space<vmem>>
      %dma_wait3A_213 = tpu.memref_squeeze %dma_wait3A_212 : memref<1x1x128xi32, #tpu.memory_space<vmem>> -> memref<128xi32, #tpu.memory_space<vmem>>
      %dma_wait3A_214 = arith.constant 0 : i32
      %dma_wait3A_215 = arith.constant 0 : i32
      %dma_wait3A_216 = tpu.memref_slice %arg2[%dma_wait3A_214, %dma_wait3A_215] : memref<10000x128xf32, #tpu.memory_space<hbm>> -> memref<10000x128xf32, #tpu.memory_space<hbm>>
      tpu.wait_indirect_dma semaphore(%arg11 : memref<!tpu.dma_semaphore, #tpu.memory_space<semaphore_mem>>) src(%dma_wait3A_216 : memref<10000x128xf32, #tpu.memory_space<hbm>>) dst(%arg9 : memref<128x128xf32, #tpu.memory_space<vmem>>)
      %run_scoped3A_217 = arith.constant 5 : i32
      "tpu.region"() ({
        %run_scoped3A_257 = tpu.sem_alloc : memref<!tpu.dma_semaphore, #tpu.memory_space<semaphore_mem>>
        %dma_start3A_258 = arith.constant 0 : i32
        %dma_start3A_259 = tpu.memref_slice %arg7[%select_n3A_134, %run_scoped3A_217, %dma_start3A_258] : memref<2x8x128xi32, #tpu.memory_space<vmem>> -> memref<1x1x128xi32, #tpu.memory_space<vmem>>
        %dma_start3A_260 = tpu.memref_squeeze %dma_start3A_259 : memref<1x1x128xi32, #tpu.memory_space<vmem>> -> memref<128xi32, #tpu.memory_space<vmem>>
        %dma_start3A_261 = arith.constant 0 : i32
        %dma_start3A_262 = arith.constant 0 : i32
        %dma_start3A_263 = tpu.memref_slice %arg13[%dma_start3A_261, %dma_start3A_262] : memref<10016x128xf32, #tpu.memory_space<vmem_shared>> -> memref<10016x128xf32, #tpu.memory_space<vmem_shared>>
        tpu.enqueue_indirect_dma source(%arg9 : memref<128x128xf32, #tpu.memory_space<vmem>>) target(%dma_start3A_263 : memref<10016x128xf32, #tpu.memory_space<vmem_shared>>) offsets(%dma_start3A_260 : memref<128xi32, #tpu.memory_space<vmem>>) semaphore(%run_scoped3A_257 : memref<!tpu.dma_semaphore, #tpu.memory_space<semaphore_mem>>) {add = true}
        %dma_wait3A_264 = arith.constant 0 : i32
        %dma_wait3A_265 = tpu.memref_slice %arg7[%select_n3A_134, %run_scoped3A_217, %dma_wait3A_264] : memref<2x8x128xi32, #tpu.memory_space<vmem>> -> memref<1x1x128xi32, #tpu.memory_space<vmem>>
        %dma_wait3A_266 = tpu.memref_squeeze %dma_wait3A_265 : memref<1x1x128xi32, #tpu.memory_space<vmem>> -> memref<128xi32, #tpu.memory_space<vmem>>
        %dma_wait3A_267 = arith.constant 0 : i32
        %dma_wait3A_268 = arith.constant 0 : i32
        %dma_wait3A_269 = tpu.memref_slice %arg13[%dma_wait3A_267, %dma_wait3A_268] : memref<10016x128xf32, #tpu.memory_space<vmem_shared>> -> memref<10016x128xf32, #tpu.memory_space<vmem_shared>>
        tpu.wait_indirect_dma semaphore(%run_scoped3A_257 : memref<!tpu.dma_semaphore, #tpu.memory_space<semaphore_mem>>) src(%arg9 : memref<128x128xf32, #tpu.memory_space<vmem>>) dst(%dma_wait3A_269 : memref<10016x128xf32, #tpu.memory_space<vmem_shared>>)
        tpu.yield
      }) : () -> ()
      %dma_start3A_218 = arith.constant 7 : i32
      %dma_start3A_219 = arith.constant 0 : i32
      %dma_start3A_220 = tpu.memref_slice %arg6[%select_n3A_134, %dma_start3A_218, %dma_start3A_219] : memref<2x8x128xi32, #tpu.memory_space<vmem>> -> memref<1x1x128xi32, #tpu.memory_space<vmem>>
      %dma_start3A_221 = tpu.memref_squeeze %dma_start3A_220 : memref<1x1x128xi32, #tpu.memory_space<vmem>> -> memref<128xi32, #tpu.memory_space<vmem>>
      %dma_start3A_222 = arith.constant 0 : i32
      %dma_start3A_223 = arith.constant 0 : i32
      %dma_start3A_224 = tpu.memref_slice %arg2[%dma_start3A_222, %dma_start3A_223] : memref<10000x128xf32, #tpu.memory_space<hbm>> -> memref<10000x128xf32, #tpu.memory_space<hbm>>
      tpu.enqueue_indirect_dma source(%dma_start3A_224 : memref<10000x128xf32, #tpu.memory_space<hbm>>) target(%arg9 : memref<128x128xf32, #tpu.memory_space<vmem>>) offsets(%dma_start3A_221 : memref<128xi32, #tpu.memory_space<vmem>>) semaphore(%arg11 : memref<!tpu.dma_semaphore, #tpu.memory_space<semaphore_mem>>)
      %dma_wait3A_225 = arith.constant 6 : i32
      %dma_wait3A_226 = arith.constant 0 : i32
      %dma_wait3A_227 = tpu.memref_slice %arg6[%select_n3A_134, %dma_wait3A_225, %dma_wait3A_226] : memref<2x8x128xi32, #tpu.memory_space<vmem>> -> memref<1x1x128xi32, #tpu.memory_space<vmem>>
      %dma_wait3A_228 = tpu.memref_squeeze %dma_wait3A_227 : memref<1x1x128xi32, #tpu.memory_space<vmem>> -> memref<128xi32, #tpu.memory_space<vmem>>
      %dma_wait3A_229 = arith.constant 0 : i32
      %dma_wait3A_230 = arith.constant 0 : i32
      %dma_wait3A_231 = tpu.memref_slice %arg2[%dma_wait3A_229, %dma_wait3A_230] : memref<10000x128xf32, #tpu.memory_space<hbm>> -> memref<10000x128xf32, #tpu.memory_space<hbm>>
      tpu.wait_indirect_dma semaphore(%arg10 : memref<!tpu.dma_semaphore, #tpu.memory_space<semaphore_mem>>) src(%dma_wait3A_231 : memref<10000x128xf32, #tpu.memory_space<hbm>>) dst(%arg8 : memref<128x128xf32, #tpu.memory_space<vmem>>)
      %run_scoped3A_232 = arith.constant 6 : i32
      "tpu.region"() ({
        %run_scoped3A_257 = tpu.sem_alloc : memref<!tpu.dma_semaphore, #tpu.memory_space<semaphore_mem>>
        %dma_start3A_258 = arith.constant 0 : i32
        %dma_start3A_259 = tpu.memref_slice %arg7[%select_n3A_134, %run_scoped3A_232, %dma_start3A_258] : memref<2x8x128xi32, #tpu.memory_space<vmem>> -> memref<1x1x128xi32, #tpu.memory_space<vmem>>
        %dma_start3A_260 = tpu.memref_squeeze %dma_start3A_259 : memref<1x1x128xi32, #tpu.memory_space<vmem>> -> memref<128xi32, #tpu.memory_space<vmem>>
        %dma_start3A_261 = arith.constant 0 : i32
        %dma_start3A_262 = arith.constant 0 : i32
        %dma_start3A_263 = tpu.memref_slice %arg13[%dma_start3A_261, %dma_start3A_262] : memref<10016x128xf32, #tpu.memory_space<vmem_shared>> -> memref<10016x128xf32, #tpu.memory_space<vmem_shared>>
        tpu.enqueue_indirect_dma source(%arg8 : memref<128x128xf32, #tpu.memory_space<vmem>>) target(%dma_start3A_263 : memref<10016x128xf32, #tpu.memory_space<vmem_shared>>) offsets(%dma_start3A_260 : memref<128xi32, #tpu.memory_space<vmem>>) semaphore(%run_scoped3A_257 : memref<!tpu.dma_semaphore, #tpu.memory_space<semaphore_mem>>) {add = true}
        %dma_wait3A_264 = arith.constant 0 : i32
        %dma_wait3A_265 = tpu.memref_slice %arg7[%select_n3A_134, %run_scoped3A_232, %dma_wait3A_264] : memref<2x8x128xi32, #tpu.memory_space<vmem>> -> memref<1x1x128xi32, #tpu.memory_space<vmem>>
        %dma_wait3A_266 = tpu.memref_squeeze %dma_wait3A_265 : memref<1x1x128xi32, #tpu.memory_space<vmem>> -> memref<128xi32, #tpu.memory_space<vmem>>
        %dma_wait3A_267 = arith.constant 0 : i32
        %dma_wait3A_268 = arith.constant 0 : i32
        %dma_wait3A_269 = tpu.memref_slice %arg13[%dma_wait3A_267, %dma_wait3A_268] : memref<10016x128xf32, #tpu.memory_space<vmem_shared>> -> memref<10016x128xf32, #tpu.memory_space<vmem_shared>>
        tpu.wait_indirect_dma semaphore(%run_scoped3A_257 : memref<!tpu.dma_semaphore, #tpu.memory_space<semaphore_mem>>) src(%arg8 : memref<128x128xf32, #tpu.memory_space<vmem>>) dst(%dma_wait3A_269 : memref<10016x128xf32, #tpu.memory_space<vmem_shared>>)
        tpu.yield
      }) : () -> ()
      %lt3A_233 = arith.constant 9 : i32
      %lt3A_234 = arith.cmpi slt, %scan3A_123, %lt3A_233 : i32
      %convert_element_type3A_235 = arith.extui %lt3A_234 : i1 to i32
      %cond3A_236 = arith.constant 0 : i32
      %cond3A_237 = arith.cmpi ne, %convert_element_type3A_235, %cond3A_236 : i32
      scf.if %cond3A_237 {
        %add3A_257 = arith.constant 1 : i32
        %add3A_258 = arith.addi %scan3A_123, %add3A_257 : i32
        %mul3A_259 = arith.constant 8 : i32
        %mul3A_260 = arith.muli %add3A_258, %mul3A_259 : i32
        %add3A_261 = arith.addi %mul3A_2, %mul3A_260 : i32
        %dma_wait3A_262 = arith.constant 0 : i32
        %dma_wait3A_263 = arith.constant 0 : i32
        %dma_wait3A_264 = tpu.memref_slice %arg6[%sub3A_135, %dma_wait3A_262, %dma_wait3A_263] : memref<2x8x128xi32, #tpu.memory_space<vmem>> -> memref<1x8x128xi32, #tpu.memory_space<vmem>>
        %dma_wait3A_265 = tpu.memref_squeeze %dma_wait3A_264 : memref<1x8x128xi32, #tpu.memory_space<vmem>> -> memref<8x128xi32, #tpu.memory_space<vmem>>
        %dma_wait3A_266 = arith.constant 0 : i32
        %dma_wait3A_267 = tpu.memref_slice %arg3[%add3A_261, %dma_wait3A_266] : memref<2560x128xi32, #tpu.memory_space<hbm>> -> memref<8x128xi32, #tpu.memory_space<hbm>>
        %dma_wait3A_268 = arith.constant 0 : i32
        %dma_wait3A_269 = arith.constant 0 : i32
        %dma_wait3A_270 = tpu.memref_slice %arg6[%sub3A_135, %dma_wait3A_268, %dma_wait3A_269] : memref<2x8x128xi32, #tpu.memory_space<vmem>> -> memref<1x8x128xi32, #tpu.memory_space<vmem>>
        %dma_wait3A_271 = tpu.memref_squeeze %dma_wait3A_270 : memref<1x8x128xi32, #tpu.memory_space<vmem>> -> memref<8x128xi32, #tpu.memory_space<vmem>>
        %dma_wait3A_272 = arith.constant 0 : i32
        %dma_wait3A_273 = tpu.memref_slice %arg3[%add3A_261, %dma_wait3A_272] : memref<2560x128xi32, #tpu.memory_space<hbm>> -> memref<8x128xi32, #tpu.memory_space<hbm>>
        tpu.wait_dma2 semaphore(%arg12 : memref<!tpu.dma_semaphore, #tpu.memory_space<semaphore_mem>>) src(%dma_wait3A_273 : memref<8x128xi32, #tpu.memory_space<hbm>>) dst(%dma_wait3A_271 : memref<8x128xi32, #tpu.memory_space<vmem>>)
        %mul3A_274 = arith.constant 8 : i32
        %mul3A_275 = arith.muli %add3A_258, %mul3A_274 : i32
        %add3A_276 = arith.addi %mul3A_2, %mul3A_275 : i32
        %dma_wait3A_277 = arith.constant 0 : i32
        %dma_wait3A_278 = arith.constant 0 : i32
        %dma_wait3A_279 = tpu.memref_slice %arg7[%sub3A_135, %dma_wait3A_277, %dma_wait3A_278] : memref<2x8x128xi32, #tpu.memory_space<vmem>> -> memref<1x8x128xi32, #tpu.memory_space<vmem>>
        %dma_wait3A_280 = tpu.memref_squeeze %dma_wait3A_279 : memref<1x8x128xi32, #tpu.memory_space<vmem>> -> memref<8x128xi32, #tpu.memory_space<vmem>>
        %dma_wait3A_281 = arith.constant 0 : i32
        %dma_wait3A_282 = tpu.memref_slice %arg4[%add3A_276, %dma_wait3A_281] : memref<2560x128xi32, #tpu.memory_space<hbm>> -> memref<8x128xi32, #tpu.memory_space<hbm>>
        %dma_wait3A_283 = arith.constant 0 : i32
        %dma_wait3A_284 = arith.constant 0 : i32
        %dma_wait3A_285 = tpu.memref_slice %arg7[%sub3A_135, %dma_wait3A_283, %dma_wait3A_284] : memref<2x8x128xi32, #tpu.memory_space<vmem>> -> memref<1x8x128xi32, #tpu.memory_space<vmem>>
        %dma_wait3A_286 = tpu.memref_squeeze %dma_wait3A_285 : memref<1x8x128xi32, #tpu.memory_space<vmem>> -> memref<8x128xi32, #tpu.memory_space<vmem>>
        %dma_wait3A_287 = arith.constant 0 : i32
        %dma_wait3A_288 = tpu.memref_slice %arg4[%add3A_276, %dma_wait3A_287] : memref<2560x128xi32, #tpu.memory_space<hbm>> -> memref<8x128xi32, #tpu.memory_space<hbm>>
        tpu.wait_dma2 semaphore(%arg12 : memref<!tpu.dma_semaphore, #tpu.memory_space<semaphore_mem>>) src(%dma_wait3A_288 : memref<8x128xi32, #tpu.memory_space<hbm>>) dst(%dma_wait3A_286 : memref<8x128xi32, #tpu.memory_space<vmem>>)
        %dma_start3A_289 = arith.constant 0 : i32
        %dma_start3A_290 = arith.constant 0 : i32
        %dma_start3A_291 = tpu.memref_slice %arg6[%sub3A_135, %dma_start3A_289, %dma_start3A_290] : memref<2x8x128xi32, #tpu.memory_space<vmem>> -> memref<1x1x128xi32, #tpu.memory_space<vmem>>
        %dma_start3A_292 = tpu.memref_squeeze %dma_start3A_291 : memref<1x1x128xi32, #tpu.memory_space<vmem>> -> memref<128xi32, #tpu.memory_space<vmem>>
        %dma_start3A_293 = arith.constant 0 : i32
        %dma_start3A_294 = arith.constant 0 : i32
        %dma_start3A_295 = tpu.memref_slice %arg2[%dma_start3A_293, %dma_start3A_294] : memref<10000x128xf32, #tpu.memory_space<hbm>> -> memref<10000x128xf32, #tpu.memory_space<hbm>>
        tpu.enqueue_indirect_dma source(%dma_start3A_295 : memref<10000x128xf32, #tpu.memory_space<hbm>>) target(%arg8 : memref<128x128xf32, #tpu.memory_space<vmem>>) offsets(%dma_start3A_292 : memref<128xi32, #tpu.memory_space<vmem>>) semaphore(%arg10 : memref<!tpu.dma_semaphore, #tpu.memory_space<semaphore_mem>>)
      } else {
      }
      %dma_wait3A_238 = arith.constant 7 : i32
      %dma_wait3A_239 = arith.constant 0 : i32
      %dma_wait3A_240 = tpu.memref_slice %arg6[%select_n3A_134, %dma_wait3A_238, %dma_wait3A_239] : memref<2x8x128xi32, #tpu.memory_space<vmem>> -> memref<1x1x128xi32, #tpu.memory_space<vmem>>
      %dma_wait3A_241 = tpu.memref_squeeze %dma_wait3A_240 : memref<1x1x128xi32, #tpu.memory_space<vmem>> -> memref<128xi32, #tpu.memory_space<vmem>>
      %dma_wait3A_242 = arith.constant 0 : i32
      %dma_wait3A_243 = arith.constant 0 : i32
      %dma_wait3A_244 = tpu.memref_slice %arg2[%dma_wait3A_242, %dma_wait3A_243] : memref<10000x128xf32, #tpu.memory_space<hbm>> -> memref<10000x128xf32, #tpu.memory_space<hbm>>
      tpu.wait_indirect_dma semaphore(%arg11 : memref<!tpu.dma_semaphore, #tpu.memory_space<semaphore_mem>>) src(%dma_wait3A_244 : memref<10000x128xf32, #tpu.memory_space<hbm>>) dst(%arg9 : memref<128x128xf32, #tpu.memory_space<vmem>>)
      %run_scoped3A_245 = arith.constant 7 : i32
      "tpu.region"() ({
        %run_scoped3A_257 = tpu.sem_alloc : memref<!tpu.dma_semaphore, #tpu.memory_space<semaphore_mem>>
        %dma_start3A_258 = arith.constant 0 : i32
        %dma_start3A_259 = tpu.memref_slice %arg7[%select_n3A_134, %run_scoped3A_245, %dma_start3A_258] : memref<2x8x128xi32, #tpu.memory_space<vmem>> -> memref<1x1x128xi32, #tpu.memory_space<vmem>>
        %dma_start3A_260 = tpu.memref_squeeze %dma_start3A_259 : memref<1x1x128xi32, #tpu.memory_space<vmem>> -> memref<128xi32, #tpu.memory_space<vmem>>
        %dma_start3A_261 = arith.constant 0 : i32
        %dma_start3A_262 = arith.constant 0 : i32
        %dma_start3A_263 = tpu.memref_slice %arg13[%dma_start3A_261, %dma_start3A_262] : memref<10016x128xf32, #tpu.memory_space<vmem_shared>> -> memref<10016x128xf32, #tpu.memory_space<vmem_shared>>
        tpu.enqueue_indirect_dma source(%arg9 : memref<128x128xf32, #tpu.memory_space<vmem>>) target(%dma_start3A_263 : memref<10016x128xf32, #tpu.memory_space<vmem_shared>>) offsets(%dma_start3A_260 : memref<128xi32, #tpu.memory_space<vmem>>) semaphore(%run_scoped3A_257 : memref<!tpu.dma_semaphore, #tpu.memory_space<semaphore_mem>>) {add = true}
        %dma_wait3A_264 = arith.constant 0 : i32
        %dma_wait3A_265 = tpu.memref_slice %arg7[%select_n3A_134, %run_scoped3A_245, %dma_wait3A_264] : memref<2x8x128xi32, #tpu.memory_space<vmem>> -> memref<1x1x128xi32, #tpu.memory_space<vmem>>
        %dma_wait3A_266 = tpu.memref_squeeze %dma_wait3A_265 : memref<1x1x128xi32, #tpu.memory_space<vmem>> -> memref<128xi32, #tpu.memory_space<vmem>>
        %dma_wait3A_267 = arith.constant 0 : i32
        %dma_wait3A_268 = arith.constant 0 : i32
        %dma_wait3A_269 = tpu.memref_slice %arg13[%dma_wait3A_267, %dma_wait3A_268] : memref<10016x128xf32, #tpu.memory_space<vmem_shared>> -> memref<10016x128xf32, #tpu.memory_space<vmem_shared>>
        tpu.wait_indirect_dma semaphore(%run_scoped3A_257 : memref<!tpu.dma_semaphore, #tpu.memory_space<semaphore_mem>>) src(%arg9 : memref<128x128xf32, #tpu.memory_space<vmem>>) dst(%dma_wait3A_269 : memref<10016x128xf32, #tpu.memory_space<vmem_shared>>)
        tpu.yield
      }) : () -> ()
      %lt3A_246 = arith.constant 9 : i32
      %lt3A_247 = arith.cmpi slt, %scan3A_123, %lt3A_246 : i32
      %convert_element_type3A_248 = arith.extui %lt3A_247 : i1 to i32
      %cond3A_249 = arith.constant 0 : i32
      %cond3A_250 = arith.cmpi ne, %convert_element_type3A_248, %cond3A_249 : i32
      scf.if %cond3A_250 {
        %dma_start3A_257 = arith.constant 1 : i32
        %dma_start3A_258 = arith.constant 0 : i32
        %dma_start3A_259 = tpu.memref_slice %arg6[%sub3A_135, %dma_start3A_257, %dma_start3A_258] : memref<2x8x128xi32, #tpu.memory_space<vmem>> -> memref<1x1x128xi32, #tpu.memory_space<vmem>>
        %dma_start3A_260 = tpu.memref_squeeze %dma_start3A_259 : memref<1x1x128xi32, #tpu.memory_space<vmem>> -> memref<128xi32, #tpu.memory_space<vmem>>
        %dma_start3A_261 = arith.constant 0 : i32
        %dma_start3A_262 = arith.constant 0 : i32
        %dma_start3A_263 = tpu.memref_slice %arg2[%dma_start3A_261, %dma_start3A_262] : memref<10000x128xf32, #tpu.memory_space<hbm>> -> memref<10000x128xf32, #tpu.memory_space<hbm>>
        tpu.enqueue_indirect_dma source(%dma_start3A_263 : memref<10000x128xf32, #tpu.memory_space<hbm>>) target(%arg9 : memref<128x128xf32, #tpu.memory_space<vmem>>) offsets(%dma_start3A_260 : memref<128xi32, #tpu.memory_space<vmem>>) semaphore(%arg11 : memref<!tpu.dma_semaphore, #tpu.memory_space<semaphore_mem>>)
      } else {
      }
      %lt3A_251 = arith.constant 8 : i32
      %lt3A_252 = arith.cmpi slt, %scan3A_123, %lt3A_251 : i32
      %convert_element_type3A_253 = arith.extui %lt3A_252 : i1 to i32
      %cond3A_254 = arith.constant 0 : i32
      %cond3A_255 = arith.cmpi ne, %convert_element_type3A_253, %cond3A_254 : i32
      scf.if %cond3A_255 {
        %add3A_257 = arith.constant 2 : i32
        %add3A_258 = arith.addi %scan3A_123, %add3A_257 : i32
        %mul3A_259 = arith.constant 8 : i32
        %mul3A_260 = arith.muli %add3A_258, %mul3A_259 : i32
        %add3A_261 = arith.addi %mul3A_2, %mul3A_260 : i32
        %dma_start3A_262 = arith.constant 0 : i32
        %dma_start3A_263 = arith.constant 0 : i32
        %dma_start3A_264 = tpu.memref_slice %arg6[%select_n3A_134, %dma_start3A_262, %dma_start3A_263] : memref<2x8x128xi32, #tpu.memory_space<vmem>> -> memref<1x8x128xi32, #tpu.memory_space<vmem>>
        %dma_start3A_265 = tpu.memref_squeeze %dma_start3A_264 : memref<1x8x128xi32, #tpu.memory_space<vmem>> -> memref<8x128xi32, #tpu.memory_space<vmem>>
        %dma_start3A_266 = arith.constant 0 : i32
        %dma_start3A_267 = tpu.memref_slice %arg3[%add3A_261, %dma_start3A_266] : memref<2560x128xi32, #tpu.memory_space<hbm>> -> memref<8x128xi32, #tpu.memory_space<hbm>>
        %dma_start3A_268 = arith.constant 0 : i32
        %dma_start3A_269 = arith.constant 0 : i32
        %dma_start3A_270 = tpu.memref_slice %arg6[%select_n3A_134, %dma_start3A_268, %dma_start3A_269] : memref<2x8x128xi32, #tpu.memory_space<vmem>> -> memref<1x8x128xi32, #tpu.memory_space<vmem>>
        %dma_start3A_271 = tpu.memref_squeeze %dma_start3A_270 : memref<1x8x128xi32, #tpu.memory_space<vmem>> -> memref<8x128xi32, #tpu.memory_space<vmem>>
        %dma_start3A_272 = arith.constant 0 : i32
        %dma_start3A_273 = tpu.memref_slice %arg3[%add3A_261, %dma_start3A_272] : memref<2560x128xi32, #tpu.memory_space<hbm>> -> memref<8x128xi32, #tpu.memory_space<hbm>>
        tpu.enqueue_dma source(%dma_start3A_273 : memref<8x128xi32, #tpu.memory_space<hbm>>) target(%dma_start3A_271 : memref<8x128xi32, #tpu.memory_space<vmem>>) target_semaphore(%arg12 : memref<!tpu.dma_semaphore, #tpu.memory_space<semaphore_mem>>)
        %mul3A_274 = arith.constant 8 : i32
        %mul3A_275 = arith.muli %add3A_258, %mul3A_274 : i32
        %add3A_276 = arith.addi %mul3A_2, %mul3A_275 : i32
        %dma_start3A_277 = arith.constant 0 : i32
        %dma_start3A_278 = arith.constant 0 : i32
        %dma_start3A_279 = tpu.memref_slice %arg7[%select_n3A_134, %dma_start3A_277, %dma_start3A_278] : memref<2x8x128xi32, #tpu.memory_space<vmem>> -> memref<1x8x128xi32, #tpu.memory_space<vmem>>
        %dma_start3A_280 = tpu.memref_squeeze %dma_start3A_279 : memref<1x8x128xi32, #tpu.memory_space<vmem>> -> memref<8x128xi32, #tpu.memory_space<vmem>>
        %dma_start3A_281 = arith.constant 0 : i32
        %dma_start3A_282 = tpu.memref_slice %arg4[%add3A_276, %dma_start3A_281] : memref<2560x128xi32, #tpu.memory_space<hbm>> -> memref<8x128xi32, #tpu.memory_space<hbm>>
        %dma_start3A_283 = arith.constant 0 : i32
        %dma_start3A_284 = arith.constant 0 : i32
        %dma_start3A_285 = tpu.memref_slice %arg7[%select_n3A_134, %dma_start3A_283, %dma_start3A_284] : memref<2x8x128xi32, #tpu.memory_space<vmem>> -> memref<1x8x128xi32, #tpu.memory_space<vmem>>
        %dma_start3A_286 = tpu.memref_squeeze %dma_start3A_285 : memref<1x8x128xi32, #tpu.memory_space<vmem>> -> memref<8x128xi32, #tpu.memory_space<vmem>>
        %dma_start3A_287 = arith.constant 0 : i32
        %dma_start3A_288 = tpu.memref_slice %arg4[%add3A_276, %dma_start3A_287] : memref<2560x128xi32, #tpu.memory_space<hbm>> -> memref<8x128xi32, #tpu.memory_space<hbm>>
        tpu.enqueue_dma source(%dma_start3A_288 : memref<8x128xi32, #tpu.memory_space<hbm>>) target(%dma_start3A_286 : memref<8x128xi32, #tpu.memory_space<vmem>>) target_semaphore(%arg12 : memref<!tpu.dma_semaphore, #tpu.memory_space<semaphore_mem>>)
      } else {
      }
      %scan3A_256 = arith.constant 0 : i32
      scf.yield %scan3A_256 : i32
    }
    %scan3A_116 = arith.constant 10 : i32
    %barrier3A_117 = arith.constant 0 : index
    tpu.barrier barrier_id(%barrier3A_117)
    "tpu.region"() ({
      %run_scoped3A = tpu.sem_alloc : memref<!tpu.dma_semaphore, #tpu.memory_space<semaphore_mem>>
      %dma_start3A_123 = arith.constant 0 : i32
      %dma_start3A_124 = tpu.memref_slice %arg5[%arg0, %mul3A_4, %dma_start3A_123] : memref<2x10000x128xf32, #tpu.memory_space<hbm>> -> memref<1x624x128xf32, #tpu.memory_space<hbm>>
      %dma_start3A_125 = tpu.memref_squeeze %dma_start3A_124 : memref<1x624x128xf32, #tpu.memory_space<hbm>> -> memref<624x128xf32, #tpu.memory_space<hbm>>
      %dma_start3A_126 = arith.constant 0 : i32
      %dma_start3A_127 = tpu.memref_slice %arg13[%mul3A_4, %dma_start3A_126] : memref<10016x128xf32, #tpu.memory_space<vmem_shared>> -> memref<624x128xf32, #tpu.memory_space<vmem_shared>>
      tpu.enqueue_dma source(%dma_start3A_127 : memref<624x128xf32, #tpu.memory_space<vmem_shared>>) target(%dma_start3A_125 : memref<624x128xf32, #tpu.memory_space<hbm>>) target_semaphore(%run_scoped3A : memref<!tpu.dma_semaphore, #tpu.memory_space<semaphore_mem>>)
      %dma_wait3A_128 = arith.constant 0 : i32
      %dma_wait3A_129 = tpu.memref_slice %arg5[%arg0, %mul3A_4, %dma_wait3A_128] : memref<2x10000x128xf32, #tpu.memory_space<hbm>> -> memref<1x624x128xf32, #tpu.memory_space<hbm>>
      %dma_wait3A_130 = tpu.memref_squeeze %dma_wait3A_129 : memref<1x624x128xf32, #tpu.memory_space<hbm>> -> memref<624x128xf32, #tpu.memory_space<hbm>>
      %dma_wait3A_131 = arith.constant 0 : i32
      %dma_wait3A_132 = tpu.memref_slice %arg13[%mul3A_4, %dma_wait3A_131] : memref<10016x128xf32, #tpu.memory_space<vmem_shared>> -> memref<624x128xf32, #tpu.memory_space<vmem_shared>>
      tpu.wait_dma2 semaphore(%run_scoped3A : memref<!tpu.dma_semaphore, #tpu.memory_space<semaphore_mem>>) src(%dma_wait3A_132 : memref<624x128xf32, #tpu.memory_space<vmem_shared>>) dst(%dma_wait3A_130 : memref<624x128xf32, #tpu.memory_space<hbm>>)
      tpu.yield
    }) : () -> ()
    %eq3A_118 = arith.constant 15 : i32
    %eq3A_119 = arith.cmpi eq, %arg1, %eq3A_118 : i32
    %convert_element_type3A_120 = arith.extui %eq3A_119 : i1 to i32
    %cond3A_121 = arith.constant 0 : i32
    %cond3A_122 = arith.cmpi ne, %convert_element_type3A_120, %cond3A_121 : i32
    scf.if %cond3A_122 {
      "tpu.region"() ({
        %run_scoped3A = tpu.sem_alloc : memref<!tpu.dma_semaphore, #tpu.memory_space<semaphore_mem>>
        %dma_start3A_123 = arith.constant 9984 : i32
        %dma_start3A_124 = arith.constant 0 : i32
        %dma_start3A_125 = tpu.memref_slice %arg5[%arg0, %dma_start3A_123, %dma_start3A_124] : memref<2x10000x128xf32, #tpu.memory_space<hbm>> -> memref<1x16x128xf32, #tpu.memory_space<hbm>>
        %dma_start3A_126 = tpu.memref_squeeze %dma_start3A_125 : memref<1x16x128xf32, #tpu.memory_space<hbm>> -> memref<16x128xf32, #tpu.memory_space<hbm>>
        %dma_start3A_127 = arith.constant 9984 : i32
        %dma_start3A_128 = arith.constant 0 : i32
        %dma_start3A_129 = tpu.memref_slice %arg13[%dma_start3A_127, %dma_start3A_128] : memref<10016x128xf32, #tpu.memory_space<vmem_shared>> -> memref<16x128xf32, #tpu.memory_space<vmem_shared>>
        tpu.enqueue_dma source(%dma_start3A_129 : memref<16x128xf32, #tpu.memory_space<vmem_shared>>) target(%dma_start3A_126 : memref<16x128xf32, #tpu.memory_space<hbm>>) target_semaphore(%run_scoped3A : memref<!tpu.dma_semaphore, #tpu.memory_space<semaphore_mem>>)
        %dma_wait3A_130 = arith.constant 9984 : i32
        %dma_wait3A_131 = arith.constant 0 : i32
        %dma_wait3A_132 = tpu.memref_slice %arg5[%arg0, %dma_wait3A_130, %dma_wait3A_131] : memref<2x10000x128xf32, #tpu.memory_space<hbm>> -> memref<1x16x128xf32, #tpu.memory_space<hbm>>
        %dma_wait3A_133 = tpu.memref_squeeze %dma_wait3A_132 : memref<1x16x128xf32, #tpu.memory_space<hbm>> -> memref<16x128xf32, #tpu.memory_space<hbm>>
        %dma_wait3A_134 = arith.constant 9984 : i32
        %dma_wait3A_135 = arith.constant 0 : i32
        %dma_wait3A_136 = tpu.memref_slice %arg13[%dma_wait3A_134, %dma_wait3A_135] : memref<10016x128xf32, #tpu.memory_space<vmem_shared>> -> memref<16x128xf32, #tpu.memory_space<vmem_shared>>
        tpu.wait_dma2 semaphore(%run_scoped3A : memref<!tpu.dma_semaphore, #tpu.memory_space<semaphore_mem>>) src(%dma_wait3A_136 : memref<16x128xf32, #tpu.memory_space<vmem_shared>>) dst(%dma_wait3A_133 : memref<16x128xf32, #tpu.memory_space<hbm>>)
        tpu.yield
      }) : () -> ()
    } else {
    }
    return
  }
}

#map = affine_map<(d0, d1) -> (0, 0)>
#map1 = affine_map<(d0, d1) -> (0, 0, 0)>
module attributes {stable_mosaic.version = 14 : i64} {
  func.func @_agg_body(%arg0: i32, %arg1: i32, %arg2: memref<10000x128xf32, #tpu.memory_space<hbm>>, %arg3: memref<2560x128xi32, #tpu.memory_space<hbm>>, %arg4: memref<2560x128xi32, #tpu.memory_space<hbm>>, %arg5: memref<2x10000x128xf32, #tpu.memory_space<hbm>>, %arg6: memref<2x8x128xi32, #tpu.memory_space<vmem>>, %arg7: memref<2x8x128xi32, #tpu.memory_space<vmem>>, %arg8: memref<128x128xf32, #tpu.memory_space<vmem>>, %arg9: memref<128x128xf32, #tpu.memory_space<vmem>>, %arg10: memref<!tpu.dma_semaphore, #tpu.memory_space<semaphore_mem>>, %arg11: memref<!tpu.dma_semaphore, #tpu.memory_space<semaphore_mem>>, %arg12: memref<!tpu.dma_semaphore, #tpu.memory_space<semaphore_mem>>, %arg13: memref<10016x128xf32, #tpu.memory_space<vmem_shared>>) attributes {dimension_semantics = [#tpu.dimension_semantics<core_parallel>, #tpu.dimension_semantics<subcore_parallel>], iteration_bounds = array<i64: 2, 16>, scalar_prefetch = 0 : i64, scratch_operands = 8 : i64, tpu.core_type = #tpu.core_type<sc_vector_subcore>, window_params = [{transform_indices = #map}, {transform_indices = #map}, {transform_indices = #map}, {transform_indices = #map1}]} {
    %mul3A = arith.constant 16 : i32
    %mul3A_0 = arith.muli %arg0, %mul3A : i32
    %add3A = arith.addi %mul3A_0, %arg1 : i32
    %mul3A_1 = arith.constant 80 : i32
    %mul3A_2 = arith.muli %add3A, %mul3A_1 : i32
    %mul3A_3 = arith.constant 624 : i32
    %mul3A_4 = arith.muli %arg1, %mul3A_3 : i32
    "tpu.region"() ({
      %run_scoped3A = tpu.sem_alloc : memref<!tpu.dma_semaphore, #tpu.memory_space<semaphore_mem>>
      %dma_start3A_123 = arith.constant 0 : i32
      %dma_start3A_124 = tpu.memref_slice %arg13[%mul3A_4, %dma_start3A_123] : memref<10016x128xf32, #tpu.memory_space<vmem_shared>> -> memref<624x128xf32, #tpu.memory_space<vmem_shared>>
      %dma_start3A_125 = arith.constant 0 : i32
      %dma_start3A_126 = tpu.memref_slice %arg2[%mul3A_4, %dma_start3A_125] : memref<10000x128xf32, #tpu.memory_space<hbm>> -> memref<624x128xf32, #tpu.memory_space<hbm>>
      tpu.enqueue_dma source(%dma_start3A_126 : memref<624x128xf32, #tpu.memory_space<hbm>>) target(%dma_start3A_124 : memref<624x128xf32, #tpu.memory_space<vmem_shared>>) target_semaphore(%run_scoped3A : memref<!tpu.dma_semaphore, #tpu.memory_space<semaphore_mem>>)
      %dma_wait3A_127 = arith.constant 0 : i32
      %dma_wait3A_128 = tpu.memref_slice %arg13[%mul3A_4, %dma_wait3A_127] : memref<10016x128xf32, #tpu.memory_space<vmem_shared>> -> memref<624x128xf32, #tpu.memory_space<vmem_shared>>
      %dma_wait3A_129 = arith.constant 0 : i32
      %dma_wait3A_130 = tpu.memref_slice %arg2[%mul3A_4, %dma_wait3A_129] : memref<10000x128xf32, #tpu.memory_space<hbm>> -> memref<624x128xf32, #tpu.memory_space<hbm>>
      tpu.wait_dma2 semaphore(%run_scoped3A : memref<!tpu.dma_semaphore, #tpu.memory_space<semaphore_mem>>) src(%dma_wait3A_130 : memref<624x128xf32, #tpu.memory_space<hbm>>) dst(%dma_wait3A_128 : memref<624x128xf32, #tpu.memory_space<vmem_shared>>)
      tpu.yield
    }) : () -> ()
    %eq3A = arith.constant 15 : i32
    %eq3A_5 = arith.cmpi eq, %arg1, %eq3A : i32
    %convert_element_type3A = arith.extui %eq3A_5 : i1 to i32
    %cond3A = arith.constant 0 : i32
    %cond3A_6 = arith.cmpi ne, %convert_element_type3A, %cond3A : i32
    scf.if %cond3A_6 {
      "tpu.region"() ({
        %run_scoped3A = tpu.sem_alloc : memref<!tpu.dma_semaphore, #tpu.memory_space<semaphore_mem>>
        %dma_start3A_123 = arith.constant 9984 : i32
        %dma_start3A_124 = arith.constant 0 : i32
        %dma_start3A_125 = tpu.memref_slice %arg13[%dma_start3A_123, %dma_start3A_124] : memref<10016x128xf32, #tpu.memory_space<vmem_shared>> -> memref<16x128xf32, #tpu.memory_space<vmem_shared>>
        %dma_start3A_126 = arith.constant 9984 : i32
        %dma_start3A_127 = arith.constant 0 : i32
        %dma_start3A_128 = tpu.memref_slice %arg2[%dma_start3A_126, %dma_start3A_127] : memref<10000x128xf32, #tpu.memory_space<hbm>> -> memref<16x128xf32, #tpu.memory_space<hbm>>
        tpu.enqueue_dma source(%dma_start3A_128 : memref<16x128xf32, #tpu.memory_space<hbm>>) target(%dma_start3A_125 : memref<16x128xf32, #tpu.memory_space<vmem_shared>>) target_semaphore(%run_scoped3A : memref<!tpu.dma_semaphore, #tpu.memory_space<semaphore_mem>>)
        %dma_wait3A_129 = arith.constant 9984 : i32
        %dma_wait3A_130 = arith.constant 0 : i32
        %dma_wait3A_131 = tpu.memref_slice %arg13[%dma_wait3A_129, %dma_wait3A_130] : memref<10016x128xf32, #tpu.memory_space<vmem_shared>> -> memref<16x128xf32, #tpu.memory_space<vmem_shared>>
        %dma_wait3A_132 = arith.constant 9984 : i32
        %dma_wait3A_133 = arith.constant 0 : i32
        %dma_wait3A_134 = tpu.memref_slice %arg2[%dma_wait3A_132, %dma_wait3A_133] : memref<10000x128xf32, #tpu.memory_space<hbm>> -> memref<16x128xf32, #tpu.memory_space<hbm>>
        tpu.wait_dma2 semaphore(%run_scoped3A : memref<!tpu.dma_semaphore, #tpu.memory_space<semaphore_mem>>) src(%dma_wait3A_134 : memref<16x128xf32, #tpu.memory_space<hbm>>) dst(%dma_wait3A_131 : memref<16x128xf32, #tpu.memory_space<vmem_shared>>)
        tpu.yield
      }) : () -> ()
    } else {
    }
    %add3A_7 = arith.constant 0 : i32
    %add3A_8 = arith.addi %mul3A_2, %add3A_7 : i32
    %dma_start3A = arith.constant 0 : i32
    %dma_start3A_9 = arith.constant 0 : i32
    %dma_start3A_10 = arith.constant 0 : i32
    %dma_start3A_11 = tpu.memref_slice %arg6[%dma_start3A, %dma_start3A_9, %dma_start3A_10] : memref<2x8x128xi32, #tpu.memory_space<vmem>> -> memref<1x8x128xi32, #tpu.memory_space<vmem>>
    %dma_start3A_12 = tpu.memref_squeeze %dma_start3A_11 : memref<1x8x128xi32, #tpu.memory_space<vmem>> -> memref<8x128xi32, #tpu.memory_space<vmem>>
    %dma_start3A_13 = arith.constant 0 : i32
    %dma_start3A_14 = tpu.memref_slice %arg3[%add3A_8, %dma_start3A_13] : memref<2560x128xi32, #tpu.memory_space<hbm>> -> memref<8x128xi32, #tpu.memory_space<hbm>>
    %dma_start3A_15 = arith.constant 0 : i32
    %dma_start3A_16 = arith.constant 0 : i32
    %dma_start3A_17 = tpu.memref_slice %arg6[%dma_start3A, %dma_start3A_15, %dma_start3A_16] : memref<2x8x128xi32, #tpu.memory_space<vmem>> -> memref<1x8x128xi32, #tpu.memory_space<vmem>>
    %dma_start3A_18 = tpu.memref_squeeze %dma_start3A_17 : memref<1x8x128xi32, #tpu.memory_space<vmem>> -> memref<8x128xi32, #tpu.memory_space<vmem>>
    %dma_start3A_19 = arith.constant 0 : i32
    %dma_start3A_20 = tpu.memref_slice %arg3[%add3A_8, %dma_start3A_19] : memref<2560x128xi32, #tpu.memory_space<hbm>> -> memref<8x128xi32, #tpu.memory_space<hbm>>
    tpu.enqueue_dma source(%dma_start3A_20 : memref<8x128xi32, #tpu.memory_space<hbm>>) target(%dma_start3A_18 : memref<8x128xi32, #tpu.memory_space<vmem>>) target_semaphore(%arg12 : memref<!tpu.dma_semaphore, #tpu.memory_space<semaphore_mem>>)
    %add3A_21 = arith.constant 0 : i32
    %add3A_22 = arith.addi %mul3A_2, %add3A_21 : i32
    %dma_start3A_23 = arith.constant 0 : i32
    %dma_start3A_24 = arith.constant 0 : i32
    %dma_start3A_25 = arith.constant 0 : i32
    %dma_start3A_26 = tpu.memref_slice %arg7[%dma_start3A_23, %dma_start3A_24, %dma_start3A_25] : memref<2x8x128xi32, #tpu.memory_space<vmem>> -> memref<1x8x128xi32, #tpu.memory_space<vmem>>
    %dma_start3A_27 = tpu.memref_squeeze %dma_start3A_26 : memref<1x8x128xi32, #tpu.memory_space<vmem>> -> memref<8x128xi32, #tpu.memory_space<vmem>>
    %dma_start3A_28 = arith.constant 0 : i32
    %dma_start3A_29 = tpu.memref_slice %arg4[%add3A_22, %dma_start3A_28] : memref<2560x128xi32, #tpu.memory_space<hbm>> -> memref<8x128xi32, #tpu.memory_space<hbm>>
    %dma_start3A_30 = arith.constant 0 : i32
    %dma_start3A_31 = arith.constant 0 : i32
    %dma_start3A_32 = tpu.memref_slice %arg7[%dma_start3A_23, %dma_start3A_30, %dma_start3A_31] : memref<2x8x128xi32, #tpu.memory_space<vmem>> -> memref<1x8x128xi32, #tpu.memory_space<vmem>>
    %dma_start3A_33 = tpu.memref_squeeze %dma_start3A_32 : memref<1x8x128xi32, #tpu.memory_space<vmem>> -> memref<8x128xi32, #tpu.memory_space<vmem>>
    %dma_start3A_34 = arith.constant 0 : i32
    %dma_start3A_35 = tpu.memref_slice %arg4[%add3A_22, %dma_start3A_34] : memref<2560x128xi32, #tpu.memory_space<hbm>> -> memref<8x128xi32, #tpu.memory_space<hbm>>
    tpu.enqueue_dma source(%dma_start3A_35 : memref<8x128xi32, #tpu.memory_space<hbm>>) target(%dma_start3A_33 : memref<8x128xi32, #tpu.memory_space<vmem>>) target_semaphore(%arg12 : memref<!tpu.dma_semaphore, #tpu.memory_space<semaphore_mem>>)
    %add3A_36 = arith.constant 0 : i32
    %add3A_37 = arith.addi %mul3A_2, %add3A_36 : i32
    %dma_wait3A = arith.constant 0 : i32
    %dma_wait3A_38 = arith.constant 0 : i32
    %dma_wait3A_39 = arith.constant 0 : i32
    %dma_wait3A_40 = tpu.memref_slice %arg6[%dma_wait3A, %dma_wait3A_38, %dma_wait3A_39] : memref<2x8x128xi32, #tpu.memory_space<vmem>> -> memref<1x8x128xi32, #tpu.memory_space<vmem>>
    %dma_wait3A_41 = tpu.memref_squeeze %dma_wait3A_40 : memref<1x8x128xi32, #tpu.memory_space<vmem>> -> memref<8x128xi32, #tpu.memory_space<vmem>>
    %dma_wait3A_42 = arith.constant 0 : i32
    %dma_wait3A_43 = tpu.memref_slice %arg3[%add3A_37, %dma_wait3A_42] : memref<2560x128xi32, #tpu.memory_space<hbm>> -> memref<8x128xi32, #tpu.memory_space<hbm>>
    %dma_wait3A_44 = arith.constant 0 : i32
    %dma_wait3A_45 = arith.constant 0 : i32
    %dma_wait3A_46 = tpu.memref_slice %arg6[%dma_wait3A, %dma_wait3A_44, %dma_wait3A_45] : memref<2x8x128xi32, #tpu.memory_space<vmem>> -> memref<1x8x128xi32, #tpu.memory_space<vmem>>
    %dma_wait3A_47 = tpu.memref_squeeze %dma_wait3A_46 : memref<1x8x128xi32, #tpu.memory_space<vmem>> -> memref<8x128xi32, #tpu.memory_space<vmem>>
    %dma_wait3A_48 = arith.constant 0 : i32
    %dma_wait3A_49 = tpu.memref_slice %arg3[%add3A_37, %dma_wait3A_48] : memref<2560x128xi32, #tpu.memory_space<hbm>> -> memref<8x128xi32, #tpu.memory_space<hbm>>
    tpu.wait_dma2 semaphore(%arg12 : memref<!tpu.dma_semaphore, #tpu.memory_space<semaphore_mem>>) src(%dma_wait3A_49 : memref<8x128xi32, #tpu.memory_space<hbm>>) dst(%dma_wait3A_47 : memref<8x128xi32, #tpu.memory_space<vmem>>)
    %add3A_50 = arith.constant 0 : i32
    %add3A_51 = arith.addi %mul3A_2, %add3A_50 : i32
    %dma_wait3A_52 = arith.constant 0 : i32
    %dma_wait3A_53 = arith.constant 0 : i32
    %dma_wait3A_54 = arith.constant 0 : i32
    %dma_wait3A_55 = tpu.memref_slice %arg7[%dma_wait3A_52, %dma_wait3A_53, %dma_wait3A_54] : memref<2x8x128xi32, #tpu.memory_space<vmem>> -> memref<1x8x128xi32, #tpu.memory_space<vmem>>
    %dma_wait3A_56 = tpu.memref_squeeze %dma_wait3A_55 : memref<1x8x128xi32, #tpu.memory_space<vmem>> -> memref<8x128xi32, #tpu.memory_space<vmem>>
    %dma_wait3A_57 = arith.constant 0 : i32
    %dma_wait3A_58 = tpu.memref_slice %arg4[%add3A_51, %dma_wait3A_57] : memref<2560x128xi32, #tpu.memory_space<hbm>> -> memref<8x128xi32, #tpu.memory_space<hbm>>
    %dma_wait3A_59 = arith.constant 0 : i32
    %dma_wait3A_60 = arith.constant 0 : i32
    %dma_wait3A_61 = tpu.memref_slice %arg7[%dma_wait3A_52, %dma_wait3A_59, %dma_wait3A_60] : memref<2x8x128xi32, #tpu.memory_space<vmem>> -> memref<1x8x128xi32, #tpu.memory_space<vmem>>
    %dma_wait3A_62 = tpu.memref_squeeze %dma_wait3A_61 : memref<1x8x128xi32, #tpu.memory_space<vmem>> -> memref<8x128xi32, #tpu.memory_space<vmem>>
    %dma_wait3A_63 = arith.constant 0 : i32
    %dma_wait3A_64 = tpu.memref_slice %arg4[%add3A_51, %dma_wait3A_63] : memref<2560x128xi32, #tpu.memory_space<hbm>> -> memref<8x128xi32, #tpu.memory_space<hbm>>
    tpu.wait_dma2 semaphore(%arg12 : memref<!tpu.dma_semaphore, #tpu.memory_space<semaphore_mem>>) src(%dma_wait3A_64 : memref<8x128xi32, #tpu.memory_space<hbm>>) dst(%dma_wait3A_62 : memref<8x128xi32, #tpu.memory_space<vmem>>)
    %add3A_65 = arith.constant 8 : i32
    %add3A_66 = arith.addi %mul3A_2, %add3A_65 : i32
    %dma_start3A_67 = arith.constant 1 : i32
    %dma_start3A_68 = arith.constant 0 : i32
    %dma_start3A_69 = arith.constant 0 : i32
    %dma_start3A_70 = tpu.memref_slice %arg6[%dma_start3A_67, %dma_start3A_68, %dma_start3A_69] : memref<2x8x128xi32, #tpu.memory_space<vmem>> -> memref<1x8x128xi32, #tpu.memory_space<vmem>>
    %dma_start3A_71 = tpu.memref_squeeze %dma_start3A_70 : memref<1x8x128xi32, #tpu.memory_space<vmem>> -> memref<8x128xi32, #tpu.memory_space<vmem>>
    %dma_start3A_72 = arith.constant 0 : i32
    %dma_start3A_73 = tpu.memref_slice %arg3[%add3A_66, %dma_start3A_72] : memref<2560x128xi32, #tpu.memory_space<hbm>> -> memref<8x128xi32, #tpu.memory_space<hbm>>
    %dma_start3A_74 = arith.constant 0 : i32
    %dma_start3A_75 = arith.constant 0 : i32
    %dma_start3A_76 = tpu.memref_slice %arg6[%dma_start3A_67, %dma_start3A_74, %dma_start3A_75] : memref<2x8x128xi32, #tpu.memory_space<vmem>> -> memref<1x8x128xi32, #tpu.memory_space<vmem>>
    %dma_start3A_77 = tpu.memref_squeeze %dma_start3A_76 : memref<1x8x128xi32, #tpu.memory_space<vmem>> -> memref<8x128xi32, #tpu.memory_space<vmem>>
    %dma_start3A_78 = arith.constant 0 : i32
    %dma_start3A_79 = tpu.memref_slice %arg3[%add3A_66, %dma_start3A_78] : memref<2560x128xi32, #tpu.memory_space<hbm>> -> memref<8x128xi32, #tpu.memory_space<hbm>>
    tpu.enqueue_dma source(%dma_start3A_79 : memref<8x128xi32, #tpu.memory_space<hbm>>) target(%dma_start3A_77 : memref<8x128xi32, #tpu.memory_space<vmem>>) target_semaphore(%arg12 : memref<!tpu.dma_semaphore, #tpu.memory_space<semaphore_mem>>)
    %add3A_80 = arith.constant 8 : i32
    %add3A_81 = arith.addi %mul3A_2, %add3A_80 : i32
    %dma_start3A_82 = arith.constant 1 : i32
    %dma_start3A_83 = arith.constant 0 : i32
    %dma_start3A_84 = arith.constant 0 : i32
    %dma_start3A_85 = tpu.memref_slice %arg7[%dma_start3A_82, %dma_start3A_83, %dma_start3A_84] : memref<2x8x128xi32, #tpu.memory_space<vmem>> -> memref<1x8x128xi32, #tpu.memory_space<vmem>>
    %dma_start3A_86 = tpu.memref_squeeze %dma_start3A_85 : memref<1x8x128xi32, #tpu.memory_space<vmem>> -> memref<8x128xi32, #tpu.memory_space<vmem>>
    %dma_start3A_87 = arith.constant 0 : i32
    %dma_start3A_88 = tpu.memref_slice %arg4[%add3A_81, %dma_start3A_87] : memref<2560x128xi32, #tpu.memory_space<hbm>> -> memref<8x128xi32, #tpu.memory_space<hbm>>
    %dma_start3A_89 = arith.constant 0 : i32
    %dma_start3A_90 = arith.constant 0 : i32
    %dma_start3A_91 = tpu.memref_slice %arg7[%dma_start3A_82, %dma_start3A_89, %dma_start3A_90] : memref<2x8x128xi32, #tpu.memory_space<vmem>> -> memref<1x8x128xi32, #tpu.memory_space<vmem>>
    %dma_start3A_92 = tpu.memref_squeeze %dma_start3A_91 : memref<1x8x128xi32, #tpu.memory_space<vmem>> -> memref<8x128xi32, #tpu.memory_space<vmem>>
    %dma_start3A_93 = arith.constant 0 : i32
    %dma_start3A_94 = tpu.memref_slice %arg4[%add3A_81, %dma_start3A_93] : memref<2560x128xi32, #tpu.memory_space<hbm>> -> memref<8x128xi32, #tpu.memory_space<hbm>>
    tpu.enqueue_dma source(%dma_start3A_94 : memref<8x128xi32, #tpu.memory_space<hbm>>) target(%dma_start3A_92 : memref<8x128xi32, #tpu.memory_space<vmem>>) target_semaphore(%arg12 : memref<!tpu.dma_semaphore, #tpu.memory_space<semaphore_mem>>)
    %barrier3A = arith.constant 0 : index
    tpu.barrier barrier_id(%barrier3A)
    %dma_start3A_95 = arith.constant 0 : i32
    %dma_start3A_96 = arith.constant 0 : i32
    %dma_start3A_97 = arith.constant 0 : i32
    %dma_start3A_98 = tpu.memref_slice %arg6[%dma_start3A_95, %dma_start3A_96, %dma_start3A_97] : memref<2x8x128xi32, #tpu.memory_space<vmem>> -> memref<1x1x128xi32, #tpu.memory_space<vmem>>
    %dma_start3A_99 = tpu.memref_squeeze %dma_start3A_98 : memref<1x1x128xi32, #tpu.memory_space<vmem>> -> memref<128xi32, #tpu.memory_space<vmem>>
    %dma_start3A_100 = arith.constant 0 : i32
    %dma_start3A_101 = arith.constant 0 : i32
    %dma_start3A_102 = tpu.memref_slice %arg2[%dma_start3A_100, %dma_start3A_101] : memref<10000x128xf32, #tpu.memory_space<hbm>> -> memref<10000x128xf32, #tpu.memory_space<hbm>>
    tpu.enqueue_indirect_dma source(%dma_start3A_102 : memref<10000x128xf32, #tpu.memory_space<hbm>>) target(%arg8 : memref<128x128xf32, #tpu.memory_space<vmem>>) offsets(%dma_start3A_99 : memref<128xi32, #tpu.memory_space<vmem>>) semaphore(%arg10 : memref<!tpu.dma_semaphore, #tpu.memory_space<semaphore_mem>>)
    %dma_start3A_103 = arith.constant 0 : i32
    %dma_start3A_104 = arith.constant 1 : i32
    %dma_start3A_105 = arith.constant 0 : i32
    %dma_start3A_106 = tpu.memref_slice %arg6[%dma_start3A_103, %dma_start3A_104, %dma_start3A_105] : memref<2x8x128xi32, #tpu.memory_space<vmem>> -> memref<1x1x128xi32, #tpu.memory_space<vmem>>
    %dma_start3A_107 = tpu.memref_squeeze %dma_start3A_106 : memref<1x1x128xi32, #tpu.memory_space<vmem>> -> memref<128xi32, #tpu.memory_space<vmem>>
    %dma_start3A_108 = arith.constant 0 : i32
    %dma_start3A_109 = arith.constant 0 : i32
    %dma_start3A_110 = tpu.memref_slice %arg2[%dma_start3A_108, %dma_start3A_109] : memref<10000x128xf32, #tpu.memory_space<hbm>> -> memref<10000x128xf32, #tpu.memory_space<hbm>>
    tpu.enqueue_indirect_dma source(%dma_start3A_110 : memref<10000x128xf32, #tpu.memory_space<hbm>>) target(%arg9 : memref<128x128xf32, #tpu.memory_space<vmem>>) offsets(%dma_start3A_107 : memref<128xi32, #tpu.memory_space<vmem>>) semaphore(%arg11 : memref<!tpu.dma_semaphore, #tpu.memory_space<semaphore_mem>>)
    %scan3A = arith.constant 0 : i32
    %scan3A_111 = arith.constant 0 : i32
    %scan3A_112 = arith.constant 10 : i32
    %scan3A_113 = arith.addi %scan3A_111, %scan3A_112 : i32
    %scan3A_114 = arith.constant 1 : i32
    %scan3A_115 = scf.for %scan3A_123 = %scan3A_111 to %scan3A_113 step %scan3A_114 iter_args(%scan3A_124 = %scan3A) -> (i32)  : i32 {
      %jit3A = arith.constant 2 : i32
      %eq3A_125 = arith.constant 0 : i32
      %eq3A_126 = arith.cmpi eq, %jit3A, %eq3A_125 : i32
      %jit3A_127 = arith.constant 1 : i32
      %select_n3A = arith.select %eq3A_126, %jit3A_127, %jit3A : i32
      %rem3A = arith.remsi %scan3A_123, %select_n3A : i32
      %ne3A = arith.constant 0 : i32
      %ne3A_128 = arith.cmpi ne, %rem3A, %ne3A : i32
      %lt3A = arith.constant 0 : i32
      %lt3A_129 = arith.cmpi slt, %rem3A, %lt3A : i32
      %lt3A_130 = arith.constant 0 : i32
      %lt3A_131 = arith.cmpi slt, %select_n3A, %lt3A_130 : i32
      %ne3A_132 = arith.xori %lt3A_129, %lt3A_131 : i1
      %and3A = arith.andi %ne3A_132, %ne3A_128 : i1
      %add3A_133 = arith.addi %rem3A, %select_n3A : i32
      %select_n3A_134 = arith.select %and3A, %add3A_133, %rem3A : i32
      %sub3A = arith.constant 1 : i32
      %sub3A_135 = arith.subi %sub3A, %select_n3A_134 : i32
      %dma_wait3A_136 = arith.constant 0 : i32
      %dma_wait3A_137 = arith.constant 0 : i32
      %dma_wait3A_138 = tpu.memref_slice %arg6[%select_n3A_134, %dma_wait3A_136, %dma_wait3A_137] : memref<2x8x128xi32, #tpu.memory_space<vmem>> -> memref<1x1x128xi32, #tpu.memory_space<vmem>>
      %dma_wait3A_139 = tpu.memref_squeeze %dma_wait3A_138 : memref<1x1x128xi32, #tpu.memory_space<vmem>> -> memref<128xi32, #tpu.memory_space<vmem>>
      %dma_wait3A_140 = arith.constant 0 : i32
      %dma_wait3A_141 = arith.constant 0 : i32
      %dma_wait3A_142 = tpu.memref_slice %arg2[%dma_wait3A_140, %dma_wait3A_141] : memref<10000x128xf32, #tpu.memory_space<hbm>> -> memref<10000x128xf32, #tpu.memory_space<hbm>>
      tpu.wait_indirect_dma semaphore(%arg10 : memref<!tpu.dma_semaphore, #tpu.memory_space<semaphore_mem>>) src(%dma_wait3A_142 : memref<10000x128xf32, #tpu.memory_space<hbm>>) dst(%arg8 : memref<128x128xf32, #tpu.memory_space<vmem>>)
      %run_scoped3A = arith.constant 0 : i32
      "tpu.region"() ({
        %run_scoped3A_257 = tpu.sem_alloc : memref<!tpu.dma_semaphore, #tpu.memory_space<semaphore_mem>>
        %dma_start3A_258 = arith.constant 0 : i32
        %dma_start3A_259 = tpu.memref_slice %arg7[%select_n3A_134, %run_scoped3A, %dma_start3A_258] : memref<2x8x128xi32, #tpu.memory_space<vmem>> -> memref<1x1x128xi32, #tpu.memory_space<vmem>>
        %dma_start3A_260 = tpu.memref_squeeze %dma_start3A_259 : memref<1x1x128xi32, #tpu.memory_space<vmem>> -> memref<128xi32, #tpu.memory_space<vmem>>
        %dma_start3A_261 = arith.constant 0 : i32
        %dma_start3A_262 = arith.constant 0 : i32
        %dma_start3A_263 = tpu.memref_slice %arg13[%dma_start3A_261, %dma_start3A_262] : memref<10016x128xf32, #tpu.memory_space<vmem_shared>> -> memref<10016x128xf32, #tpu.memory_space<vmem_shared>>
        tpu.enqueue_indirect_dma source(%arg8 : memref<128x128xf32, #tpu.memory_space<vmem>>) target(%dma_start3A_263 : memref<10016x128xf32, #tpu.memory_space<vmem_shared>>) offsets(%dma_start3A_260 : memref<128xi32, #tpu.memory_space<vmem>>) semaphore(%run_scoped3A_257 : memref<!tpu.dma_semaphore, #tpu.memory_space<semaphore_mem>>) {add = true}
        %dma_wait3A_264 = arith.constant 0 : i32
        %dma_wait3A_265 = tpu.memref_slice %arg7[%select_n3A_134, %run_scoped3A, %dma_wait3A_264] : memref<2x8x128xi32, #tpu.memory_space<vmem>> -> memref<1x1x128xi32, #tpu.memory_space<vmem>>
        %dma_wait3A_266 = tpu.memref_squeeze %dma_wait3A_265 : memref<1x1x128xi32, #tpu.memory_space<vmem>> -> memref<128xi32, #tpu.memory_space<vmem>>
        %dma_wait3A_267 = arith.constant 0 : i32
        %dma_wait3A_268 = arith.constant 0 : i32
        %dma_wait3A_269 = tpu.memref_slice %arg13[%dma_wait3A_267, %dma_wait3A_268] : memref<10016x128xf32, #tpu.memory_space<vmem_shared>> -> memref<10016x128xf32, #tpu.memory_space<vmem_shared>>
        tpu.wait_indirect_dma semaphore(%run_scoped3A_257 : memref<!tpu.dma_semaphore, #tpu.memory_space<semaphore_mem>>) src(%arg8 : memref<128x128xf32, #tpu.memory_space<vmem>>) dst(%dma_wait3A_269 : memref<10016x128xf32, #tpu.memory_space<vmem_shared>>)
        tpu.yield
      }) : () -> ()
      %dma_start3A_143 = arith.constant 2 : i32
      %dma_start3A_144 = arith.constant 0 : i32
      %dma_start3A_145 = tpu.memref_slice %arg6[%select_n3A_134, %dma_start3A_143, %dma_start3A_144] : memref<2x8x128xi32, #tpu.memory_space<vmem>> -> memref<1x1x128xi32, #tpu.memory_space<vmem>>
      %dma_start3A_146 = tpu.memref_squeeze %dma_start3A_145 : memref<1x1x128xi32, #tpu.memory_space<vmem>> -> memref<128xi32, #tpu.memory_space<vmem>>
      %dma_start3A_147 = arith.constant 0 : i32
      %dma_start3A_148 = arith.constant 0 : i32
      %dma_start3A_149 = tpu.memref_slice %arg2[%dma_start3A_147, %dma_start3A_148] : memref<10000x128xf32, #tpu.memory_space<hbm>> -> memref<10000x128xf32, #tpu.memory_space<hbm>>
      tpu.enqueue_indirect_dma source(%dma_start3A_149 : memref<10000x128xf32, #tpu.memory_space<hbm>>) target(%arg8 : memref<128x128xf32, #tpu.memory_space<vmem>>) offsets(%dma_start3A_146 : memref<128xi32, #tpu.memory_space<vmem>>) semaphore(%arg10 : memref<!tpu.dma_semaphore, #tpu.memory_space<semaphore_mem>>)
      %dma_wait3A_150 = arith.constant 1 : i32
      %dma_wait3A_151 = arith.constant 0 : i32
      %dma_wait3A_152 = tpu.memref_slice %arg6[%select_n3A_134, %dma_wait3A_150, %dma_wait3A_151] : memref<2x8x128xi32, #tpu.memory_space<vmem>> -> memref<1x1x128xi32, #tpu.memory_space<vmem>>
      %dma_wait3A_153 = tpu.memref_squeeze %dma_wait3A_152 : memref<1x1x128xi32, #tpu.memory_space<vmem>> -> memref<128xi32, #tpu.memory_space<vmem>>
      %dma_wait3A_154 = arith.constant 0 : i32
      %dma_wait3A_155 = arith.constant 0 : i32
      %dma_wait3A_156 = tpu.memref_slice %arg2[%dma_wait3A_154, %dma_wait3A_155] : memref<10000x128xf32, #tpu.memory_space<hbm>> -> memref<10000x128xf32, #tpu.memory_space<hbm>>
      tpu.wait_indirect_dma semaphore(%arg11 : memref<!tpu.dma_semaphore, #tpu.memory_space<semaphore_mem>>) src(%dma_wait3A_156 : memref<10000x128xf32, #tpu.memory_space<hbm>>) dst(%arg9 : memref<128x128xf32, #tpu.memory_space<vmem>>)
      %run_scoped3A_157 = arith.constant 1 : i32
      "tpu.region"() ({
        %run_scoped3A_257 = tpu.sem_alloc : memref<!tpu.dma_semaphore, #tpu.memory_space<semaphore_mem>>
        %dma_start3A_258 = arith.constant 0 : i32
        %dma_start3A_259 = tpu.memref_slice %arg7[%select_n3A_134, %run_scoped3A_157, %dma_start3A_258] : memref<2x8x128xi32, #tpu.memory_space<vmem>> -> memref<1x1x128xi32, #tpu.memory_space<vmem>>
        %dma_start3A_260 = tpu.memref_squeeze %dma_start3A_259 : memref<1x1x128xi32, #tpu.memory_space<vmem>> -> memref<128xi32, #tpu.memory_space<vmem>>
        %dma_start3A_261 = arith.constant 0 : i32
        %dma_start3A_262 = arith.constant 0 : i32
        %dma_start3A_263 = tpu.memref_slice %arg13[%dma_start3A_261, %dma_start3A_262] : memref<10016x128xf32, #tpu.memory_space<vmem_shared>> -> memref<10016x128xf32, #tpu.memory_space<vmem_shared>>
        tpu.enqueue_indirect_dma source(%arg9 : memref<128x128xf32, #tpu.memory_space<vmem>>) target(%dma_start3A_263 : memref<10016x128xf32, #tpu.memory_space<vmem_shared>>) offsets(%dma_start3A_260 : memref<128xi32, #tpu.memory_space<vmem>>) semaphore(%run_scoped3A_257 : memref<!tpu.dma_semaphore, #tpu.memory_space<semaphore_mem>>) {add = true}
        %dma_wait3A_264 = arith.constant 0 : i32
        %dma_wait3A_265 = tpu.memref_slice %arg7[%select_n3A_134, %run_scoped3A_157, %dma_wait3A_264] : memref<2x8x128xi32, #tpu.memory_space<vmem>> -> memref<1x1x128xi32, #tpu.memory_space<vmem>>
        %dma_wait3A_266 = tpu.memref_squeeze %dma_wait3A_265 : memref<1x1x128xi32, #tpu.memory_space<vmem>> -> memref<128xi32, #tpu.memory_space<vmem>>
        %dma_wait3A_267 = arith.constant 0 : i32
        %dma_wait3A_268 = arith.constant 0 : i32
        %dma_wait3A_269 = tpu.memref_slice %arg13[%dma_wait3A_267, %dma_wait3A_268] : memref<10016x128xf32, #tpu.memory_space<vmem_shared>> -> memref<10016x128xf32, #tpu.memory_space<vmem_shared>>
        tpu.wait_indirect_dma semaphore(%run_scoped3A_257 : memref<!tpu.dma_semaphore, #tpu.memory_space<semaphore_mem>>) src(%arg9 : memref<128x128xf32, #tpu.memory_space<vmem>>) dst(%dma_wait3A_269 : memref<10016x128xf32, #tpu.memory_space<vmem_shared>>)
        tpu.yield
      }) : () -> ()
      %dma_start3A_158 = arith.constant 3 : i32
      %dma_start3A_159 = arith.constant 0 : i32
      %dma_start3A_160 = tpu.memref_slice %arg6[%select_n3A_134, %dma_start3A_158, %dma_start3A_159] : memref<2x8x128xi32, #tpu.memory_space<vmem>> -> memref<1x1x128xi32, #tpu.memory_space<vmem>>
      %dma_start3A_161 = tpu.memref_squeeze %dma_start3A_160 : memref<1x1x128xi32, #tpu.memory_space<vmem>> -> memref<128xi32, #tpu.memory_space<vmem>>
      %dma_start3A_162 = arith.constant 0 : i32
      %dma_start3A_163 = arith.constant 0 : i32
      %dma_start3A_164 = tpu.memref_slice %arg2[%dma_start3A_162, %dma_start3A_163] : memref<10000x128xf32, #tpu.memory_space<hbm>> -> memref<10000x128xf32, #tpu.memory_space<hbm>>
      tpu.enqueue_indirect_dma source(%dma_start3A_164 : memref<10000x128xf32, #tpu.memory_space<hbm>>) target(%arg9 : memref<128x128xf32, #tpu.memory_space<vmem>>) offsets(%dma_start3A_161 : memref<128xi32, #tpu.memory_space<vmem>>) semaphore(%arg11 : memref<!tpu.dma_semaphore, #tpu.memory_space<semaphore_mem>>)
      %dma_wait3A_165 = arith.constant 2 : i32
      %dma_wait3A_166 = arith.constant 0 : i32
      %dma_wait3A_167 = tpu.memref_slice %arg6[%select_n3A_134, %dma_wait3A_165, %dma_wait3A_166] : memref<2x8x128xi32, #tpu.memory_space<vmem>> -> memref<1x1x128xi32, #tpu.memory_space<vmem>>
      %dma_wait3A_168 = tpu.memref_squeeze %dma_wait3A_167 : memref<1x1x128xi32, #tpu.memory_space<vmem>> -> memref<128xi32, #tpu.memory_space<vmem>>
      %dma_wait3A_169 = arith.constant 0 : i32
      %dma_wait3A_170 = arith.constant 0 : i32
      %dma_wait3A_171 = tpu.memref_slice %arg2[%dma_wait3A_169, %dma_wait3A_170] : memref<10000x128xf32, #tpu.memory_space<hbm>> -> memref<10000x128xf32, #tpu.memory_space<hbm>>
      tpu.wait_indirect_dma semaphore(%arg10 : memref<!tpu.dma_semaphore, #tpu.memory_space<semaphore_mem>>) src(%dma_wait3A_171 : memref<10000x128xf32, #tpu.memory_space<hbm>>) dst(%arg8 : memref<128x128xf32, #tpu.memory_space<vmem>>)
      %run_scoped3A_172 = arith.constant 2 : i32
      "tpu.region"() ({
        %run_scoped3A_257 = tpu.sem_alloc : memref<!tpu.dma_semaphore, #tpu.memory_space<semaphore_mem>>
        %dma_start3A_258 = arith.constant 0 : i32
        %dma_start3A_259 = tpu.memref_slice %arg7[%select_n3A_134, %run_scoped3A_172, %dma_start3A_258] : memref<2x8x128xi32, #tpu.memory_space<vmem>> -> memref<1x1x128xi32, #tpu.memory_space<vmem>>
        %dma_start3A_260 = tpu.memref_squeeze %dma_start3A_259 : memref<1x1x128xi32, #tpu.memory_space<vmem>> -> memref<128xi32, #tpu.memory_space<vmem>>
        %dma_start3A_261 = arith.constant 0 : i32
        %dma_start3A_262 = arith.constant 0 : i32
        %dma_start3A_263 = tpu.memref_slice %arg13[%dma_start3A_261, %dma_start3A_262] : memref<10016x128xf32, #tpu.memory_space<vmem_shared>> -> memref<10016x128xf32, #tpu.memory_space<vmem_shared>>
        tpu.enqueue_indirect_dma source(%arg8 : memref<128x128xf32, #tpu.memory_space<vmem>>) target(%dma_start3A_263 : memref<10016x128xf32, #tpu.memory_space<vmem_shared>>) offsets(%dma_start3A_260 : memref<128xi32, #tpu.memory_space<vmem>>) semaphore(%run_scoped3A_257 : memref<!tpu.dma_semaphore, #tpu.memory_space<semaphore_mem>>) {add = true}
        %dma_wait3A_264 = arith.constant 0 : i32
        %dma_wait3A_265 = tpu.memref_slice %arg7[%select_n3A_134, %run_scoped3A_172, %dma_wait3A_264] : memref<2x8x128xi32, #tpu.memory_space<vmem>> -> memref<1x1x128xi32, #tpu.memory_space<vmem>>
        %dma_wait3A_266 = tpu.memref_squeeze %dma_wait3A_265 : memref<1x1x128xi32, #tpu.memory_space<vmem>> -> memref<128xi32, #tpu.memory_space<vmem>>
        %dma_wait3A_267 = arith.constant 0 : i32
        %dma_wait3A_268 = arith.constant 0 : i32
        %dma_wait3A_269 = tpu.memref_slice %arg13[%dma_wait3A_267, %dma_wait3A_268] : memref<10016x128xf32, #tpu.memory_space<vmem_shared>> -> memref<10016x128xf32, #tpu.memory_space<vmem_shared>>
        tpu.wait_indirect_dma semaphore(%run_scoped3A_257 : memref<!tpu.dma_semaphore, #tpu.memory_space<semaphore_mem>>) src(%arg8 : memref<128x128xf32, #tpu.memory_space<vmem>>) dst(%dma_wait3A_269 : memref<10016x128xf32, #tpu.memory_space<vmem_shared>>)
        tpu.yield
      }) : () -> ()
      %dma_start3A_173 = arith.constant 4 : i32
      %dma_start3A_174 = arith.constant 0 : i32
      %dma_start3A_175 = tpu.memref_slice %arg6[%select_n3A_134, %dma_start3A_173, %dma_start3A_174] : memref<2x8x128xi32, #tpu.memory_space<vmem>> -> memref<1x1x128xi32, #tpu.memory_space<vmem>>
      %dma_start3A_176 = tpu.memref_squeeze %dma_start3A_175 : memref<1x1x128xi32, #tpu.memory_space<vmem>> -> memref<128xi32, #tpu.memory_space<vmem>>
      %dma_start3A_177 = arith.constant 0 : i32
      %dma_start3A_178 = arith.constant 0 : i32
      %dma_start3A_179 = tpu.memref_slice %arg2[%dma_start3A_177, %dma_start3A_178] : memref<10000x128xf32, #tpu.memory_space<hbm>> -> memref<10000x128xf32, #tpu.memory_space<hbm>>
      tpu.enqueue_indirect_dma source(%dma_start3A_179 : memref<10000x128xf32, #tpu.memory_space<hbm>>) target(%arg8 : memref<128x128xf32, #tpu.memory_space<vmem>>) offsets(%dma_start3A_176 : memref<128xi32, #tpu.memory_space<vmem>>) semaphore(%arg10 : memref<!tpu.dma_semaphore, #tpu.memory_space<semaphore_mem>>)
      %dma_wait3A_180 = arith.constant 3 : i32
      %dma_wait3A_181 = arith.constant 0 : i32
      %dma_wait3A_182 = tpu.memref_slice %arg6[%select_n3A_134, %dma_wait3A_180, %dma_wait3A_181] : memref<2x8x128xi32, #tpu.memory_space<vmem>> -> memref<1x1x128xi32, #tpu.memory_space<vmem>>
      %dma_wait3A_183 = tpu.memref_squeeze %dma_wait3A_182 : memref<1x1x128xi32, #tpu.memory_space<vmem>> -> memref<128xi32, #tpu.memory_space<vmem>>
      %dma_wait3A_184 = arith.constant 0 : i32
      %dma_wait3A_185 = arith.constant 0 : i32
      %dma_wait3A_186 = tpu.memref_slice %arg2[%dma_wait3A_184, %dma_wait3A_185] : memref<10000x128xf32, #tpu.memory_space<hbm>> -> memref<10000x128xf32, #tpu.memory_space<hbm>>
      tpu.wait_indirect_dma semaphore(%arg11 : memref<!tpu.dma_semaphore, #tpu.memory_space<semaphore_mem>>) src(%dma_wait3A_186 : memref<10000x128xf32, #tpu.memory_space<hbm>>) dst(%arg9 : memref<128x128xf32, #tpu.memory_space<vmem>>)
      %run_scoped3A_187 = arith.constant 3 : i32
      "tpu.region"() ({
        %run_scoped3A_257 = tpu.sem_alloc : memref<!tpu.dma_semaphore, #tpu.memory_space<semaphore_mem>>
        %dma_start3A_258 = arith.constant 0 : i32
        %dma_start3A_259 = tpu.memref_slice %arg7[%select_n3A_134, %run_scoped3A_187, %dma_start3A_258] : memref<2x8x128xi32, #tpu.memory_space<vmem>> -> memref<1x1x128xi32, #tpu.memory_space<vmem>>
        %dma_start3A_260 = tpu.memref_squeeze %dma_start3A_259 : memref<1x1x128xi32, #tpu.memory_space<vmem>> -> memref<128xi32, #tpu.memory_space<vmem>>
        %dma_start3A_261 = arith.constant 0 : i32
        %dma_start3A_262 = arith.constant 0 : i32
        %dma_start3A_263 = tpu.memref_slice %arg13[%dma_start3A_261, %dma_start3A_262] : memref<10016x128xf32, #tpu.memory_space<vmem_shared>> -> memref<10016x128xf32, #tpu.memory_space<vmem_shared>>
        tpu.enqueue_indirect_dma source(%arg9 : memref<128x128xf32, #tpu.memory_space<vmem>>) target(%dma_start3A_263 : memref<10016x128xf32, #tpu.memory_space<vmem_shared>>) offsets(%dma_start3A_260 : memref<128xi32, #tpu.memory_space<vmem>>) semaphore(%run_scoped3A_257 : memref<!tpu.dma_semaphore, #tpu.memory_space<semaphore_mem>>) {add = true}
        %dma_wait3A_264 = arith.constant 0 : i32
        %dma_wait3A_265 = tpu.memref_slice %arg7[%select_n3A_134, %run_scoped3A_187, %dma_wait3A_264] : memref<2x8x128xi32, #tpu.memory_space<vmem>> -> memref<1x1x128xi32, #tpu.memory_space<vmem>>
        %dma_wait3A_266 = tpu.memref_squeeze %dma_wait3A_265 : memref<1x1x128xi32, #tpu.memory_space<vmem>> -> memref<128xi32, #tpu.memory_space<vmem>>
        %dma_wait3A_267 = arith.constant 0 : i32
        %dma_wait3A_268 = arith.constant 0 : i32
        %dma_wait3A_269 = tpu.memref_slice %arg13[%dma_wait3A_267, %dma_wait3A_268] : memref<10016x128xf32, #tpu.memory_space<vmem_shared>> -> memref<10016x128xf32, #tpu.memory_space<vmem_shared>>
        tpu.wait_indirect_dma semaphore(%run_scoped3A_257 : memref<!tpu.dma_semaphore, #tpu.memory_space<semaphore_mem>>) src(%arg9 : memref<128x128xf32, #tpu.memory_space<vmem>>) dst(%dma_wait3A_269 : memref<10016x128xf32, #tpu.memory_space<vmem_shared>>)
        tpu.yield
      }) : () -> ()
      %dma_start3A_188 = arith.constant 5 : i32
      %dma_start3A_189 = arith.constant 0 : i32
      %dma_start3A_190 = tpu.memref_slice %arg6[%select_n3A_134, %dma_start3A_188, %dma_start3A_189] : memref<2x8x128xi32, #tpu.memory_space<vmem>> -> memref<1x1x128xi32, #tpu.memory_space<vmem>>
      %dma_start3A_191 = tpu.memref_squeeze %dma_start3A_190 : memref<1x1x128xi32, #tpu.memory_space<vmem>> -> memref<128xi32, #tpu.memory_space<vmem>>
      %dma_start3A_192 = arith.constant 0 : i32
      %dma_start3A_193 = arith.constant 0 : i32
      %dma_start3A_194 = tpu.memref_slice %arg2[%dma_start3A_192, %dma_start3A_193] : memref<10000x128xf32, #tpu.memory_space<hbm>> -> memref<10000x128xf32, #tpu.memory_space<hbm>>
      tpu.enqueue_indirect_dma source(%dma_start3A_194 : memref<10000x128xf32, #tpu.memory_space<hbm>>) target(%arg9 : memref<128x128xf32, #tpu.memory_space<vmem>>) offsets(%dma_start3A_191 : memref<128xi32, #tpu.memory_space<vmem>>) semaphore(%arg11 : memref<!tpu.dma_semaphore, #tpu.memory_space<semaphore_mem>>)
      %dma_wait3A_195 = arith.constant 4 : i32
      %dma_wait3A_196 = arith.constant 0 : i32
      %dma_wait3A_197 = tpu.memref_slice %arg6[%select_n3A_134, %dma_wait3A_195, %dma_wait3A_196] : memref<2x8x128xi32, #tpu.memory_space<vmem>> -> memref<1x1x128xi32, #tpu.memory_space<vmem>>
      %dma_wait3A_198 = tpu.memref_squeeze %dma_wait3A_197 : memref<1x1x128xi32, #tpu.memory_space<vmem>> -> memref<128xi32, #tpu.memory_space<vmem>>
      %dma_wait3A_199 = arith.constant 0 : i32
      %dma_wait3A_200 = arith.constant 0 : i32
      %dma_wait3A_201 = tpu.memref_slice %arg2[%dma_wait3A_199, %dma_wait3A_200] : memref<10000x128xf32, #tpu.memory_space<hbm>> -> memref<10000x128xf32, #tpu.memory_space<hbm>>
      tpu.wait_indirect_dma semaphore(%arg10 : memref<!tpu.dma_semaphore, #tpu.memory_space<semaphore_mem>>) src(%dma_wait3A_201 : memref<10000x128xf32, #tpu.memory_space<hbm>>) dst(%arg8 : memref<128x128xf32, #tpu.memory_space<vmem>>)
      %run_scoped3A_202 = arith.constant 4 : i32
      "tpu.region"() ({
        %run_scoped3A_257 = tpu.sem_alloc : memref<!tpu.dma_semaphore, #tpu.memory_space<semaphore_mem>>
        %dma_start3A_258 = arith.constant 0 : i32
        %dma_start3A_259 = tpu.memref_slice %arg7[%select_n3A_134, %run_scoped3A_202, %dma_start3A_258] : memref<2x8x128xi32, #tpu.memory_space<vmem>> -> memref<1x1x128xi32, #tpu.memory_space<vmem>>
        %dma_start3A_260 = tpu.memref_squeeze %dma_start3A_259 : memref<1x1x128xi32, #tpu.memory_space<vmem>> -> memref<128xi32, #tpu.memory_space<vmem>>
        %dma_start3A_261 = arith.constant 0 : i32
        %dma_start3A_262 = arith.constant 0 : i32
        %dma_start3A_263 = tpu.memref_slice %arg13[%dma_start3A_261, %dma_start3A_262] : memref<10016x128xf32, #tpu.memory_space<vmem_shared>> -> memref<10016x128xf32, #tpu.memory_space<vmem_shared>>
        tpu.enqueue_indirect_dma source(%arg8 : memref<128x128xf32, #tpu.memory_space<vmem>>) target(%dma_start3A_263 : memref<10016x128xf32, #tpu.memory_space<vmem_shared>>) offsets(%dma_start3A_260 : memref<128xi32, #tpu.memory_space<vmem>>) semaphore(%run_scoped3A_257 : memref<!tpu.dma_semaphore, #tpu.memory_space<semaphore_mem>>) {add = true}
        %dma_wait3A_264 = arith.constant 0 : i32
        %dma_wait3A_265 = tpu.memref_slice %arg7[%select_n3A_134, %run_scoped3A_202, %dma_wait3A_264] : memref<2x8x128xi32, #tpu.memory_space<vmem>> -> memref<1x1x128xi32, #tpu.memory_space<vmem>>
        %dma_wait3A_266 = tpu.memref_squeeze %dma_wait3A_265 : memref<1x1x128xi32, #tpu.memory_space<vmem>> -> memref<128xi32, #tpu.memory_space<vmem>>
        %dma_wait3A_267 = arith.constant 0 : i32
        %dma_wait3A_268 = arith.constant 0 : i32
        %dma_wait3A_269 = tpu.memref_slice %arg13[%dma_wait3A_267, %dma_wait3A_268] : memref<10016x128xf32, #tpu.memory_space<vmem_shared>> -> memref<10016x128xf32, #tpu.memory_space<vmem_shared>>
        tpu.wait_indirect_dma semaphore(%run_scoped3A_257 : memref<!tpu.dma_semaphore, #tpu.memory_space<semaphore_mem>>) src(%arg8 : memref<128x128xf32, #tpu.memory_space<vmem>>) dst(%dma_wait3A_269 : memref<10016x128xf32, #tpu.memory_space<vmem_shared>>)
        tpu.yield
      }) : () -> ()
      %dma_start3A_203 = arith.constant 6 : i32
      %dma_start3A_204 = arith.constant 0 : i32
      %dma_start3A_205 = tpu.memref_slice %arg6[%select_n3A_134, %dma_start3A_203, %dma_start3A_204] : memref<2x8x128xi32, #tpu.memory_space<vmem>> -> memref<1x1x128xi32, #tpu.memory_space<vmem>>
      %dma_start3A_206 = tpu.memref_squeeze %dma_start3A_205 : memref<1x1x128xi32, #tpu.memory_space<vmem>> -> memref<128xi32, #tpu.memory_space<vmem>>
      %dma_start3A_207 = arith.constant 0 : i32
      %dma_start3A_208 = arith.constant 0 : i32
      %dma_start3A_209 = tpu.memref_slice %arg2[%dma_start3A_207, %dma_start3A_208] : memref<10000x128xf32, #tpu.memory_space<hbm>> -> memref<10000x128xf32, #tpu.memory_space<hbm>>
      tpu.enqueue_indirect_dma source(%dma_start3A_209 : memref<10000x128xf32, #tpu.memory_space<hbm>>) target(%arg8 : memref<128x128xf32, #tpu.memory_space<vmem>>) offsets(%dma_start3A_206 : memref<128xi32, #tpu.memory_space<vmem>>) semaphore(%arg10 : memref<!tpu.dma_semaphore, #tpu.memory_space<semaphore_mem>>)
      %dma_wait3A_210 = arith.constant 5 : i32
      %dma_wait3A_211 = arith.constant 0 : i32
      %dma_wait3A_212 = tpu.memref_slice %arg6[%select_n3A_134, %dma_wait3A_210, %dma_wait3A_211] : memref<2x8x128xi32, #tpu.memory_space<vmem>> -> memref<1x1x128xi32, #tpu.memory_space<vmem>>
      %dma_wait3A_213 = tpu.memref_squeeze %dma_wait3A_212 : memref<1x1x128xi32, #tpu.memory_space<vmem>> -> memref<128xi32, #tpu.memory_space<vmem>>
      %dma_wait3A_214 = arith.constant 0 : i32
      %dma_wait3A_215 = arith.constant 0 : i32
      %dma_wait3A_216 = tpu.memref_slice %arg2[%dma_wait3A_214, %dma_wait3A_215] : memref<10000x128xf32, #tpu.memory_space<hbm>> -> memref<10000x128xf32, #tpu.memory_space<hbm>>
      tpu.wait_indirect_dma semaphore(%arg11 : memref<!tpu.dma_semaphore, #tpu.memory_space<semaphore_mem>>) src(%dma_wait3A_216 : memref<10000x128xf32, #tpu.memory_space<hbm>>) dst(%arg9 : memref<128x128xf32, #tpu.memory_space<vmem>>)
      %run_scoped3A_217 = arith.constant 5 : i32
      "tpu.region"() ({
        %run_scoped3A_257 = tpu.sem_alloc : memref<!tpu.dma_semaphore, #tpu.memory_space<semaphore_mem>>
        %dma_start3A_258 = arith.constant 0 : i32
        %dma_start3A_259 = tpu.memref_slice %arg7[%select_n3A_134, %run_scoped3A_217, %dma_start3A_258] : memref<2x8x128xi32, #tpu.memory_space<vmem>> -> memref<1x1x128xi32, #tpu.memory_space<vmem>>
        %dma_start3A_260 = tpu.memref_squeeze %dma_start3A_259 : memref<1x1x128xi32, #tpu.memory_space<vmem>> -> memref<128xi32, #tpu.memory_space<vmem>>
        %dma_start3A_261 = arith.constant 0 : i32
        %dma_start3A_262 = arith.constant 0 : i32
        %dma_start3A_263 = tpu.memref_slice %arg13[%dma_start3A_261, %dma_start3A_262] : memref<10016x128xf32, #tpu.memory_space<vmem_shared>> -> memref<10016x128xf32, #tpu.memory_space<vmem_shared>>
        tpu.enqueue_indirect_dma source(%arg9 : memref<128x128xf32, #tpu.memory_space<vmem>>) target(%dma_start3A_263 : memref<10016x128xf32, #tpu.memory_space<vmem_shared>>) offsets(%dma_start3A_260 : memref<128xi32, #tpu.memory_space<vmem>>) semaphore(%run_scoped3A_257 : memref<!tpu.dma_semaphore, #tpu.memory_space<semaphore_mem>>) {add = true}
        %dma_wait3A_264 = arith.constant 0 : i32
        %dma_wait3A_265 = tpu.memref_slice %arg7[%select_n3A_134, %run_scoped3A_217, %dma_wait3A_264] : memref<2x8x128xi32, #tpu.memory_space<vmem>> -> memref<1x1x128xi32, #tpu.memory_space<vmem>>
        %dma_wait3A_266 = tpu.memref_squeeze %dma_wait3A_265 : memref<1x1x128xi32, #tpu.memory_space<vmem>> -> memref<128xi32, #tpu.memory_space<vmem>>
        %dma_wait3A_267 = arith.constant 0 : i32
        %dma_wait3A_268 = arith.constant 0 : i32
        %dma_wait3A_269 = tpu.memref_slice %arg13[%dma_wait3A_267, %dma_wait3A_268] : memref<10016x128xf32, #tpu.memory_space<vmem_shared>> -> memref<10016x128xf32, #tpu.memory_space<vmem_shared>>
        tpu.wait_indirect_dma semaphore(%run_scoped3A_257 : memref<!tpu.dma_semaphore, #tpu.memory_space<semaphore_mem>>) src(%arg9 : memref<128x128xf32, #tpu.memory_space<vmem>>) dst(%dma_wait3A_269 : memref<10016x128xf32, #tpu.memory_space<vmem_shared>>)
        tpu.yield
      }) : () -> ()
      %dma_start3A_218 = arith.constant 7 : i32
      %dma_start3A_219 = arith.constant 0 : i32
      %dma_start3A_220 = tpu.memref_slice %arg6[%select_n3A_134, %dma_start3A_218, %dma_start3A_219] : memref<2x8x128xi32, #tpu.memory_space<vmem>> -> memref<1x1x128xi32, #tpu.memory_space<vmem>>
      %dma_start3A_221 = tpu.memref_squeeze %dma_start3A_220 : memref<1x1x128xi32, #tpu.memory_space<vmem>> -> memref<128xi32, #tpu.memory_space<vmem>>
      %dma_start3A_222 = arith.constant 0 : i32
      %dma_start3A_223 = arith.constant 0 : i32
      %dma_start3A_224 = tpu.memref_slice %arg2[%dma_start3A_222, %dma_start3A_223] : memref<10000x128xf32, #tpu.memory_space<hbm>> -> memref<10000x128xf32, #tpu.memory_space<hbm>>
      tpu.enqueue_indirect_dma source(%dma_start3A_224 : memref<10000x128xf32, #tpu.memory_space<hbm>>) target(%arg9 : memref<128x128xf32, #tpu.memory_space<vmem>>) offsets(%dma_start3A_221 : memref<128xi32, #tpu.memory_space<vmem>>) semaphore(%arg11 : memref<!tpu.dma_semaphore, #tpu.memory_space<semaphore_mem>>)
      %dma_wait3A_225 = arith.constant 6 : i32
      %dma_wait3A_226 = arith.constant 0 : i32
      %dma_wait3A_227 = tpu.memref_slice %arg6[%select_n3A_134, %dma_wait3A_225, %dma_wait3A_226] : memref<2x8x128xi32, #tpu.memory_space<vmem>> -> memref<1x1x128xi32, #tpu.memory_space<vmem>>
      %dma_wait3A_228 = tpu.memref_squeeze %dma_wait3A_227 : memref<1x1x128xi32, #tpu.memory_space<vmem>> -> memref<128xi32, #tpu.memory_space<vmem>>
      %dma_wait3A_229 = arith.constant 0 : i32
      %dma_wait3A_230 = arith.constant 0 : i32
      %dma_wait3A_231 = tpu.memref_slice %arg2[%dma_wait3A_229, %dma_wait3A_230] : memref<10000x128xf32, #tpu.memory_space<hbm>> -> memref<10000x128xf32, #tpu.memory_space<hbm>>
      tpu.wait_indirect_dma semaphore(%arg10 : memref<!tpu.dma_semaphore, #tpu.memory_space<semaphore_mem>>) src(%dma_wait3A_231 : memref<10000x128xf32, #tpu.memory_space<hbm>>) dst(%arg8 : memref<128x128xf32, #tpu.memory_space<vmem>>)
      %run_scoped3A_232 = arith.constant 6 : i32
      "tpu.region"() ({
        %run_scoped3A_257 = tpu.sem_alloc : memref<!tpu.dma_semaphore, #tpu.memory_space<semaphore_mem>>
        %dma_start3A_258 = arith.constant 0 : i32
        %dma_start3A_259 = tpu.memref_slice %arg7[%select_n3A_134, %run_scoped3A_232, %dma_start3A_258] : memref<2x8x128xi32, #tpu.memory_space<vmem>> -> memref<1x1x128xi32, #tpu.memory_space<vmem>>
        %dma_start3A_260 = tpu.memref_squeeze %dma_start3A_259 : memref<1x1x128xi32, #tpu.memory_space<vmem>> -> memref<128xi32, #tpu.memory_space<vmem>>
        %dma_start3A_261 = arith.constant 0 : i32
        %dma_start3A_262 = arith.constant 0 : i32
        %dma_start3A_263 = tpu.memref_slice %arg13[%dma_start3A_261, %dma_start3A_262] : memref<10016x128xf32, #tpu.memory_space<vmem_shared>> -> memref<10016x128xf32, #tpu.memory_space<vmem_shared>>
        tpu.enqueue_indirect_dma source(%arg8 : memref<128x128xf32, #tpu.memory_space<vmem>>) target(%dma_start3A_263 : memref<10016x128xf32, #tpu.memory_space<vmem_shared>>) offsets(%dma_start3A_260 : memref<128xi32, #tpu.memory_space<vmem>>) semaphore(%run_scoped3A_257 : memref<!tpu.dma_semaphore, #tpu.memory_space<semaphore_mem>>) {add = true}
        %dma_wait3A_264 = arith.constant 0 : i32
        %dma_wait3A_265 = tpu.memref_slice %arg7[%select_n3A_134, %run_scoped3A_232, %dma_wait3A_264] : memref<2x8x128xi32, #tpu.memory_space<vmem>> -> memref<1x1x128xi32, #tpu.memory_space<vmem>>
        %dma_wait3A_266 = tpu.memref_squeeze %dma_wait3A_265 : memref<1x1x128xi32, #tpu.memory_space<vmem>> -> memref<128xi32, #tpu.memory_space<vmem>>
        %dma_wait3A_267 = arith.constant 0 : i32
        %dma_wait3A_268 = arith.constant 0 : i32
        %dma_wait3A_269 = tpu.memref_slice %arg13[%dma_wait3A_267, %dma_wait3A_268] : memref<10016x128xf32, #tpu.memory_space<vmem_shared>> -> memref<10016x128xf32, #tpu.memory_space<vmem_shared>>
        tpu.wait_indirect_dma semaphore(%run_scoped3A_257 : memref<!tpu.dma_semaphore, #tpu.memory_space<semaphore_mem>>) src(%arg8 : memref<128x128xf32, #tpu.memory_space<vmem>>) dst(%dma_wait3A_269 : memref<10016x128xf32, #tpu.memory_space<vmem_shared>>)
        tpu.yield
      }) : () -> ()
      %lt3A_233 = arith.constant 9 : i32
      %lt3A_234 = arith.cmpi slt, %scan3A_123, %lt3A_233 : i32
      %convert_element_type3A_235 = arith.extui %lt3A_234 : i1 to i32
      %cond3A_236 = arith.constant 0 : i32
      %cond3A_237 = arith.cmpi ne, %convert_element_type3A_235, %cond3A_236 : i32
      scf.if %cond3A_237 {
        %add3A_257 = arith.constant 1 : i32
        %add3A_258 = arith.addi %scan3A_123, %add3A_257 : i32
        %mul3A_259 = arith.constant 8 : i32
        %mul3A_260 = arith.muli %add3A_258, %mul3A_259 : i32
        %add3A_261 = arith.addi %mul3A_2, %mul3A_260 : i32
        %dma_wait3A_262 = arith.constant 0 : i32
        %dma_wait3A_263 = arith.constant 0 : i32
        %dma_wait3A_264 = tpu.memref_slice %arg6[%sub3A_135, %dma_wait3A_262, %dma_wait3A_263] : memref<2x8x128xi32, #tpu.memory_space<vmem>> -> memref<1x8x128xi32, #tpu.memory_space<vmem>>
        %dma_wait3A_265 = tpu.memref_squeeze %dma_wait3A_264 : memref<1x8x128xi32, #tpu.memory_space<vmem>> -> memref<8x128xi32, #tpu.memory_space<vmem>>
        %dma_wait3A_266 = arith.constant 0 : i32
        %dma_wait3A_267 = tpu.memref_slice %arg3[%add3A_261, %dma_wait3A_266] : memref<2560x128xi32, #tpu.memory_space<hbm>> -> memref<8x128xi32, #tpu.memory_space<hbm>>
        %dma_wait3A_268 = arith.constant 0 : i32
        %dma_wait3A_269 = arith.constant 0 : i32
        %dma_wait3A_270 = tpu.memref_slice %arg6[%sub3A_135, %dma_wait3A_268, %dma_wait3A_269] : memref<2x8x128xi32, #tpu.memory_space<vmem>> -> memref<1x8x128xi32, #tpu.memory_space<vmem>>
        %dma_wait3A_271 = tpu.memref_squeeze %dma_wait3A_270 : memref<1x8x128xi32, #tpu.memory_space<vmem>> -> memref<8x128xi32, #tpu.memory_space<vmem>>
        %dma_wait3A_272 = arith.constant 0 : i32
        %dma_wait3A_273 = tpu.memref_slice %arg3[%add3A_261, %dma_wait3A_272] : memref<2560x128xi32, #tpu.memory_space<hbm>> -> memref<8x128xi32, #tpu.memory_space<hbm>>
        tpu.wait_dma2 semaphore(%arg12 : memref<!tpu.dma_semaphore, #tpu.memory_space<semaphore_mem>>) src(%dma_wait3A_273 : memref<8x128xi32, #tpu.memory_space<hbm>>) dst(%dma_wait3A_271 : memref<8x128xi32, #tpu.memory_space<vmem>>)
        %mul3A_274 = arith.constant 8 : i32
        %mul3A_275 = arith.muli %add3A_258, %mul3A_274 : i32
        %add3A_276 = arith.addi %mul3A_2, %mul3A_275 : i32
        %dma_wait3A_277 = arith.constant 0 : i32
        %dma_wait3A_278 = arith.constant 0 : i32
        %dma_wait3A_279 = tpu.memref_slice %arg7[%sub3A_135, %dma_wait3A_277, %dma_wait3A_278] : memref<2x8x128xi32, #tpu.memory_space<vmem>> -> memref<1x8x128xi32, #tpu.memory_space<vmem>>
        %dma_wait3A_280 = tpu.memref_squeeze %dma_wait3A_279 : memref<1x8x128xi32, #tpu.memory_space<vmem>> -> memref<8x128xi32, #tpu.memory_space<vmem>>
        %dma_wait3A_281 = arith.constant 0 : i32
        %dma_wait3A_282 = tpu.memref_slice %arg4[%add3A_276, %dma_wait3A_281] : memref<2560x128xi32, #tpu.memory_space<hbm>> -> memref<8x128xi32, #tpu.memory_space<hbm>>
        %dma_wait3A_283 = arith.constant 0 : i32
        %dma_wait3A_284 = arith.constant 0 : i32
        %dma_wait3A_285 = tpu.memref_slice %arg7[%sub3A_135, %dma_wait3A_283, %dma_wait3A_284] : memref<2x8x128xi32, #tpu.memory_space<vmem>> -> memref<1x8x128xi32, #tpu.memory_space<vmem>>
        %dma_wait3A_286 = tpu.memref_squeeze %dma_wait3A_285 : memref<1x8x128xi32, #tpu.memory_space<vmem>> -> memref<8x128xi32, #tpu.memory_space<vmem>>
        %dma_wait3A_287 = arith.constant 0 : i32
        %dma_wait3A_288 = tpu.memref_slice %arg4[%add3A_276, %dma_wait3A_287] : memref<2560x128xi32, #tpu.memory_space<hbm>> -> memref<8x128xi32, #tpu.memory_space<hbm>>
        tpu.wait_dma2 semaphore(%arg12 : memref<!tpu.dma_semaphore, #tpu.memory_space<semaphore_mem>>) src(%dma_wait3A_288 : memref<8x128xi32, #tpu.memory_space<hbm>>) dst(%dma_wait3A_286 : memref<8x128xi32, #tpu.memory_space<vmem>>)
        %dma_start3A_289 = arith.constant 0 : i32
        %dma_start3A_290 = arith.constant 0 : i32
        %dma_start3A_291 = tpu.memref_slice %arg6[%sub3A_135, %dma_start3A_289, %dma_start3A_290] : memref<2x8x128xi32, #tpu.memory_space<vmem>> -> memref<1x1x128xi32, #tpu.memory_space<vmem>>
        %dma_start3A_292 = tpu.memref_squeeze %dma_start3A_291 : memref<1x1x128xi32, #tpu.memory_space<vmem>> -> memref<128xi32, #tpu.memory_space<vmem>>
        %dma_start3A_293 = arith.constant 0 : i32
        %dma_start3A_294 = arith.constant 0 : i32
        %dma_start3A_295 = tpu.memref_slice %arg2[%dma_start3A_293, %dma_start3A_294] : memref<10000x128xf32, #tpu.memory_space<hbm>> -> memref<10000x128xf32, #tpu.memory_space<hbm>>
        tpu.enqueue_indirect_dma source(%dma_start3A_295 : memref<10000x128xf32, #tpu.memory_space<hbm>>) target(%arg8 : memref<128x128xf32, #tpu.memory_space<vmem>>) offsets(%dma_start3A_292 : memref<128xi32, #tpu.memory_space<vmem>>) semaphore(%arg10 : memref<!tpu.dma_semaphore, #tpu.memory_space<semaphore_mem>>)
      } else {
      }
      %dma_wait3A_238 = arith.constant 7 : i32
      %dma_wait3A_239 = arith.constant 0 : i32
      %dma_wait3A_240 = tpu.memref_slice %arg6[%select_n3A_134, %dma_wait3A_238, %dma_wait3A_239] : memref<2x8x128xi32, #tpu.memory_space<vmem>> -> memref<1x1x128xi32, #tpu.memory_space<vmem>>
      %dma_wait3A_241 = tpu.memref_squeeze %dma_wait3A_240 : memref<1x1x128xi32, #tpu.memory_space<vmem>> -> memref<128xi32, #tpu.memory_space<vmem>>
      %dma_wait3A_242 = arith.constant 0 : i32
      %dma_wait3A_243 = arith.constant 0 : i32
      %dma_wait3A_244 = tpu.memref_slice %arg2[%dma_wait3A_242, %dma_wait3A_243] : memref<10000x128xf32, #tpu.memory_space<hbm>> -> memref<10000x128xf32, #tpu.memory_space<hbm>>
      tpu.wait_indirect_dma semaphore(%arg11 : memref<!tpu.dma_semaphore, #tpu.memory_space<semaphore_mem>>) src(%dma_wait3A_244 : memref<10000x128xf32, #tpu.memory_space<hbm>>) dst(%arg9 : memref<128x128xf32, #tpu.memory_space<vmem>>)
      %run_scoped3A_245 = arith.constant 7 : i32
      "tpu.region"() ({
        %run_scoped3A_257 = tpu.sem_alloc : memref<!tpu.dma_semaphore, #tpu.memory_space<semaphore_mem>>
        %dma_start3A_258 = arith.constant 0 : i32
        %dma_start3A_259 = tpu.memref_slice %arg7[%select_n3A_134, %run_scoped3A_245, %dma_start3A_258] : memref<2x8x128xi32, #tpu.memory_space<vmem>> -> memref<1x1x128xi32, #tpu.memory_space<vmem>>
        %dma_start3A_260 = tpu.memref_squeeze %dma_start3A_259 : memref<1x1x128xi32, #tpu.memory_space<vmem>> -> memref<128xi32, #tpu.memory_space<vmem>>
        %dma_start3A_261 = arith.constant 0 : i32
        %dma_start3A_262 = arith.constant 0 : i32
        %dma_start3A_263 = tpu.memref_slice %arg13[%dma_start3A_261, %dma_start3A_262] : memref<10016x128xf32, #tpu.memory_space<vmem_shared>> -> memref<10016x128xf32, #tpu.memory_space<vmem_shared>>
        tpu.enqueue_indirect_dma source(%arg9 : memref<128x128xf32, #tpu.memory_space<vmem>>) target(%dma_start3A_263 : memref<10016x128xf32, #tpu.memory_space<vmem_shared>>) offsets(%dma_start3A_260 : memref<128xi32, #tpu.memory_space<vmem>>) semaphore(%run_scoped3A_257 : memref<!tpu.dma_semaphore, #tpu.memory_space<semaphore_mem>>) {add = true}
        %dma_wait3A_264 = arith.constant 0 : i32
        %dma_wait3A_265 = tpu.memref_slice %arg7[%select_n3A_134, %run_scoped3A_245, %dma_wait3A_264] : memref<2x8x128xi32, #tpu.memory_space<vmem>> -> memref<1x1x128xi32, #tpu.memory_space<vmem>>
        %dma_wait3A_266 = tpu.memref_squeeze %dma_wait3A_265 : memref<1x1x128xi32, #tpu.memory_space<vmem>> -> memref<128xi32, #tpu.memory_space<vmem>>
        %dma_wait3A_267 = arith.constant 0 : i32
        %dma_wait3A_268 = arith.constant 0 : i32
        %dma_wait3A_269 = tpu.memref_slice %arg13[%dma_wait3A_267, %dma_wait3A_268] : memref<10016x128xf32, #tpu.memory_space<vmem_shared>> -> memref<10016x128xf32, #tpu.memory_space<vmem_shared>>
        tpu.wait_indirect_dma semaphore(%run_scoped3A_257 : memref<!tpu.dma_semaphore, #tpu.memory_space<semaphore_mem>>) src(%arg9 : memref<128x128xf32, #tpu.memory_space<vmem>>) dst(%dma_wait3A_269 : memref<10016x128xf32, #tpu.memory_space<vmem_shared>>)
        tpu.yield
      }) : () -> ()
      %lt3A_246 = arith.constant 9 : i32
      %lt3A_247 = arith.cmpi slt, %scan3A_123, %lt3A_246 : i32
      %convert_element_type3A_248 = arith.extui %lt3A_247 : i1 to i32
      %cond3A_249 = arith.constant 0 : i32
      %cond3A_250 = arith.cmpi ne, %convert_element_type3A_248, %cond3A_249 : i32
      scf.if %cond3A_250 {
        %dma_start3A_257 = arith.constant 1 : i32
        %dma_start3A_258 = arith.constant 0 : i32
        %dma_start3A_259 = tpu.memref_slice %arg6[%sub3A_135, %dma_start3A_257, %dma_start3A_258] : memref<2x8x128xi32, #tpu.memory_space<vmem>> -> memref<1x1x128xi32, #tpu.memory_space<vmem>>
        %dma_start3A_260 = tpu.memref_squeeze %dma_start3A_259 : memref<1x1x128xi32, #tpu.memory_space<vmem>> -> memref<128xi32, #tpu.memory_space<vmem>>
        %dma_start3A_261 = arith.constant 0 : i32
        %dma_start3A_262 = arith.constant 0 : i32
        %dma_start3A_263 = tpu.memref_slice %arg2[%dma_start3A_261, %dma_start3A_262] : memref<10000x128xf32, #tpu.memory_space<hbm>> -> memref<10000x128xf32, #tpu.memory_space<hbm>>
        tpu.enqueue_indirect_dma source(%dma_start3A_263 : memref<10000x128xf32, #tpu.memory_space<hbm>>) target(%arg9 : memref<128x128xf32, #tpu.memory_space<vmem>>) offsets(%dma_start3A_260 : memref<128xi32, #tpu.memory_space<vmem>>) semaphore(%arg11 : memref<!tpu.dma_semaphore, #tpu.memory_space<semaphore_mem>>)
      } else {
      }
      %lt3A_251 = arith.constant 8 : i32
      %lt3A_252 = arith.cmpi slt, %scan3A_123, %lt3A_251 : i32
      %convert_element_type3A_253 = arith.extui %lt3A_252 : i1 to i32
      %cond3A_254 = arith.constant 0 : i32
      %cond3A_255 = arith.cmpi ne, %convert_element_type3A_253, %cond3A_254 : i32
      scf.if %cond3A_255 {
        %add3A_257 = arith.constant 2 : i32
        %add3A_258 = arith.addi %scan3A_123, %add3A_257 : i32
        %mul3A_259 = arith.constant 8 : i32
        %mul3A_260 = arith.muli %add3A_258, %mul3A_259 : i32
        %add3A_261 = arith.addi %mul3A_2, %mul3A_260 : i32
        %dma_start3A_262 = arith.constant 0 : i32
        %dma_start3A_263 = arith.constant 0 : i32
        %dma_start3A_264 = tpu.memref_slice %arg6[%select_n3A_134, %dma_start3A_262, %dma_start3A_263] : memref<2x8x128xi32, #tpu.memory_space<vmem>> -> memref<1x8x128xi32, #tpu.memory_space<vmem>>
        %dma_start3A_265 = tpu.memref_squeeze %dma_start3A_264 : memref<1x8x128xi32, #tpu.memory_space<vmem>> -> memref<8x128xi32, #tpu.memory_space<vmem>>
        %dma_start3A_266 = arith.constant 0 : i32
        %dma_start3A_267 = tpu.memref_slice %arg3[%add3A_261, %dma_start3A_266] : memref<2560x128xi32, #tpu.memory_space<hbm>> -> memref<8x128xi32, #tpu.memory_space<hbm>>
        %dma_start3A_268 = arith.constant 0 : i32
        %dma_start3A_269 = arith.constant 0 : i32
        %dma_start3A_270 = tpu.memref_slice %arg6[%select_n3A_134, %dma_start3A_268, %dma_start3A_269] : memref<2x8x128xi32, #tpu.memory_space<vmem>> -> memref<1x8x128xi32, #tpu.memory_space<vmem>>
        %dma_start3A_271 = tpu.memref_squeeze %dma_start3A_270 : memref<1x8x128xi32, #tpu.memory_space<vmem>> -> memref<8x128xi32, #tpu.memory_space<vmem>>
        %dma_start3A_272 = arith.constant 0 : i32
        %dma_start3A_273 = tpu.memref_slice %arg3[%add3A_261, %dma_start3A_272] : memref<2560x128xi32, #tpu.memory_space<hbm>> -> memref<8x128xi32, #tpu.memory_space<hbm>>
        tpu.enqueue_dma source(%dma_start3A_273 : memref<8x128xi32, #tpu.memory_space<hbm>>) target(%dma_start3A_271 : memref<8x128xi32, #tpu.memory_space<vmem>>) target_semaphore(%arg12 : memref<!tpu.dma_semaphore, #tpu.memory_space<semaphore_mem>>)
        %mul3A_274 = arith.constant 8 : i32
        %mul3A_275 = arith.muli %add3A_258, %mul3A_274 : i32
        %add3A_276 = arith.addi %mul3A_2, %mul3A_275 : i32
        %dma_start3A_277 = arith.constant 0 : i32
        %dma_start3A_278 = arith.constant 0 : i32
        %dma_start3A_279 = tpu.memref_slice %arg7[%select_n3A_134, %dma_start3A_277, %dma_start3A_278] : memref<2x8x128xi32, #tpu.memory_space<vmem>> -> memref<1x8x128xi32, #tpu.memory_space<vmem>>
        %dma_start3A_280 = tpu.memref_squeeze %dma_start3A_279 : memref<1x8x128xi32, #tpu.memory_space<vmem>> -> memref<8x128xi32, #tpu.memory_space<vmem>>
        %dma_start3A_281 = arith.constant 0 : i32
        %dma_start3A_282 = tpu.memref_slice %arg4[%add3A_276, %dma_start3A_281] : memref<2560x128xi32, #tpu.memory_space<hbm>> -> memref<8x128xi32, #tpu.memory_space<hbm>>
        %dma_start3A_283 = arith.constant 0 : i32
        %dma_start3A_284 = arith.constant 0 : i32
        %dma_start3A_285 = tpu.memref_slice %arg7[%select_n3A_134, %dma_start3A_283, %dma_start3A_284] : memref<2x8x128xi32, #tpu.memory_space<vmem>> -> memref<1x8x128xi32, #tpu.memory_space<vmem>>
        %dma_start3A_286 = tpu.memref_squeeze %dma_start3A_285 : memref<1x8x128xi32, #tpu.memory_space<vmem>> -> memref<8x128xi32, #tpu.memory_space<vmem>>
        %dma_start3A_287 = arith.constant 0 : i32
        %dma_start3A_288 = tpu.memref_slice %arg4[%add3A_276, %dma_start3A_287] : memref<2560x128xi32, #tpu.memory_space<hbm>> -> memref<8x128xi32, #tpu.memory_space<hbm>>
        tpu.enqueue_dma source(%dma_start3A_288 : memref<8x128xi32, #tpu.memory_space<hbm>>) target(%dma_start3A_286 : memref<8x128xi32, #tpu.memory_space<vmem>>) target_semaphore(%arg12 : memref<!tpu.dma_semaphore, #tpu.memory_space<semaphore_mem>>)
      } else {
      }
      %scan3A_256 = arith.constant 0 : i32
      scf.yield %scan3A_256 : i32
    }
    %scan3A_116 = arith.constant 10 : i32
    %barrier3A_117 = arith.constant 0 : index
    tpu.barrier barrier_id(%barrier3A_117)
    "tpu.region"() ({
      %run_scoped3A = tpu.sem_alloc : memref<!tpu.dma_semaphore, #tpu.memory_space<semaphore_mem>>
      %dma_start3A_123 = arith.constant 0 : i32
      %dma_start3A_124 = tpu.memref_slice %arg5[%arg0, %mul3A_4, %dma_start3A_123] : memref<2x10000x128xf32, #tpu.memory_space<hbm>> -> memref<1x624x128xf32, #tpu.memory_space<hbm>>
      %dma_start3A_125 = tpu.memref_squeeze %dma_start3A_124 : memref<1x624x128xf32, #tpu.memory_space<hbm>> -> memref<624x128xf32, #tpu.memory_space<hbm>>
      %dma_start3A_126 = arith.constant 0 : i32
      %dma_start3A_127 = tpu.memref_slice %arg13[%mul3A_4, %dma_start3A_126] : memref<10016x128xf32, #tpu.memory_space<vmem_shared>> -> memref<624x128xf32, #tpu.memory_space<vmem_shared>>
      tpu.enqueue_dma source(%dma_start3A_127 : memref<624x128xf32, #tpu.memory_space<vmem_shared>>) target(%dma_start3A_125 : memref<624x128xf32, #tpu.memory_space<hbm>>) target_semaphore(%run_scoped3A : memref<!tpu.dma_semaphore, #tpu.memory_space<semaphore_mem>>)
      %dma_wait3A_128 = arith.constant 0 : i32
      %dma_wait3A_129 = tpu.memref_slice %arg5[%arg0, %mul3A_4, %dma_wait3A_128] : memref<2x10000x128xf32, #tpu.memory_space<hbm>> -> memref<1x624x128xf32, #tpu.memory_space<hbm>>
      %dma_wait3A_130 = tpu.memref_squeeze %dma_wait3A_129 : memref<1x624x128xf32, #tpu.memory_space<hbm>> -> memref<624x128xf32, #tpu.memory_space<hbm>>
      %dma_wait3A_131 = arith.constant 0 : i32
      %dma_wait3A_132 = tpu.memref_slice %arg13[%mul3A_4, %dma_wait3A_131] : memref<10016x128xf32, #tpu.memory_space<vmem_shared>> -> memref<624x128xf32, #tpu.memory_space<vmem_shared>>
      tpu.wait_dma2 semaphore(%run_scoped3A : memref<!tpu.dma_semaphore, #tpu.memory_space<semaphore_mem>>) src(%dma_wait3A_132 : memref<624x128xf32, #tpu.memory_space<vmem_shared>>) dst(%dma_wait3A_130 : memref<624x128xf32, #tpu.memory_space<hbm>>)
      tpu.yield
    }) : () -> ()
    %eq3A_118 = arith.constant 15 : i32
    %eq3A_119 = arith.cmpi eq, %arg1, %eq3A_118 : i32
    %convert_element_type3A_120 = arith.extui %eq3A_119 : i1 to i32
    %cond3A_121 = arith.constant 0 : i32
    %cond3A_122 = arith.cmpi ne, %convert_element_type3A_120, %cond3A_121 : i32
    scf.if %cond3A_122 {
      "tpu.region"() ({
        %run_scoped3A = tpu.sem_alloc : memref<!tpu.dma_semaphore, #tpu.memory_space<semaphore_mem>>
        %dma_start3A_123 = arith.constant 9984 : i32
        %dma_start3A_124 = arith.constant 0 : i32
        %dma_start3A_125 = tpu.memref_slice %arg5[%arg0, %dma_start3A_123, %dma_start3A_124] : memref<2x10000x128xf32, #tpu.memory_space<hbm>> -> memref<1x16x128xf32, #tpu.memory_space<hbm>>
        %dma_start3A_126 = tpu.memref_squeeze %dma_start3A_125 : memref<1x16x128xf32, #tpu.memory_space<hbm>> -> memref<16x128xf32, #tpu.memory_space<hbm>>
        %dma_start3A_127 = arith.constant 9984 : i32
        %dma_start3A_128 = arith.constant 0 : i32
        %dma_start3A_129 = tpu.memref_slice %arg13[%dma_start3A_127, %dma_start3A_128] : memref<10016x128xf32, #tpu.memory_space<vmem_shared>> -> memref<16x128xf32, #tpu.memory_space<vmem_shared>>
        tpu.enqueue_dma source(%dma_start3A_129 : memref<16x128xf32, #tpu.memory_space<vmem_shared>>) target(%dma_start3A_126 : memref<16x128xf32, #tpu.memory_space<hbm>>) target_semaphore(%run_scoped3A : memref<!tpu.dma_semaphore, #tpu.memory_space<semaphore_mem>>)
        %dma_wait3A_130 = arith.constant 9984 : i32
        %dma_wait3A_131 = arith.constant 0 : i32
        %dma_wait3A_132 = tpu.memref_slice %arg5[%arg0, %dma_wait3A_130, %dma_wait3A_131] : memref<2x10000x128xf32, #tpu.memory_space<hbm>> -> memref<1x16x128xf32, #tpu.memory_space<hbm>>
        %dma_wait3A_133 = tpu.memref_squeeze %dma_wait3A_132 : memref<1x16x128xf32, #tpu.memory_space<hbm>> -> memref<16x128xf32, #tpu.memory_space<hbm>>
        %dma_wait3A_134 = arith.constant 9984 : i32
        %dma_wait3A_135 = arith.constant 0 : i32
        %dma_wait3A_136 = tpu.memref_slice %arg13[%dma_wait3A_134, %dma_wait3A_135] : memref<10016x128xf32, #tpu.memory_space<vmem_shared>> -> memref<16x128xf32, #tpu.memory_space<vmem_shared>>
        tpu.wait_dma2 semaphore(%run_scoped3A : memref<!tpu.dma_semaphore, #tpu.memory_space<semaphore_mem>>) src(%dma_wait3A_136 : memref<16x128xf32, #tpu.memory_space<vmem_shared>>) dst(%dma_wait3A_133 : memref<16x128xf32, #tpu.memory_space<hbm>>)
        tpu.yield
      }) : () -> ()
    } else {
    }
    return
  }
}

module attributes {stable_mosaic.version = 14 : i64} {
  func.func @_h0_body(%arg0: i32, %arg1: memref<2000x128xf32, #tpu.memory_space<vmem>>, %arg2: memref<128x128xf32, #tpu.memory_space<vmem>>, %arg3: memref<1x128xf32, #tpu.memory_space<vmem>>, %arg4: memref<2000x128xf32, #tpu.memory_space<vmem>>) attributes {dimension_semantics = [#tpu.dimension_semantics<arbitrary>], iteration_bounds = array<i64: 5>, scalar_prefetch = 0 : i64, scratch_operands = 0 : i64, tpu.core_type = #tpu.core_type<tc>, window_params = [{transform_indices = @transform_0, window_bounds = array<i64: 2000, 128>}, {pipeline_mode = #tpu.pipeline_mode<synchronous>, transform_indices = @transform_1, window_bounds = array<i64: 128, 128>}, {pipeline_mode = #tpu.pipeline_mode<synchronous>, transform_indices = @transform_2, window_bounds = array<i64: 1, 128>}, {transform_indices = @transform_3, window_bounds = array<i64: 2000, 128>}]} {
    %get3A = arith.constant 0 : index
    %get3A_0 = arith.constant 0 : index
    %get3A_1 = vector.load %arg1[%get3A, %get3A_0] : memref<2000x128xf32, #tpu.memory_space<vmem>>, vector<2000x128xf32>
    %get3A_2 = arith.constant 0 : index
    %get3A_3 = arith.constant 0 : index
    %get3A_4 = vector.load %arg2[%get3A_2, %get3A_3] : memref<128x128xf32, #tpu.memory_space<vmem>>, vector<128x128xf32>
    %dot_general3A = arith.constant dense<0.000000e+00> : vector<2000x128xf32>
    %dot_general3A_5 = tpu.matmul %get3A_1, %get3A_4, %dot_general3A {dimension_numbers = #tpu.dot_dimension_numbers<[1], [0], [0], [1], [0, 0, 1, 1], [], []>, transpose_lhs_hint = false} : vector<2000x128xf32>, vector<128x128xf32>, vector<2000x128xf32> -> vector<2000x128xf32>
    %get3A_6 = arith.constant 0 : index
    %get3A_7 = arith.constant 0 : index
    %get3A_8 = vector.load %arg3[%get3A_6, %get3A_7] : memref<1x128xf32, #tpu.memory_space<vmem>>, vector<1x128xf32>
    %add3A = vector.broadcast %get3A_8 : vector<1x128xf32> to vector<2000x128xf32>
    %add3A_9 = arith.addf %dot_general3A_5, %add3A : vector<2000x128xf32>
    %max3A = arith.constant 0.000000e+00 : f32
    %max3A_10 = vector.broadcast %max3A : f32 to vector<2000x128xf32>
    %max3A_11 = arith.maximumf %add3A_9, %max3A_10 : vector<2000x128xf32>
    %swap3A = arith.constant 0 : index
    %swap3A_12 = arith.constant 0 : index
    %swap3A_13 = vector.load %arg4[%swap3A, %swap3A_12] : memref<2000x128xf32, #tpu.memory_space<vmem>>, vector<2000x128xf32>
    tpu.vector_store %arg4[%swap3A, %swap3A_12], %max3A_11 {strides = array<i32>} : memref<2000x128xf32, #tpu.memory_space<vmem>>, vector<2000x128xf32>,
    return
  }
  func.func @transform_0(%arg0: i32) -> (i32, i32) {
    %c0_i32 = arith.constant 0 : i32
    %c0_i32_0 = arith.constant 0 : i32
    return %arg0, %c0_i32 : i32, i32
  }
  func.func @transform_1(%arg0: i32) -> (i32, i32) {
    %c0_i32 = arith.constant 0 : i32
    %c0_i32_0 = arith.constant 0 : i32
    %c0_i32_1 = arith.constant 0 : i32
    return %c0_i32, %c0_i32_0 : i32, i32
  }
  func.func @transform_2(%arg0: i32) -> (i32, i32) {
    %c0_i32 = arith.constant 0 : i32
    %c0_i32_0 = arith.constant 0 : i32
    %c0_i32_1 = arith.constant 0 : i32
    return %c0_i32, %c0_i32_0 : i32, i32
  }
  func.func @transform_3(%arg0: i32) -> (i32, i32) {
    %c0_i32 = arith.constant 0 : i32
    %c0_i32_0 = arith.constant 0 : i32
    return %arg0, %c0_i32 : i32, i32
  }
}

module attributes {stable_mosaic.version = 14 : i64} {
  func.func @_layer_body(%arg0: i32, %arg1: memref<2x2000x128xf32, #tpu.memory_space<vmem>>, %arg2: memref<2000x128xf32, #tpu.memory_space<vmem>>, %arg3: memref<2000x16xf32, #tpu.memory_space<vmem>>, %arg4: memref<16x128xf32, #tpu.memory_space<vmem>>, %arg5: memref<1x128xf32, #tpu.memory_space<vmem>>, %arg6: memref<128x256xf32, #tpu.memory_space<vmem>>, %arg7: memref<1x256xf32, #tpu.memory_space<vmem>>, %arg8: memref<256x128xf32, #tpu.memory_space<vmem>>, %arg9: memref<1x128xf32, #tpu.memory_space<vmem>>, %arg10: memref<2000x128xf32, #tpu.memory_space<vmem>>, %arg11: memref<1x2x128xf32, #tpu.memory_space<vmem>>) attributes {dimension_semantics = [#tpu.dimension_semantics<arbitrary>], iteration_bounds = array<i64: 5>, scalar_prefetch = 0 : i64, scratch_operands = 0 : i64, tpu.core_type = #tpu.core_type<tc>, window_params = [{transform_indices = @transform_0, window_bounds = array<i64: 2, 2000, 128>}, {transform_indices = @transform_1, window_bounds = array<i64: 2000, 128>}, {transform_indices = @transform_2, window_bounds = array<i64: 2000, 16>}, {pipeline_mode = #tpu.pipeline_mode<synchronous>, transform_indices = @transform_3, window_bounds = array<i64: 16, 128>}, {pipeline_mode = #tpu.pipeline_mode<synchronous>, transform_indices = @transform_4, window_bounds = array<i64: 1, 128>}, {pipeline_mode = #tpu.pipeline_mode<synchronous>, transform_indices = @transform_5, window_bounds = array<i64: 128, 256>}, {pipeline_mode = #tpu.pipeline_mode<synchronous>, transform_indices = @transform_6, window_bounds = array<i64: 1, 256>}, {pipeline_mode = #tpu.pipeline_mode<synchronous>, transform_indices = @transform_7, window_bounds = array<i64: 256, 128>}, {pipeline_mode = #tpu.pipeline_mode<synchronous>, transform_indices = @transform_8, window_bounds = array<i64: 1, 128>}, {transform_indices = @transform_9, window_bounds = array<i64: 2000, 128>}, {transform_indices = @transform_10, window_bounds = array<i64: 1, 2, 128>}]} {
    %get3A = arith.constant 0 : index
    %get3A_0 = arith.constant 0 : index
    %get3A_1 = arith.constant 0 : index
    %get3A_2 = vector.load %arg1[%get3A, %get3A_0, %get3A_1] : memref<2x2000x128xf32, #tpu.memory_space<vmem>>, vector<1x2000x128xf32>
    %get3A_3 = vector.shape_cast %get3A_2 : vector<1x2000x128xf32> to vector<2000x128xf32>
    %get3A_4 = arith.constant 1 : index
    %get3A_5 = arith.constant 0 : index
    %get3A_6 = arith.constant 0 : index
    %get3A_7 = vector.load %arg1[%get3A_4, %get3A_5, %get3A_6] : memref<2x2000x128xf32, #tpu.memory_space<vmem>>, vector<1x2000x128xf32>
    %get3A_8 = vector.shape_cast %get3A_7 : vector<1x2000x128xf32> to vector<2000x128xf32>
    %add3A = arith.addf %get3A_3, %get3A_8 : vector<2000x128xf32>
    %get3A_9 = arith.constant 0 : index
    %get3A_10 = arith.constant 0 : index
    %get3A_11 = vector.load %arg2[%get3A_9, %get3A_10] : memref<2000x128xf32, #tpu.memory_space<vmem>>, vector<2000x128xf32>
    %sub3A = arith.subf %add3A, %get3A_11 : vector<2000x128xf32>
    %get3A_12 = arith.constant 0 : index
    %get3A_13 = arith.constant 0 : index
    %get3A_14 = vector.load %arg3[%get3A_12, %get3A_13] : memref<2000x16xf32, #tpu.memory_space<vmem>>, vector<2000x16xf32>
    %get3A_15 = arith.constant 0 : index
    %get3A_16 = arith.constant 0 : index
    %get3A_17 = vector.load %arg4[%get3A_15, %get3A_16] : memref<16x128xf32, #tpu.memory_space<vmem>>, vector<16x128xf32>
    %dot_general3A = arith.constant dense<0.000000e+00> : vector<2000x128xf32>
    %dot_general3A_18 = tpu.matmul %get3A_14, %get3A_17, %dot_general3A {dimension_numbers = #tpu.dot_dimension_numbers<[1], [0], [0], [1], [0, 0, 1, 1], [], []>, precision = #tpu.contract_precision<fp32>, transpose_lhs_hint = false} : vector<2000x16xf32>, vector<16x128xf32>, vector<2000x128xf32> -> vector<2000x128xf32>
    %add3A_19 = arith.addf %sub3A, %dot_general3A_18 : vector<2000x128xf32>
    %get3A_20 = arith.constant 0 : index
    %get3A_21 = arith.constant 0 : index
    %get3A_22 = vector.load %arg5[%get3A_20, %get3A_21] : memref<1x128xf32, #tpu.memory_space<vmem>>, vector<1x128xf32>
    %add3A_23 = vector.broadcast %get3A_22 : vector<1x128xf32> to vector<2000x128xf32>
    %add3A_24 = arith.addf %add3A_19, %add3A_23 : vector<2000x128xf32>
    %get3A_25 = arith.constant 0 : index
    %get3A_26 = arith.constant 0 : index
    %get3A_27 = vector.load %arg6[%get3A_25, %get3A_26] : memref<128x256xf32, #tpu.memory_space<vmem>>, vector<128x256xf32>
    %dot_general3A_28 = arith.constant dense<0.000000e+00> : vector<2000x256xf32>
    %dot_general3A_29 = tpu.matmul %add3A_24, %get3A_27, %dot_general3A_28 {dimension_numbers = #tpu.dot_dimension_numbers<[1], [0], [0], [1], [0, 0, 1, 1], [], []>, transpose_lhs_hint = false} : vector<2000x128xf32>, vector<128x256xf32>, vector<2000x256xf32> -> vector<2000x256xf32>
    %get3A_30 = arith.constant 0 : index
    %get3A_31 = arith.constant 0 : index
    %get3A_32 = vector.load %arg7[%get3A_30, %get3A_31] : memref<1x256xf32, #tpu.memory_space<vmem>>, vector<1x256xf32>
    %add3A_33 = vector.broadcast %get3A_32 : vector<1x256xf32> to vector<2000x256xf32>
    %add3A_34 = arith.addf %dot_general3A_29, %add3A_33 : vector<2000x256xf32>
    %max3A = arith.constant 0.000000e+00 : f32
    %max3A_35 = vector.broadcast %max3A : f32 to vector<2000x256xf32>
    %max3A_36 = arith.maximumf %add3A_34, %max3A_35 : vector<2000x256xf32>
    %get3A_37 = arith.constant 0 : index
    %get3A_38 = arith.constant 0 : index
    %get3A_39 = vector.load %arg8[%get3A_37, %get3A_38] : memref<256x128xf32, #tpu.memory_space<vmem>>, vector<256x128xf32>
    %dot_general3A_40 = arith.constant dense<0.000000e+00> : vector<2000x128xf32>
    %dot_general3A_41 = tpu.matmul %max3A_36, %get3A_39, %dot_general3A_40 {dimension_numbers = #tpu.dot_dimension_numbers<[1], [0], [0], [1], [0, 0, 1, 1], [], []>, transpose_lhs_hint = false} : vector<2000x256xf32>, vector<256x128xf32>, vector<2000x128xf32> -> vector<2000x128xf32>
    %get3A_42 = arith.constant 0 : index
    %get3A_43 = arith.constant 0 : index
    %get3A_44 = vector.load %arg9[%get3A_42, %get3A_43] : memref<1x128xf32, #tpu.memory_space<vmem>>, vector<1x128xf32>
    %add3A_45 = vector.broadcast %get3A_44 : vector<1x128xf32> to vector<2000x128xf32>
    %add3A_46 = arith.addf %dot_general3A_41, %add3A_45 : vector<2000x128xf32>
    %swap3A = arith.constant 0 : index
    %swap3A_47 = arith.constant 0 : index
    %swap3A_48 = vector.load %arg10[%swap3A, %swap3A_47] : memref<2000x128xf32, #tpu.memory_space<vmem>>, vector<2000x128xf32>
    tpu.vector_store %arg10[%swap3A, %swap3A_47], %add3A_46 {strides = array<i32>} : memref<2000x128xf32, #tpu.memory_space<vmem>>, vector<2000x128xf32>,
    %reduce_sum3A = arith.constant dense<0.000000e+00> : vector<128xf32>
    %reduce_sum3A_49 = vector.multi_reduction <add>, %add3A_46, %reduce_sum3A [0] : vector<2000x128xf32> to vector<128xf32>
    %broadcast_in_dim3A = vector.shape_cast %reduce_sum3A_49 : vector<128xf32> to vector<1x128xf32>
    %swap3A_50 = arith.constant 0 : index
    %swap3A_51 = arith.constant 0 : index
    %swap3A_52 = arith.constant 0 : index
    %swap3A_53 = vector.load %arg11[%swap3A_50, %swap3A_51, %swap3A_52] : memref<1x2x128xf32, #tpu.memory_space<vmem>>, vector<1x1x128xf32>
    %swap3A_54 = vector.shape_cast %swap3A_53 : vector<1x1x128xf32> to vector<1x128xf32>
    %swap3A_55 = vector.shape_cast %broadcast_in_dim3A : vector<1x128xf32> to vector<1x1x128xf32>
    tpu.vector_store %arg11[%swap3A_50, %swap3A_51, %swap3A_52], %swap3A_55 {strides = array<i32>} : memref<1x2x128xf32, #tpu.memory_space<vmem>>, vector<1x1x128xf32>,
    %mul3A = arith.mulf %add3A_46, %add3A_46 : vector<2000x128xf32>
    %reduce_sum3A_56 = arith.constant dense<0.000000e+00> : vector<128xf32>
    %reduce_sum3A_57 = vector.multi_reduction <add>, %mul3A, %reduce_sum3A_56 [0] : vector<2000x128xf32> to vector<128xf32>
    %broadcast_in_dim3A_58 = vector.shape_cast %reduce_sum3A_57 : vector<128xf32> to vector<1x128xf32>
    %swap3A_59 = arith.constant 0 : index
    %swap3A_60 = arith.constant 1 : index
    %swap3A_61 = arith.constant 0 : index
    %swap3A_62 = vector.load %arg11[%swap3A_59, %swap3A_60, %swap3A_61] : memref<1x2x128xf32, #tpu.memory_space<vmem>>, vector<1x1x128xf32>
    %swap3A_63 = vector.shape_cast %swap3A_62 : vector<1x1x128xf32> to vector<1x128xf32>
    %swap3A_64 = vector.shape_cast %broadcast_in_dim3A_58 : vector<1x128xf32> to vector<1x1x128xf32>
    tpu.vector_store %arg11[%swap3A_59, %swap3A_60, %swap3A_61], %swap3A_64 {strides = array<i32>} : memref<1x2x128xf32, #tpu.memory_space<vmem>>, vector<1x1x128xf32>,
    return
  }
  func.func @transform_0(%arg0: i32) -> (i32, i32, i32) {
    %c0_i32 = arith.constant 0 : i32
    %c0_i32_0 = arith.constant 0 : i32
    %c0_i32_1 = arith.constant 0 : i32
    return %c0_i32, %arg0, %c0_i32_0 : i32, i32, i32
  }
  func.func @transform_1(%arg0: i32) -> (i32, i32) {
    %c0_i32 = arith.constant 0 : i32
    %c0_i32_0 = arith.constant 0 : i32
    return %arg0, %c0_i32 : i32, i32
  }
  func.func @transform_2(%arg0: i32) -> (i32, i32) {
    %c0_i32 = arith.constant 0 : i32
    %c0_i32_0 = arith.constant 0 : i32
    return %arg0, %c0_i32 : i32, i32
  }
  func.func @transform_3(%arg0: i32) -> (i32, i32) {
    %c0_i32 = arith.constant 0 : i32
    %c0_i32_0 = arith.constant 0 : i32
    %c0_i32_1 = arith.constant 0 : i32
    return %c0_i32, %c0_i32_0 : i32, i32
  }
  func.func @transform_4(%arg0: i32) -> (i32, i32) {
    %c0_i32 = arith.constant 0 : i32
    %c0_i32_0 = arith.constant 0 : i32
    %c0_i32_1 = arith.constant 0 : i32
    return %c0_i32, %c0_i32_0 : i32, i32
  }
  func.func @transform_5(%arg0: i32) -> (i32, i32) {
    %c0_i32 = arith.constant 0 : i32
    %c0_i32_0 = arith.constant 0 : i32
    %c0_i32_1 = arith.constant 0 : i32
    return %c0_i32, %c0_i32_0 : i32, i32
  }
  func.func @transform_6(%arg0: i32) -> (i32, i32) {
    %c0_i32 = arith.constant 0 : i32
    %c0_i32_0 = arith.constant 0 : i32
    %c0_i32_1 = arith.constant 0 : i32
    return %c0_i32, %c0_i32_0 : i32, i32
  }
  func.func @transform_7(%arg0: i32) -> (i32, i32) {
    %c0_i32 = arith.constant 0 : i32
    %c0_i32_0 = arith.constant 0 : i32
    %c0_i32_1 = arith.constant 0 : i32
    return %c0_i32, %c0_i32_0 : i32, i32
  }
  func.func @transform_8(%arg0: i32) -> (i32, i32) {
    %c0_i32 = arith.constant 0 : i32
    %c0_i32_0 = arith.constant 0 : i32
    %c0_i32_1 = arith.constant 0 : i32
    return %c0_i32, %c0_i32_0 : i32, i32
  }
  func.func @transform_9(%arg0: i32) -> (i32, i32) {
    %c0_i32 = arith.constant 0 : i32
    %c0_i32_0 = arith.constant 0 : i32
    return %arg0, %c0_i32 : i32, i32
  }
  func.func @transform_10(%arg0: i32) -> (i32, i32, i32) {
    %c0_i32 = arith.constant 0 : i32
    %c0_i32_0 = arith.constant 0 : i32
    %c0_i32_1 = arith.constant 0 : i32
    return %arg0, %c0_i32, %c0_i32_0 : i32, i32, i32
  }
}

module attributes {stable_mosaic.version = 14 : i64} {
  func.func @_bn_body(%arg0: i32, %arg1: memref<2000x128xf32, #tpu.memory_space<vmem>>, %arg2: memref<5x2x128xf32, #tpu.memory_space<vmem>>, %arg3: memref<1x128xf32, #tpu.memory_space<vmem>>, %arg4: memref<1x128xf32, #tpu.memory_space<vmem>>, %arg5: memref<2000x128xf32, #tpu.memory_space<vmem>>) attributes {dimension_semantics = [#tpu.dimension_semantics<arbitrary>], iteration_bounds = array<i64: 5>, scalar_prefetch = 0 : i64, scratch_operands = 0 : i64, tpu.core_type = #tpu.core_type<tc>, window_params = [{transform_indices = @transform_0, window_bounds = array<i64: 2000, 128>}, {pipeline_mode = #tpu.pipeline_mode<synchronous>, transform_indices = @transform_1, window_bounds = array<i64: 5, 2, 128>}, {pipeline_mode = #tpu.pipeline_mode<synchronous>, transform_indices = @transform_2, window_bounds = array<i64: 1, 128>}, {pipeline_mode = #tpu.pipeline_mode<synchronous>, transform_indices = @transform_3, window_bounds = array<i64: 1, 128>}, {transform_indices = @transform_4, window_bounds = array<i64: 2000, 128>}]} {
    %get3A = arith.constant 0 : index
    %get3A_0 = arith.constant 0 : index
    %get3A_1 = arith.constant 0 : index
    %get3A_2 = vector.load %arg2[%get3A, %get3A_0, %get3A_1] : memref<5x2x128xf32, #tpu.memory_space<vmem>>, vector<5x2x128xf32>
    %reduce_sum3A = arith.constant dense<0.000000e+00> : vector<2x128xf32>
    %reduce_sum3A_3 = vector.multi_reduction <add>, %get3A_2, %reduce_sum3A [0] : vector<5x2x128xf32> to vector<2x128xf32>
    %slice3A = vector.extract_strided_slice %reduce_sum3A_3 {offsets = [0, 0], sizes = [1, 128], strides = [1, 1]} : vector<2x128xf32> to vector<1x128xf32>
    %div3A = arith.constant 1.000000e+04 : f32
    %div3A_4 = vector.broadcast %div3A : f32 to vector<1x128xf32>
    %div3A_5 = arith.divf %slice3A, %div3A_4 : vector<1x128xf32>
    %slice3A_6 = vector.extract_strided_slice %reduce_sum3A_3 {offsets = [1, 0], sizes = [1, 128], strides = [1, 1]} : vector<2x128xf32> to vector<1x128xf32>
    %div3A_7 = arith.constant 1.000000e+04 : f32
    %div3A_8 = vector.broadcast %div3A_7 : f32 to vector<1x128xf32>
    %div3A_9 = arith.divf %slice3A_6, %div3A_8 : vector<1x128xf32>
    %mul3A = arith.mulf %div3A_5, %div3A_5 : vector<1x128xf32>
    %sub3A = arith.subf %div3A_9, %mul3A : vector<1x128xf32>
    %get3A_10 = arith.constant 0 : index
    %get3A_11 = arith.constant 0 : index
    %get3A_12 = vector.load %arg1[%get3A_10, %get3A_11] : memref<2000x128xf32, #tpu.memory_space<vmem>>, vector<2000x128xf32>
    %sub3A_13 = vector.broadcast %div3A_5 : vector<1x128xf32> to vector<2000x128xf32>
    %sub3A_14 = arith.subf %get3A_12, %sub3A_13 : vector<2000x128xf32>
    %add3A = arith.constant 9.99999974E-6 : f32
    %add3A_15 = vector.broadcast %add3A : f32 to vector<1x128xf32>
    %add3A_16 = arith.addf %sub3A, %add3A_15 : vector<1x128xf32>
    %sqrt3A = math.sqrt %add3A_16 : vector<1x128xf32>
    %div3A_17 = vector.broadcast %sqrt3A : vector<1x128xf32> to vector<2000x128xf32>
    %div3A_18 = arith.divf %sub3A_14, %div3A_17 : vector<2000x128xf32>
    %get3A_19 = arith.constant 0 : index
    %get3A_20 = arith.constant 0 : index
    %get3A_21 = vector.load %arg3[%get3A_19, %get3A_20] : memref<1x128xf32, #tpu.memory_space<vmem>>, vector<1x128xf32>
    %mul3A_22 = vector.broadcast %get3A_21 : vector<1x128xf32> to vector<2000x128xf32>
    %mul3A_23 = arith.mulf %div3A_18, %mul3A_22 : vector<2000x128xf32>
    %get3A_24 = arith.constant 0 : index
    %get3A_25 = arith.constant 0 : index
    %get3A_26 = vector.load %arg4[%get3A_24, %get3A_25] : memref<1x128xf32, #tpu.memory_space<vmem>>, vector<1x128xf32>
    %add3A_27 = vector.broadcast %get3A_26 : vector<1x128xf32> to vector<2000x128xf32>
    %add3A_28 = arith.addf %mul3A_23, %add3A_27 : vector<2000x128xf32>
    %swap3A = arith.constant 0 : index
    %swap3A_29 = arith.constant 0 : index
    %swap3A_30 = vector.load %arg5[%swap3A, %swap3A_29] : memref<2000x128xf32, #tpu.memory_space<vmem>>, vector<2000x128xf32>
    tpu.vector_store %arg5[%swap3A, %swap3A_29], %add3A_28 {strides = array<i32>} : memref<2000x128xf32, #tpu.memory_space<vmem>>, vector<2000x128xf32>,
    return
  }
  func.func @transform_0(%arg0: i32) -> (i32, i32) {
    %c0_i32 = arith.constant 0 : i32
    %c0_i32_0 = arith.constant 0 : i32
    return %arg0, %c0_i32 : i32, i32
  }
  func.func @transform_1(%arg0: i32) -> (i32, i32, i32) {
    %c0_i32 = arith.constant 0 : i32
    %c0_i32_0 = arith.constant 0 : i32
    %c0_i32_1 = arith.constant 0 : i32
    %c0_i32_2 = arith.constant 0 : i32
    return %c0_i32, %c0_i32_0, %c0_i32_1 : i32, i32, i32
  }
  func.func @transform_2(%arg0: i32) -> (i32, i32) {
    %c0_i32 = arith.constant 0 : i32
    %c0_i32_0 = arith.constant 0 : i32
    %c0_i32_1 = arith.constant 0 : i32
    return %c0_i32, %c0_i32_0 : i32, i32
  }
  func.func @transform_3(%arg0: i32) -> (i32, i32) {
    %c0_i32 = arith.constant 0 : i32
    %c0_i32_0 = arith.constant 0 : i32
    %c0_i32_1 = arith.constant 0 : i32
    return %c0_i32, %c0_i32_0 : i32, i32
  }
  func.func @transform_4(%arg0: i32) -> (i32, i32) {
    %c0_i32 = arith.constant 0 : i32
    %c0_i32_0 = arith.constant 0 : i32
    return %arg0, %c0_i32 : i32, i32
  }
}

module attributes {stable_mosaic.version = 14 : i64} {
  func.func @_pool_body(%arg0: i32, %arg1: memref<2000x128xf32, #tpu.memory_space<vmem>>, %arg2: memref<1x2000x1xi32, #tpu.memory_space<vmem>>, %arg3: memref<128x128xf32, #tpu.memory_space<vmem>>, %arg4: memref<1x128xf32, #tpu.memory_space<vmem>>, %arg5: memref<128x64xf32, #tpu.memory_space<vmem>>, %arg6: memref<1x64xf32, #tpu.memory_space<vmem>>, %arg7: memref<64x1xf32, #tpu.memory_space<vmem>>, %arg8: memref<1x1xf32, #tpu.memory_space<vmem>>, %arg9: memref<64x1xf32, #tpu.memory_space<vmem>>, %arg10: memref<64x128xf32, #tpu.memory_space<vmem>>) attributes {dimension_semantics = [#tpu.dimension_semantics<arbitrary>], iteration_bounds = array<i64: 5>, scalar_prefetch = 0 : i64, scratch_operands = 1 : i64, tpu.core_type = #tpu.core_type<tc>, window_params = [{transform_indices = @transform_0, window_bounds = array<i64: 2000, 128>}, {transform_indices = @transform_1, window_bounds = array<i64: 1, 2000, 1>}, {pipeline_mode = #tpu.pipeline_mode<synchronous>, transform_indices = @transform_2, window_bounds = array<i64: 128, 128>}, {pipeline_mode = #tpu.pipeline_mode<synchronous>, transform_indices = @transform_3, window_bounds = array<i64: 1, 128>}, {pipeline_mode = #tpu.pipeline_mode<synchronous>, transform_indices = @transform_4, window_bounds = array<i64: 128, 64>}, {pipeline_mode = #tpu.pipeline_mode<synchronous>, transform_indices = @transform_5, window_bounds = array<i64: 1, 64>}, {pipeline_mode = #tpu.pipeline_mode<synchronous>, transform_indices = @transform_6, window_bounds = array<i64: 64, 1>}, {pipeline_mode = #tpu.pipeline_mode<synchronous>, transform_indices = @transform_7, window_bounds = array<i64: 1, 1>}, {pipeline_mode = #tpu.pipeline_mode<synchronous>, transform_indices = @transform_8, window_bounds = array<i64: 64, 1>}]} {
    %eq3A = arith.constant 0 : i32
    %eq3A_0 = arith.cmpi eq, %arg0, %eq3A : i32
    %convert_element_type3A = arith.extui %eq3A_0 : i1 to i32
    %cond3A = arith.constant 0 : i32
    %cond3A_1 = arith.cmpi ne, %convert_element_type3A, %cond3A : i32
    scf.if %cond3A_1 {
      %broadcast_in_dim3A = arith.constant 0.000000e+00 : f32
      %broadcast_in_dim3A_24 = vector.broadcast %broadcast_in_dim3A : f32 to vector<64x128xf32>
      %swap3A_25 = arith.constant 0 : index
      %swap3A_26 = arith.constant 0 : index
      %swap3A_27 = vector.load %arg10[%swap3A_25, %swap3A_26] : memref<64x128xf32, #tpu.memory_space<vmem>>, vector<64x128xf32>
      tpu.vector_store %arg10[%swap3A_25, %swap3A_26], %broadcast_in_dim3A_24 {strides = array<i32>} : memref<64x128xf32, #tpu.memory_space<vmem>>, vector<64x128xf32>,
    } else {
    }
    %get3A = arith.constant 0 : index
    %get3A_2 = arith.constant 0 : index
    %get3A_3 = arith.constant 0 : index
    %get3A_4 = vector.load %arg2[%get3A, %get3A_2, %get3A_3] : memref<1x2000x1xi32, #tpu.memory_space<vmem>>, vector<1x2000x1xi32>
    %get3A_5 = vector.shape_cast %get3A_4 : vector<1x2000x1xi32> to vector<2000x1xi32>
    %iota3A = tpu.iota {dimensions = array<i32: 1>} : vector<2000x64xi32>
    %eq3A_6 = vector.broadcast %get3A_5 : vector<2000x1xi32> to vector<2000x64xi32>
    %eq3A_7 = arith.cmpi eq, %eq3A_6, %iota3A : vector<2000x64xi32>
    %convert_element_type3A_8 = arith.extui %eq3A_7 : vector<2000x64xi1> to vector<2000x64xi32>
    %convert_element_type3A_9 = arith.sitofp %convert_element_type3A_8 : vector<2000x64xi32> to vector<2000x64xf32>
    %get3A_10 = arith.constant 0 : index
    %get3A_11 = arith.constant 0 : index
    %get3A_12 = vector.load %arg10[%get3A_10, %get3A_11] : memref<64x128xf32, #tpu.memory_space<vmem>>, vector<64x128xf32>
    %get3A_13 = arith.constant 0 : index
    %get3A_14 = arith.constant 0 : index
    %get3A_15 = vector.load %arg1[%get3A_13, %get3A_14] : memref<2000x128xf32, #tpu.memory_space<vmem>>, vector<2000x128xf32>
    %dot_general3A = arith.constant dense<0.000000e+00> : vector<64x128xf32>
    %dot_general3A_16 = tpu.matmul %convert_element_type3A_9, %get3A_15, %dot_general3A {dimension_numbers = #tpu.dot_dimension_numbers<[0], [0], [1], [1], [0, 1, 1, 1], [], []>, precision = #tpu.contract_precision<fp32>, transpose_lhs_hint = false} : vector<2000x64xf32>, vector<2000x128xf32>, vector<64x128xf32> -> vector<64x128xf32>
    %add3A = arith.addf %get3A_12, %dot_general3A_16 : vector<64x128xf32>
    %swap3A = arith.constant 0 : index
    %swap3A_17 = arith.constant 0 : index
    %swap3A_18 = vector.load %arg10[%swap3A, %swap3A_17] : memref<64x128xf32, #tpu.memory_space<vmem>>, vector<64x128xf32>
    tpu.vector_store %arg10[%swap3A, %swap3A_17], %add3A {strides = array<i32>} : memref<64x128xf32, #tpu.memory_space<vmem>>, vector<64x128xf32>,
    %eq3A_19 = arith.constant 4 : i32
    %eq3A_20 = arith.cmpi eq, %arg0, %eq3A_19 : i32
    %convert_element_type3A_21 = arith.extui %eq3A_20 : i1 to i32
    %cond3A_22 = arith.constant 0 : i32
    %cond3A_23 = arith.cmpi ne, %convert_element_type3A_21, %cond3A_22 : i32
    scf.if %cond3A_23 {
      %get3A_24 = arith.constant 0 : index
      %get3A_25 = arith.constant 0 : index
      %get3A_26 = vector.load %arg10[%get3A_24, %get3A_25] : memref<64x128xf32, #tpu.memory_space<vmem>>, vector<64x128xf32>
      %get3A_27 = arith.constant 0 : index
      %get3A_28 = arith.constant 0 : index
      %get3A_29 = vector.load %arg3[%get3A_27, %get3A_28] : memref<128x128xf32, #tpu.memory_space<vmem>>, vector<128x128xf32>
      %dot_general3A_30 = arith.constant dense<0.000000e+00> : vector<64x128xf32>
      %dot_general3A_31 = tpu.matmul %get3A_26, %get3A_29, %dot_general3A_30 {dimension_numbers = #tpu.dot_dimension_numbers<[1], [0], [0], [1], [0, 0, 1, 1], [], []>, transpose_lhs_hint = false} : vector<64x128xf32>, vector<128x128xf32>, vector<64x128xf32> -> vector<64x128xf32>
      %get3A_32 = arith.constant 0 : index
      %get3A_33 = arith.constant 0 : index
      %get3A_34 = vector.load %arg4[%get3A_32, %get3A_33] : memref<1x128xf32, #tpu.memory_space<vmem>>, vector<1x128xf32>
      %add3A_35 = vector.broadcast %get3A_34 : vector<1x128xf32> to vector<64x128xf32>
      %add3A_36 = arith.addf %dot_general3A_31, %add3A_35 : vector<64x128xf32>
      %max3A = arith.constant 0.000000e+00 : f32
      %max3A_37 = vector.broadcast %max3A : f32 to vector<64x128xf32>
      %max3A_38 = arith.maximumf %add3A_36, %max3A_37 : vector<64x128xf32>
      %get3A_39 = arith.constant 0 : index
      %get3A_40 = arith.constant 0 : index
      %get3A_41 = vector.load %arg5[%get3A_39, %get3A_40] : memref<128x64xf32, #tpu.memory_space<vmem>>, vector<128x64xf32>
      %dot_general3A_42 = arith.constant dense<0.000000e+00> : vector<64x64xf32>
      %dot_general3A_43 = tpu.matmul %max3A_38, %get3A_41, %dot_general3A_42 {dimension_numbers = #tpu.dot_dimension_numbers<[1], [0], [0], [1], [0, 0, 1, 1], [], []>, transpose_lhs_hint = false} : vector<64x128xf32>, vector<128x64xf32>, vector<64x64xf32> -> vector<64x64xf32>
      %get3A_44 = arith.constant 0 : index
      %get3A_45 = arith.constant 0 : index
      %get3A_46 = vector.load %arg6[%get3A_44, %get3A_45] : memref<1x64xf32, #tpu.memory_space<vmem>>, vector<1x64xf32>
      %add3A_47 = vector.broadcast %get3A_46 : vector<1x64xf32> to vector<64x64xf32>
      %add3A_48 = arith.addf %dot_general3A_43, %add3A_47 : vector<64x64xf32>
      %max3A_49 = arith.constant 0.000000e+00 : f32
      %max3A_50 = vector.broadcast %max3A_49 : f32 to vector<64x64xf32>
      %max3A_51 = arith.maximumf %add3A_48, %max3A_50 : vector<64x64xf32>
      %get3A_52 = arith.constant 0 : index
      %get3A_53 = arith.constant 0 : index
      %get3A_54 = vector.load %arg7[%get3A_52, %get3A_53] : memref<64x1xf32, #tpu.memory_space<vmem>>, vector<64x1xf32>
      %dot_general3A_55 = arith.constant dense<0.000000e+00> : vector<64x1xf32>
      %dot_general3A_56 = tpu.matmul %max3A_51, %get3A_54, %dot_general3A_55 {dimension_numbers = #tpu.dot_dimension_numbers<[1], [0], [0], [1], [0, 0, 1, 1], [], []>, transpose_lhs_hint = false} : vector<64x64xf32>, vector<64x1xf32>, vector<64x1xf32> -> vector<64x1xf32>
      %get3A_57 = arith.constant 0 : index
      %get3A_58 = arith.constant 0 : index
      %get3A_59 = vector.load %arg8[%get3A_57, %get3A_58] : memref<1x1xf32, #tpu.memory_space<vmem>>, vector<1x1xf32>
      %add3A_60 = vector.broadcast %get3A_59 : vector<1x1xf32> to vector<64x1xf32>
      %add3A_61 = arith.addf %dot_general3A_56, %add3A_60 : vector<64x1xf32>
      %swap3A_62 = arith.constant 0 : index
      %swap3A_63 = arith.constant 0 : index
      %swap3A_64 = vector.load %arg9[%swap3A_62, %swap3A_63] : memref<64x1xf32, #tpu.memory_space<vmem>>, vector<64x1xf32>
      tpu.vector_store %arg9[%swap3A_62, %swap3A_63], %add3A_61 {strides = array<i32>} : memref<64x1xf32, #tpu.memory_space<vmem>>, vector<64x1xf32>,
    } else {
    }
    return
  }
  func.func @transform_0(%arg0: i32) -> (i32, i32) {
    %c0_i32 = arith.constant 0 : i32
    %c0_i32_0 = arith.constant 0 : i32
    return %arg0, %c0_i32 : i32, i32
  }
  func.func @transform_1(%arg0: i32) -> (i32, i32, i32) {
    %c0_i32 = arith.constant 0 : i32
    %c0_i32_0 = arith.constant 0 : i32
    %c0_i32_1 = arith.constant 0 : i32
    return %arg0, %c0_i32, %c0_i32_0 : i32, i32, i32
  }
  func.func @transform_2(%arg0: i32) -> (i32, i32) {
    %c0_i32 = arith.constant 0 : i32
    %c0_i32_0 = arith.constant 0 : i32
    %c0_i32_1 = arith.constant 0 : i32
    return %c0_i32, %c0_i32_0 : i32, i32
  }
  func.func @transform_3(%arg0: i32) -> (i32, i32) {
    %c0_i32 = arith.constant 0 : i32
    %c0_i32_0 = arith.constant 0 : i32
    %c0_i32_1 = arith.constant 0 : i32
    return %c0_i32, %c0_i32_0 : i32, i32
  }
  func.func @transform_4(%arg0: i32) -> (i32, i32) {
    %c0_i32 = arith.constant 0 : i32
    %c0_i32_0 = arith.constant 0 : i32
    %c0_i32_1 = arith.constant 0 : i32
    return %c0_i32, %c0_i32_0 : i32, i32
  }
  func.func @transform_5(%arg0: i32) -> (i32, i32) {
    %c0_i32 = arith.constant 0 : i32
    %c0_i32_0 = arith.constant 0 : i32
    %c0_i32_1 = arith.constant 0 : i32
    return %c0_i32, %c0_i32_0 : i32, i32
  }
  func.func @transform_6(%arg0: i32) -> (i32, i32) {
    %c0_i32 = arith.constant 0 : i32
    %c0_i32_0 = arith.constant 0 : i32
    %c0_i32_1 = arith.constant 0 : i32
    return %c0_i32, %c0_i32_0 : i32, i32
  }
  func.func @transform_7(%arg0: i32) -> (i32, i32) {
    %c0_i32 = arith.constant 0 : i32
    %c0_i32_0 = arith.constant 0 : i32
    %c0_i32_1 = arith.constant 0 : i32
    return %c0_i32, %c0_i32_0 : i32, i32
  }
  func.func @transform_8(%arg0: i32) -> (i32, i32) {
    %c0_i32 = arith.constant 0 : i32
    %c0_i32_0 = arith.constant 0 : i32
    %c0_i32_1 = arith.constant 0 : i32
    return %c0_i32, %c0_i32_0 : i32, i32
  }
}

</mosaic_0001>

<sc_bundles>
// kernel: kernel.14.cloned.1.call-start
scs
__scs_entry_jumppad:
0x0: {  	(pc) =	sbr.rel $0x88, $3  }
0x1: {  	(tag) =	ssettag $0x0;
	lr =	simm.s32 $0x1  }
0x2: {  	[smem:$0x3F7D] =	sst lr;
	_ =	strace $0xD0000000  }
0x3: {  	_ = 	snop  }
0x4: {  	_ = 	snop  }
0x5: {  	_ = 	snop  }
0x6: {  	_ = 	snop  }
0x7: {  	_ = 	snop  }
__scs_overlays_trampoline_lowered:
0x8: {  	[smem:$0x3F8C] =	sst s0  }
0x9: {  	[smem:$0x3F8D] =	sst s1  }
0xa: {  	[smem:$0x3F8E] =	sst s2  }
0xb: {  	[smem:$0x3F8F] =	sst s3  }
0xc: {  	[smem:$0x3F90] =	sst s4  }
0xd: {  	[smem:$0x3F91] =	sst s5  }
0xe: {  	[smem:$0x3F92] =	sst s6  }
0xf: {  	[smem:$0x3F93] =	sst s7  }
0x10: {  	[smem:$0x3F94] =	sst s8  }
0x11: {  	[smem:$0x3F95] =	sst s9;
	s0 =	simm.s32 @!p0 $0x0  }
0x12: {  	s1 =	sld [smem:$0x3F7B];
	s0 =	simm.s32 @p0 $0x1  }
0x13: {  	[smem:$0x3F96] =	sst s0;
	s0 =	simm.s32 @!p1 $0x0  }
0x14: {  	s2 =	sld [smem:$0x3F7A];
	s0 =	simm.s32 @p1 $0x1  }
0x15: {  	[smem:$0x3F97] =	sst s0;
	s0 =	simm.s32 @!p2 $0x0  }
0x16: {  	s3 =	sld [smem:$0x3FDB];
	s0 =	simm.s32 @p2 $0x1  }
0x17: {  	s4 =	simm.s32 $0x1BF5;
	[smem:$0x3F99] =	sst s0  }
0x18: {  	s0 =	sld [smem:$0x3F7C];
	_ =	swait.ge [sflag:s4], $0x0  }
0x19: {  	s7 =	sld [smem:$0x3F7D]  }
0x1a: {  	s8 =	sadd.s32 $0xFFFFE003, lr  }
0x1b: {  	s9 =	sadd.s32 $0xFFFFFEF7, lr;
	s5 =	simm.s32 $0xFFFFFFFF;
	p2 =	slt.u32 s8, $0xFFFFF086  }
0x1c: {  	p1 =	slt.u32 s9, $0xF7A;
	s5 =	simm.s32 @!p2 $0x0  }
0x1d: {  	s5 =	simm.s32 @p1 $0x1;
	p0 =	seq.s32 s7, s2  }
0x1e: {  	s7 =	smul.u32 @!p0 $0xF7A, s2;
	p2 =	seq.s32 @!p0 s5, $0x0  }
0x1f: {  	s9 =	smul.u32 $0xF7A, s1;
	s8 =	simm.s32 @!p0 $0x1BF5;
	p2 =	por !p2, p0  }
0x20: {  	[sflag:s8] =	ssyncset.s32 @!p0 $0xFFFFF086;
	s6 =	sadd.s32 @!p0 s3, s7;
	s7 =	simm.s32 @!p0 $0x108  }
0x21: {  	s3 =	sadd.s32 s3, s9;
	s6 =	sadd.s32 @!p0 $0x88, s6;
	s7 =	simm.s32 @p2 $0x1082  }
0x22: {  	[simem:s7], [sflag:s8] =	dma.local @!p0 [hbm:s6], $0xF7A  }
0x23: {  	s9 =	sor.u32 $0xD0000000, s2;
	s6 =	simm.s32 $0x108;
	_ =	swait.ge @!p0 [sflag:s8], $0x0  }
0x24: {  	s3 =	sadd.s32 $0x88, s3;
	s6 =	simm.s32 @!p1 $0x1082;
	[sflag:s4] =	ssyncset.s32 $0xFFFFF086  }
0x25: {  	[simem:s6], [sflag:s4] =	dma.local [hbm:s3], $0xF7A  }
0x26: {  	[smem:$0x3F7D] =	sst s1;
	(tag) =	ssettag s2;
	_ =	strace s9  }
0x27: {  	s1 =	sld [smem:$0x3F8D]  }
0x28: {  	s2 =	sld [smem:$0x3F8E]  }
0x29: {  	s4 =	sld [smem:$0x3F90]  }
0x2a: {  	p0 =	seq.s32 s5, $0x0;
	s5 =	sld [smem:$0x3F91]  }
0x2b: {  	s6 =	sld [smem:$0x3F92]  }
0x2c: {  	s7 =	sld [smem:$0x3F93]  }
0x2d: {  	s3 =	simm.s32 $0x108;
	s8 =	sld [smem:$0x3F94]  }
0x2e: {  	s3 =	simm.s32 @!p0 $0x1082;
	s9 =	sld [smem:$0x3F95]  }
0x2f: {  	lr =	sadd.s32 s0, s3;
	s0 =	sld [smem:$0x3F8C]  }
0x30: {  	s3 =	sld [smem:$0x3F8F]  }
0x31: {  	[smem:$0x3F98] =	sst s10  }
0x32: {  	s10 =	sld [smem:$0x3F96];
	_ =	sdelay $0x3  }
0x33: {  	p0 =	seq.s32 s10, $0x1;
	s10 =	sld [smem:$0x3F98];
	_ =	sdelay $0x3  }
0x34: {  	[smem:$0x3F98] =	sst s10  }
0x35: {  	s10 =	sld [smem:$0x3F97];
	_ =	sdelay $0x3  }
0x36: {  	p1 =	seq.s32 s10, $0x1;
	s10 =	sld [smem:$0x3F98];
	_ =	sdelay $0x3  }
0x37: {  	[smem:$0x3F98] =	sst s10  }
0x38: {  	s10 =	sld [smem:$0x3F99]  }
0x39: {  	_ = 	snop;
	(pc) =	sbr.ind lr, $3  }
0x3a: {  	_ = 	snop  }
0x3b: {  	_ = 	snop  }
0x3c: {  	p2 =	seq.s32 s10, $0x1;
	s10 =	sld [smem:$0x3F98]  }
0x3d: {  	_ =	shalt  }
0x3e: {  	_ =	shalt  }
0x3f: {  	_ =	shalt  }
0x40: {  	_ =	shalt  }
0x41: {  	_ =	shalt  }
0x42: {  	_ =	shalt  }
0x43: {  	_ =	shalt  }
0x44: {  	_ =	shalt  }
0x45: {  	_ =	shalt  }
0x46: {  	_ =	shalt  }
0x47: {  	_ =	shalt  }
0x48: {  	_ =	shalt  }
0x49: {  	_ =	shalt  }
0x4a: {  	_ =	shalt  }
0x4b: {  	_ =	shalt  }
0x4c: {  	_ =	shalt  }
0x4d: {  	_ =	shalt  }
0x4e: {  	_ =	shalt  }
0x4f: {  	_ =	shalt  }
0x50: {  	_ =	shalt  }
0x51: {  	_ =	shalt  }
0x52: {  	_ =	shalt  }
0x53: {  	_ =	shalt  }
0x54: {  	_ =	shalt  }
0x55: {  	_ =	shalt  }
0x56: {  	_ =	shalt  }
0x57: {  	_ =	shalt  }
0x58: {  	_ =	shalt  }
0x59: {  	_ =	shalt  }
0x5a: {  	_ =	shalt  }
0x5b: {  	_ =	shalt  }
0x5c: {  	_ =	shalt  }
0x5d: {  	_ =	shalt  }
0x5e: {  	_ =	shalt  }
0x5f: {  	_ =	shalt  }
0x60: {  	_ =	shalt  }
0x61: {  	_ =	shalt  }
0x62: {  	_ =	shalt  }
0x63: {  	_ =	shalt  }
0x64: {  	_ =	shalt  }
0x65: {  	_ =	shalt  }
0x66: {  	_ =	shalt  }
0x67: {  	_ =	shalt  }
0x68: {  	_ =	shalt  }
0x69: {  	_ =	shalt  }
0x6a: {  	_ =	shalt  }
0x6b: {  	_ =	shalt  }
0x6c: {  	_ =	shalt  }
0x6d: {  	_ =	shalt  }
0x6e: {  	_ =	shalt  }
0x6f: {  	_ =	shalt  }
0x70: {  	_ =	shalt  }
0x71: {  	_ =	shalt  }
0x72: {  	_ =	shalt  }
0x73: {  	_ =	shalt  }
0x74: {  	_ =	shalt  }
0x75: {  	_ =	shalt  }
0x76: {  	_ =	shalt  }
0x77: {  	_ =	shalt  }
0x78: {  	_ =	shalt  }
0x79: {  	_ =	shalt  }
0x7a: {  	_ =	shalt  }
0x7b: {  	_ =	shalt  }
0x7c: {  	_ =	shalt  }
0x7d: {  	_ =	shalt  }
0x7e: {  	_ =	shalt  }
0x7f: {  	_ =	shalt  }
0x80: {  	_ =	shalt  }
0x81: {  	_ =	shalt  }
0x82: {  	_ =	shalt  }
0x83: {  	_ =	shalt  }
0x84: {  	_ =	shalt  }
0x85: {  	_ =	shalt  }
0x86: {  	_ =	shalt  }
0x87: {  	_ =	shalt  }
.Lfunc_end0:
.L_simem_size_0:
called_computation_lowered:
.L_overlay_start_0:
0x88: {  	s2 =	sld [smem:$0x3FD9]  }
0x89: {  	s3 =	sld [smem:$0x3FFE];
	_ =	sdelay $0x1  }
0x8a: {  	s1 =	srdreg.scid  }
0x8b: {  	s0 =	sand.u32 $0x1, s1  }
0x8c: {  	s16 =	sshll.u32 s0, $0xA;
	s2 =	sadd.s32 s3, s2  }
0x8d: {  	s2 =	sadd.s32 s2, s16  }
0x8e: {  	[smem:$0x3FA4] =	sst s2  }
0x8f: {  	_ = 	snop  }
0x90: {  	(tm) =	ssettm $0x1  }
0x91: {  	s17 =	sld [smem:$0x3FFB];
	_ =	sdelay $0x3  }
0x92: {  	_ =	strace s17  }
0x93: {  	s2 =	sld [smem:$0x3FFC];
	_ =	sdelay $0x3  }
0x94: {  	_ =	strace s2  }
0x95: {  	s2 =	sld [smem:$0x3FFD];
	_ =	sdelay $0x3  }
0x96: {  	_ =	strace s2  }
0x97: {  	_ =	strace $0x8FFFFFFF  }
0x98: {  	s18 =	sld [smem:$0x3FDB];
	_ =	sdelay $0x1  }
0x99: {  	s19 =	simm.s32 $_scs_section_size  }
0x9a: {  	s4 =	simm.s32 $_size__tile_overlayer_lowered;
	s5 =	simm.s32 $_tile_overlayer_lowered  }
0x9b: {  	s22 =	simm.s32 $0x1BFF;
	s21 =	sshll.u32 s5, $0x1;
	s2 =	sadd.s32 s19, s18  }
0x9c: {  	s6 =	simm.s32 $0x0;
	s20 =	sshll.u32 s4, $0x1;
	s4 =	sadd.s32 s21, s2  }
0x9d: {  	[timem:s6], [sflag:s22] =	dma.local [hbm:s4], s20  }
0x9e: {  	_ =	swait.ge [sflag:s22], s20  }
0x9f: {  	s3 =	ssub.s32 $0x0, s20;
	[sflag:s22] =	ssyncset.done $0x0  }
0xa0: {  	[sflag:s22] =	ssyncadd.s32 s3;
	_ =	sdelay $0x1  }
0xa1: {  	s23 =	simm.s32 $0x1B8B  }
0xa2: {  	_ =	swait.ge [sflag:s23], $0x1  }
0xa3: {  	[sflag:s23] =	ssyncset.done $0x0  }
0xa4: {  	s25 =	simm.s32 $0x1B8E;
	s24 =	sld [smem:$0x3FFE];
	[sflag:s23] =	ssyncadd.s32 $0xFFFFFFFF  }
0xa5: {  	s26 =	simm.s32 $execute0_lowered;
	[smem:$0x3FD2] =	sst s25  }
0xa6: {  	s4 =	sshll.u32 s26, $0x1;
	_ =	strace $0x80000046;
	[dreg:$0x1] =	wrdreg $0xFFFFFFFF  }
0xa7: {  	s28 =	simm.s32 $_size_execute0_lowered;
	s2 =	sadd.s32 s2, s4;
	[dreg:$0x0] =	wrdreg $0x0  }
0xa8: {  	s4 =	sshll.u32 s28, $0x1;
	[dreg:$0x2] =	wrdreg s2  }
0xa9: {  	[dreg:$0x3] =	wrdreg s4  }
0xaa: {  	[dreg:$0x4] =	wrdreg $0xC0  }
0xab: {  	_ =	task [dreg:s6], $0x5FFFF  }
0xac: {  	[dreg:$0x1] =	wrdreg $0xFFFFFFFF  }
0xad: {  	[dreg:$0x0] =	wrdreg $0x60  }
0xae: {  	[dreg:$0x2] =	wrdreg s24  }
0xaf: {  	[dreg:$0x3] =	wrdreg $0x9  }
0xb0: {  	_ =	task.clear_ibuf [dreg:s6], $0x4FFFF;
	_ =	strace $0x90000046  }
0xb1: {  	s29 =	simm.s32 $0x9;
	_ =	strace $0x80000048  }
0xb2: {  	_ =	swait.ge [sflag:s29], $0x1  }
0xb3: {  	[sflag:s29] =	ssyncadd.s32 $0xFFFFFFFF  }
0xb4: {  	_ =	strace $0x90000048  }
0xb5: {  	_ =	sfence  }
0xb6: {  	s30 =	sld [smem:$0x0];
	_ =	sdelay $0x2  }
0xb7: {  	s31 =	sshll.u32 s1, $0xD;
	s1 =	sshrl.u32 s1, $0x2  }
0xb8: {  	s3 =	sand.u32 $0x4000, s31;
	s1 =	sadd.s32 s1, s30  }
0xb9: {  	s0 =	sor.u32 s3, s0;
	s1 =	sshll.u32 s1, $0x11  }
0xba: {  	s0 =	sor.u32 s1, s0  }
0xbb: {  	s0 =	sadd.s32 $0x8F2B, s0  }
0xbc: {  	[sflag:s0] =	ssyncadd.remote.s32 $0x1  }
0xbd: {  	_ =	sfence.sel $0xFFFF  }
0xbe: {  	[dreg:$0x0] =	wrdreg $0xFFFFFFFF;
	(pc) =	sbr.abs _section_cstart, $3  }
0xbf: {  	[dreg:$0x1] =	wrdreg $0xFFFFFFFF  }
0xc0: {  	_ =	task.clear_ibuf [dreg:s6], $0x2FFFF;
	_ =	strace $0x9FFFFFFF  }
0xc1: {  	(tm) =	ssettm $0x7FFFFFFF  }
tec
execute0_lowered:
.L_overlay_start_1:
0x0: {  	(tag) =	ssettag $0x1  }
0x1: {  	s0 =	srdreg.scid;
	s7 =	rddreg [dreg:$0x0]  }
0x2: {  	s2 =	simm.s32 $0x0;
	s11 =	simm.s32 $0x1;
	s12 =	simm.s32 $0x800  }
0x3: {  	s13 =	simm.s32 $0x1000;
	s14 =	simm.s32 $0x80;
	s6 =	sand.u32 $0x1, s0  }
0x4: {  	s15 =	simm.s32 $0x400;
	s0 =	stileid.u32;
	s1 =	sshll.u32 s6, $0x4  }
0x5: {  	s16 =	simm.s32 $0x1800;
	s17 =	simm.s32 $0x0;
	s8 =	sor.u32 s0, s1  }
0x6: {  	[smem:$0x7FF] =	sst s2;
	s4 =	sadd.s32 $0x19800, s7;
	s3 =	sshrl.u32 s8, $0x3  }
0x7: {  	s30 =	sshll.u32 s0, $0x7;
	s10 =	ssub.s32 $0x2, s6;
	s5 =	smul.u32 $0xB0000, s3  }
0x8: {  	s6 =	sadd.s32 $0x23600, s7;
	s1 =	rddreg [dreg:$0x1];
	s9 =	sand.u32 $0x380, s30  }
0x9: {  	_ =	strace $0x80000047;
	s31 =	sshrl.u32 s10, $0x1;
	s9 =	sor.u32 s9, s5  }
0xa: {  	s10 =	ssub.s32 s10, s31;
	s3 =	sadd.s32 $0x5C00, s7;
	s9 =	sshrl.u32 s9, $0x3  }
0xb: {  	s5 =	sadd.s32 $0xFA00, s7;
	s9 =	sadd.s32 s9, s7;
	s7 =	smul.u32 $0x2710, s8  }
0xc: {  	s8 =	sadd.s32 $0x23800, s9;
	s9 =	smax.u32 s10, $0x1;
	s10 =	simm.s32 $0x17800  }
.LBB2_1:
0xd: {  	[tilespmem:s10], [sflag:$0x1] =	stream.linear.gather [hbm4b:s6+s2], $0x900, $0x38;
	[tilespmem:$0x18400] =	vst v63  }
0xe: {  	_ =	swait.ge [sflag:s11], $0x900  }
0xf: {  	[sflag:s11] =	ssyncset.done $0x0  }
0x10: {  	[sflag:s11] =	ssyncadd.s32 $0xFFFFF700  }
0x11: {  	v0 =	vld [tilespmem:$0x17800];
	_ =	sdelay $0x4  }
0x12: {  	v0 =	vmul.f32 $0.0e+00, v0  }
0x13: {  	s18 =	simm.s32 $0x40;
	s19 =	simm.s32 $0x0  }
.LBB2_2:
0x14: {  	p0 =	sne.s32 s18, $0x57FC0;
	[tilespmem:s19+$0x1800] =	vst v0;
	s19 =	smov.u32 s18;
	s18 =	sadd.s32 $0x40, s18  }
.Ltmp0:
0x15: {  	(pc) =	sbr.rel @p0 .LBB2_2-.Ltmp0, $2  }
0x16: {  	_ =	sdelay $0x2  }
0x17: {  	s19 =	sshra.s32 s19, $0x2  }
0x18: {  	[tilespmem:s19+$0x1800] =	vst v0;
	s18 =	simm.s32 $0x0;
	s19 =	simm.s32 $0x0  }
.LBB2_4:
0x19: {  	s20 =	smul.u32 $0x7D0, s19;
	_ =	sdelay $0x1  }
0x1a: {  	s20 =	sadd.s32 s7, s20  }
0x1b: {  	s20 =	sshrl.u32 s20, $0x3  }
0x1c: {  	s21 =	sadd.s32 s3, s20  }
0x1d: {  	[tilespmem:s18], [sflag:$0x1] =	stream.linear.gather [hbm4b:s21+s18], $0x7D0, $0x38;
	[tilespmem:$0x18400] =	vst v63  }
0x1e: {  	_ =	swait.ge [sflag:s11], $0x7D0  }
0x1f: {  	[sflag:s11] =	ssyncset.done $0x0  }
0x20: {  	s31 =	sadd.s32 s4, s20;
	[sflag:s11] =	ssyncadd.s32 $0xFFFFF830  }
0x21: {  	[tilespmem:s12], [sflag:$0x1] =	stream.linear.gather [hbm4b:s31+s18], $0x7D0, $0x38;
	[tilespmem:$0x18400] =	vst v63  }
0x22: {  	_ =	swait.ge [sflag:s11], $0x7D0  }
0x23: {  	[sflag:s11] =	ssyncset.done $0x0  }
0x24: {  	s20 =	sadd.s32 s5, s20;
	[sflag:s11] =	ssyncadd.s32 $0xFFFFF830  }
0x25: {  	[tilespmem:s13], [sflag:$0x1] =	stream.linear.gather [hbm4b:s20+s18], $0x7D0, $0x38;
	[tilespmem:$0x18400] =	vst v63  }
0x26: {  	_ =	swait.ge [sflag:s11], $0x7D0  }
0x27: {  	[sflag:s11] =	ssyncset.done $0x0  }
0x28: {  	s21 =	simm.s32 $0x0;
	[sflag:s11] =	ssyncadd.s32 $0xFFFFF830  }
0x29: {  	v0 =	vld [tilespmem:s21+$0x800];
	_ =	sdelay $0x1  }
0x2a: {  	v1 =	vld [tilespmem:s21+$0x1000];
	_ =	sdelay $0x1  }
0x2b: {  	v2 =	vld [tilespmem:s21+$0x0]  }
0x2c: {  	vm0 =	vlt.s32 v0, $0x5  }
0x2d: {  	v0 =	vnsel vm0, $0x5, v0  }
0x2e: {  	vm15 =	vlt.s32 v1, $0x2;
	v0 =	vmul.u32 $0x3, v0  }
0x2f: {  	v1 =	vnsel vm15, $0x2, v1  }
0x30: {  	v2 =	vmul.u32 $0x9, v2;
	v0 =	vadd.s32 v1, v0  }
0x31: {  	v0 =	vshll.u32 v0, $0x9  }
0x32: {  	v1 =	vadd.s32 $0x1800, v2;
	v0 =	vshra.s32 v0, $0x2  }
0x33: {  	(v2sf) =	vpush v1, $0x0;
	v0 =	vadd.s32 $0x17800, v0  }
0x34: {  	(v2sf) =	vpush v0, $0x0;
	_ =	sdelay $0x7  }
0x35: {  	(v2sf) =	vpush v0, $0x1  }
0x36: {  	(v2sf) =	vpush v1, $0x1;
	_ =	sdelay $0x4  }
0x37: {  	s22 =	spop (v2sf)  }
0x38: {  	v2 =	vld [tilespmem:s22+$0x0];
	s23 =	spop (v2sf)  }
0x39: {  	v3 =	vld [tilespmem:s23+$0x0]  }
0x3a: {  	(v2sf) =	vpush v0, $0x2  }
0x3b: {  	(v2sf) =	vpush v1, $0x2;
	_ =	sdelay $0x2  }
0x3c: {  	v2 =	vadd.f32 v2, v3;
	_ =	sdelay $0x1  }
0x3d: {  	s24 =	spop (v2sf);
	[tilespmem:s22+$0x0] =	vst v2  }
0x3e: {  	s25 =	spop (v2sf);
	v2 =	vld [tilespmem:s24+$0x0]  }
0x3f: {  	v3 =	vld [tilespmem:s25+$0x0]  }
0x40: {  	(v2sf) =	vpush v0, $0x3  }
0x41: {  	(v2sf) =	vpush v1, $0x3;
	_ =	sdelay $0x2  }
0x42: {  	v2 =	vadd.f32 v3, v2;
	_ =	sdelay $0x1  }
0x43: {  	s26 =	spop (v2sf);
	[tilespmem:s25+$0x0] =	vst v2  }
0x44: {  	s28 =	spop (v2sf);
	v2 =	vld [tilespmem:s26+$0x0]  }
0x45: {  	v3 =	vld [tilespmem:s28+$0x0]  }
0x46: {  	(v2sf) =	vpush v0, $0x4  }
0x47: {  	(v2sf) =	vpush v1, $0x4;
	_ =	sdelay $0x2  }
0x48: {  	v2 =	vadd.f32 v3, v2;
	_ =	sdelay $0x1  }
0x49: {  	s29 =	spop (v2sf);
	[tilespmem:s28+$0x0] =	vst v2  }
0x4a: {  	s30 =	spop (v2sf);
	v2 =	vld [tilespmem:s29+$0x0]  }
0x4b: {  	v3 =	vld [tilespmem:s30+$0x0]  }
0x4c: {  	(v2sf) =	vpush v0, $0x5  }
0x4d: {  	(v2sf) =	vpush v1, $0x5;
	_ =	sdelay $0x2  }
0x4e: {  	v2 =	vadd.f32 v3, v2;
	_ =	sdelay $0x1  }
0x4f: {  	s31 =	spop (v2sf);
	[tilespmem:s30+$0x0] =	vst v2  }
0x50: {  	s21 =	spop (v2sf);
	v2 =	vld [tilespmem:s31+$0x0]  }
0x51: {  	v3 =	vld [tilespmem:s21+$0x0]  }
0x52: {  	(v2sf) =	vpush v0, $0x6  }
0x53: {  	(v2sf) =	vpush v1, $0x6;
	_ =	sdelay $0x2  }
0x54: {  	v2 =	vadd.f32 v3, v2;
	_ =	sdelay $0x1  }
0x55: {  	s22 =	spop (v2sf);
	[tilespmem:s21+$0x0] =	vst v2  }
0x56: {  	s23 =	spop (v2sf);
	v2 =	vld [tilespmem:s22+$0x0]  }
0x57: {  	v3 =	vld [tilespmem:s23+$0x0]  }
0x58: {  	(v2sf) =	vpush v0, $0x7  }
0x59: {  	(v2sf) =	vpush v1, $0x7;
	_ =	sdelay $0x2  }
0x5a: {  	v2 =	vadd.f32 v3, v2;
	_ =	sdelay $0x1  }
0x5b: {  	s24 =	spop (v2sf);
	[tilespmem:s23+$0x0] =	vst v2  }
0x5c: {  	s25 =	spop (v2sf);
	v2 =	vld [tilespmem:s24+$0x0]  }
0x5d: {  	v3 =	vld [tilespmem:s25+$0x0]  }
0x5e: {  	(v2sf) =	vpush v0, $0x8  }
0x5f: {  	(v2sf) =	vpush v1, $0x8;
	_ =	sdelay $0x2  }
0x60: {  	v2 =	vadd.f32 v3, v2;
	_ =	sdelay $0x1  }
0x61: {  	s26 =	spop (v2sf);
	[tilespmem:s25+$0x0] =	vst v2  }
0x62: {  	s28 =	spop (v2sf);
	v2 =	vld [tilespmem:s26+$0x0]  }
0x63: {  	v3 =	vld [tilespmem:s28+$0x0]  }
0x64: {  	(v2sf) =	vpush v0, $0x9  }
0x65: {  	(v2sf) =	vpush v1, $0x9;
	_ =	sdelay $0x2  }
0x66: {  	v2 =	vadd.f32 v3, v2;
	_ =	sdelay $0x1  }
0x67: {  	s29 =	spop (v2sf);
	[tilespmem:s28+$0x0] =	vst v2  }
0x68: {  	s30 =	spop (v2sf);
	v2 =	vld [tilespmem:s29+$0x0]  }
0x69: {  	v3 =	vld [tilespmem:s30+$0x0]  }
0x6a: {  	(v2sf) =	vpush v0, $0xA  }
0x6b: {  	(v2sf) =	vpush v1, $0xA;
	_ =	sdelay $0x2  }
0x6c: {  	v2 =	vadd.f32 v3, v2;
	_ =	sdelay $0x1  }
0x6d: {  	s31 =	spop (v2sf);
	[tilespmem:s30+$0x0] =	vst v2  }
0x6e: {  	s21 =	spop (v2sf);
	v2 =	vld [tilespmem:s31+$0x0]  }
0x6f: {  	v3 =	vld [tilespmem:s21+$0x0]  }
0x70: {  	(v2sf) =	vpush v0, $0xB  }
0x71: {  	(v2sf) =	vpush v1, $0xB;
	_ =	sdelay $0x2  }
0x72: {  	v2 =	vadd.f32 v3, v2;
	_ =	sdelay $0x1  }
0x73: {  	s22 =	spop (v2sf);
	(v2sf) =	vpush v0, $0xC;
	[tilespmem:s21+$0x0] =	vst v2  }
0x74: {  	s23 =	spop (v2sf);
	v2 =	vld [tilespmem:s22+$0x0]  }
0x75: {  	v3 =	vld [tilespmem:s23+$0x0];
	_ =	sdelay $0x1  }
0x76: {  	(v2sf) =	vpush v1, $0xC;
	_ =	sdelay $0x2  }
0x77: {  	v2 =	vadd.f32 v3, v2;
	_ =	sdelay $0x1  }
0x78: {  	s24 =	spop (v2sf);
	[tilespmem:s23+$0x0] =	vst v2  }
0x79: {  	s25 =	spop (v2sf);
	v2 =	vld [tilespmem:s24+$0x0]  }
0x7a: {  	v3 =	vld [tilespmem:s25+$0x0]  }
0x7b: {  	(v2sf) =	vpush v0, $0xD  }
0x7c: {  	(v2sf) =	vpush v1, $0xD;
	_ =	sdelay $0x1  }
0x7d: {  	s26 =	spop (v2sf);
	(v2sf) =	vpush v0, $0xE  }
0x7e: {  	v2 =	vadd.f32 v3, v2;
	_ =	sdelay $0x1  }
0x7f: {  	[tilespmem:s25+$0x0] =	vst v2  }
0x80: {  	s28 =	spop (v2sf);
	v2 =	vld [tilespmem:s26+$0x0]  }
0x81: {  	v3 =	vld [tilespmem:s28+$0x0];
	_ =	sdelay $0x1  }
0x82: {  	(v2sf) =	vpush v1, $0xE;
	_ =	sdelay $0x2  }
0x83: {  	v2 =	vadd.f32 v3, v2;
	_ =	sdelay $0x1  }
0x84: {  	s29 =	spop (v2sf);
	[tilespmem:s28+$0x0] =	vst v2  }
0x85: {  	s30 =	spop (v2sf);
	v2 =	vld [tilespmem:s29+$0x0]  }
0x86: {  	(v2sf) =	vpush v1, $0xF;
	v3 =	vld [tilespmem:s30+$0x0]  }
0x87: {  	s31 =	spop (v2sf);
	(v2sf) =	vpush v0, $0xF;
	_ =	sdelay $0x3  }
0x88: {  	v2 =	vadd.f32 v3, v2;
	_ =	sdelay $0x1  }
0x89: {  	[tilespmem:s30+$0x0] =	vst v2  }
0x8a: {  	s20 =	simm.s32 $0x40;
	s21 =	spop (v2sf);
	v0 =	vld [tilespmem:s31+$0x0]  }
.LBB2_5:
0x8b: {  	p0 =	sne.s32 s20, $0x1F00;
	v1 =	vld [tilespmem:s21+$0x0];
	s22 =	smov.u32 s20;
	s20 =	sadd.s32 $0x40, s20  }
0x8c: {  	_ =	sdelay $0x3  }
0x8d: {  	v0 =	vadd.f32 v1, v0  }
0x8e: {  	s23 =	spop (v2sf)  }
0x8f: {  	[tilespmem:s21+$0x0] =	vst v0;
	s21 =	spop (v2sf)  }
0x90: {  	v0 =	vld [tilespmem:s21+$0x0]  }
0x91: {  	v1 =	vld [tilespmem:s23+$0x0];
	_ =	sdelay $0x4  }
0x92: {  	v0 =	vadd.f32 v1, v0  }
0x93: {  	s21 =	sshra.s32 s22, $0x2  }
0x94: {  	[tilespmem:s23+$0x0] =	vst v0  }
0x95: {  	v0 =	vld [tilespmem:s21+$0x800]  }
0x96: {  	v1 =	vld [tilespmem:s21+$0x1000];
	_ =	sdelay $0x2  }
0x97: {  	v2 =	vld [tilespmem:s21+$0x0]  }
0x98: {  	vm0 =	vlt.s32 v0, $0x5  }
0x99: {  	v0 =	vnsel vm0, $0x5, v0;
	vm0 =	vlt.s32 v1, $0x2  }
0x9a: {  	v1 =	vnsel vm0, $0x2, v1;
	v0 =	vmul.u32 $0x3, v0;
	_ =	sdelay $0x1  }
0x9b: {  	v2 =	vmul.u32 $0x9, v2;
	v0 =	vadd.s32 v1, v0  }
0x9c: {  	v0 =	vshll.u32 v0, $0x9  }
0x9d: {  	v0 =	vshra.s32 v0, $0x2;
	v1 =	vadd.s32 $0x1800, v2  }
0x9e: {  	v0 =	vadd.s32 $0x17800, v0;
	(v2sf) =	vpush v1, $0x0  }
0x9f: {  	(v2sf) =	vpush v0, $0x0;
	_ =	sdelay $0x7  }
0xa0: {  	(v2sf) =	vpush v0, $0x1  }
0xa1: {  	(v2sf) =	vpush v1, $0x1;
	_ =	sdelay $0x4  }
0xa2: {  	s21 =	spop (v2sf)  }
0xa3: {  	v2 =	vld [tilespmem:s21+$0x0];
	s22 =	spop (v2sf)  }
0xa4: {  	v3 =	vld [tilespmem:s22+$0x0]  }
0xa5: {  	(v2sf) =	vpush v0, $0x2  }
0xa6: {  	(v2sf) =	vpush v1, $0x2;
	_ =	sdelay $0x2  }
0xa7: {  	v2 =	vadd.f32 v2, v3;
	_ =	sdelay $0x1  }
0xa8: {  	[tilespmem:s21+$0x0] =	vst v2;
	s21 =	spop (v2sf)  }
0xa9: {  	v2 =	vld [tilespmem:s21+$0x0];
	s21 =	spop (v2sf)  }
0xaa: {  	v3 =	vld [tilespmem:s21+$0x0]  }
0xab: {  	(v2sf) =	vpush v0, $0x3  }
0xac: {  	(v2sf) =	vpush v1, $0x3;
	_ =	sdelay $0x2  }
0xad: {  	v2 =	vadd.f32 v3, v2;
	_ =	sdelay $0x1  }
0xae: {  	[tilespmem:s21+$0x0] =	vst v2;
	s21 =	spop (v2sf)  }
0xaf: {  	v2 =	vld [tilespmem:s21+$0x0];
	s21 =	spop (v2sf)  }
0xb0: {  	v3 =	vld [tilespmem:s21+$0x0]  }
0xb1: {  	(v2sf) =	vpush v0, $0x4  }
0xb2: {  	(v2sf) =	vpush v1, $0x4;
	_ =	sdelay $0x2  }
0xb3: {  	v2 =	vadd.f32 v3, v2;
	_ =	sdelay $0x1  }
0xb4: {  	[tilespmem:s21+$0x0] =	vst v2;
	s21 =	spop (v2sf)  }
0xb5: {  	v2 =	vld [tilespmem:s21+$0x0];
	s21 =	spop (v2sf)  }
0xb6: {  	v3 =	vld [tilespmem:s21+$0x0]  }
0xb7: {  	(v2sf) =	vpush v0, $0x5  }
0xb8: {  	(v2sf) =	vpush v1, $0x5;
	_ =	sdelay $0x2  }
0xb9: {  	v2 =	vadd.f32 v3, v2;
	_ =	sdelay $0x1  }
0xba: {  	[tilespmem:s21+$0x0] =	vst v2;
	s21 =	spop (v2sf)  }
0xbb: {  	v2 =	vld [tilespmem:s21+$0x0];
	s21 =	spop (v2sf)  }
0xbc: {  	v3 =	vld [tilespmem:s21+$0x0]  }
0xbd: {  	(v2sf) =	vpush v0, $0x6  }
0xbe: {  	(v2sf) =	vpush v1, $0x6;
	_ =	sdelay $0x2  }
0xbf: {  	v2 =	vadd.f32 v3, v2;
	_ =	sdelay $0x1  }
0xc0: {  	[tilespmem:s21+$0x0] =	vst v2;
	s21 =	spop (v2sf)  }
0xc1: {  	v2 =	vld [tilespmem:s21+$0x0];
	s21 =	spop (v2sf)  }
0xc2: {  	v3 =	vld [tilespmem:s21+$0x0]  }
0xc3: {  	(v2sf) =	vpush v0, $0x7  }
0xc4: {  	(v2sf) =	vpush v1, $0x7;
	_ =	sdelay $0x2  }
0xc5: {  	v2 =	vadd.f32 v3, v2;
	_ =	sdelay $0x1  }
0xc6: {  	[tilespmem:s21+$0x0] =	vst v2;
	s21 =	spop (v2sf)  }
0xc7: {  	v2 =	vld [tilespmem:s21+$0x0];
	s21 =	spop (v2sf)  }
0xc8: {  	v3 =	vld [tilespmem:s21+$0x0]  }
0xc9: {  	(v2sf) =	vpush v0, $0x8  }
0xca: {  	(v2sf) =	vpush v1, $0x8;
	_ =	sdelay $0x2  }
0xcb: {  	v2 =	vadd.f32 v3, v2;
	_ =	sdelay $0x1  }
0xcc: {  	[tilespmem:s21+$0x0] =	vst v2;
	s21 =	spop (v2sf)  }
0xcd: {  	v2 =	vld [tilespmem:s21+$0x0];
	s21 =	spop (v2sf)  }
0xce: {  	v3 =	vld [tilespmem:s21+$0x0]  }
0xcf: {  	(v2sf) =	vpush v0, $0x9  }
0xd0: {  	(v2sf) =	vpush v1, $0x9;
	_ =	sdelay $0x2  }
0xd1: {  	v2 =	vadd.f32 v3, v2;
	_ =	sdelay $0x1  }
0xd2: {  	[tilespmem:s21+$0x0] =	vst v2;
	s21 =	spop (v2sf)  }
0xd3: {  	v2 =	vld [tilespmem:s21+$0x0];
	s21 =	spop (v2sf)  }
0xd4: {  	v3 =	vld [tilespmem:s21+$0x0]  }
0xd5: {  	(v2sf) =	vpush v0, $0xA  }
0xd6: {  	(v2sf) =	vpush v1, $0xA;
	_ =	sdelay $0x2  }
0xd7: {  	v2 =	vadd.f32 v3, v2;
	_ =	sdelay $0x1  }
0xd8: {  	[tilespmem:s21+$0x0] =	vst v2;
	s21 =	spop (v2sf)  }
0xd9: {  	v2 =	vld [tilespmem:s21+$0x0];
	s21 =	spop (v2sf)  }
0xda: {  	v3 =	vld [tilespmem:s21+$0x0]  }
0xdb: {  	(v2sf) =	vpush v0, $0xB  }
0xdc: {  	(v2sf) =	vpush v1, $0xB;
	_ =	sdelay $0x2  }
0xdd: {  	v2 =	vadd.f32 v3, v2;
	_ =	sdelay $0x1  }
0xde: {  	[tilespmem:s21+$0x0] =	vst v2;
	s21 =	spop (v2sf)  }
0xdf: {  	v2 =	vld [tilespmem:s21+$0x0];
	s21 =	spop (v2sf)  }
0xe0: {  	v3 =	vld [tilespmem:s21+$0x0]  }
0xe1: {  	(v2sf) =	vpush v0, $0xC  }
0xe2: {  	(v2sf) =	vpush v1, $0xC;
	_ =	sdelay $0x2  }
0xe3: {  	v2 =	vadd.f32 v3, v2;
	_ =	sdelay $0x1  }
0xe4: {  	[tilespmem:s21+$0x0] =	vst v2;
	s21 =	spop (v2sf)  }
0xe5: {  	v2 =	vld [tilespmem:s21+$0x0];
	s21 =	spop (v2sf)  }
0xe6: {  	v3 =	vld [tilespmem:s21+$0x0]  }
0xe7: {  	(v2sf) =	vpush v0, $0xD  }
0xe8: {  	(v2sf) =	vpush v1, $0xD;
	_ =	sdelay $0x2  }
0xe9: {  	v2 =	vadd.f32 v3, v2;
	_ =	sdelay $0x1  }
0xea: {  	[tilespmem:s21+$0x0] =	vst v2;
	s21 =	spop (v2sf)  }
0xeb: {  	v2 =	vld [tilespmem:s21+$0x0];
	s21 =	spop (v2sf)  }
0xec: {  	v3 =	vld [tilespmem:s21+$0x0]  }
0xed: {  	(v2sf) =	vpush v0, $0xE  }
0xee: {  	(v2sf) =	vpush v1, $0xE;
	_ =	sdelay $0x2  }
0xef: {  	v2 =	vadd.f32 v3, v2;
	_ =	sdelay $0x1  }
0xf0: {  	[tilespmem:s21+$0x0] =	vst v2;
	s21 =	spop (v2sf)  }
0xf1: {  	v2 =	vld [tilespmem:s21+$0x0];
	s21 =	spop (v2sf)  }
0xf2: {  	v3 =	vld [tilespmem:s21+$0x0];
	(v2sf) =	vpush v1, $0xF  }
0xf3: {  	(v2sf) =	vpush v0, $0xF;
	_ =	sdelay $0x2  }
.Ltmp1:
0xf4: {  	(pc) =	sbr.rel @p0 .LBB2_5-.Ltmp1, $3  }
0xf5: {  	v0 =	vadd.f32 v3, v2;
	_ =	sdelay $0x1  }
0xf6: {  	[tilespmem:s21+$0x0] =	vst v0;
	s21 =	spop (v2sf)  }
0xf7: {  	v0 =	vld [tilespmem:s21+$0x0];
	s21 =	spop (v2sf)  }
0xf8: {  	v1 =	vld [tilespmem:s21+$0x0];
	_ =	sdelay $0x4  }
0xf9: {  	v0 =	vadd.f32 v1, v0  }
0xfa: {  	s20 =	spop (v2sf)  }
0xfb: {  	[tilespmem:s21+$0x0] =	vst v0;
	s31 =	spop (v2sf)  }
0xfc: {  	v0 =	vld [tilespmem:s31+$0x0]  }
0xfd: {  	v63 =	vld [tilespmem:s20+$0x0]  }
0xfe: {  	s19 =	sadd.s32 $0x1, s19  }
0xff: {  	p0 =	sne.s32 s19, $0x5  }
.Ltmp2:
0x100: {  	_ = 	snop;
	(pc) =	sbr.rel @p0 .LBB2_4-.Ltmp2, $3  }
0x101: {  	_ = 	snop  }
0x102: {  	v0 =	vadd.f32 v63, v0;
	_ =	sdelay $0x1  }
0x103: {  	[tilespmem:s20+$0x0] =	vst v0  }
0x104: {  	s17 =	sadd.s32 $0x1, s17  }
0x105: {  	p0 =	sne.s32 s17, s9  }
.Ltmp3:
0x106: {  	_ = 	snop;
	(pc) =	sbr.rel @p0 .LBB2_1-.Ltmp3, $4  }
0x107: {  	[hbm4b:s8+s14] =	stream.strided.scatter [tilespmem:s16], [sflag:$0x1], $0x16000, s15, s14, $0x38;
	[tilespmem:$0x18400] =	vst v63  }
0x108: {  	_ =	swait.ge [sflag:s11], $0x16000  }
0x109: {  	[sflag:s11] =	ssyncset.done $0x0  }
0x10a: {  	[sflag:s11] =	ssyncadd.s32 $0xFFFEA000  }
0x10b: {  	_ =	sfence.sel $0x180000  }
0x10c: {  	[bflag:$0x0] =	sbarrier.arrive $0xFFFF  }
0x10d: {  	p0 =	sne.s32 s0, $0x0;
	_ =	strace $0x90000047  }
0x10e: {  	s0 =	sadd.s32 @!p0 $0x100000, s1;
	[bflag:$0x2] =	sbarrier.arrive $0xFFFF  }
0x10f: {  	[sflag:s0] =	ssyncadd.tile.s32 @!p0 $0x1;
	_ =	shalt  }
.Lfunc_end2:
_tile_overlayer_lowered:
.L_overlay_start_2:
0x110: {  	(tag) =	ssettag $0x2  }
0x111: {  	s0 =	rddreg [dreg:$0x0];
	s2 =	stileid.u32  }
0x112: {  	s1 =	rddreg [dreg:$0x1];
	p0 =	sne.s32 s2, $0x0  }
0x113: {  	s3 =	rddreg [dreg:$0x2];
	[bflag:$0x3] =	sbarrier.arrive $0xFFFF;
	s2 =	simm.s32 @!p0 $0x1C01  }
0x114: {  	[timem:s3], [sflag:s2] =	dma.local @!p0 [hbm:s0], s1  }
0x115: {  	s0 =	simm.s32 @!p0 $0x1  }
0x116: {  	_ =	swait.ge @!p0 [sflag:s0], s1  }
0x117: {  	s1 =	ssub.s32 @!p0 $0x0, s1;
	[sflag:s0] =	ssyncset.done @!p0 $0x0  }
0x118: {  	[sflag:s0] =	ssyncadd.s32 @!p0 s1  }
0x119: {  	[bflag:$0x3] =	sbarrier.arrive $0xFFFF  }
0x11a: {  	_ =	shalt  }

// kernel: kernel.17.cloned.1.call-start
scs
__scs_entry_jumppad:
0x0: {  	(pc) =	sbr.rel $0x88, $3  }
0x1: {  	(tag) =	ssettag $0x0;
	lr =	simm.s32 $0x1  }
0x2: {  	[smem:$0x3F7D] =	sst lr;
	_ =	strace $0xD0000000  }
0x3: {  	_ = 	snop  }
0x4: {  	_ = 	snop  }
0x5: {  	_ = 	snop  }
0x6: {  	_ = 	snop  }
0x7: {  	_ = 	snop  }
__scs_overlays_trampoline_lowered:
0x8: {  	[smem:$0x3F8C] =	sst s0  }
0x9: {  	[smem:$0x3F8D] =	sst s1  }
0xa: {  	[smem:$0x3F8E] =	sst s2  }
0xb: {  	[smem:$0x3F8F] =	sst s3  }
0xc: {  	[smem:$0x3F90] =	sst s4  }
0xd: {  	[smem:$0x3F91] =	sst s5  }
0xe: {  	[smem:$0x3F92] =	sst s6  }
0xf: {  	[smem:$0x3F93] =	sst s7  }
0x10: {  	[smem:$0x3F94] =	sst s8  }
0x11: {  	[smem:$0x3F95] =	sst s9;
	s0 =	simm.s32 @!p0 $0x0  }
0x12: {  	s1 =	sld [smem:$0x3F7B];
	s0 =	simm.s32 @p0 $0x1  }
0x13: {  	[smem:$0x3F96] =	sst s0;
	s0 =	simm.s32 @!p1 $0x0  }
0x14: {  	s2 =	sld [smem:$0x3F7A];
	s0 =	simm.s32 @p1 $0x1  }
0x15: {  	[smem:$0x3F97] =	sst s0;
	s0 =	simm.s32 @!p2 $0x0  }
0x16: {  	s3 =	sld [smem:$0x3FDB];
	s0 =	simm.s32 @p2 $0x1  }
0x17: {  	s4 =	simm.s32 $0x1BF5;
	[smem:$0x3F99] =	sst s0  }
0x18: {  	s0 =	sld [smem:$0x3F7C];
	_ =	swait.ge [sflag:s4], $0x0  }
0x19: {  	s7 =	sld [smem:$0x3F7D]  }
0x1a: {  	s8 =	sadd.s32 $0xFFFFE003, lr  }
0x1b: {  	s9 =	sadd.s32 $0xFFFFFEF7, lr;
	s5 =	simm.s32 $0xFFFFFFFF;
	p2 =	slt.u32 s8, $0xFFFFF086  }
0x1c: {  	p1 =	slt.u32 s9, $0xF7A;
	s5 =	simm.s32 @!p2 $0x0  }
0x1d: {  	s5 =	simm.s32 @p1 $0x1;
	p0 =	seq.s32 s7, s2  }
0x1e: {  	s7 =	smul.u32 @!p0 $0xF7A, s2;
	p2 =	seq.s32 @!p0 s5, $0x0  }
0x1f: {  	s9 =	smul.u32 $0xF7A, s1;
	s8 =	simm.s32 @!p0 $0x1BF5;
	p2 =	por !p2, p0  }
0x20: {  	[sflag:s8] =	ssyncset.s32 @!p0 $0xFFFFF086;
	s6 =	sadd.s32 @!p0 s3, s7;
	s7 =	simm.s32 @!p0 $0x108  }
0x21: {  	s3 =	sadd.s32 s3, s9;
	s6 =	sadd.s32 @!p0 $0x88, s6;
	s7 =	simm.s32 @p2 $0x1082  }
0x22: {  	[simem:s7], [sflag:s8] =	dma.local @!p0 [hbm:s6], $0xF7A  }
0x23: {  	s9 =	sor.u32 $0xD0000000, s2;
	s6 =	simm.s32 $0x108;
	_ =	swait.ge @!p0 [sflag:s8], $0x0  }
0x24: {  	s3 =	sadd.s32 $0x88, s3;
	s6 =	simm.s32 @!p1 $0x1082;
	[sflag:s4] =	ssyncset.s32 $0xFFFFF086  }
0x25: {  	[simem:s6], [sflag:s4] =	dma.local [hbm:s3], $0xF7A  }
0x26: {  	[smem:$0x3F7D] =	sst s1;
	(tag) =	ssettag s2;
	_ =	strace s9  }
0x27: {  	s1 =	sld [smem:$0x3F8D]  }
0x28: {  	s2 =	sld [smem:$0x3F8E]  }
0x29: {  	s4 =	sld [smem:$0x3F90]  }
0x2a: {  	p0 =	seq.s32 s5, $0x0;
	s5 =	sld [smem:$0x3F91]  }
0x2b: {  	s6 =	sld [smem:$0x3F92]  }
0x2c: {  	s7 =	sld [smem:$0x3F93]  }
0x2d: {  	s3 =	simm.s32 $0x108;
	s8 =	sld [smem:$0x3F94]  }
0x2e: {  	s3 =	simm.s32 @!p0 $0x1082;
	s9 =	sld [smem:$0x3F95]  }
0x2f: {  	lr =	sadd.s32 s0, s3;
	s0 =	sld [smem:$0x3F8C]  }
0x30: {  	s3 =	sld [smem:$0x3F8F]  }
0x31: {  	[smem:$0x3F98] =	sst s10  }
0x32: {  	s10 =	sld [smem:$0x3F96];
	_ =	sdelay $0x3  }
0x33: {  	p0 =	seq.s32 s10, $0x1;
	s10 =	sld [smem:$0x3F98];
	_ =	sdelay $0x3  }
0x34: {  	[smem:$0x3F98] =	sst s10  }
0x35: {  	s10 =	sld [smem:$0x3F97];
	_ =	sdelay $0x3  }
0x36: {  	p1 =	seq.s32 s10, $0x1;
	s10 =	sld [smem:$0x3F98];
	_ =	sdelay $0x3  }
0x37: {  	[smem:$0x3F98] =	sst s10  }
0x38: {  	s10 =	sld [smem:$0x3F99]  }
0x39: {  	_ = 	snop;
	(pc) =	sbr.ind lr, $3  }
0x3a: {  	_ = 	snop  }
0x3b: {  	_ = 	snop  }
0x3c: {  	p2 =	seq.s32 s10, $0x1;
	s10 =	sld [smem:$0x3F98]  }
0x3d: {  	_ =	shalt  }
0x3e: {  	_ =	shalt  }
0x3f: {  	_ =	shalt  }
0x40: {  	_ =	shalt  }
0x41: {  	_ =	shalt  }
0x42: {  	_ =	shalt  }
0x43: {  	_ =	shalt  }
0x44: {  	_ =	shalt  }
0x45: {  	_ =	shalt  }
0x46: {  	_ =	shalt  }
0x47: {  	_ =	shalt  }
0x48: {  	_ =	shalt  }
0x49: {  	_ =	shalt  }
0x4a: {  	_ =	shalt  }
0x4b: {  	_ =	shalt  }
0x4c: {  	_ =	shalt  }
0x4d: {  	_ =	shalt  }
0x4e: {  	_ =	shalt  }
0x4f: {  	_ =	shalt  }
0x50: {  	_ =	shalt  }
0x51: {  	_ =	shalt  }
0x52: {  	_ =	shalt  }
0x53: {  	_ =	shalt  }
0x54: {  	_ =	shalt  }
0x55: {  	_ =	shalt  }
0x56: {  	_ =	shalt  }
0x57: {  	_ =	shalt  }
0x58: {  	_ =	shalt  }
0x59: {  	_ =	shalt  }
0x5a: {  	_ =	shalt  }
0x5b: {  	_ =	shalt  }
0x5c: {  	_ =	shalt  }
0x5d: {  	_ =	shalt  }
0x5e: {  	_ =	shalt  }
0x5f: {  	_ =	shalt  }
0x60: {  	_ =	shalt  }
0x61: {  	_ =	shalt  }
0x62: {  	_ =	shalt  }
0x63: {  	_ =	shalt  }
0x64: {  	_ =	shalt  }
0x65: {  	_ =	shalt  }
0x66: {  	_ =	shalt  }
0x67: {  	_ =	shalt  }
0x68: {  	_ =	shalt  }
0x69: {  	_ =	shalt  }
0x6a: {  	_ =	shalt  }
0x6b: {  	_ =	shalt  }
0x6c: {  	_ =	shalt  }
0x6d: {  	_ =	shalt  }
0x6e: {  	_ =	shalt  }
0x6f: {  	_ =	shalt  }
0x70: {  	_ =	shalt  }
0x71: {  	_ =	shalt  }
0x72: {  	_ =	shalt  }
0x73: {  	_ =	shalt  }
0x74: {  	_ =	shalt  }
0x75: {  	_ =	shalt  }
0x76: {  	_ =	shalt  }
0x77: {  	_ =	shalt  }
0x78: {  	_ =	shalt  }
0x79: {  	_ =	shalt  }
0x7a: {  	_ =	shalt  }
0x7b: {  	_ =	shalt  }
0x7c: {  	_ =	shalt  }
0x7d: {  	_ =	shalt  }
0x7e: {  	_ =	shalt  }
0x7f: {  	_ =	shalt  }
0x80: {  	_ =	shalt  }
0x81: {  	_ =	shalt  }
0x82: {  	_ =	shalt  }
0x83: {  	_ =	shalt  }
0x84: {  	_ =	shalt  }
0x85: {  	_ =	shalt  }
0x86: {  	_ =	shalt  }
0x87: {  	_ =	shalt  }
.Lfunc_end0:
.L_simem_size_0:
called_computation.1_lowered:
.L_overlay_start_0:
0x88: {  	s2 =	sld [smem:$0x3FD9]  }
0x89: {  	s3 =	sld [smem:$0x3FFE];
	_ =	sdelay $0x1  }
0x8a: {  	s1 =	srdreg.scid  }
0x8b: {  	s0 =	sand.u32 $0x1, s1  }
0x8c: {  	s17 =	sshll.u32 s0, $0xA;
	s2 =	sadd.s32 s3, s2  }
0x8d: {  	s2 =	sadd.s32 s2, s17  }
0x8e: {  	[smem:$0x3FA4] =	sst s2  }
0x8f: {  	_ = 	snop  }
0x90: {  	(tm) =	ssettm $0x1  }
0x91: {  	s18 =	sld [smem:$0x3FFB];
	_ =	sdelay $0x3  }
0x92: {  	_ =	strace s18  }
0x93: {  	s2 =	sld [smem:$0x3FFC];
	_ =	sdelay $0x3  }
0x94: {  	_ =	strace s2  }
0x95: {  	s2 =	sld [smem:$0x3FFD];
	_ =	sdelay $0x3  }
0x96: {  	_ =	strace s2  }
0x97: {  	_ =	strace $0x8FFFFFFF  }
0x98: {  	s19 =	sld [smem:$0x3FDB];
	_ =	sdelay $0x1  }
0x99: {  	s20 =	simm.s32 $_scs_section_size  }
0x9a: {  	s4 =	simm.s32 $_size__tile_overlayer_lowered;
	s5 =	simm.s32 $_tile_overlayer_lowered  }
0x9b: {  	s6 =	simm.s32 $0x1BFF;
	s21 =	sshll.u32 s5, $0x1;
	s3 =	sadd.s32 s20, s19  }
0x9c: {  	s22 =	simm.s32 $0x0;
	s4 =	sshll.u32 s4, $0x1;
	s5 =	sadd.s32 s21, s3  }
0x9d: {  	[timem:s22], [sflag:s6] =	dma.local [hbm:s5], s4  }
0x9e: {  	_ =	swait.ge [sflag:s6], s4  }
0x9f: {  	s4 =	ssub.s32 $0x0, s4;
	[sflag:s6] =	ssyncset.done $0x0  }
0xa0: {  	[sflag:s6] =	ssyncadd.s32 s4;
	_ =	sdelay $0x1  }
0xa1: {  	s23 =	simm.s32 $0x1B8B  }
0xa2: {  	_ =	swait.ge [sflag:s23], $0x1  }
0xa3: {  	[sflag:s23] =	ssyncset.done $0x0  }
0xa4: {  	[sflag:s23] =	ssyncadd.s32 $0xFFFFFFFF  }
0xa5: {  	s4 =	sld [smem:$0x0]  }
0xa6: {  	s5 =	sand.u32 $0xFFFFFFFE, s1  }
0xa7: {  	p0 =	sne.s32 s1, s5  }
0xa8: {  	s5 =	sshll.u32 @p0 s5, $0xE  }
0xa9: {  	s5 =	sadd.s32 @p0 $0x11B8D, s5;
	s6 =	sshll.u32 @p0 s4, $0x11  }
0xaa: {  	s5 =	sor.u32 @p0 s6, s5  }
0xab: {  	[sflag:s5] =	ssyncadd.remote.s32 @p0 $0x1;
	_ =	sdelay $0x1  }
0xac: {  	s5 =	simm.s32 @p0 $0x1B8D  }
0xad: {  	_ =	swait.eq @p0 [sflag:s5], $0x1  }
0xae: {  	[sflag:s5] =	ssyncadd.s32 @p0 $0xFFFFFFFF  }
0xaf: {  	s6 =	sshll.u32 @!p0 s1, $0xE  }
0xb0: {  	s6 =	sor.u32 @!p0 $0x4000, s6;
	s5 =	simm.s32 @!p0 $0x1B8D  }
0xb1: {  	s4 =	sshll.u32 @!p0 s4, $0x11;
	s6 =	sadd.s32 @!p0 $0x11B8D, s6;
	_ =	swait.eq @!p0 [sflag:s5], $0x1  }
0xb2: {  	s4 =	sor.u32 @!p0 s4, s6;
	[sflag:s5] =	ssyncadd.s32 @!p0 $0xFFFFFFFF  }
0xb3: {  	s25 =	simm.s32 $0x1B8E;
	s24 =	sld [smem:$0x3FFE];
	[sflag:s4] =	ssyncadd.remote.s32 @!p0 $0x1  }
0xb4: {  	s26 =	simm.s32 $execute0_lowered;
	[smem:$0x3FD2] =	sst s25  }
0xb5: {  	s5 =	sshll.u32 s26, $0x1;
	_ =	strace $0x80000049;
	[dreg:$0x1] =	wrdreg $0xFFFFFFFF  }
0xb6: {  	s28 =	simm.s32 $_size_execute0_lowered;
	s3 =	sadd.s32 s3, s5;
	[dreg:$0x0] =	wrdreg $0x0  }
0xb7: {  	s5 =	sshll.u32 s28, $0x1;
	[dreg:$0x2] =	wrdreg s3  }
0xb8: {  	[dreg:$0x3] =	wrdreg s5  }
0xb9: {  	[dreg:$0x4] =	wrdreg $0xC0  }
0xba: {  	_ =	task [dreg:s22], $0x5FFFF  }
0xbb: {  	[dreg:$0x1] =	wrdreg $0xFFFFFFFF  }
0xbc: {  	[dreg:$0x0] =	wrdreg $0x60  }
0xbd: {  	[dreg:$0x2] =	wrdreg s24  }
0xbe: {  	[dreg:$0x3] =	wrdreg $0x90000  }
0xbf: {  	[dreg:$0x4] =	wrdreg $0xA  }
0xc0: {  	_ =	task.clear_ibuf [dreg:s22], $0x5FFFF;
	_ =	strace $0x90000049  }
0xc1: {  	s29 =	simm.s32 $0xA;
	_ =	strace $0x8000004B  }
0xc2: {  	_ =	swait.ge [sflag:s29], $0x1  }
0xc3: {  	[sflag:s29] =	ssyncadd.s32 $0xFFFFFFFF  }
0xc4: {  	_ =	strace $0x9000004B  }
0xc5: {  	_ =	sfence  }
0xc6: {  	s30 =	sld [smem:$0x0];
	_ =	sdelay $0x2  }
0xc7: {  	s31 =	sshll.u32 s1, $0xD;
	s1 =	sshrl.u32 s1, $0x2  }
0xc8: {  	s4 =	sand.u32 $0x4000, s31;
	s1 =	sadd.s32 s1, s30  }
0xc9: {  	s0 =	sor.u32 s4, s0;
	s1 =	sshll.u32 s1, $0x11  }
0xca: {  	s0 =	sor.u32 s1, s0  }
0xcb: {  	s0 =	sadd.s32 $0x8F2B, s0  }
0xcc: {  	[sflag:s0] =	ssyncadd.remote.s32 $0x1  }
0xcd: {  	_ =	sfence.sel $0xFFFF  }
0xce: {  	[dreg:$0x0] =	wrdreg $0xFFFFFFFF;
	(pc) =	sbr.abs _section_cstart, $3  }
0xcf: {  	[dreg:$0x1] =	wrdreg $0xFFFFFFFF  }
0xd0: {  	_ =	task.clear_ibuf [dreg:s22], $0x2FFFF;
	_ =	strace $0x9FFFFFFF  }
0xd1: {  	(tm) =	ssettm $0x7FFFFFFF  }
tec
execute0_lowered:
.L_overlay_start_1:
0x0: {  	(tag) =	ssettag $0x1  }
0x1: {  	s0 =	rddreg [dreg:$0x0]  }
0x2: {  	s1 =	rddreg [dreg:$0x1];
	s2 =	simm.s32 $0x0;
	s3 =	srdreg.scid  }
0x3: {  	s19 =	stileid.u32;
	s28 =	simm.s32 $0x1;
	s29 =	simm.s32 $0x2  }
0x4: {  	s30 =	simm.s32 $0x0;
	[smem:$0x7FF] =	sst s2;
	s4 =	sadd.s32 $0x7B800, s0  }
0x5: {  	s5 =	sadd.s32 $0xACA00, s0;
	s3 =	sand.u32 $0x1, s3;
	s7 =	smul.u32 $0x4E000, s19  }
0x6: {  	s15 =	sadd.s32 $0xA2A00, s0;
	s16 =	sadd.s32 $0xB6A00, s0;
	s13 =	smul.u32 $0x13800, s19  }
0x7: {  	s21 =	sshll.u32 s19, $0x6;
	s9 =	sadd.s32 $0xA2800, s0;
	s25 =	smul.u32 $0x500, s19  }
0x8: {  	p0 =	sne.s32 s19, $0xF;
	_ =	strace $0x8000004A;
	s6 =	ssub.s32 $0x2, s3  }
0x9: {  	s12 =	sshll.u32 s3, $0x4;
	s8 =	sshrl.u32 s6, $0x1;
	s7 =	sshrl.u32 s7, $0x2  }
0xa: {  	s14 =	sor.u32 s19, s12;
	s20 =	sshrl.u32 s13, $0x3;
	s19 =	simm.s32 $0x4  }
0xb: {  	s17 =	ssub.s32 s6, s8;
	s18 =	sadd.s32 s7, s1;
	s6 =	sadd.s32 s4, s20  }
0xc: {  	s11 =	smul.u32 $0x500, s14;
	s7 =	sor.u32 $0x1C04, s21;
	s8 =	sadd.s32 $0x138000, s1  }
0xd: {  	s21 =	simm.s32 $0x3;
	[dreg:$0x3] =	wrdreg s18;
	s18 =	smul.u32 $0x138800, s3  }
0xe: {  	[dreg:$0x4] =	wrdreg s6;
	s3 =	smul.u32 $0x5000, s3;
	s22 =	sor.u32 $0x80, s11  }
0xf: {  	s10 =	sadd.s32 s5, s11;
	s11 =	sadd.s32 s15, s11;
	s12 =	sadd.s32 s5, s22  }
0x10: {  	s14 =	sadd.s32 s13, s18;
	s13 =	sadd.s32 s15, s22;
	s24 =	sshrl.u32 s18, $0x3  }
.Ltmp0:
0x11: {  	s26 =	sadd.s32 s3, s15;
	s3 =	sadd.s32 s3, s5;
	(pc) =	sbr.rel .LBB2_1-.Ltmp0, $4  }
0x12: {  	s23 =	sshrl.u32 s14, $0x3;
	s0 =	sadd.s32 s16, s24;
	s31 =	sadd.s32 s25, s26  }
0x13: {  	s3 =	sadd.s32 s25, s3;
	s24 =	simm.s32 $0x80;
	s25 =	simm.s32 $0x1000  }
0x14: {  	s26 =	simm.s32 $0x5000;
	s14 =	sadd.s32 s16, s23;
	s15 =	sadd.s32 $0x27000, s0  }
0x15: {  	s16 =	smax.u32 s17, $0x1;
	s17 =	sadd.s32 $0x100, s31;
	s18 =	sadd.s32 $0x100, s3  }
.LBB2_3:
0x16: {  	_ =	swait.ge [sflag:s29], $0x4000  }
0x17: {  	[sflag:s29] =	ssyncset.done $0x0  }
0x18: {  	s3 =	sor.u32 $0x800, s5;
	[sflag:s29] =	ssyncadd.s32 $0xFFFFC000  }
0x19: {  	[spmem:s1] =	stream.indirect.scatter.add.f32 [tilespmem:s26], [sflag:$0x4], $0x80, s3, s24, $0xb8;
	[tilespmem:$0x1C900] =	vst v63  }
0x1a: {  	_ =	swait.ge [sflag:s19], $0x4000  }
0x1b: {  	[sflag:s19] =	ssyncset.done $0x0  }
0x1c: {  	[sflag:s19] =	ssyncadd.s32 $0xFFFFC000  }
.LBB2_5:
0x1d: {  	[bflag:$0x0] =	sbarrier.arrive $0xFFFF  }
0x1e: {  	[hbm:s14], [sflag:s7] =	dma.local [spmem:s31], $0x2700  }
0x1f: {  	_ =	swait.ge [sflag:s19], $0x2700  }
0x20: {  	s30 =	sadd.s32 $0x1, s30;
	[sflag:s19] =	ssyncset.done $0x0  }
0x21: {  	p1 =	sne.s32 s30, s16;
	[sflag:s19] =	ssyncadd.s32 $0xFFFFD900  }
0x22: {  	[hbm:s15], [sflag:s7] =	dma.local @!p0 [spmem:s0], $0x100  }
.Ltmp1:
0x23: {  	_ = 	snop;
	(pc) =	sbr.rel @!p1 .LBB2_6-.Ltmp1, $4  }
0x24: {  	s0 =	simm.s32 @!p0 $0x4  }
0x25: {  	_ =	swait.ge @!p0 [sflag:s0], $0x100  }
0x26: {  	[sflag:s0] =	ssyncset.done @!p0 $0x0  }
0x27: {  	[sflag:s0] =	ssyncadd.s32 @!p0 $0xFFFFFF00  }
.LBB2_1:
0x28: {  	s0 =	rddreg [dreg:$0x3]  }
0x29: {  	s6 =	rddreg [dreg:$0x4];
	s31 =	sshrl.u32 s0, $0x3  }
0x2a: {  	[spmem:s31], [sflag:s7] =	dma.local [hbm:s6], $0x2700  }
0x2b: {  	_ =	swait.ge [sflag:s19], $0x2700  }
0x2c: {  	[sflag:s19] =	ssyncset.done $0x0  }
0x2d: {  	s3 =	simm.s32 @!p0 $0x4;
	s0 =	sshrl.u32 @!p0 s8, $0x3;
	[sflag:s19] =	ssyncadd.s32 $0xFFFFD900  }
0x2e: {  	[spmem:s0], [sflag:s7] =	dma.local @!p0 [hbm:s9], $0x100  }
0x2f: {  	_ =	swait.ge @!p0 [sflag:s3], $0x100  }
0x30: {  	[sflag:s3] =	ssyncset.done @!p0 $0x0  }
0x31: {  	[sflag:s3] =	ssyncadd.s32 @!p0 $0xFFFFFF00  }
0x32: {  	[tilespmem:s2], [sflag:$0x3] =	stream.linear.gather [hbm4b:s10+s2], $0x400, $0x38;
	[tilespmem:$0x1C900] =	vst v63  }
0x33: {  	s20 =	simm.s32 $0x800  }
0x34: {  	[tilespmem:s20], [sflag:$0x3] =	stream.linear.gather [hbm4b:s11+s2], $0x400, $0x38;
	[tilespmem:$0x1C900] =	vst v63  }
0x35: {  	_ =	swait.ge [sflag:s21], $0x400  }
0x36: {  	[sflag:s21] =	ssyncset.done $0x0  }
0x37: {  	[sflag:s21] =	ssyncadd.s32 $0xFFFFFC00  }
0x38: {  	_ =	swait.ge [sflag:s21], $0x400  }
0x39: {  	[sflag:s21] =	ssyncset.done $0x0  }
0x3a: {  	s22 =	simm.s32 $0x400;
	[sflag:s21] =	ssyncadd.s32 $0xFFFFFC00  }
0x3b: {  	[tilespmem:s22], [sflag:$0x3] =	stream.linear.gather [hbm4b:s12+s2], $0x400, $0x38;
	[tilespmem:$0x1C900] =	vst v63  }
0x3c: {  	s23 =	simm.s32 $0xC00  }
0x3d: {  	[tilespmem:s23], [sflag:$0x3] =	stream.linear.gather [hbm4b:s13+s2], $0x400, $0x38;
	[tilespmem:$0x1C900] =	vst v63  }
0x3e: {  	[bflag:$0x0] =	sbarrier.arrive $0xFFFF  }
0x3f: {  	[tilespmem:s25], [sflag:$0x1] =	stream.indirect.gather [hbm4b:s4+s24], $0x80, s2, s24, $0xb8;
	[tilespmem:$0x1C900] =	vst v63  }
0x40: {  	s3 =	simm.s32 $0x0;
	s20 =	simm.s32 $0x0  }
0x41: {  	[tilespmem:s26], [sflag:$0x2] =	stream.indirect.gather [hbm4b:s4+s24], $0x80, s24, s24, $0xb8;
	[tilespmem:$0x1C900] =	vst v63  }
.LBB2_2:
0x42: {  	s5 =	sand.u32 $0x1, s20;
	_ =	swait.ge [sflag:s28], $0x4000  }
0x43: {  	[sflag:s28] =	ssyncset.done $0x0;
	s22 =	sshll.u32 s5, $0xA  }
0x44: {  	[sflag:s28] =	ssyncadd.s32 $0xFFFFC000;
	s23 =	sor.u32 $0x800, s22  }
0x45: {  	[spmem:s1] =	stream.indirect.scatter.add.f32 [tilespmem:s25], [sflag:$0x4], $0x80, s23, s24, $0xb8;
	[tilespmem:$0x1C900] =	vst v63  }
0x46: {  	_ =	swait.ge [sflag:s19], $0x4000  }
0x47: {  	[sflag:s19] =	ssyncset.done $0x0  }
0x48: {  	s5 =	sor.u32 $0x100, s22;
	[sflag:s19] =	ssyncadd.s32 $0xFFFFC000  }
0x49: {  	[tilespmem:s25], [sflag:$0x1] =	stream.indirect.gather [hbm4b:s4+s24], $0x80, s5, s24, $0xb8;
	[tilespmem:$0x1C900] =	vst v63  }
0x4a: {  	_ =	swait.ge [sflag:s29], $0x4000  }
0x4b: {  	[sflag:s29] =	ssyncset.done $0x0  }
0x4c: {  	s6 =	sor.u32 $0x880, s22;
	[sflag:s29] =	ssyncadd.s32 $0xFFFFC000  }
0x4d: {  	[spmem:s1] =	stream.indirect.scatter.add.f32 [tilespmem:s26], [sflag:$0x4], $0x80, s6, s24, $0xb8;
	[tilespmem:$0x1C900] =	vst v63  }
0x4e: {  	_ =	swait.ge [sflag:s19], $0x4000  }
0x4f: {  	[sflag:s19] =	ssyncset.done $0x0  }
0x50: {  	s6 =	sor.u32 $0x180, s22;
	[sflag:s19] =	ssyncadd.s32 $0xFFFFC000  }
0x51: {  	[tilespmem:s26], [sflag:$0x2] =	stream.indirect.gather [hbm4b:s4+s24], $0x80, s6, s24, $0xb8;
	[tilespmem:$0x1C900] =	vst v63  }
0x52: {  	_ =	swait.ge [sflag:s28], $0x4000  }
0x53: {  	[sflag:s28] =	ssyncset.done $0x0  }
0x54: {  	s6 =	sor.u32 $0x900, s22;
	[sflag:s28] =	ssyncadd.s32 $0xFFFFC000  }
0x55: {  	[spmem:s1] =	stream.indirect.scatter.add.f32 [tilespmem:s25], [sflag:$0x4], $0x80, s6, s24, $0xb8;
	[tilespmem:$0x1C900] =	vst v63  }
0x56: {  	_ =	swait.ge [sflag:s19], $0x4000  }
0x57: {  	[sflag:s19] =	ssyncset.done $0x0  }
0x58: {  	s6 =	sor.u32 $0x200, s22;
	[sflag:s19] =	ssyncadd.s32 $0xFFFFC000  }
0x59: {  	[tilespmem:s25], [sflag:$0x1] =	stream.indirect.gather [hbm4b:s4+s24], $0x80, s6, s24, $0xb8;
	[tilespmem:$0x1C900] =	vst v63  }
0x5a: {  	_ =	swait.ge [sflag:s29], $0x4000  }
0x5b: {  	[sflag:s29] =	ssyncset.done $0x0  }
0x5c: {  	s6 =	sor.u32 $0x980, s22;
	[sflag:s29] =	ssyncadd.s32 $0xFFFFC000  }
0x5d: {  	[spmem:s1] =	stream.indirect.scatter.add.f32 [tilespmem:s26], [sflag:$0x4], $0x80, s6, s24, $0xb8;
	[tilespmem:$0x1C900] =	vst v63  }
0x5e: {  	_ =	swait.ge [sflag:s19], $0x4000  }
0x5f: {  	[sflag:s19] =	ssyncset.done $0x0  }
0x60: {  	s6 =	sor.u32 $0x280, s22;
	[sflag:s19] =	ssyncadd.s32 $0xFFFFC000  }
0x61: {  	[tilespmem:s26], [sflag:$0x2] =	stream.indirect.gather [hbm4b:s4+s24], $0x80, s6, s24, $0xb8;
	[tilespmem:$0x1C900] =	vst v63  }
0x62: {  	_ =	swait.ge [sflag:s28], $0x4000  }
0x63: {  	[sflag:s28] =	ssyncset.done $0x0  }
0x64: {  	s6 =	sor.u32 $0xA00, s22;
	[sflag:s28] =	ssyncadd.s32 $0xFFFFC000  }
0x65: {  	[spmem:s1] =	stream.indirect.scatter.add.f32 [tilespmem:s25], [sflag:$0x4], $0x80, s6, s24, $0xb8;
	[tilespmem:$0x1C900] =	vst v63  }
0x66: {  	_ =	swait.ge [sflag:s19], $0x4000  }
0x67: {  	[sflag:s19] =	ssyncset.done $0x0  }
0x68: {  	s6 =	sor.u32 $0x300, s22;
	[sflag:s19] =	ssyncadd.s32 $0xFFFFC000  }
0x69: {  	[tilespmem:s25], [sflag:$0x1] =	stream.indirect.gather [hbm4b:s4+s24], $0x80, s6, s24, $0xb8;
	[tilespmem:$0x1C900] =	vst v63  }
0x6a: {  	_ =	swait.ge [sflag:s29], $0x4000  }
0x6b: {  	[sflag:s29] =	ssyncset.done $0x0  }
0x6c: {  	s6 =	sor.u32 $0xA80, s22;
	[sflag:s29] =	ssyncadd.s32 $0xFFFFC000  }
0x6d: {  	[spmem:s1] =	stream.indirect.scatter.add.f32 [tilespmem:s26], [sflag:$0x4], $0x80, s6, s24, $0xb8;
	[tilespmem:$0x1C900] =	vst v63  }
0x6e: {  	_ =	swait.ge [sflag:s19], $0x4000  }
0x6f: {  	[sflag:s19] =	ssyncset.done $0x0  }
0x70: {  	s5 =	sor.u32 $0x380, s22;
	[sflag:s19] =	ssyncadd.s32 $0xFFFFC000  }
0x71: {  	[tilespmem:s26], [sflag:$0x2] =	stream.indirect.gather [hbm4b:s4+s24], $0x80, s5, s24, $0xb8;
	[tilespmem:$0x1C900] =	vst v63  }
0x72: {  	_ =	swait.ge [sflag:s28], $0x4000  }
0x73: {  	p1 =	sne.s32 s3, $0x480;
	[sflag:s28] =	ssyncset.done $0x0  }
.Ltmp2:
0x74: {  	s6 =	sor.u32 $0xB00, s22;
	[sflag:s28] =	ssyncadd.s32 $0xFFFFC000;
	(pc) =	sbr.rel @!p1 .LBB2_3-.Ltmp2, $4  }
0x75: {  	[spmem:s1] =	stream.indirect.scatter.add.f32 [tilespmem:s25], [sflag:$0x4], $0x80, s6, s24, $0xb8;
	[tilespmem:$0x1C900] =	vst v63  }
0x76: {  	_ =	swait.ge [sflag:s19], $0x4000  }
0x77: {  	[sflag:s19] =	ssyncset.done $0x0  }
0x78: {  	[sflag:s19] =	ssyncadd.s32 $0xFFFFC000  }
0x79: {  	_ =	swait.ge [sflag:s21], $0x400  }
0x7a: {  	[sflag:s21] =	ssyncset.done $0x0  }
0x7b: {  	[sflag:s21] =	ssyncadd.s32 $0xFFFFFC00  }
0x7c: {  	_ =	swait.ge [sflag:s21], $0x400  }
0x7d: {  	[sflag:s21] =	ssyncset.done $0x0  }
0x7e: {  	s6 =	sxor.u32 $0x400, s22;
	[sflag:s21] =	ssyncadd.s32 $0xFFFFFC00  }
0x7f: {  	[tilespmem:s25], [sflag:$0x1] =	stream.indirect.gather [hbm4b:s4+s24], $0x80, s6, s24, $0xb8;
	[tilespmem:$0x1C900] =	vst v63  }
0x80: {  	_ =	swait.ge [sflag:s29], $0x4000  }
0x81: {  	[sflag:s29] =	ssyncset.done $0x0  }
0x82: {  	s5 =	sor.u32 $0x800, s5;
	[sflag:s29] =	ssyncadd.s32 $0xFFFFC000  }
0x83: {  	[spmem:s1] =	stream.indirect.scatter.add.f32 [tilespmem:s26], [sflag:$0x4], $0x80, s5, s24, $0xb8;
	[tilespmem:$0x1C900] =	vst v63  }
0x84: {  	_ =	swait.ge [sflag:s19], $0x4000  }
0x85: {  	[sflag:s19] =	ssyncset.done $0x0  }
0x86: {  	p1 =	sgt.u32 s20, $0x7;
	s6 =	sor.u32 $0x80, s6;
	[sflag:s19] =	ssyncadd.s32 $0xFFFFC000  }
0x87: {  	[tilespmem:s26], [sflag:$0x2] =	stream.indirect.gather [hbm4b:s4+s24], $0x80, s6, s24, $0xb8;
	[tilespmem:$0x1C900] =	vst v63  }
0x88: {  	s5 =	sadd.s32 @!p1 s3, s18;
	s6 =	simm.s32 @!p1 $0x0  }
0x89: {  	[tilespmem:s22], [sflag:$0x3] =	stream.linear.gather @!p1 [hbm4b:s5+s6], $0x400, $0x38;
	[tilespmem:$0x1C900] =	vst v63  }
0x8a: {  	s5 =	sadd.s32 @!p1 s3, s17;
	s3 =	sadd.s32 $0x80, s3  }
0x8b: {  	[tilespmem:s23], [sflag:$0x3] =	stream.linear.gather @!p1 [hbm4b:s5+s6], $0x400, $0x38;
	[tilespmem:$0x1C900] =	vst v63  }
0x8c: {  	p1 =	sne.s32 s3, $0x500  }
.Ltmp3:
0x8d: {  	_ = 	snop;
	(pc) =	sbr.rel @p1 .LBB2_2-.Ltmp3, $4  }
.Ltmp4:
0x8e: {  	_ = 	snop;
	(pc) =	sbr.rel @!p1 .LBB2_5-.Ltmp4, $4  }
0x8f: {  	_ = 	snop  }
0x90: {  	_ = 	snop  }
0x91: {  	s20 =	sadd.s32 $0x1, s20  }
0x92: {  	_ = 	snop  }
.LBB2_6:
0x93: {  	_ =	sfence.sel $0x180000  }
0x94: {  	[bflag:$0x0] =	sbarrier.arrive $0xFFFF  }
0x95: {  	_ =	strace $0x9000004A  }
0x96: {  	s0 =	stileid.u32;
	[bflag:$0x2] =	sbarrier.arrive $0xFFFF  }
0x97: {  	p0 =	sne.s32 s0, $0x0;
	s0 =	rddreg [dreg:$0x2]  }
0x98: {  	s0 =	sadd.s32 @!p0 $0x100000, s0  }
0x99: {  	[sflag:s0] =	ssyncadd.tile.s32 @!p0 $0x1;
	_ =	shalt  }
.Lfunc_end2:
_tile_overlayer_lowered:
.L_overlay_start_2:
0x9a: {  	(tag) =	ssettag $0x2  }
0x9b: {  	s0 =	rddreg [dreg:$0x0];
	s2 =	stileid.u32  }
0x9c: {  	s1 =	rddreg [dreg:$0x1];
	p0 =	sne.s32 s2, $0x0  }
0x9d: {  	s3 =	rddreg [dreg:$0x2];
	[bflag:$0x3] =	sbarrier.arrive $0xFFFF;
	s2 =	simm.s32 @!p0 $0x1C04  }
0x9e: {  	[timem:s3], [sflag:s2] =	dma.local @!p0 [hbm:s0], s1  }
0x9f: {  	s0 =	simm.s32 @!p0 $0x4  }
0xa0: {  	_ =	swait.ge @!p0 [sflag:s0], s1  }
0xa1: {  	s1 =	ssub.s32 @!p0 $0x0, s1;
	[sflag:s0] =	ssyncset.done @!p0 $0x0  }
0xa2: {  	[sflag:s0] =	ssyncadd.s32 @!p0 s1  }
0xa3: {  	[bflag:$0x3] =	sbarrier.arrive $0xFFFF  }
0xa4: {  	_ =	shalt  }

// kernel: kernel.20.cloned.1.call-start
scs
__scs_entry_jumppad:
0x0: {  	(pc) =	sbr.rel $0x88, $3  }
0x1: {  	(tag) =	ssettag $0x0;
	lr =	simm.s32 $0x1  }
0x2: {  	[smem:$0x3F7D] =	sst lr;
	_ =	strace $0xD0000000  }
0x3: {  	_ = 	snop  }
0x4: {  	_ = 	snop  }
0x5: {  	_ = 	snop  }
0x6: {  	_ = 	snop  }
0x7: {  	_ = 	snop  }
__scs_overlays_trampoline_lowered:
0x8: {  	[smem:$0x3F8C] =	sst s0  }
0x9: {  	[smem:$0x3F8D] =	sst s1  }
0xa: {  	[smem:$0x3F8E] =	sst s2  }
0xb: {  	[smem:$0x3F8F] =	sst s3  }
0xc: {  	[smem:$0x3F90] =	sst s4  }
0xd: {  	[smem:$0x3F91] =	sst s5  }
0xe: {  	[smem:$0x3F92] =	sst s6  }
0xf: {  	[smem:$0x3F93] =	sst s7  }
0x10: {  	[smem:$0x3F94] =	sst s8  }
0x11: {  	[smem:$0x3F95] =	sst s9;
	s0 =	simm.s32 @!p0 $0x0  }
0x12: {  	s1 =	sld [smem:$0x3F7B];
	s0 =	simm.s32 @p0 $0x1  }
0x13: {  	[smem:$0x3F96] =	sst s0;
	s0 =	simm.s32 @!p1 $0x0  }
0x14: {  	s2 =	sld [smem:$0x3F7A];
	s0 =	simm.s32 @p1 $0x1  }
0x15: {  	[smem:$0x3F97] =	sst s0;
	s0 =	simm.s32 @!p2 $0x0  }
0x16: {  	s3 =	sld [smem:$0x3FDB];
	s0 =	simm.s32 @p2 $0x1  }
0x17: {  	s4 =	simm.s32 $0x1BF5;
	[smem:$0x3F99] =	sst s0  }
0x18: {  	s0 =	sld [smem:$0x3F7C];
	_ =	swait.ge [sflag:s4], $0x0  }
0x19: {  	s7 =	sld [smem:$0x3F7D]  }
0x1a: {  	s8 =	sadd.s32 $0xFFFFE003, lr  }
0x1b: {  	s9 =	sadd.s32 $0xFFFFFEF7, lr;
	s5 =	simm.s32 $0xFFFFFFFF;
	p2 =	slt.u32 s8, $0xFFFFF086  }
0x1c: {  	p1 =	slt.u32 s9, $0xF7A;
	s5 =	simm.s32 @!p2 $0x0  }
0x1d: {  	s5 =	simm.s32 @p1 $0x1;
	p0 =	seq.s32 s7, s2  }
0x1e: {  	s7 =	smul.u32 @!p0 $0xF7A, s2;
	p2 =	seq.s32 @!p0 s5, $0x0  }
0x1f: {  	s9 =	smul.u32 $0xF7A, s1;
	s8 =	simm.s32 @!p0 $0x1BF5;
	p2 =	por !p2, p0  }
0x20: {  	[sflag:s8] =	ssyncset.s32 @!p0 $0xFFFFF086;
	s6 =	sadd.s32 @!p0 s3, s7;
	s7 =	simm.s32 @!p0 $0x108  }
0x21: {  	s3 =	sadd.s32 s3, s9;
	s6 =	sadd.s32 @!p0 $0x88, s6;
	s7 =	simm.s32 @p2 $0x1082  }
0x22: {  	[simem:s7], [sflag:s8] =	dma.local @!p0 [hbm:s6], $0xF7A  }
0x23: {  	s9 =	sor.u32 $0xD0000000, s2;
	s6 =	simm.s32 $0x108;
	_ =	swait.ge @!p0 [sflag:s8], $0x0  }
0x24: {  	s3 =	sadd.s32 $0x88, s3;
	s6 =	simm.s32 @!p1 $0x1082;
	[sflag:s4] =	ssyncset.s32 $0xFFFFF086  }
0x25: {  	[simem:s6], [sflag:s4] =	dma.local [hbm:s3], $0xF7A  }
0x26: {  	[smem:$0x3F7D] =	sst s1;
	(tag) =	ssettag s2;
	_ =	strace s9  }
0x27: {  	s1 =	sld [smem:$0x3F8D]  }
0x28: {  	s2 =	sld [smem:$0x3F8E]  }
0x29: {  	s4 =	sld [smem:$0x3F90]  }
0x2a: {  	p0 =	seq.s32 s5, $0x0;
	s5 =	sld [smem:$0x3F91]  }
0x2b: {  	s6 =	sld [smem:$0x3F92]  }
0x2c: {  	s7 =	sld [smem:$0x3F93]  }
0x2d: {  	s3 =	simm.s32 $0x108;
	s8 =	sld [smem:$0x3F94]  }
0x2e: {  	s3 =	simm.s32 @!p0 $0x1082;
	s9 =	sld [smem:$0x3F95]  }
0x2f: {  	lr =	sadd.s32 s0, s3;
	s0 =	sld [smem:$0x3F8C]  }
0x30: {  	s3 =	sld [smem:$0x3F8F]  }
0x31: {  	[smem:$0x3F98] =	sst s10  }
0x32: {  	s10 =	sld [smem:$0x3F96];
	_ =	sdelay $0x3  }
0x33: {  	p0 =	seq.s32 s10, $0x1;
	s10 =	sld [smem:$0x3F98];
	_ =	sdelay $0x3  }
0x34: {  	[smem:$0x3F98] =	sst s10  }
0x35: {  	s10 =	sld [smem:$0x3F97];
	_ =	sdelay $0x3  }
0x36: {  	p1 =	seq.s32 s10, $0x1;
	s10 =	sld [smem:$0x3F98];
	_ =	sdelay $0x3  }
0x37: {  	[smem:$0x3F98] =	sst s10  }
0x38: {  	s10 =	sld [smem:$0x3F99]  }
0x39: {  	_ = 	snop;
	(pc) =	sbr.ind lr, $3  }
0x3a: {  	_ = 	snop  }
0x3b: {  	_ = 	snop  }
0x3c: {  	p2 =	seq.s32 s10, $0x1;
	s10 =	sld [smem:$0x3F98]  }
0x3d: {  	_ =	shalt  }
0x3e: {  	_ =	shalt  }
0x3f: {  	_ =	shalt  }
0x40: {  	_ =	shalt  }
0x41: {  	_ =	shalt  }
0x42: {  	_ =	shalt  }
0x43: {  	_ =	shalt  }
0x44: {  	_ =	shalt  }
0x45: {  	_ =	shalt  }
0x46: {  	_ =	shalt  }
0x47: {  	_ =	shalt  }
0x48: {  	_ =	shalt  }
0x49: {  	_ =	shalt  }
0x4a: {  	_ =	shalt  }
0x4b: {  	_ =	shalt  }
0x4c: {  	_ =	shalt  }
0x4d: {  	_ =	shalt  }
0x4e: {  	_ =	shalt  }
0x4f: {  	_ =	shalt  }
0x50: {  	_ =	shalt  }
0x51: {  	_ =	shalt  }
0x52: {  	_ =	shalt  }
0x53: {  	_ =	shalt  }
0x54: {  	_ =	shalt  }
0x55: {  	_ =	shalt  }
0x56: {  	_ =	shalt  }
0x57: {  	_ =	shalt  }
0x58: {  	_ =	shalt  }
0x59: {  	_ =	shalt  }
0x5a: {  	_ =	shalt  }
0x5b: {  	_ =	shalt  }
0x5c: {  	_ =	shalt  }
0x5d: {  	_ =	shalt  }
0x5e: {  	_ =	shalt  }
0x5f: {  	_ =	shalt  }
0x60: {  	_ =	shalt  }
0x61: {  	_ =	shalt  }
0x62: {  	_ =	shalt  }
0x63: {  	_ =	shalt  }
0x64: {  	_ =	shalt  }
0x65: {  	_ =	shalt  }
0x66: {  	_ =	shalt  }
0x67: {  	_ =	shalt  }
0x68: {  	_ =	shalt  }
0x69: {  	_ =	shalt  }
0x6a: {  	_ =	shalt  }
0x6b: {  	_ =	shalt  }
0x6c: {  	_ =	shalt  }
0x6d: {  	_ =	shalt  }
0x6e: {  	_ =	shalt  }
0x6f: {  	_ =	shalt  }
0x70: {  	_ =	shalt  }
0x71: {  	_ =	shalt  }
0x72: {  	_ =	shalt  }
0x73: {  	_ =	shalt  }
0x74: {  	_ =	shalt  }
0x75: {  	_ =	shalt  }
0x76: {  	_ =	shalt  }
0x77: {  	_ =	shalt  }
0x78: {  	_ =	shalt  }
0x79: {  	_ =	shalt  }
0x7a: {  	_ =	shalt  }
0x7b: {  	_ =	shalt  }
0x7c: {  	_ =	shalt  }
0x7d: {  	_ =	shalt  }
0x7e: {  	_ =	shalt  }
0x7f: {  	_ =	shalt  }
0x80: {  	_ =	shalt  }
0x81: {  	_ =	shalt  }
0x82: {  	_ =	shalt  }
0x83: {  	_ =	shalt  }
0x84: {  	_ =	shalt  }
0x85: {  	_ =	shalt  }
0x86: {  	_ =	shalt  }
0x87: {  	_ =	shalt  }
.Lfunc_end0:
.L_simem_size_0:
called_computation.2_lowered:
.L_overlay_start_0:
0x88: {  	s2 =	sld [smem:$0x3FD9]  }
0x89: {  	s3 =	sld [smem:$0x3FFE];
	_ =	sdelay $0x1  }
0x8a: {  	s1 =	srdreg.scid  }
0x8b: {  	s0 =	sand.u32 $0x1, s1  }
0x8c: {  	s16 =	sshll.u32 s0, $0xA;
	s2 =	sadd.s32 s3, s2  }
0x8d: {  	s2 =	sadd.s32 s2, s16  }
0x8e: {  	[smem:$0x3FA4] =	sst s2  }
0x8f: {  	_ = 	snop  }
0x90: {  	(tm) =	ssettm $0x1  }
0x91: {  	s17 =	sld [smem:$0x3FFB];
	_ =	sdelay $0x3  }
0x92: {  	_ =	strace s17  }
0x93: {  	s2 =	sld [smem:$0x3FFC];
	_ =	sdelay $0x3  }
0x94: {  	_ =	strace s2  }
0x95: {  	s2 =	sld [smem:$0x3FFD];
	_ =	sdelay $0x3  }
0x96: {  	_ =	strace s2  }
0x97: {  	_ =	strace $0x8FFFFFFF  }
0x98: {  	s18 =	sld [smem:$0x3FDB];
	_ =	sdelay $0x1  }
0x99: {  	s19 =	simm.s32 $_scs_section_size  }
0x9a: {  	s4 =	simm.s32 $_size__tile_overlayer_lowered;
	s5 =	simm.s32 $_tile_overlayer_lowered  }
0x9b: {  	s22 =	simm.s32 $0x1BFF;
	s21 =	sshll.u32 s5, $0x1;
	s2 =	sadd.s32 s19, s18  }
0x9c: {  	s6 =	simm.s32 $0x0;
	s20 =	sshll.u32 s4, $0x1;
	s4 =	sadd.s32 s21, s2  }
0x9d: {  	[timem:s6], [sflag:s22] =	dma.local [hbm:s4], s20  }
0x9e: {  	_ =	swait.ge [sflag:s22], s20  }
0x9f: {  	s3 =	ssub.s32 $0x0, s20;
	[sflag:s22] =	ssyncset.done $0x0  }
0xa0: {  	[sflag:s22] =	ssyncadd.s32 s3;
	_ =	sdelay $0x1  }
0xa1: {  	s23 =	simm.s32 $0x1B8B  }
0xa2: {  	_ =	swait.ge [sflag:s23], $0x1  }
0xa3: {  	[sflag:s23] =	ssyncset.done $0x0  }
0xa4: {  	s25 =	simm.s32 $0x1B8E;
	s24 =	sld [smem:$0x3FFE];
	[sflag:s23] =	ssyncadd.s32 $0xFFFFFFFF  }
0xa5: {  	s26 =	simm.s32 $execute0_lowered;
	[smem:$0x3FD2] =	sst s25  }
0xa6: {  	s4 =	sshll.u32 s26, $0x1;
	_ =	strace $0x8000004C;
	[dreg:$0x1] =	wrdreg $0xFFFFFFFF  }
0xa7: {  	s28 =	simm.s32 $_size_execute0_lowered;
	s2 =	sadd.s32 s2, s4;
	[dreg:$0x0] =	wrdreg $0x0  }
0xa8: {  	s4 =	sshll.u32 s28, $0x1;
	[dreg:$0x2] =	wrdreg s2  }
0xa9: {  	[dreg:$0x3] =	wrdreg s4  }
0xaa: {  	[dreg:$0x4] =	wrdreg $0xC0  }
0xab: {  	_ =	task [dreg:s6], $0x5FFFF  }
0xac: {  	[dreg:$0x1] =	wrdreg $0xFFFFFFFF  }
0xad: {  	[dreg:$0x0] =	wrdreg $0x60  }
0xae: {  	[dreg:$0x2] =	wrdreg s24  }
0xaf: {  	[dreg:$0x3] =	wrdreg $0x90000  }
0xb0: {  	[dreg:$0x4] =	wrdreg $0x9  }
0xb1: {  	_ =	task.clear_ibuf [dreg:s6], $0x5FFFF;
	_ =	strace $0x9000004C  }
0xb2: {  	s29 =	simm.s32 $0x9;
	_ =	strace $0x8000004E  }
0xb3: {  	_ =	swait.ge [sflag:s29], $0x1  }
0xb4: {  	[sflag:s29] =	ssyncadd.s32 $0xFFFFFFFF  }
0xb5: {  	_ =	strace $0x9000004E  }
0xb6: {  	_ =	sfence  }
0xb7: {  	s30 =	sld [smem:$0x0];
	_ =	sdelay $0x2  }
0xb8: {  	s31 =	sshll.u32 s1, $0xD;
	s1 =	sshrl.u32 s1, $0x2  }
0xb9: {  	s3 =	sand.u32 $0x4000, s31;
	s1 =	sadd.s32 s1, s30  }
0xba: {  	s0 =	sor.u32 s3, s0;
	s1 =	sshll.u32 s1, $0x11  }
0xbb: {  	s0 =	sor.u32 s1, s0  }
0xbc: {  	s0 =	sadd.s32 $0x8F2B, s0  }
0xbd: {  	[sflag:s0] =	ssyncadd.remote.s32 $0x1  }
0xbe: {  	_ =	sfence.sel $0xFFFF  }
0xbf: {  	[dreg:$0x0] =	wrdreg $0xFFFFFFFF;
	(pc) =	sbr.abs _section_cstart, $3  }
0xc0: {  	[dreg:$0x1] =	wrdreg $0xFFFFFFFF  }
0xc1: {  	_ =	task.clear_ibuf [dreg:s6], $0x2FFFF;
	_ =	strace $0x9FFFFFFF  }
0xc2: {  	(tm) =	ssettm $0x7FFFFFFF  }
0xc3: {  	_ =	shalt  }
tec
execute0_lowered:
.L_overlay_start_1:
0x0: {  	(tag) =	ssettag $0x1  }
0x1: {  	s0 =	rddreg [dreg:$0x0]  }
0x2: {  	s1 =	rddreg [dreg:$0x1];
	s2 =	simm.s32 $0x0;
	s3 =	srdreg.scid  }
0x3: {  	s19 =	stileid.u32;
	s28 =	simm.s32 $0x1;
	s29 =	simm.s32 $0x2  }
0x4: {  	s30 =	simm.s32 $0x0;
	[smem:$0x7FF] =	sst s2;
	s4 =	sadd.s32 $0x5C00, s0  }
0x5: {  	s5 =	sadd.s32 $0xACA00, s0;
	s3 =	sand.u32 $0x1, s3;
	s7 =	smul.u32 $0x4E000, s19  }
0x6: {  	s15 =	sadd.s32 $0xA2A00, s0;
	s16 =	sadd.s32 $0x2CE00, s0;
	s13 =	smul.u32 $0x13800, s19  }
0x7: {  	s21 =	sshll.u32 s19, $0x6;
	s9 =	sadd.s32 $0x2CC00, s0;
	s25 =	smul.u32 $0x500, s19  }
0x8: {  	p0 =	sne.s32 s19, $0xF;
	_ =	strace $0x8000004D;
	s6 =	ssub.s32 $0x2, s3  }
0x9: {  	s12 =	sshll.u32 s3, $0x4;
	s8 =	sshrl.u32 s6, $0x1;
	s7 =	sshrl.u32 s7, $0x2  }
0xa: {  	s14 =	sor.u32 s19, s12;
	s20 =	sshrl.u32 s13, $0x3;
	s19 =	simm.s32 $0x4  }
0xb: {  	s17 =	ssub.s32 s6, s8;
	s18 =	sadd.s32 s7, s1;
	s6 =	sadd.s32 s4, s20  }
0xc: {  	s11 =	smul.u32 $0x500, s14;
	s7 =	sor.u32 $0x1C04, s21;
	s8 =	sadd.s32 $0x138000, s1  }
0xd: {  	s21 =	simm.s32 $0x3;
	[dreg:$0x3] =	wrdreg s18;
	s18 =	smul.u32 $0x138800, s3  }
0xe: {  	[dreg:$0x4] =	wrdreg s6;
	s3 =	smul.u32 $0x5000, s3;
	s22 =	sor.u32 $0x80, s11  }
0xf: {  	s10 =	sadd.s32 s5, s11;
	s11 =	sadd.s32 s15, s11;
	s12 =	sadd.s32 s5, s22  }
0x10: {  	s14 =	sadd.s32 s13, s18;
	s13 =	sadd.s32 s15, s22;
	s24 =	sshrl.u32 s18, $0x3  }
.Ltmp0:
0x11: {  	s26 =	sadd.s32 s3, s15;
	s3 =	sadd.s32 s3, s5;
	(pc) =	sbr.rel .LBB2_1-.Ltmp0, $4  }
0x12: {  	s23 =	sshrl.u32 s14, $0x3;
	s0 =	sadd.s32 s16, s24;
	s31 =	sadd.s32 s25, s26  }
0x13: {  	s3 =	sadd.s32 s25, s3;
	s24 =	simm.s32 $0x80;
	s25 =	simm.s32 $0x1000  }
0x14: {  	s26 =	simm.s32 $0x5000;
	s14 =	sadd.s32 s16, s23;
	s15 =	sadd.s32 $0x27000, s0  }
0x15: {  	s16 =	smax.u32 s17, $0x1;
	s17 =	sadd.s32 $0x100, s31;
	s18 =	sadd.s32 $0x100, s3  }
.LBB2_3:
0x16: {  	_ =	swait.ge [sflag:s29], $0x4000  }
0x17: {  	[sflag:s29] =	ssyncset.done $0x0  }
0x18: {  	s3 =	sor.u32 $0x800, s5;
	[sflag:s29] =	ssyncadd.s32 $0xFFFFC000  }
0x19: {  	[spmem:s1] =	stream.indirect.scatter.add.f32 [tilespmem:s26], [sflag:$0x4], $0x80, s3, s24, $0xb8;
	[tilespmem:$0x1C900] =	vst v63  }
0x1a: {  	_ =	swait.ge [sflag:s19], $0x4000  }
0x1b: {  	[sflag:s19] =	ssyncset.done $0x0  }
0x1c: {  	[sflag:s19] =	ssyncadd.s32 $0xFFFFC000  }
.LBB2_5:
0x1d: {  	[bflag:$0x0] =	sbarrier.arrive $0xFFFF  }
0x1e: {  	[hbm:s14], [sflag:s7] =	dma.local [spmem:s31], $0x2700  }
0x1f: {  	_ =	swait.ge [sflag:s19], $0x2700  }
0x20: {  	s30 =	sadd.s32 $0x1, s30;
	[sflag:s19] =	ssyncset.done $0x0  }
0x21: {  	p1 =	sne.s32 s30, s16;
	[sflag:s19] =	ssyncadd.s32 $0xFFFFD900  }
0x22: {  	[hbm:s15], [sflag:s7] =	dma.local @!p0 [spmem:s0], $0x100  }
.Ltmp1:
0x23: {  	_ = 	snop;
	(pc) =	sbr.rel @!p1 .LBB2_6-.Ltmp1, $4  }
0x24: {  	s0 =	simm.s32 @!p0 $0x4  }
0x25: {  	_ =	swait.ge @!p0 [sflag:s0], $0x100  }
0x26: {  	[sflag:s0] =	ssyncset.done @!p0 $0x0  }
0x27: {  	[sflag:s0] =	ssyncadd.s32 @!p0 $0xFFFFFF00  }
.LBB2_1:
0x28: {  	s0 =	rddreg [dreg:$0x3]  }
0x29: {  	s6 =	rddreg [dreg:$0x4];
	s31 =	sshrl.u32 s0, $0x3  }
0x2a: {  	[spmem:s31], [sflag:s7] =	dma.local [hbm:s6], $0x2700  }
0x2b: {  	_ =	swait.ge [sflag:s19], $0x2700  }
0x2c: {  	[sflag:s19] =	ssyncset.done $0x0  }
0x2d: {  	s3 =	simm.s32 @!p0 $0x4;
	s0 =	sshrl.u32 @!p0 s8, $0x3;
	[sflag:s19] =	ssyncadd.s32 $0xFFFFD900  }
0x2e: {  	[spmem:s0], [sflag:s7] =	dma.local @!p0 [hbm:s9], $0x100  }
0x2f: {  	_ =	swait.ge @!p0 [sflag:s3], $0x100  }
0x30: {  	[sflag:s3] =	ssyncset.done @!p0 $0x0  }
0x31: {  	[sflag:s3] =	ssyncadd.s32 @!p0 $0xFFFFFF00  }
0x32: {  	[tilespmem:s2], [sflag:$0x3] =	stream.linear.gather [hbm4b:s10+s2], $0x400, $0x38;
	[tilespmem:$0x1C900] =	vst v63  }
0x33: {  	s20 =	simm.s32 $0x800  }
0x34: {  	[tilespmem:s20], [sflag:$0x3] =	stream.linear.gather [hbm4b:s11+s2], $0x400, $0x38;
	[tilespmem:$0x1C900] =	vst v63  }
0x35: {  	_ =	swait.ge [sflag:s21], $0x400  }
0x36: {  	[sflag:s21] =	ssyncset.done $0x0  }
0x37: {  	[sflag:s21] =	ssyncadd.s32 $0xFFFFFC00  }
0x38: {  	_ =	swait.ge [sflag:s21], $0x400  }
0x39: {  	[sflag:s21] =	ssyncset.done $0x0  }
0x3a: {  	s22 =	simm.s32 $0x400;
	[sflag:s21] =	ssyncadd.s32 $0xFFFFFC00  }
0x3b: {  	[tilespmem:s22], [sflag:$0x3] =	stream.linear.gather [hbm4b:s12+s2], $0x400, $0x38;
	[tilespmem:$0x1C900] =	vst v63  }
0x3c: {  	s23 =	simm.s32 $0xC00  }
0x3d: {  	[tilespmem:s23], [sflag:$0x3] =	stream.linear.gather [hbm4b:s13+s2], $0x400, $0x38;
	[tilespmem:$0x1C900] =	vst v63  }
0x3e: {  	[bflag:$0x0] =	sbarrier.arrive $0xFFFF  }
0x3f: {  	[tilespmem:s25], [sflag:$0x1] =	stream.indirect.gather [hbm4b:s4+s24], $0x80, s2, s24, $0xb8;
	[tilespmem:$0x1C900] =	vst v63  }
0x40: {  	s3 =	simm.s32 $0x0;
	s20 =	simm.s32 $0x0  }
0x41: {  	[tilespmem:s26], [sflag:$0x2] =	stream.indirect.gather [hbm4b:s4+s24], $0x80, s24, s24, $0xb8;
	[tilespmem:$0x1C900] =	vst v63  }
.LBB2_2:
0x42: {  	s5 =	sand.u32 $0x1, s20;
	_ =	swait.ge [sflag:s28], $0x4000  }
0x43: {  	[sflag:s28] =	ssyncset.done $0x0;
	s22 =	sshll.u32 s5, $0xA  }
0x44: {  	[sflag:s28] =	ssyncadd.s32 $0xFFFFC000;
	s23 =	sor.u32 $0x800, s22  }
0x45: {  	[spmem:s1] =	stream.indirect.scatter.add.f32 [tilespmem:s25], [sflag:$0x4], $0x80, s23, s24, $0xb8;
	[tilespmem:$0x1C900] =	vst v63  }
0x46: {  	_ =	swait.ge [sflag:s19], $0x4000  }
0x47: {  	[sflag:s19] =	ssyncset.done $0x0  }
0x48: {  	s5 =	sor.u32 $0x100, s22;
	[sflag:s19] =	ssyncadd.s32 $0xFFFFC000  }
0x49: {  	[tilespmem:s25], [sflag:$0x1] =	stream.indirect.gather [hbm4b:s4+s24], $0x80, s5, s24, $0xb8;
	[tilespmem:$0x1C900] =	vst v63  }
0x4a: {  	_ =	swait.ge [sflag:s29], $0x4000  }
0x4b: {  	[sflag:s29] =	ssyncset.done $0x0  }
0x4c: {  	s6 =	sor.u32 $0x880, s22;
	[sflag:s29] =	ssyncadd.s32 $0xFFFFC000  }
0x4d: {  	[spmem:s1] =	stream.indirect.scatter.add.f32 [tilespmem:s26], [sflag:$0x4], $0x80, s6, s24, $0xb8;
	[tilespmem:$0x1C900] =	vst v63  }
0x4e: {  	_ =	swait.ge [sflag:s19], $0x4000  }
0x4f: {  	[sflag:s19] =	ssyncset.done $0x0  }
0x50: {  	s6 =	sor.u32 $0x180, s22;
	[sflag:s19] =	ssyncadd.s32 $0xFFFFC000  }
0x51: {  	[tilespmem:s26], [sflag:$0x2] =	stream.indirect.gather [hbm4b:s4+s24], $0x80, s6, s24, $0xb8;
	[tilespmem:$0x1C900] =	vst v63  }
0x52: {  	_ =	swait.ge [sflag:s28], $0x4000  }
0x53: {  	[sflag:s28] =	ssyncset.done $0x0  }
0x54: {  	s6 =	sor.u32 $0x900, s22;
	[sflag:s28] =	ssyncadd.s32 $0xFFFFC000  }
0x55: {  	[spmem:s1] =	stream.indirect.scatter.add.f32 [tilespmem:s25], [sflag:$0x4], $0x80, s6, s24, $0xb8;
	[tilespmem:$0x1C900] =	vst v63  }
0x56: {  	_ =	swait.ge [sflag:s19], $0x4000  }
0x57: {  	[sflag:s19] =	ssyncset.done $0x0  }
0x58: {  	s6 =	sor.u32 $0x200, s22;
	[sflag:s19] =	ssyncadd.s32 $0xFFFFC000  }
0x59: {  	[tilespmem:s25], [sflag:$0x1] =	stream.indirect.gather [hbm4b:s4+s24], $0x80, s6, s24, $0xb8;
	[tilespmem:$0x1C900] =	vst v63  }
0x5a: {  	_ =	swait.ge [sflag:s29], $0x4000  }
0x5b: {  	[sflag:s29] =	ssyncset.done $0x0  }
0x5c: {  	s6 =	sor.u32 $0x980, s22;
	[sflag:s29] =	ssyncadd.s32 $0xFFFFC000  }
0x5d: {  	[spmem:s1] =	stream.indirect.scatter.add.f32 [tilespmem:s26], [sflag:$0x4], $0x80, s6, s24, $0xb8;
	[tilespmem:$0x1C900] =	vst v63  }
0x5e: {  	_ =	swait.ge [sflag:s19], $0x4000  }
0x5f: {  	[sflag:s19] =	ssyncset.done $0x0  }
0x60: {  	s6 =	sor.u32 $0x280, s22;
	[sflag:s19] =	ssyncadd.s32 $0xFFFFC000  }
0x61: {  	[tilespmem:s26], [sflag:$0x2] =	stream.indirect.gather [hbm4b:s4+s24], $0x80, s6, s24, $0xb8;
	[tilespmem:$0x1C900] =	vst v63  }
0x62: {  	_ =	swait.ge [sflag:s28], $0x4000  }
0x63: {  	[sflag:s28] =	ssyncset.done $0x0  }
0x64: {  	s6 =	sor.u32 $0xA00, s22;
	[sflag:s28] =	ssyncadd.s32 $0xFFFFC000  }
0x65: {  	[spmem:s1] =	stream.indirect.scatter.add.f32 [tilespmem:s25], [sflag:$0x4], $0x80, s6, s24, $0xb8;
	[tilespmem:$0x1C900] =	vst v63  }
0x66: {  	_ =	swait.ge [sflag:s19], $0x4000  }
0x67: {  	[sflag:s19] =	ssyncset.done $0x0  }
0x68: {  	s6 =	sor.u32 $0x300, s22;
	[sflag:s19] =	ssyncadd.s32 $0xFFFFC000  }
0x69: {  	[tilespmem:s25], [sflag:$0x1] =	stream.indirect.gather [hbm4b:s4+s24], $0x80, s6, s24, $0xb8;
	[tilespmem:$0x1C900] =	vst v63  }
0x6a: {  	_ =	swait.ge [sflag:s29], $0x4000  }
0x6b: {  	[sflag:s29] =	ssyncset.done $0x0  }
0x6c: {  	s6 =	sor.u32 $0xA80, s22;
	[sflag:s29] =	ssyncadd.s32 $0xFFFFC000  }
0x6d: {  	[spmem:s1] =	stream.indirect.scatter.add.f32 [tilespmem:s26], [sflag:$0x4], $0x80, s6, s24, $0xb8;
	[tilespmem:$0x1C900] =	vst v63  }
0x6e: {  	_ =	swait.ge [sflag:s19], $0x4000  }
0x6f: {  	[sflag:s19] =	ssyncset.done $0x0  }
0x70: {  	s5 =	sor.u32 $0x380, s22;
	[sflag:s19] =	ssyncadd.s32 $0xFFFFC000  }
0x71: {  	[tilespmem:s26], [sflag:$0x2] =	stream.indirect.gather [hbm4b:s4+s24], $0x80, s5, s24, $0xb8;
	[tilespmem:$0x1C900] =	vst v63  }
0x72: {  	_ =	swait.ge [sflag:s28], $0x4000  }
0x73: {  	p1 =	sne.s32 s3, $0x480;
	[sflag:s28] =	ssyncset.done $0x0  }
.Ltmp2:
0x74: {  	s6 =	sor.u32 $0xB00, s22;
	[sflag:s28] =	ssyncadd.s32 $0xFFFFC000;
	(pc) =	sbr.rel @!p1 .LBB2_3-.Ltmp2, $4  }
0x75: {  	[spmem:s1] =	stream.indirect.scatter.add.f32 [tilespmem:s25], [sflag:$0x4], $0x80, s6, s24, $0xb8;
	[tilespmem:$0x1C900] =	vst v63  }
0x76: {  	_ =	swait.ge [sflag:s19], $0x4000  }
0x77: {  	[sflag:s19] =	ssyncset.done $0x0  }
0x78: {  	[sflag:s19] =	ssyncadd.s32 $0xFFFFC000  }
0x79: {  	_ =	swait.ge [sflag:s21], $0x400  }
0x7a: {  	[sflag:s21] =	ssyncset.done $0x0  }
0x7b: {  	[sflag:s21] =	ssyncadd.s32 $0xFFFFFC00  }
0x7c: {  	_ =	swait.ge [sflag:s21], $0x400  }
0x7d: {  	[sflag:s21] =	ssyncset.done $0x0  }
0x7e: {  	s6 =	sxor.u32 $0x400, s22;
	[sflag:s21] =	ssyncadd.s32 $0xFFFFFC00  }
0x7f: {  	[tilespmem:s25], [sflag:$0x1] =	stream.indirect.gather [hbm4b:s4+s24], $0x80, s6, s24, $0xb8;
	[tilespmem:$0x1C900] =	vst v63  }
0x80: {  	_ =	swait.ge [sflag:s29], $0x4000  }
0x81: {  	[sflag:s29] =	ssyncset.done $0x0  }
0x82: {  	s5 =	sor.u32 $0x800, s5;
	[sflag:s29] =	ssyncadd.s32 $0xFFFFC000  }
0x83: {  	[spmem:s1] =	stream.indirect.scatter.add.f32 [tilespmem:s26], [sflag:$0x4], $0x80, s5, s24, $0xb8;
	[tilespmem:$0x1C900] =	vst v63  }
0x84: {  	_ =	swait.ge [sflag:s19], $0x4000  }
0x85: {  	[sflag:s19] =	ssyncset.done $0x0  }
0x86: {  	p1 =	sgt.u32 s20, $0x7;
	s6 =	sor.u32 $0x80, s6;
	[sflag:s19] =	ssyncadd.s32 $0xFFFFC000  }
0x87: {  	[tilespmem:s26], [sflag:$0x2] =	stream.indirect.gather [hbm4b:s4+s24], $0x80, s6, s24, $0xb8;
	[tilespmem:$0x1C900] =	vst v63  }
0x88: {  	s5 =	sadd.s32 @!p1 s3, s18;
	s6 =	simm.s32 @!p1 $0x0  }
0x89: {  	[tilespmem:s22], [sflag:$0x3] =	stream.linear.gather @!p1 [hbm4b:s5+s6], $0x400, $0x38;
	[tilespmem:$0x1C900] =	vst v63  }
0x8a: {  	s5 =	sadd.s32 @!p1 s3, s17;
	s3 =	sadd.s32 $0x80, s3  }
0x8b: {  	[tilespmem:s23], [sflag:$0x3] =	stream.linear.gather @!p1 [hbm4b:s5+s6], $0x400, $0x38;
	[tilespmem:$0x1C900] =	vst v63  }
0x8c: {  	p1 =	sne.s32 s3, $0x500  }
.Ltmp3:
0x8d: {  	_ = 	snop;
	(pc) =	sbr.rel @p1 .LBB2_2-.Ltmp3, $4  }
.Ltmp4:
0x8e: {  	_ = 	snop;
	(pc) =	sbr.rel @!p1 .LBB2_5-.Ltmp4, $4  }
0x8f: {  	_ = 	snop  }
0x90: {  	_ = 	snop  }
0x91: {  	s20 =	sadd.s32 $0x1, s20  }
0x92: {  	_ = 	snop  }
.LBB2_6:
0x93: {  	_ =	sfence.sel $0x180000  }
0x94: {  	[bflag:$0x0] =	sbarrier.arrive $0xFFFF  }
0x95: {  	_ =	strace $0x9000004D  }
0x96: {  	s0 =	stileid.u32;
	[bflag:$0x2] =	sbarrier.arrive $0xFFFF  }
0x97: {  	p0 =	sne.s32 s0, $0x0;
	s0 =	rddreg [dreg:$0x2]  }
0x98: {  	s0 =	sadd.s32 @!p0 $0x100000, s0  }
0x99: {  	[sflag:s0] =	ssyncadd.tile.s32 @!p0 $0x1;
	_ =	shalt  }
.Lfunc_end2:
_tile_overlayer_lowered:
.L_overlay_start_2:
0x9a: {  	(tag) =	ssettag $0x2  }
0x9b: {  	s0 =	rddreg [dreg:$0x0];
	s2 =	stileid.u32  }
0x9c: {  	s1 =	rddreg [dreg:$0x1];
	p0 =	sne.s32 s2, $0x0  }
0x9d: {  	s3 =	rddreg [dreg:$0x2];
	[bflag:$0x3] =	sbarrier.arrive $0xFFFF;
	s2 =	simm.s32 @!p0 $0x1C04  }
0x9e: {  	[timem:s3], [sflag:s2] =	dma.local @!p0 [hbm:s0], s1  }
0x9f: {  	s0 =	simm.s32 @!p0 $0x4  }
0xa0: {  	_ =	swait.ge @!p0 [sflag:s0], s1  }
0xa1: {  	s1 =	ssub.s32 @!p0 $0x0, s1;
	[sflag:s0] =	ssyncset.done @!p0 $0x0  }
0xa2: {  	[sflag:s0] =	ssyncadd.s32 @!p0 s1  }
0xa3: {  	[bflag:$0x3] =	sbarrier.arrive $0xFFFF  }
0xa4: {  	_ =	shalt  }

// kernel: kernel.23.cloned.1.call-start
scs
__scs_entry_jumppad:
0x0: {  	(pc) =	sbr.rel $0x88, $3  }
0x1: {  	(tag) =	ssettag $0x0;
	lr =	simm.s32 $0x1  }
0x2: {  	[smem:$0x3F7D] =	sst lr;
	_ =	strace $0xD0000000  }
0x3: {  	_ = 	snop  }
0x4: {  	_ = 	snop  }
0x5: {  	_ = 	snop  }
0x6: {  	_ = 	snop  }
0x7: {  	_ = 	snop  }
__scs_overlays_trampoline_lowered:
0x8: {  	[smem:$0x3F8C] =	sst s0  }
0x9: {  	[smem:$0x3F8D] =	sst s1  }
0xa: {  	[smem:$0x3F8E] =	sst s2  }
0xb: {  	[smem:$0x3F8F] =	sst s3  }
0xc: {  	[smem:$0x3F90] =	sst s4  }
0xd: {  	[smem:$0x3F91] =	sst s5  }
0xe: {  	[smem:$0x3F92] =	sst s6  }
0xf: {  	[smem:$0x3F93] =	sst s7  }
0x10: {  	[smem:$0x3F94] =	sst s8  }
0x11: {  	[smem:$0x3F95] =	sst s9;
	s0 =	simm.s32 @!p0 $0x0  }
0x12: {  	s1 =	sld [smem:$0x3F7B];
	s0 =	simm.s32 @p0 $0x1  }
0x13: {  	[smem:$0x3F96] =	sst s0;
	s0 =	simm.s32 @!p1 $0x0  }
0x14: {  	s2 =	sld [smem:$0x3F7A];
	s0 =	simm.s32 @p1 $0x1  }
0x15: {  	[smem:$0x3F97] =	sst s0;
	s0 =	simm.s32 @!p2 $0x0  }
0x16: {  	s3 =	sld [smem:$0x3FDB];
	s0 =	simm.s32 @p2 $0x1  }
0x17: {  	s4 =	simm.s32 $0x1BF5;
	[smem:$0x3F99] =	sst s0  }
0x18: {  	s0 =	sld [smem:$0x3F7C];
	_ =	swait.ge [sflag:s4], $0x0  }
0x19: {  	s7 =	sld [smem:$0x3F7D]  }
0x1a: {  	s8 =	sadd.s32 $0xFFFFE003, lr  }
0x1b: {  	s9 =	sadd.s32 $0xFFFFFEF7, lr;
	s5 =	simm.s32 $0xFFFFFFFF;
	p2 =	slt.u32 s8, $0xFFFFF086  }
0x1c: {  	p1 =	slt.u32 s9, $0xF7A;
	s5 =	simm.s32 @!p2 $0x0  }
0x1d: {  	s5 =	simm.s32 @p1 $0x1;
	p0 =	seq.s32 s7, s2  }
0x1e: {  	s7 =	smul.u32 @!p0 $0xF7A, s2;
	p2 =	seq.s32 @!p0 s5, $0x0  }
0x1f: {  	s9 =	smul.u32 $0xF7A, s1;
	s8 =	simm.s32 @!p0 $0x1BF5;
	p2 =	por !p2, p0  }
0x20: {  	[sflag:s8] =	ssyncset.s32 @!p0 $0xFFFFF086;
	s6 =	sadd.s32 @!p0 s3, s7;
	s7 =	simm.s32 @!p0 $0x108  }
0x21: {  	s3 =	sadd.s32 s3, s9;
	s6 =	sadd.s32 @!p0 $0x88, s6;
	s7 =	simm.s32 @p2 $0x1082  }
0x22: {  	[simem:s7], [sflag:s8] =	dma.local @!p0 [hbm:s6], $0xF7A  }
0x23: {  	s9 =	sor.u32 $0xD0000000, s2;
	s6 =	simm.s32 $0x108;
	_ =	swait.ge @!p0 [sflag:s8], $0x0  }
0x24: {  	s3 =	sadd.s32 $0x88, s3;
	s6 =	simm.s32 @!p1 $0x1082;
	[sflag:s4] =	ssyncset.s32 $0xFFFFF086  }
0x25: {  	[simem:s6], [sflag:s4] =	dma.local [hbm:s3], $0xF7A  }
0x26: {  	[smem:$0x3F7D] =	sst s1;
	(tag) =	ssettag s2;
	_ =	strace s9  }
0x27: {  	s1 =	sld [smem:$0x3F8D]  }
0x28: {  	s2 =	sld [smem:$0x3F8E]  }
0x29: {  	s4 =	sld [smem:$0x3F90]  }
0x2a: {  	p0 =	seq.s32 s5, $0x0;
	s5 =	sld [smem:$0x3F91]  }
0x2b: {  	s6 =	sld [smem:$0x3F92]  }
0x2c: {  	s7 =	sld [smem:$0x3F93]  }
0x2d: {  	s3 =	simm.s32 $0x108;
	s8 =	sld [smem:$0x3F94]  }
0x2e: {  	s3 =	simm.s32 @!p0 $0x1082;
	s9 =	sld [smem:$0x3F95]  }
0x2f: {  	lr =	sadd.s32 s0, s3;
	s0 =	sld [smem:$0x3F8C]  }
0x30: {  	s3 =	sld [smem:$0x3F8F]  }
0x31: {  	[smem:$0x3F98] =	sst s10  }
0x32: {  	s10 =	sld [smem:$0x3F96];
	_ =	sdelay $0x3  }
0x33: {  	p0 =	seq.s32 s10, $0x1;
	s10 =	sld [smem:$0x3F98];
	_ =	sdelay $0x3  }
0x34: {  	[smem:$0x3F98] =	sst s10  }
0x35: {  	s10 =	sld [smem:$0x3F97];
	_ =	sdelay $0x3  }
0x36: {  	p1 =	seq.s32 s10, $0x1;
	s10 =	sld [smem:$0x3F98];
	_ =	sdelay $0x3  }
0x37: {  	[smem:$0x3F98] =	sst s10  }
0x38: {  	s10 =	sld [smem:$0x3F99]  }
0x39: {  	_ = 	snop;
	(pc) =	sbr.ind lr, $3  }
0x3a: {  	_ = 	snop  }
0x3b: {  	_ = 	snop  }
0x3c: {  	p2 =	seq.s32 s10, $0x1;
	s10 =	sld [smem:$0x3F98]  }
0x3d: {  	_ =	shalt  }
0x3e: {  	_ =	shalt  }
0x3f: {  	_ =	shalt  }
0x40: {  	_ =	shalt  }
0x41: {  	_ =	shalt  }
0x42: {  	_ =	shalt  }
0x43: {  	_ =	shalt  }
0x44: {  	_ =	shalt  }
0x45: {  	_ =	shalt  }
0x46: {  	_ =	shalt  }
0x47: {  	_ =	shalt  }
0x48: {  	_ =	shalt  }
0x49: {  	_ =	shalt  }
0x4a: {  	_ =	shalt  }
0x4b: {  	_ =	shalt  }
0x4c: {  	_ =	shalt  }
0x4d: {  	_ =	shalt  }
0x4e: {  	_ =	shalt  }
0x4f: {  	_ =	shalt  }
0x50: {  	_ =	shalt  }
0x51: {  	_ =	shalt  }
0x52: {  	_ =	shalt  }
0x53: {  	_ =	shalt  }
0x54: {  	_ =	shalt  }
0x55: {  	_ =	shalt  }
0x56: {  	_ =	shalt  }
0x57: {  	_ =	shalt  }
0x58: {  	_ =	shalt  }
0x59: {  	_ =	shalt  }
0x5a: {  	_ =	shalt  }
0x5b: {  	_ =	shalt  }
0x5c: {  	_ =	shalt  }
0x5d: {  	_ =	shalt  }
0x5e: {  	_ =	shalt  }
0x5f: {  	_ =	shalt  }
0x60: {  	_ =	shalt  }
0x61: {  	_ =	shalt  }
0x62: {  	_ =	shalt  }
0x63: {  	_ =	shalt  }
0x64: {  	_ =	shalt  }
0x65: {  	_ =	shalt  }
0x66: {  	_ =	shalt  }
0x67: {  	_ =	shalt  }
0x68: {  	_ =	shalt  }
0x69: {  	_ =	shalt  }
0x6a: {  	_ =	shalt  }
0x6b: {  	_ =	shalt  }
0x6c: {  	_ =	shalt  }
0x6d: {  	_ =	shalt  }
0x6e: {  	_ =	shalt  }
0x6f: {  	_ =	shalt  }
0x70: {  	_ =	shalt  }
0x71: {  	_ =	shalt  }
0x72: {  	_ =	shalt  }
0x73: {  	_ =	shalt  }
0x74: {  	_ =	shalt  }
0x75: {  	_ =	shalt  }
0x76: {  	_ =	shalt  }
0x77: {  	_ =	shalt  }
0x78: {  	_ =	shalt  }
0x79: {  	_ =	shalt  }
0x7a: {  	_ =	shalt  }
0x7b: {  	_ =	shalt  }
0x7c: {  	_ =	shalt  }
0x7d: {  	_ =	shalt  }
0x7e: {  	_ =	shalt  }
0x7f: {  	_ =	shalt  }
0x80: {  	_ =	shalt  }
0x81: {  	_ =	shalt  }
0x82: {  	_ =	shalt  }
0x83: {  	_ =	shalt  }
0x84: {  	_ =	shalt  }
0x85: {  	_ =	shalt  }
0x86: {  	_ =	shalt  }
0x87: {  	_ =	shalt  }
.Lfunc_end0:
.L_simem_size_0:
called_computation.3_lowered:
.L_overlay_start_0:
0x88: {  	s2 =	sld [smem:$0x3FD9]  }
0x89: {  	s3 =	sld [smem:$0x3FFE];
	_ =	sdelay $0x1  }
0x8a: {  	s1 =	srdreg.scid  }
0x8b: {  	s0 =	sand.u32 $0x1, s1  }
0x8c: {  	s16 =	sshll.u32 s0, $0xA;
	s2 =	sadd.s32 s3, s2  }
0x8d: {  	s2 =	sadd.s32 s2, s16  }
0x8e: {  	[smem:$0x3FA4] =	sst s2  }
0x8f: {  	_ = 	snop  }
0x90: {  	(tm) =	ssettm $0x1  }
0x91: {  	s17 =	sld [smem:$0x3FFB];
	_ =	sdelay $0x3  }
0x92: {  	_ =	strace s17  }
0x93: {  	s2 =	sld [smem:$0x3FFC];
	_ =	sdelay $0x3  }
0x94: {  	_ =	strace s2  }
0x95: {  	s2 =	sld [smem:$0x3FFD];
	_ =	sdelay $0x3  }
0x96: {  	_ =	strace s2  }
0x97: {  	_ =	strace $0x8FFFFFFF  }
0x98: {  	s18 =	sld [smem:$0x3FDB];
	_ =	sdelay $0x1  }
0x99: {  	s19 =	simm.s32 $_scs_section_size  }
0x9a: {  	s4 =	simm.s32 $_size__tile_overlayer_lowered;
	s5 =	simm.s32 $_tile_overlayer_lowered  }
0x9b: {  	s22 =	simm.s32 $0x1BFF;
	s21 =	sshll.u32 s5, $0x1;
	s2 =	sadd.s32 s19, s18  }
0x9c: {  	s6 =	simm.s32 $0x0;
	s20 =	sshll.u32 s4, $0x1;
	s4 =	sadd.s32 s21, s2  }
0x9d: {  	[timem:s6], [sflag:s22] =	dma.local [hbm:s4], s20  }
0x9e: {  	_ =	swait.ge [sflag:s22], s20  }
0x9f: {  	s3 =	ssub.s32 $0x0, s20;
	[sflag:s22] =	ssyncset.done $0x0  }
0xa0: {  	[sflag:s22] =	ssyncadd.s32 s3;
	_ =	sdelay $0x1  }
0xa1: {  	s23 =	simm.s32 $0x1B8B  }
0xa2: {  	_ =	swait.ge [sflag:s23], $0x1  }
0xa3: {  	[sflag:s23] =	ssyncset.done $0x0  }
0xa4: {  	s25 =	simm.s32 $0x1B8E;
	s24 =	sld [smem:$0x3FFE];
	[sflag:s23] =	ssyncadd.s32 $0xFFFFFFFF  }
0xa5: {  	s26 =	simm.s32 $execute0_lowered;
	[smem:$0x3FD2] =	sst s25  }
0xa6: {  	s4 =	sshll.u32 s26, $0x1;
	_ =	strace $0x8000004F;
	[dreg:$0x1] =	wrdreg $0xFFFFFFFF  }
0xa7: {  	s28 =	simm.s32 $_size_execute0_lowered;
	s2 =	sadd.s32 s2, s4;
	[dreg:$0x0] =	wrdreg $0x0  }
0xa8: {  	s4 =	sshll.u32 s28, $0x1;
	[dreg:$0x2] =	wrdreg s2  }
0xa9: {  	[dreg:$0x3] =	wrdreg s4  }
0xaa: {  	[dreg:$0x4] =	wrdreg $0xC0  }
0xab: {  	_ =	task [dreg:s6], $0x5FFFF  }
0xac: {  	[dreg:$0x1] =	wrdreg $0xFFFFFFFF  }
0xad: {  	[dreg:$0x0] =	wrdreg $0x60  }
0xae: {  	[dreg:$0x2] =	wrdreg s24  }
0xaf: {  	[dreg:$0x3] =	wrdreg $0x90000  }
0xb0: {  	[dreg:$0x4] =	wrdreg $0x9  }
0xb1: {  	_ =	task.clear_ibuf [dreg:s6], $0x5FFFF;
	_ =	strace $0x9000004F  }
0xb2: {  	s29 =	simm.s32 $0x9;
	_ =	strace $0x80000051  }
0xb3: {  	_ =	swait.ge [sflag:s29], $0x1  }
0xb4: {  	[sflag:s29] =	ssyncadd.s32 $0xFFFFFFFF  }
0xb5: {  	_ =	strace $0x90000051  }
0xb6: {  	_ =	sfence  }
0xb7: {  	s30 =	sld [smem:$0x0];
	_ =	sdelay $0x2  }
0xb8: {  	s31 =	sshll.u32 s1, $0xD;
	s1 =	sshrl.u32 s1, $0x2  }
0xb9: {  	s3 =	sand.u32 $0x4000, s31;
	s1 =	sadd.s32 s1, s30  }
0xba: {  	s0 =	sor.u32 s3, s0;
	s1 =	sshll.u32 s1, $0x11  }
0xbb: {  	s0 =	sor.u32 s1, s0  }
0xbc: {  	s0 =	sadd.s32 $0x8F2B, s0  }
0xbd: {  	[sflag:s0] =	ssyncadd.remote.s32 $0x1  }
0xbe: {  	_ =	sfence.sel $0xFFFF  }
0xbf: {  	[dreg:$0x0] =	wrdreg $0xFFFFFFFF;
	(pc) =	sbr.abs _section_cstart, $3  }
0xc0: {  	[dreg:$0x1] =	wrdreg $0xFFFFFFFF  }
0xc1: {  	_ =	task.clear_ibuf [dreg:s6], $0x2FFFF;
	_ =	strace $0x9FFFFFFF  }
0xc2: {  	(tm) =	ssettm $0x7FFFFFFF  }
0xc3: {  	_ =	shalt  }
tec
execute0_lowered:
.L_overlay_start_1:
0x0: {  	(tag) =	ssettag $0x1  }
0x1: {  	s0 =	rddreg [dreg:$0x0]  }
0x2: {  	s1 =	rddreg [dreg:$0x1];
	s2 =	simm.s32 $0x0;
	s3 =	srdreg.scid  }
0x3: {  	s19 =	stileid.u32;
	s28 =	simm.s32 $0x1;
	s29 =	simm.s32 $0x2  }
0x4: {  	s30 =	simm.s32 $0x0;
	[smem:$0x7FF] =	sst s2;
	s4 =	sadd.s32 $0x5C00, s0  }
0x5: {  	s5 =	sadd.s32 $0xACA00, s0;
	s3 =	sand.u32 $0x1, s3;
	s7 =	smul.u32 $0x4E000, s19  }
0x6: {  	s15 =	sadd.s32 $0xA2A00, s0;
	s16 =	sadd.s32 $0x2CE00, s0;
	s13 =	smul.u32 $0x13800, s19  }
0x7: {  	s21 =	sshll.u32 s19, $0x6;
	s9 =	sadd.s32 $0x2CC00, s0;
	s25 =	smul.u32 $0x500, s19  }
0x8: {  	p0 =	sne.s32 s19, $0xF;
	_ =	strace $0x80000050;
	s6 =	ssub.s32 $0x2, s3  }
0x9: {  	s12 =	sshll.u32 s3, $0x4;
	s8 =	sshrl.u32 s6, $0x1;
	s7 =	sshrl.u32 s7, $0x2  }
0xa: {  	s14 =	sor.u32 s19, s12;
	s20 =	sshrl.u32 s13, $0x3;
	s19 =	simm.s32 $0x4  }
0xb: {  	s17 =	ssub.s32 s6, s8;
	s18 =	sadd.s32 s7, s1;
	s6 =	sadd.s32 s4, s20  }
0xc: {  	s11 =	smul.u32 $0x500, s14;
	s7 =	sor.u32 $0x1C04, s21;
	s8 =	sadd.s32 $0x138000, s1  }
0xd: {  	s21 =	simm.s32 $0x3;
	[dreg:$0x3] =	wrdreg s18;
	s18 =	smul.u32 $0x138800, s3  }
0xe: {  	[dreg:$0x4] =	wrdreg s6;
	s3 =	smul.u32 $0x5000, s3;
	s22 =	sor.u32 $0x80, s11  }
0xf: {  	s10 =	sadd.s32 s5, s11;
	s11 =	sadd.s32 s15, s11;
	s12 =	sadd.s32 s5, s22  }
0x10: {  	s14 =	sadd.s32 s13, s18;
	s13 =	sadd.s32 s15, s22;
	s24 =	sshrl.u32 s18, $0x3  }
.Ltmp0:
0x11: {  	s26 =	sadd.s32 s3, s15;
	s3 =	sadd.s32 s3, s5;
	(pc) =	sbr.rel .LBB2_1-.Ltmp0, $4  }
0x12: {  	s23 =	sshrl.u32 s14, $0x3;
	s0 =	sadd.s32 s16, s24;
	s31 =	sadd.s32 s25, s26  }
0x13: {  	s3 =	sadd.s32 s25, s3;
	s24 =	simm.s32 $0x80;
	s25 =	simm.s32 $0x1000  }
0x14: {  	s26 =	simm.s32 $0x5000;
	s14 =	sadd.s32 s16, s23;
	s15 =	sadd.s32 $0x27000, s0  }
0x15: {  	s16 =	smax.u32 s17, $0x1;
	s17 =	sadd.s32 $0x100, s31;
	s18 =	sadd.s32 $0x100, s3  }
.LBB2_3:
0x16: {  	_ =	swait.ge [sflag:s29], $0x4000  }
0x17: {  	[sflag:s29] =	ssyncset.done $0x0  }
0x18: {  	s3 =	sor.u32 $0x800, s5;
	[sflag:s29] =	ssyncadd.s32 $0xFFFFC000  }
0x19: {  	[spmem:s1] =	stream.indirect.scatter.add.f32 [tilespmem:s26], [sflag:$0x4], $0x80, s3, s24, $0xb8;
	[tilespmem:$0x1C900] =	vst v63  }
0x1a: {  	_ =	swait.ge [sflag:s19], $0x4000  }
0x1b: {  	[sflag:s19] =	ssyncset.done $0x0  }
0x1c: {  	[sflag:s19] =	ssyncadd.s32 $0xFFFFC000  }
.LBB2_5:
0x1d: {  	[bflag:$0x0] =	sbarrier.arrive $0xFFFF  }
0x1e: {  	[hbm:s14], [sflag:s7] =	dma.local [spmem:s31], $0x2700  }
0x1f: {  	_ =	swait.ge [sflag:s19], $0x2700  }
0x20: {  	s30 =	sadd.s32 $0x1, s30;
	[sflag:s19] =	ssyncset.done $0x0  }
0x21: {  	p1 =	sne.s32 s30, s16;
	[sflag:s19] =	ssyncadd.s32 $0xFFFFD900  }
0x22: {  	[hbm:s15], [sflag:s7] =	dma.local @!p0 [spmem:s0], $0x100  }
.Ltmp1:
0x23: {  	_ = 	snop;
	(pc) =	sbr.rel @!p1 .LBB2_6-.Ltmp1, $4  }
0x24: {  	s0 =	simm.s32 @!p0 $0x4  }
0x25: {  	_ =	swait.ge @!p0 [sflag:s0], $0x100  }
0x26: {  	[sflag:s0] =	ssyncset.done @!p0 $0x0  }
0x27: {  	[sflag:s0] =	ssyncadd.s32 @!p0 $0xFFFFFF00  }
.LBB2_1:
0x28: {  	s0 =	rddreg [dreg:$0x3]  }
0x29: {  	s6 =	rddreg [dreg:$0x4];
	s31 =	sshrl.u32 s0, $0x3  }
0x2a: {  	[spmem:s31], [sflag:s7] =	dma.local [hbm:s6], $0x2700  }
0x2b: {  	_ =	swait.ge [sflag:s19], $0x2700  }
0x2c: {  	[sflag:s19] =	ssyncset.done $0x0  }
0x2d: {  	s3 =	simm.s32 @!p0 $0x4;
	s0 =	sshrl.u32 @!p0 s8, $0x3;
	[sflag:s19] =	ssyncadd.s32 $0xFFFFD900  }
0x2e: {  	[spmem:s0], [sflag:s7] =	dma.local @!p0 [hbm:s9], $0x100  }
0x2f: {  	_ =	swait.ge @!p0 [sflag:s3], $0x100  }
0x30: {  	[sflag:s3] =	ssyncset.done @!p0 $0x0  }
0x31: {  	[sflag:s3] =	ssyncadd.s32 @!p0 $0xFFFFFF00  }
0x32: {  	[tilespmem:s2], [sflag:$0x3] =	stream.linear.gather [hbm4b:s10+s2], $0x400, $0x38;
	[tilespmem:$0x1C900] =	vst v63  }
0x33: {  	s20 =	simm.s32 $0x800  }
0x34: {  	[tilespmem:s20], [sflag:$0x3] =	stream.linear.gather [hbm4b:s11+s2], $0x400, $0x38;
	[tilespmem:$0x1C900] =	vst v63  }
0x35: {  	_ =	swait.ge [sflag:s21], $0x400  }
0x36: {  	[sflag:s21] =	ssyncset.done $0x0  }
0x37: {  	[sflag:s21] =	ssyncadd.s32 $0xFFFFFC00  }
0x38: {  	_ =	swait.ge [sflag:s21], $0x400  }
0x39: {  	[sflag:s21] =	ssyncset.done $0x0  }
0x3a: {  	s22 =	simm.s32 $0x400;
	[sflag:s21] =	ssyncadd.s32 $0xFFFFFC00  }
0x3b: {  	[tilespmem:s22], [sflag:$0x3] =	stream.linear.gather [hbm4b:s12+s2], $0x400, $0x38;
	[tilespmem:$0x1C900] =	vst v63  }
0x3c: {  	s23 =	simm.s32 $0xC00  }
0x3d: {  	[tilespmem:s23], [sflag:$0x3] =	stream.linear.gather [hbm4b:s13+s2], $0x400, $0x38;
	[tilespmem:$0x1C900] =	vst v63  }
0x3e: {  	[bflag:$0x0] =	sbarrier.arrive $0xFFFF  }
0x3f: {  	[tilespmem:s25], [sflag:$0x1] =	stream.indirect.gather [hbm4b:s4+s24], $0x80, s2, s24, $0xb8;
	[tilespmem:$0x1C900] =	vst v63  }
0x40: {  	s3 =	simm.s32 $0x0;
	s20 =	simm.s32 $0x0  }
0x41: {  	[tilespmem:s26], [sflag:$0x2] =	stream.indirect.gather [hbm4b:s4+s24], $0x80, s24, s24, $0xb8;
	[tilespmem:$0x1C900] =	vst v63  }
.LBB2_2:
0x42: {  	s5 =	sand.u32 $0x1, s20;
	_ =	swait.ge [sflag:s28], $0x4000  }
0x43: {  	[sflag:s28] =	ssyncset.done $0x0;
	s22 =	sshll.u32 s5, $0xA  }
0x44: {  	[sflag:s28] =	ssyncadd.s32 $0xFFFFC000;
	s23 =	sor.u32 $0x800, s22  }
0x45: {  	[spmem:s1] =	stream.indirect.scatter.add.f32 [tilespmem:s25], [sflag:$0x4], $0x80, s23, s24, $0xb8;
	[tilespmem:$0x1C900] =	vst v63  }
0x46: {  	_ =	swait.ge [sflag:s19], $0x4000  }
0x47: {  	[sflag:s19] =	ssyncset.done $0x0  }
0x48: {  	s5 =	sor.u32 $0x100, s22;
	[sflag:s19] =	ssyncadd.s32 $0xFFFFC000  }
0x49: {  	[tilespmem:s25], [sflag:$0x1] =	stream.indirect.gather [hbm4b:s4+s24], $0x80, s5, s24, $0xb8;
	[tilespmem:$0x1C900] =	vst v63  }
0x4a: {  	_ =	swait.ge [sflag:s29], $0x4000  }
0x4b: {  	[sflag:s29] =	ssyncset.done $0x0  }
0x4c: {  	s6 =	sor.u32 $0x880, s22;
	[sflag:s29] =	ssyncadd.s32 $0xFFFFC000  }
0x4d: {  	[spmem:s1] =	stream.indirect.scatter.add.f32 [tilespmem:s26], [sflag:$0x4], $0x80, s6, s24, $0xb8;
	[tilespmem:$0x1C900] =	vst v63  }
0x4e: {  	_ =	swait.ge [sflag:s19], $0x4000  }
0x4f: {  	[sflag:s19] =	ssyncset.done $0x0  }
0x50: {  	s6 =	sor.u32 $0x180, s22;
	[sflag:s19] =	ssyncadd.s32 $0xFFFFC000  }
0x51: {  	[tilespmem:s26], [sflag:$0x2] =	stream.indirect.gather [hbm4b:s4+s24], $0x80, s6, s24, $0xb8;
	[tilespmem:$0x1C900] =	vst v63  }
0x52: {  	_ =	swait.ge [sflag:s28], $0x4000  }
0x53: {  	[sflag:s28] =	ssyncset.done $0x0  }
0x54: {  	s6 =	sor.u32 $0x900, s22;
	[sflag:s28] =	ssyncadd.s32 $0xFFFFC000  }
0x55: {  	[spmem:s1] =	stream.indirect.scatter.add.f32 [tilespmem:s25], [sflag:$0x4], $0x80, s6, s24, $0xb8;
	[tilespmem:$0x1C900] =	vst v63  }
0x56: {  	_ =	swait.ge [sflag:s19], $0x4000  }
0x57: {  	[sflag:s19] =	ssyncset.done $0x0  }
0x58: {  	s6 =	sor.u32 $0x200, s22;
	[sflag:s19] =	ssyncadd.s32 $0xFFFFC000  }
0x59: {  	[tilespmem:s25], [sflag:$0x1] =	stream.indirect.gather [hbm4b:s4+s24], $0x80, s6, s24, $0xb8;
	[tilespmem:$0x1C900] =	vst v63  }
0x5a: {  	_ =	swait.ge [sflag:s29], $0x4000  }
0x5b: {  	[sflag:s29] =	ssyncset.done $0x0  }
0x5c: {  	s6 =	sor.u32 $0x980, s22;
	[sflag:s29] =	ssyncadd.s32 $0xFFFFC000  }
0x5d: {  	[spmem:s1] =	stream.indirect.scatter.add.f32 [tilespmem:s26], [sflag:$0x4], $0x80, s6, s24, $0xb8;
	[tilespmem:$0x1C900] =	vst v63  }
0x5e: {  	_ =	swait.ge [sflag:s19], $0x4000  }
0x5f: {  	[sflag:s19] =	ssyncset.done $0x0  }
0x60: {  	s6 =	sor.u32 $0x280, s22;
	[sflag:s19] =	ssyncadd.s32 $0xFFFFC000  }
0x61: {  	[tilespmem:s26], [sflag:$0x2] =	stream.indirect.gather [hbm4b:s4+s24], $0x80, s6, s24, $0xb8;
	[tilespmem:$0x1C900] =	vst v63  }
0x62: {  	_ =	swait.ge [sflag:s28], $0x4000  }
0x63: {  	[sflag:s28] =	ssyncset.done $0x0  }
0x64: {  	s6 =	sor.u32 $0xA00, s22;
	[sflag:s28] =	ssyncadd.s32 $0xFFFFC000  }
0x65: {  	[spmem:s1] =	stream.indirect.scatter.add.f32 [tilespmem:s25], [sflag:$0x4], $0x80, s6, s24, $0xb8;
	[tilespmem:$0x1C900] =	vst v63  }
0x66: {  	_ =	swait.ge [sflag:s19], $0x4000  }
0x67: {  	[sflag:s19] =	ssyncset.done $0x0  }
0x68: {  	s6 =	sor.u32 $0x300, s22;
	[sflag:s19] =	ssyncadd.s32 $0xFFFFC000  }
0x69: {  	[tilespmem:s25], [sflag:$0x1] =	stream.indirect.gather [hbm4b:s4+s24], $0x80, s6, s24, $0xb8;
	[tilespmem:$0x1C900] =	vst v63  }
0x6a: {  	_ =	swait.ge [sflag:s29], $0x4000  }
0x6b: {  	[sflag:s29] =	ssyncset.done $0x0  }
0x6c: {  	s6 =	sor.u32 $0xA80, s22;
	[sflag:s29] =	ssyncadd.s32 $0xFFFFC000  }
0x6d: {  	[spmem:s1] =	stream.indirect.scatter.add.f32 [tilespmem:s26], [sflag:$0x4], $0x80, s6, s24, $0xb8;
	[tilespmem:$0x1C900] =	vst v63  }
0x6e: {  	_ =	swait.ge [sflag:s19], $0x4000  }
0x6f: {  	[sflag:s19] =	ssyncset.done $0x0  }
0x70: {  	s5 =	sor.u32 $0x380, s22;
	[sflag:s19] =	ssyncadd.s32 $0xFFFFC000  }
0x71: {  	[tilespmem:s26], [sflag:$0x2] =	stream.indirect.gather [hbm4b:s4+s24], $0x80, s5, s24, $0xb8;
	[tilespmem:$0x1C900] =	vst v63  }
0x72: {  	_ =	swait.ge [sflag:s28], $0x4000  }
0x73: {  	p1 =	sne.s32 s3, $0x480;
	[sflag:s28] =	ssyncset.done $0x0  }
.Ltmp2:
0x74: {  	s6 =	sor.u32 $0xB00, s22;
	[sflag:s28] =	ssyncadd.s32 $0xFFFFC000;
	(pc) =	sbr.rel @!p1 .LBB2_3-.Ltmp2, $4  }
0x75: {  	[spmem:s1] =	stream.indirect.scatter.add.f32 [tilespmem:s25], [sflag:$0x4], $0x80, s6, s24, $0xb8;
	[tilespmem:$0x1C900] =	vst v63  }
0x76: {  	_ =	swait.ge [sflag:s19], $0x4000  }
0x77: {  	[sflag:s19] =	ssyncset.done $0x0  }
0x78: {  	[sflag:s19] =	ssyncadd.s32 $0xFFFFC000  }
0x79: {  	_ =	swait.ge [sflag:s21], $0x400  }
0x7a: {  	[sflag:s21] =	ssyncset.done $0x0  }
0x7b: {  	[sflag:s21] =	ssyncadd.s32 $0xFFFFFC00  }
0x7c: {  	_ =	swait.ge [sflag:s21], $0x400  }
0x7d: {  	[sflag:s21] =	ssyncset.done $0x0  }
0x7e: {  	s6 =	sxor.u32 $0x400, s22;
	[sflag:s21] =	ssyncadd.s32 $0xFFFFFC00  }
0x7f: {  	[tilespmem:s25], [sflag:$0x1] =	stream.indirect.gather [hbm4b:s4+s24], $0x80, s6, s24, $0xb8;
	[tilespmem:$0x1C900] =	vst v63  }
0x80: {  	_ =	swait.ge [sflag:s29], $0x4000  }
0x81: {  	[sflag:s29] =	ssyncset.done $0x0  }
0x82: {  	s5 =	sor.u32 $0x800, s5;
	[sflag:s29] =	ssyncadd.s32 $0xFFFFC000  }
0x83: {  	[spmem:s1] =	stream.indirect.scatter.add.f32 [tilespmem:s26], [sflag:$0x4], $0x80, s5, s24, $0xb8;
	[tilespmem:$0x1C900] =	vst v63  }
0x84: {  	_ =	swait.ge [sflag:s19], $0x4000  }
0x85: {  	[sflag:s19] =	ssyncset.done $0x0  }
0x86: {  	p1 =	sgt.u32 s20, $0x7;
	s6 =	sor.u32 $0x80, s6;
	[sflag:s19] =	ssyncadd.s32 $0xFFFFC000  }
0x87: {  	[tilespmem:s26], [sflag:$0x2] =	stream.indirect.gather [hbm4b:s4+s24], $0x80, s6, s24, $0xb8;
	[tilespmem:$0x1C900] =	vst v63  }
0x88: {  	s5 =	sadd.s32 @!p1 s3, s18;
	s6 =	simm.s32 @!p1 $0x0  }
0x89: {  	[tilespmem:s22], [sflag:$0x3] =	stream.linear.gather @!p1 [hbm4b:s5+s6], $0x400, $0x38;
	[tilespmem:$0x1C900] =	vst v63  }
0x8a: {  	s5 =	sadd.s32 @!p1 s3, s17;
	s3 =	sadd.s32 $0x80, s3  }
0x8b: {  	[tilespmem:s23], [sflag:$0x3] =	stream.linear.gather @!p1 [hbm4b:s5+s6], $0x400, $0x38;
	[tilespmem:$0x1C900] =	vst v63  }
0x8c: {  	p1 =	sne.s32 s3, $0x500  }
.Ltmp3:
0x8d: {  	_ = 	snop;
	(pc) =	sbr.rel @p1 .LBB2_2-.Ltmp3, $4  }
.Ltmp4:
0x8e: {  	_ = 	snop;
	(pc) =	sbr.rel @!p1 .LBB2_5-.Ltmp4, $4  }
0x8f: {  	_ = 	snop  }
0x90: {  	_ = 	snop  }
0x91: {  	s20 =	sadd.s32 $0x1, s20  }
0x92: {  	_ = 	snop  }
.LBB2_6:
0x93: {  	_ =	sfence.sel $0x180000  }
0x94: {  	[bflag:$0x0] =	sbarrier.arrive $0xFFFF  }
0x95: {  	_ =	strace $0x90000050  }
0x96: {  	s0 =	stileid.u32;
	[bflag:$0x2] =	sbarrier.arrive $0xFFFF  }
0x97: {  	p0 =	sne.s32 s0, $0x0;
	s0 =	rddreg [dreg:$0x2]  }
0x98: {  	s0 =	sadd.s32 @!p0 $0x100000, s0  }
0x99: {  	[sflag:s0] =	ssyncadd.tile.s32 @!p0 $0x1;
	_ =	shalt  }
.Lfunc_end2:
_tile_overlayer_lowered:
.L_overlay_start_2:
0x9a: {  	(tag) =	ssettag $0x2  }
0x9b: {  	s0 =	rddreg [dreg:$0x0];
	s2 =	stileid.u32  }
0x9c: {  	s1 =	rddreg [dreg:$0x1];
	p0 =	sne.s32 s2, $0x0  }
0x9d: {  	s3 =	rddreg [dreg:$0x2];
	[bflag:$0x3] =	sbarrier.arrive $0xFFFF;
	s2 =	simm.s32 @!p0 $0x1C04  }
0x9e: {  	[timem:s3], [sflag:s2] =	dma.local @!p0 [hbm:s0], s1  }
0x9f: {  	s0 =	simm.s32 @!p0 $0x4  }
0xa0: {  	_ =	swait.ge @!p0 [sflag:s0], s1  }
0xa1: {  	s1 =	ssub.s32 @!p0 $0x0, s1;
	[sflag:s0] =	ssyncset.done @!p0 $0x0  }
0xa2: {  	[sflag:s0] =	ssyncadd.s32 @!p0 s1  }
0xa3: {  	[bflag:$0x3] =	sbarrier.arrive $0xFFFF  }
0xa4: {  	_ =	shalt  }

</sc_bundles>
